<compile_context>
chip_gen: v7x
topology: tpu7x:2x2x1
jax: 0.10.2.dev20260603
libtpu: 0.0.44.dev20260713+nightly
codegen_flags: <defaults>
</compile_context>

<pallas_src>
import functools

import jax
import jax.numpy as jnp
from jax import lax
from jax.experimental import pallas as pl
from jax.experimental.pallas import tpu as pltpu
from jax.experimental.pallas import tpu_sc as plsc

_NC = 2
_NS = 16
_W = _NC * _NS
_C = 8
_K = 2


def kernel(x, pos_emb_table):
    B, S, D = x.shape
    EPW = B // _W
    NCH = EPW // _C
    mesh = plsc.VectorSubcoreMesh(core_axis_name="c", subcore_axis_name="s")

    @functools.partial(
        pl.kernel,
        out_type=jax.ShapeDtypeStruct((B, S, D), x.dtype),
        mesh=mesh,
        scratch_types=[
            pltpu.VMEM((_K, _C, S, D), jnp.float32),
            pltpu.VMEM((_K, _C, S, D), jnp.float32),
            pltpu.VMEM((16, D), jnp.float32),
            pltpu.SemaphoreType.DMA((_K,)),
            pltpu.SemaphoreType.DMA((_K,)),
        ],
    )
    def run(x_hbm, tab_hbm, o_hbm, ibuf, obuf, posb, isem, osem):
        wid = lax.axis_index("s") * _NC + lax.axis_index("c")
        base = wid * EPW
        pltpu.sync_copy(tab_hbm.at[pl.ds(0, 16)], posb)
        for k in range(_K):
            pltpu.make_async_copy(
                x_hbm.at[pl.ds(base + k * _C, _C)], ibuf.at[k], isem.at[k]
            ).start()
        def group(g, _):
            for sl in range(_K):
                ci = g * _K + sl
                off = base + ci * _C
                pltpu.make_async_copy(
                    x_hbm.at[pl.ds(off, _C)], ibuf.at[sl], isem.at[sl]
                ).wait()

                @pl.when(ci >= _K)
                def _reclaim():
                    pltpu.make_async_copy(
                        obuf.at[sl], o_hbm.at[pl.ds(0, _C)], osem.at[sl]
                    ).wait()

                def elem(e, _):
                    for r in range(S):
                        for j in range(D // 16):
                            lj = pl.ds(j * 16, 16)
                            obuf[sl, e, r, lj] = ibuf[sl, e, r, lj] + posb[r, lj]
                    return 0

                lax.fori_loop(0, _C, elem, 0)
                pltpu.make_async_copy(
                    obuf.at[sl], o_hbm.at[pl.ds(off, _C)], osem.at[sl]
                ).start()

                @pl.when(ci + _K < NCH)
                def _prefetch():
                    pltpu.make_async_copy(
                        x_hbm.at[pl.ds(off + _K * _C, _C)],
                        ibuf.at[sl],
                        isem.at[sl],
                    ).start()
            return 0

        lax.fori_loop(0, NCH // _K, group, 0)
        for k in range(_K):
            pltpu.make_async_copy(
                obuf.at[k], o_hbm.at[pl.ds(0, _C)], osem.at[k]
            ).wait()

    return run(x, pos_emb_table)

# --- scband reference (transcript-rebuilt; emitter-appended) ---
"""Pipeline reference for scband-token-and-position-embedding1-2001454760702 (READ-ONLY COPY).

The authoritative reference and input builder live on the scoring server;
editing this copy changes nothing except your own understanding.
"""

import jax, jax.numpy as jnp
import numpy as np


def setup_inputs(seed: int = 0) -> dict:
    key = jax.random.key(seed)
    k1, k2 = jax.random.split(key)
    x = jax.random.normal(k1, (16384, 10, 128), dtype=jnp.float32)
    # learned positional embedding table, sized per init_kwargs (maxlen=2048, embed_dim=128)
    pos_emb_table = jax.random.normal(k2, (2048, 128), dtype=jnp.float32) * 0.05
    return {"x": x, "pos_emb_table": pos_emb_table}


def reference(x, pos_emb_table):
    # Faithful translation of TokenAndPositionEmbedding1.call:
    # maxlen is hardcoded to 10 inside the original call()
    maxlen = 10
    positions = jnp.arange(0, maxlen, 1)
    pos = jnp.take(pos_emb_table, positions, axis=0)  # embedding gather -> [10, 128]
    return x + pos  # broadcast add over batch

if __name__ == "__main__":
    import jax
    _d = setup_inputs()
    print(jax.jit(kernel)(*tuple(_d.values())))

</pallas_src>

<mosaic_0001>
#map = affine_map<(d0, d1) -> (0, 0, 0)>
#map1 = affine_map<(d0, d1) -> (0, 0)>
module attributes {stable_mosaic.version = 14 : i64} {
  func.func @run(%arg0: i32, %arg1: i32, %arg2: memref<16384x10x128xf32, #tpu.memory_space<hbm>>, %arg3: memref<2048x128xf32, #tpu.memory_space<hbm>>, %arg4: memref<16384x10x128xf32, #tpu.memory_space<hbm>>, %arg5: memref<2x8x10x128xf32, #tpu.memory_space<vmem>>, %arg6: memref<2x8x10x128xf32, #tpu.memory_space<vmem>>, %arg7: memref<16x128xf32, #tpu.memory_space<vmem>>, %arg8: memref<2x!tpu.dma_semaphore, #tpu.memory_space<semaphore_mem>>, %arg9: memref<2x!tpu.dma_semaphore, #tpu.memory_space<semaphore_mem>>) attributes {dimension_semantics = [#tpu.dimension_semantics<core_parallel>, #tpu.dimension_semantics<subcore_parallel>], iteration_bounds = array<i64: 2, 16>, scalar_prefetch = 0 : i64, scratch_operands = 5 : i64, tpu.core_type = #tpu.core_type<sc_vector_subcore>, window_params = [{transform_indices = #map}, {transform_indices = #map1}, {transform_indices = #map}]} {
    %mul3A = arith.constant 2 : i32
    %mul3A_0 = arith.muli %arg1, %mul3A : i32
    %add3A = arith.addi %mul3A_0, %arg0 : i32
    %mul3A_1 = arith.constant 512 : i32
    %mul3A_2 = arith.muli %add3A, %mul3A_1 : i32
    "tpu.region"() ({
      %run_scoped3A = tpu.sem_alloc : memref<!tpu.dma_semaphore, #tpu.memory_space<semaphore_mem>>
      %dma_start3A_95 = arith.constant 0 : i32
      %dma_start3A_96 = arith.constant 0 : i32
      %dma_start3A_97 = tpu.memref_slice %arg3[%dma_start3A_95, %dma_start3A_96] : memref<2048x128xf32, #tpu.memory_space<hbm>> -> memref<16x128xf32, #tpu.memory_space<hbm>>
      %dma_start3A_98 = arith.constant 0 : i32
      %dma_start3A_99 = arith.constant 0 : i32
      %dma_start3A_100 = tpu.memref_slice %arg3[%dma_start3A_98, %dma_start3A_99] : memref<2048x128xf32, #tpu.memory_space<hbm>> -> memref<16x128xf32, #tpu.memory_space<hbm>>
      tpu.enqueue_dma source(%dma_start3A_100 : memref<16x128xf32, #tpu.memory_space<hbm>>) target(%arg7 : memref<16x128xf32, #tpu.memory_space<vmem>>) target_semaphore(%run_scoped3A : memref<!tpu.dma_semaphore, #tpu.memory_space<semaphore_mem>>)
      %dma_wait3A_101 = arith.constant 0 : i32
      %dma_wait3A_102 = arith.constant 0 : i32
      %dma_wait3A_103 = tpu.memref_slice %arg3[%dma_wait3A_101, %dma_wait3A_102] : memref<2048x128xf32, #tpu.memory_space<hbm>> -> memref<16x128xf32, #tpu.memory_space<hbm>>
      %dma_wait3A_104 = arith.constant 0 : i32
      %dma_wait3A_105 = arith.constant 0 : i32
      %dma_wait3A_106 = tpu.memref_slice %arg3[%dma_wait3A_104, %dma_wait3A_105] : memref<2048x128xf32, #tpu.memory_space<hbm>> -> memref<16x128xf32, #tpu.memory_space<hbm>>
      tpu.wait_dma2 semaphore(%run_scoped3A : memref<!tpu.dma_semaphore, #tpu.memory_space<semaphore_mem>>) src(%dma_wait3A_106 : memref<16x128xf32, #tpu.memory_space<hbm>>) dst(%arg7 : memref<16x128xf32, #tpu.memory_space<vmem>>)
      tpu.yield
    }) : () -> ()
    %add3A_3 = arith.constant 0 : i32
    %add3A_4 = arith.addi %mul3A_2, %add3A_3 : i32
    %dma_start3A = arith.constant 0 : i32
    %dma_start3A_5 = arith.constant 0 : i32
    %dma_start3A_6 = arith.constant 0 : i32
    %dma_start3A_7 = arith.constant 0 : i32
    %dma_start3A_8 = arith.constant 0 : i32
    %dma_start3A_9 = tpu.memref_slice %arg5[%dma_start3A, %dma_start3A_6, %dma_start3A_7, %dma_start3A_8] : memref<2x8x10x128xf32, #tpu.memory_space<vmem>> -> memref<1x8x10x128xf32, #tpu.memory_space<vmem>>
    %dma_start3A_10 = tpu.memref_squeeze %dma_start3A_9 : memref<1x8x10x128xf32, #tpu.memory_space<vmem>> -> memref<8x10x128xf32, #tpu.memory_space<vmem>>
    %dma_start3A_11 = arith.constant 0 : i32
    %dma_start3A_12 = arith.constant 0 : i32
    %dma_start3A_13 = tpu.memref_slice %arg2[%add3A_4, %dma_start3A_11, %dma_start3A_12] : memref<16384x10x128xf32, #tpu.memory_space<hbm>> -> memref<8x10x128xf32, #tpu.memory_space<hbm>>
    %dma_start3A_14 = tpu.memref_slice %arg8[%dma_start3A_5] : memref<2x!tpu.dma_semaphore, #tpu.memory_space<semaphore_mem>> -> memref<1x!tpu.dma_semaphore, #tpu.memory_space<semaphore_mem>>
    %dma_start3A_15 = tpu.memref_squeeze %dma_start3A_14 : memref<1x!tpu.dma_semaphore, #tpu.memory_space<semaphore_mem>> -> memref<!tpu.dma_semaphore, #tpu.memory_space<semaphore_mem>>
    %dma_start3A_16 = arith.constant 0 : i32
    %dma_start3A_17 = arith.constant 0 : i32
    %dma_start3A_18 = arith.constant 0 : i32
    %dma_start3A_19 = tpu.memref_slice %arg5[%dma_start3A, %dma_start3A_16, %dma_start3A_17, %dma_start3A_18] : memref<2x8x10x128xf32, #tpu.memory_space<vmem>> -> memref<1x8x10x128xf32, #tpu.memory_space<vmem>>
    %dma_start3A_20 = tpu.memref_squeeze %dma_start3A_19 : memref<1x8x10x128xf32, #tpu.memory_space<vmem>> -> memref<8x10x128xf32, #tpu.memory_space<vmem>>
    %dma_start3A_21 = arith.constant 0 : i32
    %dma_start3A_22 = arith.constant 0 : i32
    %dma_start3A_23 = tpu.memref_slice %arg2[%add3A_4, %dma_start3A_21, %dma_start3A_22] : memref<16384x10x128xf32, #tpu.memory_space<hbm>> -> memref<8x10x128xf32, #tpu.memory_space<hbm>>
    tpu.enqueue_dma source(%dma_start3A_23 : memref<8x10x128xf32, #tpu.memory_space<hbm>>) target(%dma_start3A_20 : memref<8x10x128xf32, #tpu.memory_space<vmem>>) target_semaphore(%dma_start3A_15 : memref<!tpu.dma_semaphore, #tpu.memory_space<semaphore_mem>>)
    %add3A_24 = arith.constant 8 : i32
    %add3A_25 = arith.addi %mul3A_2, %add3A_24 : i32
    %dma_start3A_26 = arith.constant 1 : i32
    %dma_start3A_27 = arith.constant 1 : i32
    %dma_start3A_28 = arith.constant 0 : i32
    %dma_start3A_29 = arith.constant 0 : i32
    %dma_start3A_30 = arith.constant 0 : i32
    %dma_start3A_31 = tpu.memref_slice %arg5[%dma_start3A_26, %dma_start3A_28, %dma_start3A_29, %dma_start3A_30] : memref<2x8x10x128xf32, #tpu.memory_space<vmem>> -> memref<1x8x10x128xf32, #tpu.memory_space<vmem>>
    %dma_start3A_32 = tpu.memref_squeeze %dma_start3A_31 : memref<1x8x10x128xf32, #tpu.memory_space<vmem>> -> memref<8x10x128xf32, #tpu.memory_space<vmem>>
    %dma_start3A_33 = arith.constant 0 : i32
    %dma_start3A_34 = arith.constant 0 : i32
    %dma_start3A_35 = tpu.memref_slice %arg2[%add3A_25, %dma_start3A_33, %dma_start3A_34] : memref<16384x10x128xf32, #tpu.memory_space<hbm>> -> memref<8x10x128xf32, #tpu.memory_space<hbm>>
    %dma_start3A_36 = tpu.memref_slice %arg8[%dma_start3A_27] : memref<2x!tpu.dma_semaphore, #tpu.memory_space<semaphore_mem>> -> memref<1x!tpu.dma_semaphore, #tpu.memory_space<semaphore_mem>>
    %dma_start3A_37 = tpu.memref_squeeze %dma_start3A_36 : memref<1x!tpu.dma_semaphore, #tpu.memory_space<semaphore_mem>> -> memref<!tpu.dma_semaphore, #tpu.memory_space<semaphore_mem>>
    %dma_start3A_38 = arith.constant 0 : i32
    %dma_start3A_39 = arith.constant 0 : i32
    %dma_start3A_40 = arith.constant 0 : i32
    %dma_start3A_41 = tpu.memref_slice %arg5[%dma_start3A_26, %dma_start3A_38, %dma_start3A_39, %dma_start3A_40] : memref<2x8x10x128xf32, #tpu.memory_space<vmem>> -> memref<1x8x10x128xf32, #tpu.memory_space<vmem>>
    %dma_start3A_42 = tpu.memref_squeeze %dma_start3A_41 : memref<1x8x10x128xf32, #tpu.memory_space<vmem>> -> memref<8x10x128xf32, #tpu.memory_space<vmem>>
    %dma_start3A_43 = arith.constant 0 : i32
    %dma_start3A_44 = arith.constant 0 : i32
    %dma_start3A_45 = tpu.memref_slice %arg2[%add3A_25, %dma_start3A_43, %dma_start3A_44] : memref<16384x10x128xf32, #tpu.memory_space<hbm>> -> memref<8x10x128xf32, #tpu.memory_space<hbm>>
    tpu.enqueue_dma source(%dma_start3A_45 : memref<8x10x128xf32, #tpu.memory_space<hbm>>) target(%dma_start3A_42 : memref<8x10x128xf32, #tpu.memory_space<vmem>>) target_semaphore(%dma_start3A_37 : memref<!tpu.dma_semaphore, #tpu.memory_space<semaphore_mem>>)
    %scan3A = arith.constant 0 : i32
    %scan3A_46 = arith.constant 0 : i32
    %scan3A_47 = arith.constant 32 : i32
    %scan3A_48 = arith.addi %scan3A_46, %scan3A_47 : i32
    %scan3A_49 = arith.constant 1 : i32
    %scan3A_50 = scf.for %scan3A_95 = %scan3A_46 to %scan3A_48 step %scan3A_49 iter_args(%scan3A_96 = %scan3A) -> (i32)  : i32 {
      %mul3A_97 = arith.constant 2 : i32
      %mul3A_98 = arith.muli %scan3A_95, %mul3A_97 : i32
      %add3A_99 = arith.constant 0 : i32
      %add3A_100 = arith.addi %mul3A_98, %add3A_99 : i32
      %mul3A_101 = arith.constant 8 : i32
      %mul3A_102 = arith.muli %add3A_100, %mul3A_101 : i32
      %add3A_103 = arith.addi %mul3A_2, %mul3A_102 : i32
      %dma_wait3A_104 = arith.constant 0 : i32
      %dma_wait3A_105 = arith.constant 0 : i32
      %dma_wait3A_106 = arith.constant 0 : i32
      %dma_wait3A_107 = arith.constant 0 : i32
      %dma_wait3A_108 = arith.constant 0 : i32
      %dma_wait3A_109 = tpu.memref_slice %arg5[%dma_wait3A_104, %dma_wait3A_106, %dma_wait3A_107, %dma_wait3A_108] : memref<2x8x10x128xf32, #tpu.memory_space<vmem>> -> memref<1x8x10x128xf32, #tpu.memory_space<vmem>>
      %dma_wait3A_110 = tpu.memref_squeeze %dma_wait3A_109 : memref<1x8x10x128xf32, #tpu.memory_space<vmem>> -> memref<8x10x128xf32, #tpu.memory_space<vmem>>
      %dma_wait3A_111 = arith.constant 0 : i32
      %dma_wait3A_112 = arith.constant 0 : i32
      %dma_wait3A_113 = tpu.memref_slice %arg2[%add3A_103, %dma_wait3A_111, %dma_wait3A_112] : memref<16384x10x128xf32, #tpu.memory_space<hbm>> -> memref<8x10x128xf32, #tpu.memory_space<hbm>>
      %dma_wait3A_114 = tpu.memref_slice %arg8[%dma_wait3A_105] : memref<2x!tpu.dma_semaphore, #tpu.memory_space<semaphore_mem>> -> memref<1x!tpu.dma_semaphore, #tpu.memory_space<semaphore_mem>>
      %dma_wait3A_115 = tpu.memref_squeeze %dma_wait3A_114 : memref<1x!tpu.dma_semaphore, #tpu.memory_space<semaphore_mem>> -> memref<!tpu.dma_semaphore, #tpu.memory_space<semaphore_mem>>
      %dma_wait3A_116 = arith.constant 0 : i32
      %dma_wait3A_117 = arith.constant 0 : i32
      %dma_wait3A_118 = arith.constant 0 : i32
      %dma_wait3A_119 = tpu.memref_slice %arg5[%dma_wait3A_104, %dma_wait3A_116, %dma_wait3A_117, %dma_wait3A_118] : memref<2x8x10x128xf32, #tpu.memory_space<vmem>> -> memref<1x8x10x128xf32, #tpu.memory_space<vmem>>
      %dma_wait3A_120 = tpu.memref_squeeze %dma_wait3A_119 : memref<1x8x10x128xf32, #tpu.memory_space<vmem>> -> memref<8x10x128xf32, #tpu.memory_space<vmem>>
      %dma_wait3A_121 = arith.constant 0 : i32
      %dma_wait3A_122 = arith.constant 0 : i32
      %dma_wait3A_123 = tpu.memref_slice %arg2[%add3A_103, %dma_wait3A_121, %dma_wait3A_122] : memref<16384x10x128xf32, #tpu.memory_space<hbm>> -> memref<8x10x128xf32, #tpu.memory_space<hbm>>
      tpu.wait_dma2 semaphore(%dma_wait3A_115 : memref<!tpu.dma_semaphore, #tpu.memory_space<semaphore_mem>>) src(%dma_wait3A_123 : memref<8x10x128xf32, #tpu.memory_space<hbm>>) dst(%dma_wait3A_120 : memref<8x10x128xf32, #tpu.memory_space<vmem>>)
      %ge3A = arith.constant 2 : i32
      %ge3A_124 = arith.cmpi sge, %add3A_100, %ge3A : i32
      %convert_element_type3A = arith.extui %ge3A_124 : i1 to i32
      %cond3A = arith.constant 0 : i32
      %cond3A_125 = arith.cmpi ne, %convert_element_type3A, %cond3A : i32
      scf.if %cond3A_125 {
        %dma_wait3A_226 = arith.constant 0 : i32
        %dma_wait3A_227 = arith.constant 0 : i32
        %dma_wait3A_228 = arith.constant 0 : i32
        %dma_wait3A_229 = arith.constant 0 : i32
        %dma_wait3A_230 = arith.constant 0 : i32
        %dma_wait3A_231 = tpu.memref_slice %arg6[%dma_wait3A_226, %dma_wait3A_228, %dma_wait3A_229, %dma_wait3A_230] : memref<2x8x10x128xf32, #tpu.memory_space<vmem>> -> memref<1x8x10x128xf32, #tpu.memory_space<vmem>>
        %dma_wait3A_232 = tpu.memref_squeeze %dma_wait3A_231 : memref<1x8x10x128xf32, #tpu.memory_space<vmem>> -> memref<8x10x128xf32, #tpu.memory_space<vmem>>
        %dma_wait3A_233 = arith.constant 0 : i32
        %dma_wait3A_234 = arith.constant 0 : i32
        %dma_wait3A_235 = arith.constant 0 : i32
        %dma_wait3A_236 = tpu.memref_slice %arg4[%dma_wait3A_233, %dma_wait3A_234, %dma_wait3A_235] : memref<16384x10x128xf32, #tpu.memory_space<hbm>> -> memref<8x10x128xf32, #tpu.memory_space<hbm>>
        %dma_wait3A_237 = tpu.memref_slice %arg9[%dma_wait3A_227] : memref<2x!tpu.dma_semaphore, #tpu.memory_space<semaphore_mem>> -> memref<1x!tpu.dma_semaphore, #tpu.memory_space<semaphore_mem>>
        %dma_wait3A_238 = tpu.memref_squeeze %dma_wait3A_237 : memref<1x!tpu.dma_semaphore, #tpu.memory_space<semaphore_mem>> -> memref<!tpu.dma_semaphore, #tpu.memory_space<semaphore_mem>>
        %dma_wait3A_239 = arith.constant 0 : i32
        %dma_wait3A_240 = arith.constant 0 : i32
        %dma_wait3A_241 = arith.constant 0 : i32
        %dma_wait3A_242 = tpu.memref_slice %arg4[%dma_wait3A_239, %dma_wait3A_240, %dma_wait3A_241] : memref<16384x10x128xf32, #tpu.memory_space<hbm>> -> memref<8x10x128xf32, #tpu.memory_space<hbm>>
        %dma_wait3A_243 = arith.constant 0 : i32
        %dma_wait3A_244 = arith.constant 0 : i32
        %dma_wait3A_245 = arith.constant 0 : i32
        %dma_wait3A_246 = tpu.memref_slice %arg6[%dma_wait3A_226, %dma_wait3A_243, %dma_wait3A_244, %dma_wait3A_245] : memref<2x8x10x128xf32, #tpu.memory_space<vmem>> -> memref<1x8x10x128xf32, #tpu.memory_space<vmem>>
        %dma_wait3A_247 = tpu.memref_squeeze %dma_wait3A_246 : memref<1x8x10x128xf32, #tpu.memory_space<vmem>> -> memref<8x10x128xf32, #tpu.memory_space<vmem>>
        tpu.wait_dma2 semaphore(%dma_wait3A_238 : memref<!tpu.dma_semaphore, #tpu.memory_space<semaphore_mem>>) src(%dma_wait3A_247 : memref<8x10x128xf32, #tpu.memory_space<vmem>>) dst(%dma_wait3A_242 : memref<8x10x128xf32, #tpu.memory_space<hbm>>)
      } else {
      }
      %scan3A_126 = arith.constant 0 : i32
      %scan3A_127 = arith.constant 0 : i32
      %scan3A_128 = arith.constant 8 : i32
      %scan3A_129 = arith.addi %scan3A_127, %scan3A_128 : i32
      %scan3A_130 = arith.constant 1 : i32
      %scan3A_131 = scf.for %scan3A_226 = %scan3A_127 to %scan3A_129 step %scan3A_130 iter_args(%scan3A_227 = %scan3A_126) -> (i32)  : i32 {
        %get3A = arith.constant 0 : i32
        %get3A_228 = arith.constant 0 : i32
        %get3A_229 = arith.index_cast %get3A : i32 to index
        %get3A_230 = arith.index_cast %scan3A_226 : i32 to index
        %get3A_231 = arith.index_cast %get3A_228 : i32 to index
        %get3A_232 = arith.constant 0 : index
        %get3A_233 = tpu.vector_load %arg5[%get3A_229, %get3A_230, %get3A_231, %get3A_232] {strides = array<i32>} : memref<2x8x10x128xf32, #tpu.memory_space<vmem>>, vector<1x1x1x16xf32>,
        %get3A_234 = vector.shape_cast %get3A_233 : vector<1x1x1x16xf32> to vector<16xf32>
        %get3A_235 = arith.constant 0 : i32
        %get3A_236 = arith.index_cast %get3A_235 : i32 to index
        %get3A_237 = arith.constant 0 : index
        %get3A_238 = tpu.vector_load %arg7[%get3A_236, %get3A_237] {strides = array<i32>} : memref<16x128xf32, #tpu.memory_space<vmem>>, vector<1x16xf32>,
        %get3A_239 = vector.shape_cast %get3A_238 : vector<1x16xf32> to vector<16xf32>
        %add3A_240 = arith.addf %get3A_234, %get3A_239 : vector<16xf32>
        %swap3A = arith.constant 0 : i32
        %swap3A_241 = arith.constant 0 : i32
        %swap3A_242 = arith.index_cast %swap3A : i32 to index
        %swap3A_243 = arith.index_cast %scan3A_226 : i32 to index
        %swap3A_244 = arith.index_cast %swap3A_241 : i32 to index
        %swap3A_245 = arith.constant 0 : index
        %swap3A_246 = tpu.vector_load %arg6[%swap3A_242, %swap3A_243, %swap3A_244, %swap3A_245] {strides = array<i32>} : memref<2x8x10x128xf32, #tpu.memory_space<vmem>>, vector<1x1x1x16xf32>,
        %swap3A_247 = vector.shape_cast %swap3A_246 : vector<1x1x1x16xf32> to vector<16xf32>
        %swap3A_248 = vector.shape_cast %add3A_240 : vector<16xf32> to vector<1x1x1x16xf32>
        tpu.vector_store %arg6[%swap3A_242, %swap3A_243, %swap3A_244, %swap3A_245], %swap3A_248 {strides = array<i32>} : memref<2x8x10x128xf32, #tpu.memory_space<vmem>>, vector<1x1x1x16xf32>,
        %get3A_249 = arith.constant 0 : i32
        %get3A_250 = arith.constant 0 : i32
        %get3A_251 = arith.index_cast %get3A_249 : i32 to index
        %get3A_252 = arith.index_cast %scan3A_226 : i32 to index
        %get3A_253 = arith.index_cast %get3A_250 : i32 to index
        %get3A_254 = arith.constant 16 : index
        %get3A_255 = tpu.vector_load %arg5[%get3A_251, %get3A_252, %get3A_253, %get3A_254] {strides = array<i32>} : memref<2x8x10x128xf32, #tpu.memory_space<vmem>>, vector<1x1x1x16xf32>,
        %get3A_256 = vector.shape_cast %get3A_255 : vector<1x1x1x16xf32> to vector<16xf32>
        %get3A_257 = arith.constant 0 : i32
        %get3A_258 = arith.index_cast %get3A_257 : i32 to index
        %get3A_259 = arith.constant 16 : index
        %get3A_260 = tpu.vector_load %arg7[%get3A_258, %get3A_259] {strides = array<i32>} : memref<16x128xf32, #tpu.memory_space<vmem>>, vector<1x16xf32>,
        %get3A_261 = vector.shape_cast %get3A_260 : vector<1x16xf32> to vector<16xf32>
        %add3A_262 = arith.addf %get3A_256, %get3A_261 : vector<16xf32>
        %swap3A_263 = arith.constant 0 : i32
        %swap3A_264 = arith.constant 0 : i32
        %swap3A_265 = arith.index_cast %swap3A_263 : i32 to index
        %swap3A_266 = arith.index_cast %scan3A_226 : i32 to index
        %swap3A_267 = arith.index_cast %swap3A_264 : i32 to index
        %swap3A_268 = arith.constant 16 : index
        %swap3A_269 = tpu.vector_load %arg6[%swap3A_265, %swap3A_266, %swap3A_267, %swap3A_268] {strides = array<i32>} : memref<2x8x10x128xf32, #tpu.memory_space<vmem>>, vector<1x1x1x16xf32>,
        %swap3A_270 = vector.shape_cast %swap3A_269 : vector<1x1x1x16xf32> to vector<16xf32>
        %swap3A_271 = vector.shape_cast %add3A_262 : vector<16xf32> to vector<1x1x1x16xf32>
        tpu.vector_store %arg6[%swap3A_265, %swap3A_266, %swap3A_267, %swap3A_268], %swap3A_271 {strides = array<i32>} : memref<2x8x10x128xf32, #tpu.memory_space<vmem>>, vector<1x1x1x16xf32>,
        %get3A_272 = arith.constant 0 : i32
        %get3A_273 = arith.constant 0 : i32
        %get3A_274 = arith.index_cast %get3A_272 : i32 to index
        %get3A_275 = arith.index_cast %scan3A_226 : i32 to index
        %get3A_276 = arith.index_cast %get3A_273 : i32 to index
        %get3A_277 = arith.constant 32 : index
        %get3A_278 = tpu.vector_load %arg5[%get3A_274, %get3A_275, %get3A_276, %get3A_277] {strides = array<i32>} : memref<2x8x10x128xf32, #tpu.memory_space<vmem>>, vector<1x1x1x16xf32>,
        %get3A_279 = vector.shape_cast %get3A_278 : vector<1x1x1x16xf32> to vector<16xf32>
        %get3A_280 = arith.constant 0 : i32
        %get3A_281 = arith.index_cast %get3A_280 : i32 to index
        %get3A_282 = arith.constant 32 : index
        %get3A_283 = tpu.vector_load %arg7[%get3A_281, %get3A_282] {strides = array<i32>} : memref<16x128xf32, #tpu.memory_space<vmem>>, vector<1x16xf32>,
        %get3A_284 = vector.shape_cast %get3A_283 : vector<1x16xf32> to vector<16xf32>
        %add3A_285 = arith.addf %get3A_279, %get3A_284 : vector<16xf32>
        %swap3A_286 = arith.constant 0 : i32
        %swap3A_287 = arith.constant 0 : i32
        %swap3A_288 = arith.index_cast %swap3A_286 : i32 to index
        %swap3A_289 = arith.index_cast %scan3A_226 : i32 to index
        %swap3A_290 = arith.index_cast %swap3A_287 : i32 to index
        %swap3A_291 = arith.constant 32 : index
        %swap3A_292 = tpu.vector_load %arg6[%swap3A_288, %swap3A_289, %swap3A_290, %swap3A_291] {strides = array<i32>} : memref<2x8x10x128xf32, #tpu.memory_space<vmem>>, vector<1x1x1x16xf32>,
        %swap3A_293 = vector.shape_cast %swap3A_292 : vector<1x1x1x16xf32> to vector<16xf32>
        %swap3A_294 = vector.shape_cast %add3A_285 : vector<16xf32> to vector<1x1x1x16xf32>
        tpu.vector_store %arg6[%swap3A_288, %swap3A_289, %swap3A_290, %swap3A_291], %swap3A_294 {strides = array<i32>} : memref<2x8x10x128xf32, #tpu.memory_space<vmem>>, vector<1x1x1x16xf32>,
        %get3A_295 = arith.constant 0 : i32
        %get3A_296 = arith.constant 0 : i32
        %get3A_297 = arith.index_cast %get3A_295 : i32 to index
        %get3A_298 = arith.index_cast %scan3A_226 : i32 to index
        %get3A_299 = arith.index_cast %get3A_296 : i32 to index
        %get3A_300 = arith.constant 48 : index
        %get3A_301 = tpu.vector_load %arg5[%get3A_297, %get3A_298, %get3A_299, %get3A_300] {strides = array<i32>} : memref<2x8x10x128xf32, #tpu.memory_space<vmem>>, vector<1x1x1x16xf32>,
        %get3A_302 = vector.shape_cast %get3A_301 : vector<1x1x1x16xf32> to vector<16xf32>
        %get3A_303 = arith.constant 0 : i32
        %get3A_304 = arith.index_cast %get3A_303 : i32 to index
        %get3A_305 = arith.constant 48 : index
        %get3A_306 = tpu.vector_load %arg7[%get3A_304, %get3A_305] {strides = array<i32>} : memref<16x128xf32, #tpu.memory_space<vmem>>, vector<1x16xf32>,
        %get3A_307 = vector.shape_cast %get3A_306 : vector<1x16xf32> to vector<16xf32>
        %add3A_308 = arith.addf %get3A_302, %get3A_307 : vector<16xf32>
        %swap3A_309 = arith.constant 0 : i32
        %swap3A_310 = arith.constant 0 : i32
        %swap3A_311 = arith.index_cast %swap3A_309 : i32 to index
        %swap3A_312 = arith.index_cast %scan3A_226 : i32 to index
        %swap3A_313 = arith.index_cast %swap3A_310 : i32 to index
        %swap3A_314 = arith.constant 48 : index
        %swap3A_315 = tpu.vector_load %arg6[%swap3A_311, %swap3A_312, %swap3A_313, %swap3A_314] {strides = array<i32>} : memref<2x8x10x128xf32, #tpu.memory_space<vmem>>, vector<1x1x1x16xf32>,
        %swap3A_316 = vector.shape_cast %swap3A_315 : vector<1x1x1x16xf32> to vector<16xf32>
        %swap3A_317 = vector.shape_cast %add3A_308 : vector<16xf32> to vector<1x1x1x16xf32>
        tpu.vector_store %arg6[%swap3A_311, %swap3A_312, %swap3A_313, %swap3A_314], %swap3A_317 {strides = array<i32>} : memref<2x8x10x128xf32, #tpu.memory_space<vmem>>, vector<1x1x1x16xf32>,
        %get3A_318 = arith.constant 0 : i32
        %get3A_319 = arith.constant 0 : i32
        %get3A_320 = arith.index_cast %get3A_318 : i32 to index
        %get3A_321 = arith.index_cast %scan3A_226 : i32 to index
        %get3A_322 = arith.index_cast %get3A_319 : i32 to index
        %get3A_323 = arith.constant 64 : index
        %get3A_324 = tpu.vector_load %arg5[%get3A_320, %get3A_321, %get3A_322, %get3A_323] {strides = array<i32>} : memref<2x8x10x128xf32, #tpu.memory_space<vmem>>, vector<1x1x1x16xf32>,
        %get3A_325 = vector.shape_cast %get3A_324 : vector<1x1x1x16xf32> to vector<16xf32>
        %get3A_326 = arith.constant 0 : i32
        %get3A_327 = arith.index_cast %get3A_326 : i32 to index
        %get3A_328 = arith.constant 64 : index
        %get3A_329 = tpu.vector_load %arg7[%get3A_327, %get3A_328] {strides = array<i32>} : memref<16x128xf32, #tpu.memory_space<vmem>>, vector<1x16xf32>,
        %get3A_330 = vector.shape_cast %get3A_329 : vector<1x16xf32> to vector<16xf32>
        %add3A_331 = arith.addf %get3A_325, %get3A_330 : vector<16xf32>
        %swap3A_332 = arith.constant 0 : i32
        %swap3A_333 = arith.constant 0 : i32
        %swap3A_334 = arith.index_cast %swap3A_332 : i32 to index
        %swap3A_335 = arith.index_cast %scan3A_226 : i32 to index
        %swap3A_336 = arith.index_cast %swap3A_333 : i32 to index
        %swap3A_337 = arith.constant 64 : index
        %swap3A_338 = tpu.vector_load %arg6[%swap3A_334, %swap3A_335, %swap3A_336, %swap3A_337] {strides = array<i32>} : memref<2x8x10x128xf32, #tpu.memory_space<vmem>>, vector<1x1x1x16xf32>,
        %swap3A_339 = vector.shape_cast %swap3A_338 : vector<1x1x1x16xf32> to vector<16xf32>
        %swap3A_340 = vector.shape_cast %add3A_331 : vector<16xf32> to vector<1x1x1x16xf32>
        tpu.vector_store %arg6[%swap3A_334, %swap3A_335, %swap3A_336, %swap3A_337], %swap3A_340 {strides = array<i32>} : memref<2x8x10x128xf32, #tpu.memory_space<vmem>>, vector<1x1x1x16xf32>,
        %get3A_341 = arith.constant 0 : i32
        %get3A_342 = arith.constant 0 : i32
        %get3A_343 = arith.index_cast %get3A_341 : i32 to index
        %get3A_344 = arith.index_cast %scan3A_226 : i32 to index
        %get3A_345 = arith.index_cast %get3A_342 : i32 to index
        %get3A_346 = arith.constant 80 : index
        %get3A_347 = tpu.vector_load %arg5[%get3A_343, %get3A_344, %get3A_345, %get3A_346] {strides = array<i32>} : memref<2x8x10x128xf32, #tpu.memory_space<vmem>>, vector<1x1x1x16xf32>,
        %get3A_348 = vector.shape_cast %get3A_347 : vector<1x1x1x16xf32> to vector<16xf32>
        %get3A_349 = arith.constant 0 : i32
        %get3A_350 = arith.index_cast %get3A_349 : i32 to index
        %get3A_351 = arith.constant 80 : index
        %get3A_352 = tpu.vector_load %arg7[%get3A_350, %get3A_351] {strides = array<i32>} : memref<16x128xf32, #tpu.memory_space<vmem>>, vector<1x16xf32>,
        %get3A_353 = vector.shape_cast %get3A_352 : vector<1x16xf32> to vector<16xf32>
        %add3A_354 = arith.addf %get3A_348, %get3A_353 : vector<16xf32>
        %swap3A_355 = arith.constant 0 : i32
        %swap3A_356 = arith.constant 0 : i32
        %swap3A_357 = arith.index_cast %swap3A_355 : i32 to index
        %swap3A_358 = arith.index_cast %scan3A_226 : i32 to index
        %swap3A_359 = arith.index_cast %swap3A_356 : i32 to index
        %swap3A_360 = arith.constant 80 : index
        %swap3A_361 = tpu.vector_load %arg6[%swap3A_357, %swap3A_358, %swap3A_359, %swap3A_360] {strides = array<i32>} : memref<2x8x10x128xf32, #tpu.memory_space<vmem>>, vector<1x1x1x16xf32>,
        %swap3A_362 = vector.shape_cast %swap3A_361 : vector<1x1x1x16xf32> to vector<16xf32>
        %swap3A_363 = vector.shape_cast %add3A_354 : vector<16xf32> to vector<1x1x1x16xf32>
        tpu.vector_store %arg6[%swap3A_357, %swap3A_358, %swap3A_359, %swap3A_360], %swap3A_363 {strides = array<i32>} : memref<2x8x10x128xf32, #tpu.memory_space<vmem>>, vector<1x1x1x16xf32>,
        %get3A_364 = arith.constant 0 : i32
        %get3A_365 = arith.constant 0 : i32
        %get3A_366 = arith.index_cast %get3A_364 : i32 to index
        %get3A_367 = arith.index_cast %scan3A_226 : i32 to index
        %get3A_368 = arith.index_cast %get3A_365 : i32 to index
        %get3A_369 = arith.constant 96 : index
        %get3A_370 = tpu.vector_load %arg5[%get3A_366, %get3A_367, %get3A_368, %get3A_369] {strides = array<i32>} : memref<2x8x10x128xf32, #tpu.memory_space<vmem>>, vector<1x1x1x16xf32>,
        %get3A_371 = vector.shape_cast %get3A_370 : vector<1x1x1x16xf32> to vector<16xf32>
        %get3A_372 = arith.constant 0 : i32
        %get3A_373 = arith.index_cast %get3A_372 : i32 to index
        %get3A_374 = arith.constant 96 : index
        %get3A_375 = tpu.vector_load %arg7[%get3A_373, %get3A_374] {strides = array<i32>} : memref<16x128xf32, #tpu.memory_space<vmem>>, vector<1x16xf32>,
        %get3A_376 = vector.shape_cast %get3A_375 : vector<1x16xf32> to vector<16xf32>
        %add3A_377 = arith.addf %get3A_371, %get3A_376 : vector<16xf32>
        %swap3A_378 = arith.constant 0 : i32
        %swap3A_379 = arith.constant 0 : i32
        %swap3A_380 = arith.index_cast %swap3A_378 : i32 to index
        %swap3A_381 = arith.index_cast %scan3A_226 : i32 to index
        %swap3A_382 = arith.index_cast %swap3A_379 : i32 to index
        %swap3A_383 = arith.constant 96 : index
        %swap3A_384 = tpu.vector_load %arg6[%swap3A_380, %swap3A_381, %swap3A_382, %swap3A_383] {strides = array<i32>} : memref<2x8x10x128xf32, #tpu.memory_space<vmem>>, vector<1x1x1x16xf32>,
        %swap3A_385 = vector.shape_cast %swap3A_384 : vector<1x1x1x16xf32> to vector<16xf32>
        %swap3A_386 = vector.shape_cast %add3A_377 : vector<16xf32> to vector<1x1x1x16xf32>
        tpu.vector_store %arg6[%swap3A_380, %swap3A_381, %swap3A_382, %swap3A_383], %swap3A_386 {strides = array<i32>} : memref<2x8x10x128xf32, #tpu.memory_space<vmem>>, vector<1x1x1x16xf32>,
        %get3A_387 = arith.constant 0 : i32
        %get3A_388 = arith.constant 0 : i32
        %get3A_389 = arith.index_cast %get3A_387 : i32 to index
        %get3A_390 = arith.index_cast %scan3A_226 : i32 to index
        %get3A_391 = arith.index_cast %get3A_388 : i32 to index
        %get3A_392 = arith.constant 112 : index
        %get3A_393 = tpu.vector_load %arg5[%get3A_389, %get3A_390, %get3A_391, %get3A_392] {strides = array<i32>} : memref<2x8x10x128xf32, #tpu.memory_space<vmem>>, vector<1x1x1x16xf32>,
        %get3A_394 = vector.shape_cast %get3A_393 : vector<1x1x1x16xf32> to vector<16xf32>
        %get3A_395 = arith.constant 0 : i32
        %get3A_396 = arith.index_cast %get3A_395 : i32 to index
        %get3A_397 = arith.constant 112 : index
        %get3A_398 = tpu.vector_load %arg7[%get3A_396, %get3A_397] {strides = array<i32>} : memref<16x128xf32, #tpu.memory_space<vmem>>, vector<1x16xf32>,
        %get3A_399 = vector.shape_cast %get3A_398 : vector<1x16xf32> to vector<16xf32>
        %add3A_400 = arith.addf %get3A_394, %get3A_399 : vector<16xf32>
        %swap3A_401 = arith.constant 0 : i32
        %swap3A_402 = arith.constant 0 : i32
        %swap3A_403 = arith.index_cast %swap3A_401 : i32 to index
        %swap3A_404 = arith.index_cast %scan3A_226 : i32 to index
        %swap3A_405 = arith.index_cast %swap3A_402 : i32 to index
        %swap3A_406 = arith.constant 112 : index
        %swap3A_407 = tpu.vector_load %arg6[%swap3A_403, %swap3A_404, %swap3A_405, %swap3A_406] {strides = array<i32>} : memref<2x8x10x128xf32, #tpu.memory_space<vmem>>, vector<1x1x1x16xf32>,
        %swap3A_408 = vector.shape_cast %swap3A_407 : vector<1x1x1x16xf32> to vector<16xf32>
        %swap3A_409 = vector.shape_cast %add3A_400 : vector<16xf32> to vector<1x1x1x16xf32>
        tpu.vector_store %arg6[%swap3A_403, %swap3A_404, %swap3A_405, %swap3A_406], %swap3A_409 {strides = array<i32>} : memref<2x8x10x128xf32, #tpu.memory_space<vmem>>, vector<1x1x1x16xf32>,
        %get3A_410 = arith.constant 0 : i32
        %get3A_411 = arith.constant 1 : i32
        %get3A_412 = arith.index_cast %get3A_410 : i32 to index
        %get3A_413 = arith.index_cast %scan3A_226 : i32 to index
        %get3A_414 = arith.index_cast %get3A_411 : i32 to index
        %get3A_415 = arith.constant 0 : index
        %get3A_416 = tpu.vector_load %arg5[%get3A_412, %get3A_413, %get3A_414, %get3A_415] {strides = array<i32>} : memref<2x8x10x128xf32, #tpu.memory_space<vmem>>, vector<1x1x1x16xf32>,
        %get3A_417 = vector.shape_cast %get3A_416 : vector<1x1x1x16xf32> to vector<16xf32>
        %get3A_418 = arith.constant 1 : i32
        %get3A_419 = arith.index_cast %get3A_418 : i32 to index
        %get3A_420 = arith.constant 0 : index
        %get3A_421 = tpu.vector_load %arg7[%get3A_419, %get3A_420] {strides = array<i32>} : memref<16x128xf32, #tpu.memory_space<vmem>>, vector<1x16xf32>,
        %get3A_422 = vector.shape_cast %get3A_421 : vector<1x16xf32> to vector<16xf32>
        %add3A_423 = arith.addf %get3A_417, %get3A_422 : vector<16xf32>
        %swap3A_424 = arith.constant 0 : i32
        %swap3A_425 = arith.constant 1 : i32
        %swap3A_426 = arith.index_cast %swap3A_424 : i32 to index
        %swap3A_427 = arith.index_cast %scan3A_226 : i32 to index
        %swap3A_428 = arith.index_cast %swap3A_425 : i32 to index
        %swap3A_429 = arith.constant 0 : index
        %swap3A_430 = tpu.vector_load %arg6[%swap3A_426, %swap3A_427, %swap3A_428, %swap3A_429] {strides = array<i32>} : memref<2x8x10x128xf32, #tpu.memory_space<vmem>>, vector<1x1x1x16xf32>,
        %swap3A_431 = vector.shape_cast %swap3A_430 : vector<1x1x1x16xf32> to vector<16xf32>
        %swap3A_432 = vector.shape_cast %add3A_423 : vector<16xf32> to vector<1x1x1x16xf32>
        tpu.vector_store %arg6[%swap3A_426, %swap3A_427, %swap3A_428, %swap3A_429], %swap3A_432 {strides = array<i32>} : memref<2x8x10x128xf32, #tpu.memory_space<vmem>>, vector<1x1x1x16xf32>,
        %get3A_433 = arith.constant 0 : i32
        %get3A_434 = arith.constant 1 : i32
        %get3A_435 = arith.index_cast %get3A_433 : i32 to index
        %get3A_436 = arith.index_cast %scan3A_226 : i32 to index
        %get3A_437 = arith.index_cast %get3A_434 : i32 to index
        %get3A_438 = arith.constant 16 : index
        %get3A_439 = tpu.vector_load %arg5[%get3A_435, %get3A_436, %get3A_437, %get3A_438] {strides = array<i32>} : memref<2x8x10x128xf32, #tpu.memory_space<vmem>>, vector<1x1x1x16xf32>,
        %get3A_440 = vector.shape_cast %get3A_439 : vector<1x1x1x16xf32> to vector<16xf32>
        %get3A_441 = arith.constant 1 : i32
        %get3A_442 = arith.index_cast %get3A_441 : i32 to index
        %get3A_443 = arith.constant 16 : index
        %get3A_444 = tpu.vector_load %arg7[%get3A_442, %get3A_443] {strides = array<i32>} : memref<16x128xf32, #tpu.memory_space<vmem>>, vector<1x16xf32>,
        %get3A_445 = vector.shape_cast %get3A_444 : vector<1x16xf32> to vector<16xf32>
        %add3A_446 = arith.addf %get3A_440, %get3A_445 : vector<16xf32>
        %swap3A_447 = arith.constant 0 : i32
        %swap3A_448 = arith.constant 1 : i32
        %swap3A_449 = arith.index_cast %swap3A_447 : i32 to index
        %swap3A_450 = arith.index_cast %scan3A_226 : i32 to index
        %swap3A_451 = arith.index_cast %swap3A_448 : i32 to index
        %swap3A_452 = arith.constant 16 : index
        %swap3A_453 = tpu.vector_load %arg6[%swap3A_449, %swap3A_450, %swap3A_451, %swap3A_452] {strides = array<i32>} : memref<2x8x10x128xf32, #tpu.memory_space<vmem>>, vector<1x1x1x16xf32>,
        %swap3A_454 = vector.shape_cast %swap3A_453 : vector<1x1x1x16xf32> to vector<16xf32>
        %swap3A_455 = vector.shape_cast %add3A_446 : vector<16xf32> to vector<1x1x1x16xf32>
        tpu.vector_store %arg6[%swap3A_449, %swap3A_450, %swap3A_451, %swap3A_452], %swap3A_455 {strides = array<i32>} : memref<2x8x10x128xf32, #tpu.memory_space<vmem>>, vector<1x1x1x16xf32>,
        %get3A_456 = arith.constant 0 : i32
        %get3A_457 = arith.constant 1 : i32
        %get3A_458 = arith.index_cast %get3A_456 : i32 to index
        %get3A_459 = arith.index_cast %scan3A_226 : i32 to index
        %get3A_460 = arith.index_cast %get3A_457 : i32 to index
        %get3A_461 = arith.constant 32 : index
        %get3A_462 = tpu.vector_load %arg5[%get3A_458, %get3A_459, %get3A_460, %get3A_461] {strides = array<i32>} : memref<2x8x10x128xf32, #tpu.memory_space<vmem>>, vector<1x1x1x16xf32>,
        %get3A_463 = vector.shape_cast %get3A_462 : vector<1x1x1x16xf32> to vector<16xf32>
        %get3A_464 = arith.constant 1 : i32
        %get3A_465 = arith.index_cast %get3A_464 : i32 to index
        %get3A_466 = arith.constant 32 : index
        %get3A_467 = tpu.vector_load %arg7[%get3A_465, %get3A_466] {strides = array<i32>} : memref<16x128xf32, #tpu.memory_space<vmem>>, vector<1x16xf32>,
        %get3A_468 = vector.shape_cast %get3A_467 : vector<1x16xf32> to vector<16xf32>
        %add3A_469 = arith.addf %get3A_463, %get3A_468 : vector<16xf32>
        %swap3A_470 = arith.constant 0 : i32
        %swap3A_471 = arith.constant 1 : i32
        %swap3A_472 = arith.index_cast %swap3A_470 : i32 to index
        %swap3A_473 = arith.index_cast %scan3A_226 : i32 to index
        %swap3A_474 = arith.index_cast %swap3A_471 : i32 to index
        %swap3A_475 = arith.constant 32 : index
        %swap3A_476 = tpu.vector_load %arg6[%swap3A_472, %swap3A_473, %swap3A_474, %swap3A_475] {strides = array<i32>} : memref<2x8x10x128xf32, #tpu.memory_space<vmem>>, vector<1x1x1x16xf32>,
        %swap3A_477 = vector.shape_cast %swap3A_476 : vector<1x1x1x16xf32> to vector<16xf32>
        %swap3A_478 = vector.shape_cast %add3A_469 : vector<16xf32> to vector<1x1x1x16xf32>
        tpu.vector_store %arg6[%swap3A_472, %swap3A_473, %swap3A_474, %swap3A_475], %swap3A_478 {strides = array<i32>} : memref<2x8x10x128xf32, #tpu.memory_space<vmem>>, vector<1x1x1x16xf32>,
        %get3A_479 = arith.constant 0 : i32
        %get3A_480 = arith.constant 1 : i32
        %get3A_481 = arith.index_cast %get3A_479 : i32 to index
        %get3A_482 = arith.index_cast %scan3A_226 : i32 to index
        %get3A_483 = arith.index_cast %get3A_480 : i32 to index
        %get3A_484 = arith.constant 48 : index
        %get3A_485 = tpu.vector_load %arg5[%get3A_481, %get3A_482, %get3A_483, %get3A_484] {strides = array<i32>} : memref<2x8x10x128xf32, #tpu.memory_space<vmem>>, vector<1x1x1x16xf32>,
        %get3A_486 = vector.shape_cast %get3A_485 : vector<1x1x1x16xf32> to vector<16xf32>
        %get3A_487 = arith.constant 1 : i32
        %get3A_488 = arith.index_cast %get3A_487 : i32 to index
        %get3A_489 = arith.constant 48 : index
        %get3A_490 = tpu.vector_load %arg7[%get3A_488, %get3A_489] {strides = array<i32>} : memref<16x128xf32, #tpu.memory_space<vmem>>, vector<1x16xf32>,
        %get3A_491 = vector.shape_cast %get3A_490 : vector<1x16xf32> to vector<16xf32>
        %add3A_492 = arith.addf %get3A_486, %get3A_491 : vector<16xf32>
        %swap3A_493 = arith.constant 0 : i32
        %swap3A_494 = arith.constant 1 : i32
        %swap3A_495 = arith.index_cast %swap3A_493 : i32 to index
        %swap3A_496 = arith.index_cast %scan3A_226 : i32 to index
        %swap3A_497 = arith.index_cast %swap3A_494 : i32 to index
        %swap3A_498 = arith.constant 48 : index
        %swap3A_499 = tpu.vector_load %arg6[%swap3A_495, %swap3A_496, %swap3A_497, %swap3A_498] {strides = array<i32>} : memref<2x8x10x128xf32, #tpu.memory_space<vmem>>, vector<1x1x1x16xf32>,
        %swap3A_500 = vector.shape_cast %swap3A_499 : vector<1x1x1x16xf32> to vector<16xf32>
        %swap3A_501 = vector.shape_cast %add3A_492 : vector<16xf32> to vector<1x1x1x16xf32>
        tpu.vector_store %arg6[%swap3A_495, %swap3A_496, %swap3A_497, %swap3A_498], %swap3A_501 {strides = array<i32>} : memref<2x8x10x128xf32, #tpu.memory_space<vmem>>, vector<1x1x1x16xf32>,
        %get3A_502 = arith.constant 0 : i32
        %get3A_503 = arith.constant 1 : i32
        %get3A_504 = arith.index_cast %get3A_502 : i32 to index
        %get3A_505 = arith.index_cast %scan3A_226 : i32 to index
        %get3A_506 = arith.index_cast %get3A_503 : i32 to index
        %get3A_507 = arith.constant 64 : index
        %get3A_508 = tpu.vector_load %arg5[%get3A_504, %get3A_505, %get3A_506, %get3A_507] {strides = array<i32>} : memref<2x8x10x128xf32, #tpu.memory_space<vmem>>, vector<1x1x1x16xf32>,
        %get3A_509 = vector.shape_cast %get3A_508 : vector<1x1x1x16xf32> to vector<16xf32>
        %get3A_510 = arith.constant 1 : i32
        %get3A_511 = arith.index_cast %get3A_510 : i32 to index
        %get3A_512 = arith.constant 64 : index
        %get3A_513 = tpu.vector_load %arg7[%get3A_511, %get3A_512] {strides = array<i32>} : memref<16x128xf32, #tpu.memory_space<vmem>>, vector<1x16xf32>,
        %get3A_514 = vector.shape_cast %get3A_513 : vector<1x16xf32> to vector<16xf32>
        %add3A_515 = arith.addf %get3A_509, %get3A_514 : vector<16xf32>
        %swap3A_516 = arith.constant 0 : i32
        %swap3A_517 = arith.constant 1 : i32
        %swap3A_518 = arith.index_cast %swap3A_516 : i32 to index
        %swap3A_519 = arith.index_cast %scan3A_226 : i32 to index
        %swap3A_520 = arith.index_cast %swap3A_517 : i32 to index
        %swap3A_521 = arith.constant 64 : index
        %swap3A_522 = tpu.vector_load %arg6[%swap3A_518, %swap3A_519, %swap3A_520, %swap3A_521] {strides = array<i32>} : memref<2x8x10x128xf32, #tpu.memory_space<vmem>>, vector<1x1x1x16xf32>,
        %swap3A_523 = vector.shape_cast %swap3A_522 : vector<1x1x1x16xf32> to vector<16xf32>
        %swap3A_524 = vector.shape_cast %add3A_515 : vector<16xf32> to vector<1x1x1x16xf32>
        tpu.vector_store %arg6[%swap3A_518, %swap3A_519, %swap3A_520, %swap3A_521], %swap3A_524 {strides = array<i32>} : memref<2x8x10x128xf32, #tpu.memory_space<vmem>>, vector<1x1x1x16xf32>,
        %get3A_525 = arith.constant 0 : i32
        %get3A_526 = arith.constant 1 : i32
        %get3A_527 = arith.index_cast %get3A_525 : i32 to index
        %get3A_528 = arith.index_cast %scan3A_226 : i32 to index
        %get3A_529 = arith.index_cast %get3A_526 : i32 to index
        %get3A_530 = arith.constant 80 : index
        %get3A_531 = tpu.vector_load %arg5[%get3A_527, %get3A_528, %get3A_529, %get3A_530] {strides = array<i32>} : memref<2x8x10x128xf32, #tpu.memory_space<vmem>>, vector<1x1x1x16xf32>,
        %get3A_532 = vector.shape_cast %get3A_531 : vector<1x1x1x16xf32> to vector<16xf32>
        %get3A_533 = arith.constant 1 : i32
        %get3A_534 = arith.index_cast %get3A_533 : i32 to index
        %get3A_535 = arith.constant 80 : index
        %get3A_536 = tpu.vector_load %arg7[%get3A_534, %get3A_535] {strides = array<i32>} : memref<16x128xf32, #tpu.memory_space<vmem>>, vector<1x16xf32>,
        %get3A_537 = vector.shape_cast %get3A_536 : vector<1x16xf32> to vector<16xf32>
        %add3A_538 = arith.addf %get3A_532, %get3A_537 : vector<16xf32>
        %swap3A_539 = arith.constant 0 : i32
        %swap3A_540 = arith.constant 1 : i32
        %swap3A_541 = arith.index_cast %swap3A_539 : i32 to index
        %swap3A_542 = arith.index_cast %scan3A_226 : i32 to index
        %swap3A_543 = arith.index_cast %swap3A_540 : i32 to index
        %swap3A_544 = arith.constant 80 : index
        %swap3A_545 = tpu.vector_load %arg6[%swap3A_541, %swap3A_542, %swap3A_543, %swap3A_544] {strides = array<i32>} : memref<2x8x10x128xf32, #tpu.memory_space<vmem>>, vector<1x1x1x16xf32>,
        %swap3A_546 = vector.shape_cast %swap3A_545 : vector<1x1x1x16xf32> to vector<16xf32>
        %swap3A_547 = vector.shape_cast %add3A_538 : vector<16xf32> to vector<1x1x1x16xf32>
        tpu.vector_store %arg6[%swap3A_541, %swap3A_542, %swap3A_543, %swap3A_544], %swap3A_547 {strides = array<i32>} : memref<2x8x10x128xf32, #tpu.memory_space<vmem>>, vector<1x1x1x16xf32>,
        %get3A_548 = arith.constant 0 : i32
        %get3A_549 = arith.constant 1 : i32
        %get3A_550 = arith.index_cast %get3A_548 : i32 to index
        %get3A_551 = arith.index_cast %scan3A_226 : i32 to index
        %get3A_552 = arith.index_cast %get3A_549 : i32 to index
        %get3A_553 = arith.constant 96 : index
        %get3A_554 = tpu.vector_load %arg5[%get3A_550, %get3A_551, %get3A_552, %get3A_553] {strides = array<i32>} : memref<2x8x10x128xf32, #tpu.memory_space<vmem>>, vector<1x1x1x16xf32>,
        %get3A_555 = vector.shape_cast %get3A_554 : vector<1x1x1x16xf32> to vector<16xf32>
        %get3A_556 = arith.constant 1 : i32
        %get3A_557 = arith.index_cast %get3A_556 : i32 to index
        %get3A_558 = arith.constant 96 : index
        %get3A_559 = tpu.vector_load %arg7[%get3A_557, %get3A_558] {strides = array<i32>} : memref<16x128xf32, #tpu.memory_space<vmem>>, vector<1x16xf32>,
        %get3A_560 = vector.shape_cast %get3A_559 : vector<1x16xf32> to vector<16xf32>
        %add3A_561 = arith.addf %get3A_555, %get3A_560 : vector<16xf32>
        %swap3A_562 = arith.constant 0 : i32
        %swap3A_563 = arith.constant 1 : i32
        %swap3A_564 = arith.index_cast %swap3A_562 : i32 to index
        %swap3A_565 = arith.index_cast %scan3A_226 : i32 to index
        %swap3A_566 = arith.index_cast %swap3A_563 : i32 to index
        %swap3A_567 = arith.constant 96 : index
        %swap3A_568 = tpu.vector_load %arg6[%swap3A_564, %swap3A_565, %swap3A_566, %swap3A_567] {strides = array<i32>} : memref<2x8x10x128xf32, #tpu.memory_space<vmem>>, vector<1x1x1x16xf32>,
        %swap3A_569 = vector.shape_cast %swap3A_568 : vector<1x1x1x16xf32> to vector<16xf32>
        %swap3A_570 = vector.shape_cast %add3A_561 : vector<16xf32> to vector<1x1x1x16xf32>
        tpu.vector_store %arg6[%swap3A_564, %swap3A_565, %swap3A_566, %swap3A_567], %swap3A_570 {strides = array<i32>} : memref<2x8x10x128xf32, #tpu.memory_space<vmem>>, vector<1x1x1x16xf32>,
        %get3A_571 = arith.constant 0 : i32
        %get3A_572 = arith.constant 1 : i32
        %get3A_573 = arith.index_cast %get3A_571 : i32 to index
        %get3A_574 = arith.index_cast %scan3A_226 : i32 to index
        %get3A_575 = arith.index_cast %get3A_572 : i32 to index
        %get3A_576 = arith.constant 112 : index
        %get3A_577 = tpu.vector_load %arg5[%get3A_573, %get3A_574, %get3A_575, %get3A_576] {strides = array<i32>} : memref<2x8x10x128xf32, #tpu.memory_space<vmem>>, vector<1x1x1x16xf32>,
        %get3A_578 = vector.shape_cast %get3A_577 : vector<1x1x1x16xf32> to vector<16xf32>
        %get3A_579 = arith.constant 1 : i32
        %get3A_580 = arith.index_cast %get3A_579 : i32 to index
        %get3A_581 = arith.constant 112 : index
        %get3A_582 = tpu.vector_load %arg7[%get3A_580, %get3A_581] {strides = array<i32>} : memref<16x128xf32, #tpu.memory_space<vmem>>, vector<1x16xf32>,
        %get3A_583 = vector.shape_cast %get3A_582 : vector<1x16xf32> to vector<16xf32>
        %add3A_584 = arith.addf %get3A_578, %get3A_583 : vector<16xf32>
        %swap3A_585 = arith.constant 0 : i32
        %swap3A_586 = arith.constant 1 : i32
        %swap3A_587 = arith.index_cast %swap3A_585 : i32 to index
        %swap3A_588 = arith.index_cast %scan3A_226 : i32 to index
        %swap3A_589 = arith.index_cast %swap3A_586 : i32 to index
        %swap3A_590 = arith.constant 112 : index
        %swap3A_591 = tpu.vector_load %arg6[%swap3A_587, %swap3A_588, %swap3A_589, %swap3A_590] {strides = array<i32>} : memref<2x8x10x128xf32, #tpu.memory_space<vmem>>, vector<1x1x1x16xf32>,
        %swap3A_592 = vector.shape_cast %swap3A_591 : vector<1x1x1x16xf32> to vector<16xf32>
        %swap3A_593 = vector.shape_cast %add3A_584 : vector<16xf32> to vector<1x1x1x16xf32>
        tpu.vector_store %arg6[%swap3A_587, %swap3A_588, %swap3A_589, %swap3A_590], %swap3A_593 {strides = array<i32>} : memref<2x8x10x128xf32, #tpu.memory_space<vmem>>, vector<1x1x1x16xf32>,
        %get3A_594 = arith.constant 0 : i32
        %get3A_595 = arith.constant 2 : i32
        %get3A_596 = arith.index_cast %get3A_594 : i32 to index
        %get3A_597 = arith.index_cast %scan3A_226 : i32 to index
        %get3A_598 = arith.index_cast %get3A_595 : i32 to index
        %get3A_599 = arith.constant 0 : index
        %get3A_600 = tpu.vector_load %arg5[%get3A_596, %get3A_597, %get3A_598, %get3A_599] {strides = array<i32>} : memref<2x8x10x128xf32, #tpu.memory_space<vmem>>, vector<1x1x1x16xf32>,
        %get3A_601 = vector.shape_cast %get3A_600 : vector<1x1x1x16xf32> to vector<16xf32>
        %get3A_602 = arith.constant 2 : i32
        %get3A_603 = arith.index_cast %get3A_602 : i32 to index
        %get3A_604 = arith.constant 0 : index
        %get3A_605 = tpu.vector_load %arg7[%get3A_603, %get3A_604] {strides = array<i32>} : memref<16x128xf32, #tpu.memory_space<vmem>>, vector<1x16xf32>,
        %get3A_606 = vector.shape_cast %get3A_605 : vector<1x16xf32> to vector<16xf32>
        %add3A_607 = arith.addf %get3A_601, %get3A_606 : vector<16xf32>
        %swap3A_608 = arith.constant 0 : i32
        %swap3A_609 = arith.constant 2 : i32
        %swap3A_610 = arith.index_cast %swap3A_608 : i32 to index
        %swap3A_611 = arith.index_cast %scan3A_226 : i32 to index
        %swap3A_612 = arith.index_cast %swap3A_609 : i32 to index
        %swap3A_613 = arith.constant 0 : index
        %swap3A_614 = tpu.vector_load %arg6[%swap3A_610, %swap3A_611, %swap3A_612, %swap3A_613] {strides = array<i32>} : memref<2x8x10x128xf32, #tpu.memory_space<vmem>>, vector<1x1x1x16xf32>,
        %swap3A_615 = vector.shape_cast %swap3A_614 : vector<1x1x1x16xf32> to vector<16xf32>
        %swap3A_616 = vector.shape_cast %add3A_607 : vector<16xf32> to vector<1x1x1x16xf32>
        tpu.vector_store %arg6[%swap3A_610, %swap3A_611, %swap3A_612, %swap3A_613], %swap3A_616 {strides = array<i32>} : memref<2x8x10x128xf32, #tpu.memory_space<vmem>>, vector<1x1x1x16xf32>,
        %get3A_617 = arith.constant 0 : i32
        %get3A_618 = arith.constant 2 : i32
        %get3A_619 = arith.index_cast %get3A_617 : i32 to index
        %get3A_620 = arith.index_cast %scan3A_226 : i32 to index
        %get3A_621 = arith.index_cast %get3A_618 : i32 to index
        %get3A_622 = arith.constant 16 : index
        %get3A_623 = tpu.vector_load %arg5[%get3A_619, %get3A_620, %get3A_621, %get3A_622] {strides = array<i32>} : memref<2x8x10x128xf32, #tpu.memory_space<vmem>>, vector<1x1x1x16xf32>,
        %get3A_624 = vector.shape_cast %get3A_623 : vector<1x1x1x16xf32> to vector<16xf32>
        %get3A_625 = arith.constant 2 : i32
        %get3A_626 = arith.index_cast %get3A_625 : i32 to index
        %get3A_627 = arith.constant 16 : index
        %get3A_628 = tpu.vector_load %arg7[%get3A_626, %get3A_627] {strides = array<i32>} : memref<16x128xf32, #tpu.memory_space<vmem>>, vector<1x16xf32>,
        %get3A_629 = vector.shape_cast %get3A_628 : vector<1x16xf32> to vector<16xf32>
        %add3A_630 = arith.addf %get3A_624, %get3A_629 : vector<16xf32>
        %swap3A_631 = arith.constant 0 : i32
        %swap3A_632 = arith.constant 2 : i32
        %swap3A_633 = arith.index_cast %swap3A_631 : i32 to index
        %swap3A_634 = arith.index_cast %scan3A_226 : i32 to index
        %swap3A_635 = arith.index_cast %swap3A_632 : i32 to index
        %swap3A_636 = arith.constant 16 : index
        %swap3A_637 = tpu.vector_load %arg6[%swap3A_633, %swap3A_634, %swap3A_635, %swap3A_636] {strides = array<i32>} : memref<2x8x10x128xf32, #tpu.memory_space<vmem>>, vector<1x1x1x16xf32>,
        %swap3A_638 = vector.shape_cast %swap3A_637 : vector<1x1x1x16xf32> to vector<16xf32>
        %swap3A_639 = vector.shape_cast %add3A_630 : vector<16xf32> to vector<1x1x1x16xf32>
        tpu.vector_store %arg6[%swap3A_633, %swap3A_634, %swap3A_635, %swap3A_636], %swap3A_639 {strides = array<i32>} : memref<2x8x10x128xf32, #tpu.memory_space<vmem>>, vector<1x1x1x16xf32>,
        %get3A_640 = arith.constant 0 : i32
        %get3A_641 = arith.constant 2 : i32
        %get3A_642 = arith.index_cast %get3A_640 : i32 to index
        %get3A_643 = arith.index_cast %scan3A_226 : i32 to index
        %get3A_644 = arith.index_cast %get3A_641 : i32 to index
        %get3A_645 = arith.constant 32 : index
        %get3A_646 = tpu.vector_load %arg5[%get3A_642, %get3A_643, %get3A_644, %get3A_645] {strides = array<i32>} : memref<2x8x10x128xf32, #tpu.memory_space<vmem>>, vector<1x1x1x16xf32>,
        %get3A_647 = vector.shape_cast %get3A_646 : vector<1x1x1x16xf32> to vector<16xf32>
        %get3A_648 = arith.constant 2 : i32
        %get3A_649 = arith.index_cast %get3A_648 : i32 to index
        %get3A_650 = arith.constant 32 : index
        %get3A_651 = tpu.vector_load %arg7[%get3A_649, %get3A_650] {strides = array<i32>} : memref<16x128xf32, #tpu.memory_space<vmem>>, vector<1x16xf32>,
        %get3A_652 = vector.shape_cast %get3A_651 : vector<1x16xf32> to vector<16xf32>
        %add3A_653 = arith.addf %get3A_647, %get3A_652 : vector<16xf32>
        %swap3A_654 = arith.constant 0 : i32
        %swap3A_655 = arith.constant 2 : i32
        %swap3A_656 = arith.index_cast %swap3A_654 : i32 to index
        %swap3A_657 = arith.index_cast %scan3A_226 : i32 to index
        %swap3A_658 = arith.index_cast %swap3A_655 : i32 to index
        %swap3A_659 = arith.constant 32 : index
        %swap3A_660 = tpu.vector_load %arg6[%swap3A_656, %swap3A_657, %swap3A_658, %swap3A_659] {strides = array<i32>} : memref<2x8x10x128xf32, #tpu.memory_space<vmem>>, vector<1x1x1x16xf32>,
        %swap3A_661 = vector.shape_cast %swap3A_660 : vector<1x1x1x16xf32> to vector<16xf32>
        %swap3A_662 = vector.shape_cast %add3A_653 : vector<16xf32> to vector<1x1x1x16xf32>
        tpu.vector_store %arg6[%swap3A_656, %swap3A_657, %swap3A_658, %swap3A_659], %swap3A_662 {strides = array<i32>} : memref<2x8x10x128xf32, #tpu.memory_space<vmem>>, vector<1x1x1x16xf32>,
        %get3A_663 = arith.constant 0 : i32
        %get3A_664 = arith.constant 2 : i32
        %get3A_665 = arith.index_cast %get3A_663 : i32 to index
        %get3A_666 = arith.index_cast %scan3A_226 : i32 to index
        %get3A_667 = arith.index_cast %get3A_664 : i32 to index
        %get3A_668 = arith.constant 48 : index
        %get3A_669 = tpu.vector_load %arg5[%get3A_665, %get3A_666, %get3A_667, %get3A_668] {strides = array<i32>} : memref<2x8x10x128xf32, #tpu.memory_space<vmem>>, vector<1x1x1x16xf32>,
        %get3A_670 = vector.shape_cast %get3A_669 : vector<1x1x1x16xf32> to vector<16xf32>
        %get3A_671 = arith.constant 2 : i32
        %get3A_672 = arith.index_cast %get3A_671 : i32 to index
        %get3A_673 = arith.constant 48 : index
        %get3A_674 = tpu.vector_load %arg7[%get3A_672, %get3A_673] {strides = array<i32>} : memref<16x128xf32, #tpu.memory_space<vmem>>, vector<1x16xf32>,
        %get3A_675 = vector.shape_cast %get3A_674 : vector<1x16xf32> to vector<16xf32>
        %add3A_676 = arith.addf %get3A_670, %get3A_675 : vector<16xf32>
        %swap3A_677 = arith.constant 0 : i32
        %swap3A_678 = arith.constant 2 : i32
        %swap3A_679 = arith.index_cast %swap3A_677 : i32 to index
        %swap3A_680 = arith.index_cast %scan3A_226 : i32 to index
        %swap3A_681 = arith.index_cast %swap3A_678 : i32 to index
        %swap3A_682 = arith.constant 48 : index
        %swap3A_683 = tpu.vector_load %arg6[%swap3A_679, %swap3A_680, %swap3A_681, %swap3A_682] {strides = array<i32>} : memref<2x8x10x128xf32, #tpu.memory_space<vmem>>, vector<1x1x1x16xf32>,
        %swap3A_684 = vector.shape_cast %swap3A_683 : vector<1x1x1x16xf32> to vector<16xf32>
        %swap3A_685 = vector.shape_cast %add3A_676 : vector<16xf32> to vector<1x1x1x16xf32>
        tpu.vector_store %arg6[%swap3A_679, %swap3A_680, %swap3A_681, %swap3A_682], %swap3A_685 {strides = array<i32>} : memref<2x8x10x128xf32, #tpu.memory_space<vmem>>, vector<1x1x1x16xf32>,
        %get3A_686 = arith.constant 0 : i32
        %get3A_687 = arith.constant 2 : i32
        %get3A_688 = arith.index_cast %get3A_686 : i32 to index
        %get3A_689 = arith.index_cast %scan3A_226 : i32 to index
        %get3A_690 = arith.index_cast %get3A_687 : i32 to index
        %get3A_691 = arith.constant 64 : index
        %get3A_692 = tpu.vector_load %arg5[%get3A_688, %get3A_689, %get3A_690, %get3A_691] {strides = array<i32>} : memref<2x8x10x128xf32, #tpu.memory_space<vmem>>, vector<1x1x1x16xf32>,
        %get3A_693 = vector.shape_cast %get3A_692 : vector<1x1x1x16xf32> to vector<16xf32>
        %get3A_694 = arith.constant 2 : i32
        %get3A_695 = arith.index_cast %get3A_694 : i32 to index
        %get3A_696 = arith.constant 64 : index
        %get3A_697 = tpu.vector_load %arg7[%get3A_695, %get3A_696] {strides = array<i32>} : memref<16x128xf32, #tpu.memory_space<vmem>>, vector<1x16xf32>,
        %get3A_698 = vector.shape_cast %get3A_697 : vector<1x16xf32> to vector<16xf32>
        %add3A_699 = arith.addf %get3A_693, %get3A_698 : vector<16xf32>
        %swap3A_700 = arith.constant 0 : i32
        %swap3A_701 = arith.constant 2 : i32
        %swap3A_702 = arith.index_cast %swap3A_700 : i32 to index
        %swap3A_703 = arith.index_cast %scan3A_226 : i32 to index
        %swap3A_704 = arith.index_cast %swap3A_701 : i32 to index
        %swap3A_705 = arith.constant 64 : index
        %swap3A_706 = tpu.vector_load %arg6[%swap3A_702, %swap3A_703, %swap3A_704, %swap3A_705] {strides = array<i32>} : memref<2x8x10x128xf32, #tpu.memory_space<vmem>>, vector<1x1x1x16xf32>,
        %swap3A_707 = vector.shape_cast %swap3A_706 : vector<1x1x1x16xf32> to vector<16xf32>
        %swap3A_708 = vector.shape_cast %add3A_699 : vector<16xf32> to vector<1x1x1x16xf32>
        tpu.vector_store %arg6[%swap3A_702, %swap3A_703, %swap3A_704, %swap3A_705], %swap3A_708 {strides = array<i32>} : memref<2x8x10x128xf32, #tpu.memory_space<vmem>>, vector<1x1x1x16xf32>,
        %get3A_709 = arith.constant 0 : i32
        %get3A_710 = arith.constant 2 : i32
        %get3A_711 = arith.index_cast %get3A_709 : i32 to index
        %get3A_712 = arith.index_cast %scan3A_226 : i32 to index
        %get3A_713 = arith.index_cast %get3A_710 : i32 to index
        %get3A_714 = arith.constant 80 : index
        %get3A_715 = tpu.vector_load %arg5[%get3A_711, %get3A_712, %get3A_713, %get3A_714] {strides = array<i32>} : memref<2x8x10x128xf32, #tpu.memory_space<vmem>>, vector<1x1x1x16xf32>,
        %get3A_716 = vector.shape_cast %get3A_715 : vector<1x1x1x16xf32> to vector<16xf32>
        %get3A_717 = arith.constant 2 : i32
        %get3A_718 = arith.index_cast %get3A_717 : i32 to index
        %get3A_719 = arith.constant 80 : index
        %get3A_720 = tpu.vector_load %arg7[%get3A_718, %get3A_719] {strides = array<i32>} : memref<16x128xf32, #tpu.memory_space<vmem>>, vector<1x16xf32>,
        %get3A_721 = vector.shape_cast %get3A_720 : vector<1x16xf32> to vector<16xf32>
        %add3A_722 = arith.addf %get3A_716, %get3A_721 : vector<16xf32>
        %swap3A_723 = arith.constant 0 : i32
        %swap3A_724 = arith.constant 2 : i32
        %swap3A_725 = arith.index_cast %swap3A_723 : i32 to index
        %swap3A_726 = arith.index_cast %scan3A_226 : i32 to index
        %swap3A_727 = arith.index_cast %swap3A_724 : i32 to index
        %swap3A_728 = arith.constant 80 : index
        %swap3A_729 = tpu.vector_load %arg6[%swap3A_725, %swap3A_726, %swap3A_727, %swap3A_728] {strides = array<i32>} : memref<2x8x10x128xf32, #tpu.memory_space<vmem>>, vector<1x1x1x16xf32>,
        %swap3A_730 = vector.shape_cast %swap3A_729 : vector<1x1x1x16xf32> to vector<16xf32>
        %swap3A_731 = vector.shape_cast %add3A_722 : vector<16xf32> to vector<1x1x1x16xf32>
        tpu.vector_store %arg6[%swap3A_725, %swap3A_726, %swap3A_727, %swap3A_728], %swap3A_731 {strides = array<i32>} : memref<2x8x10x128xf32, #tpu.memory_space<vmem>>, vector<1x1x1x16xf32>,
        %get3A_732 = arith.constant 0 : i32
        %get3A_733 = arith.constant 2 : i32
        %get3A_734 = arith.index_cast %get3A_732 : i32 to index
        %get3A_735 = arith.index_cast %scan3A_226 : i32 to index
        %get3A_736 = arith.index_cast %get3A_733 : i32 to index
        %get3A_737 = arith.constant 96 : index
        %get3A_738 = tpu.vector_load %arg5[%get3A_734, %get3A_735, %get3A_736, %get3A_737] {strides = array<i32>} : memref<2x8x10x128xf32, #tpu.memory_space<vmem>>, vector<1x1x1x16xf32>,
        %get3A_739 = vector.shape_cast %get3A_738 : vector<1x1x1x16xf32> to vector<16xf32>
        %get3A_740 = arith.constant 2 : i32
        %get3A_741 = arith.index_cast %get3A_740 : i32 to index
        %get3A_742 = arith.constant 96 : index
        %get3A_743 = tpu.vector_load %arg7[%get3A_741, %get3A_742] {strides = array<i32>} : memref<16x128xf32, #tpu.memory_space<vmem>>, vector<1x16xf32>,
        %get3A_744 = vector.shape_cast %get3A_743 : vector<1x16xf32> to vector<16xf32>
        %add3A_745 = arith.addf %get3A_739, %get3A_744 : vector<16xf32>
        %swap3A_746 = arith.constant 0 : i32
        %swap3A_747 = arith.constant 2 : i32
        %swap3A_748 = arith.index_cast %swap3A_746 : i32 to index
        %swap3A_749 = arith.index_cast %scan3A_226 : i32 to index
        %swap3A_750 = arith.index_cast %swap3A_747 : i32 to index
        %swap3A_751 = arith.constant 96 : index
        %swap3A_752 = tpu.vector_load %arg6[%swap3A_748, %swap3A_749, %swap3A_750, %swap3A_751] {strides = array<i32>} : memref<2x8x10x128xf32, #tpu.memory_space<vmem>>, vector<1x1x1x16xf32>,
        %swap3A_753 = vector.shape_cast %swap3A_752 : vector<1x1x1x16xf32> to vector<16xf32>
        %swap3A_754 = vector.shape_cast %add3A_745 : vector<16xf32> to vector<1x1x1x16xf32>
        tpu.vector_store %arg6[%swap3A_748, %swap3A_749, %swap3A_750, %swap3A_751], %swap3A_754 {strides = array<i32>} : memref<2x8x10x128xf32, #tpu.memory_space<vmem>>, vector<1x1x1x16xf32>,
        %get3A_755 = arith.constant 0 : i32
        %get3A_756 = arith.constant 2 : i32
        %get3A_757 = arith.index_cast %get3A_755 : i32 to index
        %get3A_758 = arith.index_cast %scan3A_226 : i32 to index
        %get3A_759 = arith.index_cast %get3A_756 : i32 to index
        %get3A_760 = arith.constant 112 : index
        %get3A_761 = tpu.vector_load %arg5[%get3A_757, %get3A_758, %get3A_759, %get3A_760] {strides = array<i32>} : memref<2x8x10x128xf32, #tpu.memory_space<vmem>>, vector<1x1x1x16xf32>,
        %get3A_762 = vector.shape_cast %get3A_761 : vector<1x1x1x16xf32> to vector<16xf32>
        %get3A_763 = arith.constant 2 : i32
        %get3A_764 = arith.index_cast %get3A_763 : i32 to index
        %get3A_765 = arith.constant 112 : index
        %get3A_766 = tpu.vector_load %arg7[%get3A_764, %get3A_765] {strides = array<i32>} : memref<16x128xf32, #tpu.memory_space<vmem>>, vector<1x16xf32>,
        %get3A_767 = vector.shape_cast %get3A_766 : vector<1x16xf32> to vector<16xf32>
        %add3A_768 = arith.addf %get3A_762, %get3A_767 : vector<16xf32>
        %swap3A_769 = arith.constant 0 : i32
        %swap3A_770 = arith.constant 2 : i32
        %swap3A_771 = arith.index_cast %swap3A_769 : i32 to index
        %swap3A_772 = arith.index_cast %scan3A_226 : i32 to index
        %swap3A_773 = arith.index_cast %swap3A_770 : i32 to index
        %swap3A_774 = arith.constant 112 : index
        %swap3A_775 = tpu.vector_load %arg6[%swap3A_771, %swap3A_772, %swap3A_773, %swap3A_774] {strides = array<i32>} : memref<2x8x10x128xf32, #tpu.memory_space<vmem>>, vector<1x1x1x16xf32>,
        %swap3A_776 = vector.shape_cast %swap3A_775 : vector<1x1x1x16xf32> to vector<16xf32>
        %swap3A_777 = vector.shape_cast %add3A_768 : vector<16xf32> to vector<1x1x1x16xf32>
        tpu.vector_store %arg6[%swap3A_771, %swap3A_772, %swap3A_773, %swap3A_774], %swap3A_777 {strides = array<i32>} : memref<2x8x10x128xf32, #tpu.memory_space<vmem>>, vector<1x1x1x16xf32>,
        %get3A_778 = arith.constant 0 : i32
        %get3A_779 = arith.constant 3 : i32
        %get3A_780 = arith.index_cast %get3A_778 : i32 to index
        %get3A_781 = arith.index_cast %scan3A_226 : i32 to index
        %get3A_782 = arith.index_cast %get3A_779 : i32 to index
        %get3A_783 = arith.constant 0 : index
        %get3A_784 = tpu.vector_load %arg5[%get3A_780, %get3A_781, %get3A_782, %get3A_783] {strides = array<i32>} : memref<2x8x10x128xf32, #tpu.memory_space<vmem>>, vector<1x1x1x16xf32>,
        %get3A_785 = vector.shape_cast %get3A_784 : vector<1x1x1x16xf32> to vector<16xf32>
        %get3A_786 = arith.constant 3 : i32
        %get3A_787 = arith.index_cast %get3A_786 : i32 to index
        %get3A_788 = arith.constant 0 : index
        %get3A_789 = tpu.vector_load %arg7[%get3A_787, %get3A_788] {strides = array<i32>} : memref<16x128xf32, #tpu.memory_space<vmem>>, vector<1x16xf32>,
        %get3A_790 = vector.shape_cast %get3A_789 : vector<1x16xf32> to vector<16xf32>
        %add3A_791 = arith.addf %get3A_785, %get3A_790 : vector<16xf32>
        %swap3A_792 = arith.constant 0 : i32
        %swap3A_793 = arith.constant 3 : i32
        %swap3A_794 = arith.index_cast %swap3A_792 : i32 to index
        %swap3A_795 = arith.index_cast %scan3A_226 : i32 to index
        %swap3A_796 = arith.index_cast %swap3A_793 : i32 to index
        %swap3A_797 = arith.constant 0 : index
        %swap3A_798 = tpu.vector_load %arg6[%swap3A_794, %swap3A_795, %swap3A_796, %swap3A_797] {strides = array<i32>} : memref<2x8x10x128xf32, #tpu.memory_space<vmem>>, vector<1x1x1x16xf32>,
        %swap3A_799 = vector.shape_cast %swap3A_798 : vector<1x1x1x16xf32> to vector<16xf32>
        %swap3A_800 = vector.shape_cast %add3A_791 : vector<16xf32> to vector<1x1x1x16xf32>
        tpu.vector_store %arg6[%swap3A_794, %swap3A_795, %swap3A_796, %swap3A_797], %swap3A_800 {strides = array<i32>} : memref<2x8x10x128xf32, #tpu.memory_space<vmem>>, vector<1x1x1x16xf32>,
        %get3A_801 = arith.constant 0 : i32
        %get3A_802 = arith.constant 3 : i32
        %get3A_803 = arith.index_cast %get3A_801 : i32 to index
        %get3A_804 = arith.index_cast %scan3A_226 : i32 to index
        %get3A_805 = arith.index_cast %get3A_802 : i32 to index
        %get3A_806 = arith.constant 16 : index
        %get3A_807 = tpu.vector_load %arg5[%get3A_803, %get3A_804, %get3A_805, %get3A_806] {strides = array<i32>} : memref<2x8x10x128xf32, #tpu.memory_space<vmem>>, vector<1x1x1x16xf32>,
        %get3A_808 = vector.shape_cast %get3A_807 : vector<1x1x1x16xf32> to vector<16xf32>
        %get3A_809 = arith.constant 3 : i32
        %get3A_810 = arith.index_cast %get3A_809 : i32 to index
        %get3A_811 = arith.constant 16 : index
        %get3A_812 = tpu.vector_load %arg7[%get3A_810, %get3A_811] {strides = array<i32>} : memref<16x128xf32, #tpu.memory_space<vmem>>, vector<1x16xf32>,
        %get3A_813 = vector.shape_cast %get3A_812 : vector<1x16xf32> to vector<16xf32>
        %add3A_814 = arith.addf %get3A_808, %get3A_813 : vector<16xf32>
        %swap3A_815 = arith.constant 0 : i32
        %swap3A_816 = arith.constant 3 : i32
        %swap3A_817 = arith.index_cast %swap3A_815 : i32 to index
        %swap3A_818 = arith.index_cast %scan3A_226 : i32 to index
        %swap3A_819 = arith.index_cast %swap3A_816 : i32 to index
        %swap3A_820 = arith.constant 16 : index
        %swap3A_821 = tpu.vector_load %arg6[%swap3A_817, %swap3A_818, %swap3A_819, %swap3A_820] {strides = array<i32>} : memref<2x8x10x128xf32, #tpu.memory_space<vmem>>, vector<1x1x1x16xf32>,
        %swap3A_822 = vector.shape_cast %swap3A_821 : vector<1x1x1x16xf32> to vector<16xf32>
        %swap3A_823 = vector.shape_cast %add3A_814 : vector<16xf32> to vector<1x1x1x16xf32>
        tpu.vector_store %arg6[%swap3A_817, %swap3A_818, %swap3A_819, %swap3A_820], %swap3A_823 {strides = array<i32>} : memref<2x8x10x128xf32, #tpu.memory_space<vmem>>, vector<1x1x1x16xf32>,
        %get3A_824 = arith.constant 0 : i32
        %get3A_825 = arith.constant 3 : i32
        %get3A_826 = arith.index_cast %get3A_824 : i32 to index
        %get3A_827 = arith.index_cast %scan3A_226 : i32 to index
        %get3A_828 = arith.index_cast %get3A_825 : i32 to index
        %get3A_829 = arith.constant 32 : index
        %get3A_830 = tpu.vector_load %arg5[%get3A_826, %get3A_827, %get3A_828, %get3A_829] {strides = array<i32>} : memref<2x8x10x128xf32, #tpu.memory_space<vmem>>, vector<1x1x1x16xf32>,
        %get3A_831 = vector.shape_cast %get3A_830 : vector<1x1x1x16xf32> to vector<16xf32>
        %get3A_832 = arith.constant 3 : i32
        %get3A_833 = arith.index_cast %get3A_832 : i32 to index
        %get3A_834 = arith.constant 32 : index
        %get3A_835 = tpu.vector_load %arg7[%get3A_833, %get3A_834] {strides = array<i32>} : memref<16x128xf32, #tpu.memory_space<vmem>>, vector<1x16xf32>,
        %get3A_836 = vector.shape_cast %get3A_835 : vector<1x16xf32> to vector<16xf32>
        %add3A_837 = arith.addf %get3A_831, %get3A_836 : vector<16xf32>
        %swap3A_838 = arith.constant 0 : i32
        %swap3A_839 = arith.constant 3 : i32
        %swap3A_840 = arith.index_cast %swap3A_838 : i32 to index
        %swap3A_841 = arith.index_cast %scan3A_226 : i32 to index
        %swap3A_842 = arith.index_cast %swap3A_839 : i32 to index
        %swap3A_843 = arith.constant 32 : index
        %swap3A_844 = tpu.vector_load %arg6[%swap3A_840, %swap3A_841, %swap3A_842, %swap3A_843] {strides = array<i32>} : memref<2x8x10x128xf32, #tpu.memory_space<vmem>>, vector<1x1x1x16xf32>,
        %swap3A_845 = vector.shape_cast %swap3A_844 : vector<1x1x1x16xf32> to vector<16xf32>
        %swap3A_846 = vector.shape_cast %add3A_837 : vector<16xf32> to vector<1x1x1x16xf32>
        tpu.vector_store %arg6[%swap3A_840, %swap3A_841, %swap3A_842, %swap3A_843], %swap3A_846 {strides = array<i32>} : memref<2x8x10x128xf32, #tpu.memory_space<vmem>>, vector<1x1x1x16xf32>,
        %get3A_847 = arith.constant 0 : i32
        %get3A_848 = arith.constant 3 : i32
        %get3A_849 = arith.index_cast %get3A_847 : i32 to index
        %get3A_850 = arith.index_cast %scan3A_226 : i32 to index
        %get3A_851 = arith.index_cast %get3A_848 : i32 to index
        %get3A_852 = arith.constant 48 : index
        %get3A_853 = tpu.vector_load %arg5[%get3A_849, %get3A_850, %get3A_851, %get3A_852] {strides = array<i32>} : memref<2x8x10x128xf32, #tpu.memory_space<vmem>>, vector<1x1x1x16xf32>,
        %get3A_854 = vector.shape_cast %get3A_853 : vector<1x1x1x16xf32> to vector<16xf32>
        %get3A_855 = arith.constant 3 : i32
        %get3A_856 = arith.index_cast %get3A_855 : i32 to index
        %get3A_857 = arith.constant 48 : index
        %get3A_858 = tpu.vector_load %arg7[%get3A_856, %get3A_857] {strides = array<i32>} : memref<16x128xf32, #tpu.memory_space<vmem>>, vector<1x16xf32>,
        %get3A_859 = vector.shape_cast %get3A_858 : vector<1x16xf32> to vector<16xf32>
        %add3A_860 = arith.addf %get3A_854, %get3A_859 : vector<16xf32>
        %swap3A_861 = arith.constant 0 : i32
        %swap3A_862 = arith.constant 3 : i32
        %swap3A_863 = arith.index_cast %swap3A_861 : i32 to index
        %swap3A_864 = arith.index_cast %scan3A_226 : i32 to index
        %swap3A_865 = arith.index_cast %swap3A_862 : i32 to index
        %swap3A_866 = arith.constant 48 : index
        %swap3A_867 = tpu.vector_load %arg6[%swap3A_863, %swap3A_864, %swap3A_865, %swap3A_866] {strides = array<i32>} : memref<2x8x10x128xf32, #tpu.memory_space<vmem>>, vector<1x1x1x16xf32>,
        %swap3A_868 = vector.shape_cast %swap3A_867 : vector<1x1x1x16xf32> to vector<16xf32>
        %swap3A_869 = vector.shape_cast %add3A_860 : vector<16xf32> to vector<1x1x1x16xf32>
        tpu.vector_store %arg6[%swap3A_863, %swap3A_864, %swap3A_865, %swap3A_866], %swap3A_869 {strides = array<i32>} : memref<2x8x10x128xf32, #tpu.memory_space<vmem>>, vector<1x1x1x16xf32>,
        %get3A_870 = arith.constant 0 : i32
        %get3A_871 = arith.constant 3 : i32
        %get3A_872 = arith.index_cast %get3A_870 : i32 to index
        %get3A_873 = arith.index_cast %scan3A_226 : i32 to index
        %get3A_874 = arith.index_cast %get3A_871 : i32 to index
        %get3A_875 = arith.constant 64 : index
        %get3A_876 = tpu.vector_load %arg5[%get3A_872, %get3A_873, %get3A_874, %get3A_875] {strides = array<i32>} : memref<2x8x10x128xf32, #tpu.memory_space<vmem>>, vector<1x1x1x16xf32>,
        %get3A_877 = vector.shape_cast %get3A_876 : vector<1x1x1x16xf32> to vector<16xf32>
        %get3A_878 = arith.constant 3 : i32
        %get3A_879 = arith.index_cast %get3A_878 : i32 to index
        %get3A_880 = arith.constant 64 : index
        %get3A_881 = tpu.vector_load %arg7[%get3A_879, %get3A_880] {strides = array<i32>} : memref<16x128xf32, #tpu.memory_space<vmem>>, vector<1x16xf32>,
        %get3A_882 = vector.shape_cast %get3A_881 : vector<1x16xf32> to vector<16xf32>
        %add3A_883 = arith.addf %get3A_877, %get3A_882 : vector<16xf32>
        %swap3A_884 = arith.constant 0 : i32
        %swap3A_885 = arith.constant 3 : i32
        %swap3A_886 = arith.index_cast %swap3A_884 : i32 to index
        %swap3A_887 = arith.index_cast %scan3A_226 : i32 to index
        %swap3A_888 = arith.index_cast %swap3A_885 : i32 to index
        %swap3A_889 = arith.constant 64 : index
        %swap3A_890 = tpu.vector_load %arg6[%swap3A_886, %swap3A_887, %swap3A_888, %swap3A_889] {strides = array<i32>} : memref<2x8x10x128xf32, #tpu.memory_space<vmem>>, vector<1x1x1x16xf32>,
        %swap3A_891 = vector.shape_cast %swap3A_890 : vector<1x1x1x16xf32> to vector<16xf32>
        %swap3A_892 = vector.shape_cast %add3A_883 : vector<16xf32> to vector<1x1x1x16xf32>
        tpu.vector_store %arg6[%swap3A_886, %swap3A_887, %swap3A_888, %swap3A_889], %swap3A_892 {strides = array<i32>} : memref<2x8x10x128xf32, #tpu.memory_space<vmem>>, vector<1x1x1x16xf32>,
        %get3A_893 = arith.constant 0 : i32
        %get3A_894 = arith.constant 3 : i32
        %get3A_895 = arith.index_cast %get3A_893 : i32 to index
        %get3A_896 = arith.index_cast %scan3A_226 : i32 to index
        %get3A_897 = arith.index_cast %get3A_894 : i32 to index
        %get3A_898 = arith.constant 80 : index
        %get3A_899 = tpu.vector_load %arg5[%get3A_895, %get3A_896, %get3A_897, %get3A_898] {strides = array<i32>} : memref<2x8x10x128xf32, #tpu.memory_space<vmem>>, vector<1x1x1x16xf32>,
        %get3A_900 = vector.shape_cast %get3A_899 : vector<1x1x1x16xf32> to vector<16xf32>
        %get3A_901 = arith.constant 3 : i32
        %get3A_902 = arith.index_cast %get3A_901 : i32 to index
        %get3A_903 = arith.constant 80 : index
        %get3A_904 = tpu.vector_load %arg7[%get3A_902, %get3A_903] {strides = array<i32>} : memref<16x128xf32, #tpu.memory_space<vmem>>, vector<1x16xf32>,
        %get3A_905 = vector.shape_cast %get3A_904 : vector<1x16xf32> to vector<16xf32>
        %add3A_906 = arith.addf %get3A_900, %get3A_905 : vector<16xf32>
        %swap3A_907 = arith.constant 0 : i32
        %swap3A_908 = arith.constant 3 : i32
        %swap3A_909 = arith.index_cast %swap3A_907 : i32 to index
        %swap3A_910 = arith.index_cast %scan3A_226 : i32 to index
        %swap3A_911 = arith.index_cast %swap3A_908 : i32 to index
        %swap3A_912 = arith.constant 80 : index
        %swap3A_913 = tpu.vector_load %arg6[%swap3A_909, %swap3A_910, %swap3A_911, %swap3A_912] {strides = array<i32>} : memref<2x8x10x128xf32, #tpu.memory_space<vmem>>, vector<1x1x1x16xf32>,
        %swap3A_914 = vector.shape_cast %swap3A_913 : vector<1x1x1x16xf32> to vector<16xf32>
        %swap3A_915 = vector.shape_cast %add3A_906 : vector<16xf32> to vector<1x1x1x16xf32>
        tpu.vector_store %arg6[%swap3A_909, %swap3A_910, %swap3A_911, %swap3A_912], %swap3A_915 {strides = array<i32>} : memref<2x8x10x128xf32, #tpu.memory_space<vmem>>, vector<1x1x1x16xf32>,
        %get3A_916 = arith.constant 0 : i32
        %get3A_917 = arith.constant 3 : i32
        %get3A_918 = arith.index_cast %get3A_916 : i32 to index
        %get3A_919 = arith.index_cast %scan3A_226 : i32 to index
        %get3A_920 = arith.index_cast %get3A_917 : i32 to index
        %get3A_921 = arith.constant 96 : index
        %get3A_922 = tpu.vector_load %arg5[%get3A_918, %get3A_919, %get3A_920, %get3A_921] {strides = array<i32>} : memref<2x8x10x128xf32, #tpu.memory_space<vmem>>, vector<1x1x1x16xf32>,
        %get3A_923 = vector.shape_cast %get3A_922 : vector<1x1x1x16xf32> to vector<16xf32>
        %get3A_924 = arith.constant 3 : i32
        %get3A_925 = arith.index_cast %get3A_924 : i32 to index
        %get3A_926 = arith.constant 96 : index
        %get3A_927 = tpu.vector_load %arg7[%get3A_925, %get3A_926] {strides = array<i32>} : memref<16x128xf32, #tpu.memory_space<vmem>>, vector<1x16xf32>,
        %get3A_928 = vector.shape_cast %get3A_927 : vector<1x16xf32> to vector<16xf32>
        %add3A_929 = arith.addf %get3A_923, %get3A_928 : vector<16xf32>
        %swap3A_930 = arith.constant 0 : i32
        %swap3A_931 = arith.constant 3 : i32
        %swap3A_932 = arith.index_cast %swap3A_930 : i32 to index
        %swap3A_933 = arith.index_cast %scan3A_226 : i32 to index
        %swap3A_934 = arith.index_cast %swap3A_931 : i32 to index
        %swap3A_935 = arith.constant 96 : index
        %swap3A_936 = tpu.vector_load %arg6[%swap3A_932, %swap3A_933, %swap3A_934, %swap3A_935] {strides = array<i32>} : memref<2x8x10x128xf32, #tpu.memory_space<vmem>>, vector<1x1x1x16xf32>,
        %swap3A_937 = vector.shape_cast %swap3A_936 : vector<1x1x1x16xf32> to vector<16xf32>
        %swap3A_938 = vector.shape_cast %add3A_929 : vector<16xf32> to vector<1x1x1x16xf32>
        tpu.vector_store %arg6[%swap3A_932, %swap3A_933, %swap3A_934, %swap3A_935], %swap3A_938 {strides = array<i32>} : memref<2x8x10x128xf32, #tpu.memory_space<vmem>>, vector<1x1x1x16xf32>,
        %get3A_939 = arith.constant 0 : i32
        %get3A_940 = arith.constant 3 : i32
        %get3A_941 = arith.index_cast %get3A_939 : i32 to index
        %get3A_942 = arith.index_cast %scan3A_226 : i32 to index
        %get3A_943 = arith.index_cast %get3A_940 : i32 to index
        %get3A_944 = arith.constant 112 : index
        %get3A_945 = tpu.vector_load %arg5[%get3A_941, %get3A_942, %get3A_943, %get3A_944] {strides = array<i32>} : memref<2x8x10x128xf32, #tpu.memory_space<vmem>>, vector<1x1x1x16xf32>,
        %get3A_946 = vector.shape_cast %get3A_945 : vector<1x1x1x16xf32> to vector<16xf32>
        %get3A_947 = arith.constant 3 : i32
        %get3A_948 = arith.index_cast %get3A_947 : i32 to index
        %get3A_949 = arith.constant 112 : index
        %get3A_950 = tpu.vector_load %arg7[%get3A_948, %get3A_949] {strides = array<i32>} : memref<16x128xf32, #tpu.memory_space<vmem>>, vector<1x16xf32>,
        %get3A_951 = vector.shape_cast %get3A_950 : vector<1x16xf32> to vector<16xf32>
        %add3A_952 = arith.addf %get3A_946, %get3A_951 : vector<16xf32>
        %swap3A_953 = arith.constant 0 : i32
        %swap3A_954 = arith.constant 3 : i32
        %swap3A_955 = arith.index_cast %swap3A_953 : i32 to index
        %swap3A_956 = arith.index_cast %scan3A_226 : i32 to index
        %swap3A_957 = arith.index_cast %swap3A_954 : i32 to index
        %swap3A_958 = arith.constant 112 : index
        %swap3A_959 = tpu.vector_load %arg6[%swap3A_955, %swap3A_956, %swap3A_957, %swap3A_958] {strides = array<i32>} : memref<2x8x10x128xf32, #tpu.memory_space<vmem>>, vector<1x1x1x16xf32>,
        %swap3A_960 = vector.shape_cast %swap3A_959 : vector<1x1x1x16xf32> to vector<16xf32>
        %swap3A_961 = vector.shape_cast %add3A_952 : vector<16xf32> to vector<1x1x1x16xf32>
        tpu.vector_store %arg6[%swap3A_955, %swap3A_956, %swap3A_957, %swap3A_958], %swap3A_961 {strides = array<i32>} : memref<2x8x10x128xf32, #tpu.memory_space<vmem>>, vector<1x1x1x16xf32>,
        %get3A_962 = arith.constant 0 : i32
        %get3A_963 = arith.constant 4 : i32
        %get3A_964 = arith.index_cast %get3A_962 : i32 to index
        %get3A_965 = arith.index_cast %scan3A_226 : i32 to index
        %get3A_966 = arith.index_cast %get3A_963 : i32 to index
        %get3A_967 = arith.constant 0 : index
        %get3A_968 = tpu.vector_load %arg5[%get3A_964, %get3A_965, %get3A_966, %get3A_967] {strides = array<i32>} : memref<2x8x10x128xf32, #tpu.memory_space<vmem>>, vector<1x1x1x16xf32>,
        %get3A_969 = vector.shape_cast %get3A_968 : vector<1x1x1x16xf32> to vector<16xf32>
        %get3A_970 = arith.constant 4 : i32
        %get3A_971 = arith.index_cast %get3A_970 : i32 to index
        %get3A_972 = arith.constant 0 : index
        %get3A_973 = tpu.vector_load %arg7[%get3A_971, %get3A_972] {strides = array<i32>} : memref<16x128xf32, #tpu.memory_space<vmem>>, vector<1x16xf32>,
        %get3A_974 = vector.shape_cast %get3A_973 : vector<1x16xf32> to vector<16xf32>
        %add3A_975 = arith.addf %get3A_969, %get3A_974 : vector<16xf32>
        %swap3A_976 = arith.constant 0 : i32
        %swap3A_977 = arith.constant 4 : i32
        %swap3A_978 = arith.index_cast %swap3A_976 : i32 to index
        %swap3A_979 = arith.index_cast %scan3A_226 : i32 to index
        %swap3A_980 = arith.index_cast %swap3A_977 : i32 to index
        %swap3A_981 = arith.constant 0 : index
        %swap3A_982 = tpu.vector_load %arg6[%swap3A_978, %swap3A_979, %swap3A_980, %swap3A_981] {strides = array<i32>} : memref<2x8x10x128xf32, #tpu.memory_space<vmem>>, vector<1x1x1x16xf32>,
        %swap3A_983 = vector.shape_cast %swap3A_982 : vector<1x1x1x16xf32> to vector<16xf32>
        %swap3A_984 = vector.shape_cast %add3A_975 : vector<16xf32> to vector<1x1x1x16xf32>
        tpu.vector_store %arg6[%swap3A_978, %swap3A_979, %swap3A_980, %swap3A_981], %swap3A_984 {strides = array<i32>} : memref<2x8x10x128xf32, #tpu.memory_space<vmem>>, vector<1x1x1x16xf32>,
        %get3A_985 = arith.constant 0 : i32
        %get3A_986 = arith.constant 4 : i32
        %get3A_987 = arith.index_cast %get3A_985 : i32 to index
        %get3A_988 = arith.index_cast %scan3A_226 : i32 to index
        %get3A_989 = arith.index_cast %get3A_986 : i32 to index
        %get3A_990 = arith.constant 16 : index
        %get3A_991 = tpu.vector_load %arg5[%get3A_987, %get3A_988, %get3A_989, %get3A_990] {strides = array<i32>} : memref<2x8x10x128xf32, #tpu.memory_space<vmem>>, vector<1x1x1x16xf32>,
        %get3A_992 = vector.shape_cast %get3A_991 : vector<1x1x1x16xf32> to vector<16xf32>
        %get3A_993 = arith.constant 4 : i32
        %get3A_994 = arith.index_cast %get3A_993 : i32 to index
        %get3A_995 = arith.constant 16 : index
        %get3A_996 = tpu.vector_load %arg7[%get3A_994, %get3A_995] {strides = array<i32>} : memref<16x128xf32, #tpu.memory_space<vmem>>, vector<1x16xf32>,
        %get3A_997 = vector.shape_cast %get3A_996 : vector<1x16xf32> to vector<16xf32>
        %add3A_998 = arith.addf %get3A_992, %get3A_997 : vector<16xf32>
        %swap3A_999 = arith.constant 0 : i32
        %swap3A_1000 = arith.constant 4 : i32
        %swap3A_1001 = arith.index_cast %swap3A_999 : i32 to index
        %swap3A_1002 = arith.index_cast %scan3A_226 : i32 to index
        %swap3A_1003 = arith.index_cast %swap3A_1000 : i32 to index
        %swap3A_1004 = arith.constant 16 : index
        %swap3A_1005 = tpu.vector_load %arg6[%swap3A_1001, %swap3A_1002, %swap3A_1003, %swap3A_1004] {strides = array<i32>} : memref<2x8x10x128xf32, #tpu.memory_space<vmem>>, vector<1x1x1x16xf32>,
        %swap3A_1006 = vector.shape_cast %swap3A_1005 : vector<1x1x1x16xf32> to vector<16xf32>
        %swap3A_1007 = vector.shape_cast %add3A_998 : vector<16xf32> to vector<1x1x1x16xf32>
        tpu.vector_store %arg6[%swap3A_1001, %swap3A_1002, %swap3A_1003, %swap3A_1004], %swap3A_1007 {strides = array<i32>} : memref<2x8x10x128xf32, #tpu.memory_space<vmem>>, vector<1x1x1x16xf32>,
        %get3A_1008 = arith.constant 0 : i32
        %get3A_1009 = arith.constant 4 : i32
        %get3A_1010 = arith.index_cast %get3A_1008 : i32 to index
        %get3A_1011 = arith.index_cast %scan3A_226 : i32 to index
        %get3A_1012 = arith.index_cast %get3A_1009 : i32 to index
        %get3A_1013 = arith.constant 32 : index
        %get3A_1014 = tpu.vector_load %arg5[%get3A_1010, %get3A_1011, %get3A_1012, %get3A_1013] {strides = array<i32>} : memref<2x8x10x128xf32, #tpu.memory_space<vmem>>, vector<1x1x1x16xf32>,
        %get3A_1015 = vector.shape_cast %get3A_1014 : vector<1x1x1x16xf32> to vector<16xf32>
        %get3A_1016 = arith.constant 4 : i32
        %get3A_1017 = arith.index_cast %get3A_1016 : i32 to index
        %get3A_1018 = arith.constant 32 : index
        %get3A_1019 = tpu.vector_load %arg7[%get3A_1017, %get3A_1018] {strides = array<i32>} : memref<16x128xf32, #tpu.memory_space<vmem>>, vector<1x16xf32>,
        %get3A_1020 = vector.shape_cast %get3A_1019 : vector<1x16xf32> to vector<16xf32>
        %add3A_1021 = arith.addf %get3A_1015, %get3A_1020 : vector<16xf32>
        %swap3A_1022 = arith.constant 0 : i32
        %swap3A_1023 = arith.constant 4 : i32
        %swap3A_1024 = arith.index_cast %swap3A_1022 : i32 to index
        %swap3A_1025 = arith.index_cast %scan3A_226 : i32 to index
        %swap3A_1026 = arith.index_cast %swap3A_1023 : i32 to index
        %swap3A_1027 = arith.constant 32 : index
        %swap3A_1028 = tpu.vector_load %arg6[%swap3A_1024, %swap3A_1025, %swap3A_1026, %swap3A_1027] {strides = array<i32>} : memref<2x8x10x128xf32, #tpu.memory_space<vmem>>, vector<1x1x1x16xf32>,
        %swap3A_1029 = vector.shape_cast %swap3A_1028 : vector<1x1x1x16xf32> to vector<16xf32>
        %swap3A_1030 = vector.shape_cast %add3A_1021 : vector<16xf32> to vector<1x1x1x16xf32>
        tpu.vector_store %arg6[%swap3A_1024, %swap3A_1025, %swap3A_1026, %swap3A_1027], %swap3A_1030 {strides = array<i32>} : memref<2x8x10x128xf32, #tpu.memory_space<vmem>>, vector<1x1x1x16xf32>,
        %get3A_1031 = arith.constant 0 : i32
        %get3A_1032 = arith.constant 4 : i32
        %get3A_1033 = arith.index_cast %get3A_1031 : i32 to index
        %get3A_1034 = arith.index_cast %scan3A_226 : i32 to index
        %get3A_1035 = arith.index_cast %get3A_1032 : i32 to index
        %get3A_1036 = arith.constant 48 : index
        %get3A_1037 = tpu.vector_load %arg5[%get3A_1033, %get3A_1034, %get3A_1035, %get3A_1036] {strides = array<i32>} : memref<2x8x10x128xf32, #tpu.memory_space<vmem>>, vector<1x1x1x16xf32>,
        %get3A_1038 = vector.shape_cast %get3A_1037 : vector<1x1x1x16xf32> to vector<16xf32>
        %get3A_1039 = arith.constant 4 : i32
        %get3A_1040 = arith.index_cast %get3A_1039 : i32 to index
        %get3A_1041 = arith.constant 48 : index
        %get3A_1042 = tpu.vector_load %arg7[%get3A_1040, %get3A_1041] {strides = array<i32>} : memref<16x128xf32, #tpu.memory_space<vmem>>, vector<1x16xf32>,
        %get3A_1043 = vector.shape_cast %get3A_1042 : vector<1x16xf32> to vector<16xf32>
        %add3A_1044 = arith.addf %get3A_1038, %get3A_1043 : vector<16xf32>
        %swap3A_1045 = arith.constant 0 : i32
        %swap3A_1046 = arith.constant 4 : i32
        %swap3A_1047 = arith.index_cast %swap3A_1045 : i32 to index
        %swap3A_1048 = arith.index_cast %scan3A_226 : i32 to index
        %swap3A_1049 = arith.index_cast %swap3A_1046 : i32 to index
        %swap3A_1050 = arith.constant 48 : index
        %swap3A_1051 = tpu.vector_load %arg6[%swap3A_1047, %swap3A_1048, %swap3A_1049, %swap3A_1050] {strides = array<i32>} : memref<2x8x10x128xf32, #tpu.memory_space<vmem>>, vector<1x1x1x16xf32>,
        %swap3A_1052 = vector.shape_cast %swap3A_1051 : vector<1x1x1x16xf32> to vector<16xf32>
        %swap3A_1053 = vector.shape_cast %add3A_1044 : vector<16xf32> to vector<1x1x1x16xf32>
        tpu.vector_store %arg6[%swap3A_1047, %swap3A_1048, %swap3A_1049, %swap3A_1050], %swap3A_1053 {strides = array<i32>} : memref<2x8x10x128xf32, #tpu.memory_space<vmem>>, vector<1x1x1x16xf32>,
        %get3A_1054 = arith.constant 0 : i32
        %get3A_1055 = arith.constant 4 : i32
        %get3A_1056 = arith.index_cast %get3A_1054 : i32 to index
        %get3A_1057 = arith.index_cast %scan3A_226 : i32 to index
        %get3A_1058 = arith.index_cast %get3A_1055 : i32 to index
        %get3A_1059 = arith.constant 64 : index
        %get3A_1060 = tpu.vector_load %arg5[%get3A_1056, %get3A_1057, %get3A_1058, %get3A_1059] {strides = array<i32>} : memref<2x8x10x128xf32, #tpu.memory_space<vmem>>, vector<1x1x1x16xf32>,
        %get3A_1061 = vector.shape_cast %get3A_1060 : vector<1x1x1x16xf32> to vector<16xf32>
        %get3A_1062 = arith.constant 4 : i32
        %get3A_1063 = arith.index_cast %get3A_1062 : i32 to index
        %get3A_1064 = arith.constant 64 : index
        %get3A_1065 = tpu.vector_load %arg7[%get3A_1063, %get3A_1064] {strides = array<i32>} : memref<16x128xf32, #tpu.memory_space<vmem>>, vector<1x16xf32>,
        %get3A_1066 = vector.shape_cast %get3A_1065 : vector<1x16xf32> to vector<16xf32>
        %add3A_1067 = arith.addf %get3A_1061, %get3A_1066 : vector<16xf32>
        %swap3A_1068 = arith.constant 0 : i32
        %swap3A_1069 = arith.constant 4 : i32
        %swap3A_1070 = arith.index_cast %swap3A_1068 : i32 to index
        %swap3A_1071 = arith.index_cast %scan3A_226 : i32 to index
        %swap3A_1072 = arith.index_cast %swap3A_1069 : i32 to index
        %swap3A_1073 = arith.constant 64 : index
        %swap3A_1074 = tpu.vector_load %arg6[%swap3A_1070, %swap3A_1071, %swap3A_1072, %swap3A_1073] {strides = array<i32>} : memref<2x8x10x128xf32, #tpu.memory_space<vmem>>, vector<1x1x1x16xf32>,
        %swap3A_1075 = vector.shape_cast %swap3A_1074 : vector<1x1x1x16xf32> to vector<16xf32>
        %swap3A_1076 = vector.shape_cast %add3A_1067 : vector<16xf32> to vector<1x1x1x16xf32>
        tpu.vector_store %arg6[%swap3A_1070, %swap3A_1071, %swap3A_1072, %swap3A_1073], %swap3A_1076 {strides = array<i32>} : memref<2x8x10x128xf32, #tpu.memory_space<vmem>>, vector<1x1x1x16xf32>,
        %get3A_1077 = arith.constant 0 : i32
        %get3A_1078 = arith.constant 4 : i32
        %get3A_1079 = arith.index_cast %get3A_1077 : i32 to index
        %get3A_1080 = arith.index_cast %scan3A_226 : i32 to index
        %get3A_1081 = arith.index_cast %get3A_1078 : i32 to index
        %get3A_1082 = arith.constant 80 : index
        %get3A_1083 = tpu.vector_load %arg5[%get3A_1079, %get3A_1080, %get3A_1081, %get3A_1082] {strides = array<i32>} : memref<2x8x10x128xf32, #tpu.memory_space<vmem>>, vector<1x1x1x16xf32>,
        %get3A_1084 = vector.shape_cast %get3A_1083 : vector<1x1x1x16xf32> to vector<16xf32>
        %get3A_1085 = arith.constant 4 : i32
        %get3A_1086 = arith.index_cast %get3A_1085 : i32 to index
        %get3A_1087 = arith.constant 80 : index
        %get3A_1088 = tpu.vector_load %arg7[%get3A_1086, %get3A_1087] {strides = array<i32>} : memref<16x128xf32, #tpu.memory_space<vmem>>, vector<1x16xf32>,
        %get3A_1089 = vector.shape_cast %get3A_1088 : vector<1x16xf32> to vector<16xf32>
        %add3A_1090 = arith.addf %get3A_1084, %get3A_1089 : vector<16xf32>
        %swap3A_1091 = arith.constant 0 : i32
        %swap3A_1092 = arith.constant 4 : i32
        %swap3A_1093 = arith.index_cast %swap3A_1091 : i32 to index
        %swap3A_1094 = arith.index_cast %scan3A_226 : i32 to index
        %swap3A_1095 = arith.index_cast %swap3A_1092 : i32 to index
        %swap3A_1096 = arith.constant 80 : index
        %swap3A_1097 = tpu.vector_load %arg6[%swap3A_1093, %swap3A_1094, %swap3A_1095, %swap3A_1096] {strides = array<i32>} : memref<2x8x10x128xf32, #tpu.memory_space<vmem>>, vector<1x1x1x16xf32>,
        %swap3A_1098 = vector.shape_cast %swap3A_1097 : vector<1x1x1x16xf32> to vector<16xf32>
        %swap3A_1099 = vector.shape_cast %add3A_1090 : vector<16xf32> to vector<1x1x1x16xf32>
        tpu.vector_store %arg6[%swap3A_1093, %swap3A_1094, %swap3A_1095, %swap3A_1096], %swap3A_1099 {strides = array<i32>} : memref<2x8x10x128xf32, #tpu.memory_space<vmem>>, vector<1x1x1x16xf32>,
        %get3A_1100 = arith.constant 0 : i32
        %get3A_1101 = arith.constant 4 : i32
        %get3A_1102 = arith.index_cast %get3A_1100 : i32 to index
        %get3A_1103 = arith.index_cast %scan3A_226 : i32 to index
        %get3A_1104 = arith.index_cast %get3A_1101 : i32 to index
        %get3A_1105 = arith.constant 96 : index
        %get3A_1106 = tpu.vector_load %arg5[%get3A_1102, %get3A_1103, %get3A_1104, %get3A_1105] {strides = array<i32>} : memref<2x8x10x128xf32, #tpu.memory_space<vmem>>, vector<1x1x1x16xf32>,
        %get3A_1107 = vector.shape_cast %get3A_1106 : vector<1x1x1x16xf32> to vector<16xf32>
        %get3A_1108 = arith.constant 4 : i32
        %get3A_1109 = arith.index_cast %get3A_1108 : i32 to index
        %get3A_1110 = arith.constant 96 : index
        %get3A_1111 = tpu.vector_load %arg7[%get3A_1109, %get3A_1110] {strides = array<i32>} : memref<16x128xf32, #tpu.memory_space<vmem>>, vector<1x16xf32>,
        %get3A_1112 = vector.shape_cast %get3A_1111 : vector<1x16xf32> to vector<16xf32>
        %add3A_1113 = arith.addf %get3A_1107, %get3A_1112 : vector<16xf32>
        %swap3A_1114 = arith.constant 0 : i32
        %swap3A_1115 = arith.constant 4 : i32
        %swap3A_1116 = arith.index_cast %swap3A_1114 : i32 to index
        %swap3A_1117 = arith.index_cast %scan3A_226 : i32 to index
        %swap3A_1118 = arith.index_cast %swap3A_1115 : i32 to index
        %swap3A_1119 = arith.constant 96 : index
        %swap3A_1120 = tpu.vector_load %arg6[%swap3A_1116, %swap3A_1117, %swap3A_1118, %swap3A_1119] {strides = array<i32>} : memref<2x8x10x128xf32, #tpu.memory_space<vmem>>, vector<1x1x1x16xf32>,
        %swap3A_1121 = vector.shape_cast %swap3A_1120 : vector<1x1x1x16xf32> to vector<16xf32>
        %swap3A_1122 = vector.shape_cast %add3A_1113 : vector<16xf32> to vector<1x1x1x16xf32>
        tpu.vector_store %arg6[%swap3A_1116, %swap3A_1117, %swap3A_1118, %swap3A_1119], %swap3A_1122 {strides = array<i32>} : memref<2x8x10x128xf32, #tpu.memory_space<vmem>>, vector<1x1x1x16xf32>,
        %get3A_1123 = arith.constant 0 : i32
        %get3A_1124 = arith.constant 4 : i32
        %get3A_1125 = arith.index_cast %get3A_1123 : i32 to index
        %get3A_1126 = arith.index_cast %scan3A_226 : i32 to index
        %get3A_1127 = arith.index_cast %get3A_1124 : i32 to index
        %get3A_1128 = arith.constant 112 : index
        %get3A_1129 = tpu.vector_load %arg5[%get3A_1125, %get3A_1126, %get3A_1127, %get3A_1128] {strides = array<i32>} : memref<2x8x10x128xf32, #tpu.memory_space<vmem>>, vector<1x1x1x16xf32>,
        %get3A_1130 = vector.shape_cast %get3A_1129 : vector<1x1x1x16xf32> to vector<16xf32>
        %get3A_1131 = arith.constant 4 : i32
        %get3A_1132 = arith.index_cast %get3A_1131 : i32 to index
        %get3A_1133 = arith.constant 112 : index
        %get3A_1134 = tpu.vector_load %arg7[%get3A_1132, %get3A_1133] {strides = array<i32>} : memref<16x128xf32, #tpu.memory_space<vmem>>, vector<1x16xf32>,
        %get3A_1135 = vector.shape_cast %get3A_1134 : vector<1x16xf32> to vector<16xf32>
        %add3A_1136 = arith.addf %get3A_1130, %get3A_1135 : vector<16xf32>
        %swap3A_1137 = arith.constant 0 : i32
        %swap3A_1138 = arith.constant 4 : i32
        %swap3A_1139 = arith.index_cast %swap3A_1137 : i32 to index
        %swap3A_1140 = arith.index_cast %scan3A_226 : i32 to index
        %swap3A_1141 = arith.index_cast %swap3A_1138 : i32 to index
        %swap3A_1142 = arith.constant 112 : index
        %swap3A_1143 = tpu.vector_load %arg6[%swap3A_1139, %swap3A_1140, %swap3A_1141, %swap3A_1142] {strides = array<i32>} : memref<2x8x10x128xf32, #tpu.memory_space<vmem>>, vector<1x1x1x16xf32>,
        %swap3A_1144 = vector.shape_cast %swap3A_1143 : vector<1x1x1x16xf32> to vector<16xf32>
        %swap3A_1145 = vector.shape_cast %add3A_1136 : vector<16xf32> to vector<1x1x1x16xf32>
        tpu.vector_store %arg6[%swap3A_1139, %swap3A_1140, %swap3A_1141, %swap3A_1142], %swap3A_1145 {strides = array<i32>} : memref<2x8x10x128xf32, #tpu.memory_space<vmem>>, vector<1x1x1x16xf32>,
        %get3A_1146 = arith.constant 0 : i32
        %get3A_1147 = arith.constant 5 : i32
        %get3A_1148 = arith.index_cast %get3A_1146 : i32 to index
        %get3A_1149 = arith.index_cast %scan3A_226 : i32 to index
        %get3A_1150 = arith.index_cast %get3A_1147 : i32 to index
        %get3A_1151 = arith.constant 0 : index
        %get3A_1152 = tpu.vector_load %arg5[%get3A_1148, %get3A_1149, %get3A_1150, %get3A_1151] {strides = array<i32>} : memref<2x8x10x128xf32, #tpu.memory_space<vmem>>, vector<1x1x1x16xf32>,
        %get3A_1153 = vector.shape_cast %get3A_1152 : vector<1x1x1x16xf32> to vector<16xf32>
        %get3A_1154 = arith.constant 5 : i32
        %get3A_1155 = arith.index_cast %get3A_1154 : i32 to index
        %get3A_1156 = arith.constant 0 : index
        %get3A_1157 = tpu.vector_load %arg7[%get3A_1155, %get3A_1156] {strides = array<i32>} : memref<16x128xf32, #tpu.memory_space<vmem>>, vector<1x16xf32>,
        %get3A_1158 = vector.shape_cast %get3A_1157 : vector<1x16xf32> to vector<16xf32>
        %add3A_1159 = arith.addf %get3A_1153, %get3A_1158 : vector<16xf32>
        %swap3A_1160 = arith.constant 0 : i32
        %swap3A_1161 = arith.constant 5 : i32
        %swap3A_1162 = arith.index_cast %swap3A_1160 : i32 to index
        %swap3A_1163 = arith.index_cast %scan3A_226 : i32 to index
        %swap3A_1164 = arith.index_cast %swap3A_1161 : i32 to index
        %swap3A_1165 = arith.constant 0 : index
        %swap3A_1166 = tpu.vector_load %arg6[%swap3A_1162, %swap3A_1163, %swap3A_1164, %swap3A_1165] {strides = array<i32>} : memref<2x8x10x128xf32, #tpu.memory_space<vmem>>, vector<1x1x1x16xf32>,
        %swap3A_1167 = vector.shape_cast %swap3A_1166 : vector<1x1x1x16xf32> to vector<16xf32>
        %swap3A_1168 = vector.shape_cast %add3A_1159 : vector<16xf32> to vector<1x1x1x16xf32>
        tpu.vector_store %arg6[%swap3A_1162, %swap3A_1163, %swap3A_1164, %swap3A_1165], %swap3A_1168 {strides = array<i32>} : memref<2x8x10x128xf32, #tpu.memory_space<vmem>>, vector<1x1x1x16xf32>,
        %get3A_1169 = arith.constant 0 : i32
        %get3A_1170 = arith.constant 5 : i32
        %get3A_1171 = arith.index_cast %get3A_1169 : i32 to index
        %get3A_1172 = arith.index_cast %scan3A_226 : i32 to index
        %get3A_1173 = arith.index_cast %get3A_1170 : i32 to index
        %get3A_1174 = arith.constant 16 : index
        %get3A_1175 = tpu.vector_load %arg5[%get3A_1171, %get3A_1172, %get3A_1173, %get3A_1174] {strides = array<i32>} : memref<2x8x10x128xf32, #tpu.memory_space<vmem>>, vector<1x1x1x16xf32>,
        %get3A_1176 = vector.shape_cast %get3A_1175 : vector<1x1x1x16xf32> to vector<16xf32>
        %get3A_1177 = arith.constant 5 : i32
        %get3A_1178 = arith.index_cast %get3A_1177 : i32 to index
        %get3A_1179 = arith.constant 16 : index
        %get3A_1180 = tpu.vector_load %arg7[%get3A_1178, %get3A_1179] {strides = array<i32>} : memref<16x128xf32, #tpu.memory_space<vmem>>, vector<1x16xf32>,
        %get3A_1181 = vector.shape_cast %get3A_1180 : vector<1x16xf32> to vector<16xf32>
        %add3A_1182 = arith.addf %get3A_1176, %get3A_1181 : vector<16xf32>
        %swap3A_1183 = arith.constant 0 : i32
        %swap3A_1184 = arith.constant 5 : i32
        %swap3A_1185 = arith.index_cast %swap3A_1183 : i32 to index
        %swap3A_1186 = arith.index_cast %scan3A_226 : i32 to index
        %swap3A_1187 = arith.index_cast %swap3A_1184 : i32 to index
        %swap3A_1188 = arith.constant 16 : index
        %swap3A_1189 = tpu.vector_load %arg6[%swap3A_1185, %swap3A_1186, %swap3A_1187, %swap3A_1188] {strides = array<i32>} : memref<2x8x10x128xf32, #tpu.memory_space<vmem>>, vector<1x1x1x16xf32>,
        %swap3A_1190 = vector.shape_cast %swap3A_1189 : vector<1x1x1x16xf32> to vector<16xf32>
        %swap3A_1191 = vector.shape_cast %add3A_1182 : vector<16xf32> to vector<1x1x1x16xf32>
        tpu.vector_store %arg6[%swap3A_1185, %swap3A_1186, %swap3A_1187, %swap3A_1188], %swap3A_1191 {strides = array<i32>} : memref<2x8x10x128xf32, #tpu.memory_space<vmem>>, vector<1x1x1x16xf32>,
        %get3A_1192 = arith.constant 0 : i32
        %get3A_1193 = arith.constant 5 : i32
        %get3A_1194 = arith.index_cast %get3A_1192 : i32 to index
        %get3A_1195 = arith.index_cast %scan3A_226 : i32 to index
        %get3A_1196 = arith.index_cast %get3A_1193 : i32 to index
        %get3A_1197 = arith.constant 32 : index
        %get3A_1198 = tpu.vector_load %arg5[%get3A_1194, %get3A_1195, %get3A_1196, %get3A_1197] {strides = array<i32>} : memref<2x8x10x128xf32, #tpu.memory_space<vmem>>, vector<1x1x1x16xf32>,
        %get3A_1199 = vector.shape_cast %get3A_1198 : vector<1x1x1x16xf32> to vector<16xf32>
        %get3A_1200 = arith.constant 5 : i32
        %get3A_1201 = arith.index_cast %get3A_1200 : i32 to index
        %get3A_1202 = arith.constant 32 : index
        %get3A_1203 = tpu.vector_load %arg7[%get3A_1201, %get3A_1202] {strides = array<i32>} : memref<16x128xf32, #tpu.memory_space<vmem>>, vector<1x16xf32>,
        %get3A_1204 = vector.shape_cast %get3A_1203 : vector<1x16xf32> to vector<16xf32>
        %add3A_1205 = arith.addf %get3A_1199, %get3A_1204 : vector<16xf32>
        %swap3A_1206 = arith.constant 0 : i32
        %swap3A_1207 = arith.constant 5 : i32
        %swap3A_1208 = arith.index_cast %swap3A_1206 : i32 to index
        %swap3A_1209 = arith.index_cast %scan3A_226 : i32 to index
        %swap3A_1210 = arith.index_cast %swap3A_1207 : i32 to index
        %swap3A_1211 = arith.constant 32 : index
        %swap3A_1212 = tpu.vector_load %arg6[%swap3A_1208, %swap3A_1209, %swap3A_1210, %swap3A_1211] {strides = array<i32>} : memref<2x8x10x128xf32, #tpu.memory_space<vmem>>, vector<1x1x1x16xf32>,
        %swap3A_1213 = vector.shape_cast %swap3A_1212 : vector<1x1x1x16xf32> to vector<16xf32>
        %swap3A_1214 = vector.shape_cast %add3A_1205 : vector<16xf32> to vector<1x1x1x16xf32>
        tpu.vector_store %arg6[%swap3A_1208, %swap3A_1209, %swap3A_1210, %swap3A_1211], %swap3A_1214 {strides = array<i32>} : memref<2x8x10x128xf32, #tpu.memory_space<vmem>>, vector<1x1x1x16xf32>,
        %get3A_1215 = arith.constant 0 : i32
        %get3A_1216 = arith.constant 5 : i32
        %get3A_1217 = arith.index_cast %get3A_1215 : i32 to index
        %get3A_1218 = arith.index_cast %scan3A_226 : i32 to index
        %get3A_1219 = arith.index_cast %get3A_1216 : i32 to index
        %get3A_1220 = arith.constant 48 : index
        %get3A_1221 = tpu.vector_load %arg5[%get3A_1217, %get3A_1218, %get3A_1219, %get3A_1220] {strides = array<i32>} : memref<2x8x10x128xf32, #tpu.memory_space<vmem>>, vector<1x1x1x16xf32>,
        %get3A_1222 = vector.shape_cast %get3A_1221 : vector<1x1x1x16xf32> to vector<16xf32>
        %get3A_1223 = arith.constant 5 : i32
        %get3A_1224 = arith.index_cast %get3A_1223 : i32 to index
        %get3A_1225 = arith.constant 48 : index
        %get3A_1226 = tpu.vector_load %arg7[%get3A_1224, %get3A_1225] {strides = array<i32>} : memref<16x128xf32, #tpu.memory_space<vmem>>, vector<1x16xf32>,
        %get3A_1227 = vector.shape_cast %get3A_1226 : vector<1x16xf32> to vector<16xf32>
        %add3A_1228 = arith.addf %get3A_1222, %get3A_1227 : vector<16xf32>
        %swap3A_1229 = arith.constant 0 : i32
        %swap3A_1230 = arith.constant 5 : i32
        %swap3A_1231 = arith.index_cast %swap3A_1229 : i32 to index
        %swap3A_1232 = arith.index_cast %scan3A_226 : i32 to index
        %swap3A_1233 = arith.index_cast %swap3A_1230 : i32 to index
        %swap3A_1234 = arith.constant 48 : index
        %swap3A_1235 = tpu.vector_load %arg6[%swap3A_1231, %swap3A_1232, %swap3A_1233, %swap3A_1234] {strides = array<i32>} : memref<2x8x10x128xf32, #tpu.memory_space<vmem>>, vector<1x1x1x16xf32>,
        %swap3A_1236 = vector.shape_cast %swap3A_1235 : vector<1x1x1x16xf32> to vector<16xf32>
        %swap3A_1237 = vector.shape_cast %add3A_1228 : vector<16xf32> to vector<1x1x1x16xf32>
        tpu.vector_store %arg6[%swap3A_1231, %swap3A_1232, %swap3A_1233, %swap3A_1234], %swap3A_1237 {strides = array<i32>} : memref<2x8x10x128xf32, #tpu.memory_space<vmem>>, vector<1x1x1x16xf32>,
        %get3A_1238 = arith.constant 0 : i32
        %get3A_1239 = arith.constant 5 : i32
        %get3A_1240 = arith.index_cast %get3A_1238 : i32 to index
        %get3A_1241 = arith.index_cast %scan3A_226 : i32 to index
        %get3A_1242 = arith.index_cast %get3A_1239 : i32 to index
        %get3A_1243 = arith.constant 64 : index
        %get3A_1244 = tpu.vector_load %arg5[%get3A_1240, %get3A_1241, %get3A_1242, %get3A_1243] {strides = array<i32>} : memref<2x8x10x128xf32, #tpu.memory_space<vmem>>, vector<1x1x1x16xf32>,
        %get3A_1245 = vector.shape_cast %get3A_1244 : vector<1x1x1x16xf32> to vector<16xf32>
        %get3A_1246 = arith.constant 5 : i32
        %get3A_1247 = arith.index_cast %get3A_1246 : i32 to index
        %get3A_1248 = arith.constant 64 : index
        %get3A_1249 = tpu.vector_load %arg7[%get3A_1247, %get3A_1248] {strides = array<i32>} : memref<16x128xf32, #tpu.memory_space<vmem>>, vector<1x16xf32>,
        %get3A_1250 = vector.shape_cast %get3A_1249 : vector<1x16xf32> to vector<16xf32>
        %add3A_1251 = arith.addf %get3A_1245, %get3A_1250 : vector<16xf32>
        %swap3A_1252 = arith.constant 0 : i32
        %swap3A_1253 = arith.constant 5 : i32
        %swap3A_1254 = arith.index_cast %swap3A_1252 : i32 to index
        %swap3A_1255 = arith.index_cast %scan3A_226 : i32 to index
        %swap3A_1256 = arith.index_cast %swap3A_1253 : i32 to index
        %swap3A_1257 = arith.constant 64 : index
        %swap3A_1258 = tpu.vector_load %arg6[%swap3A_1254, %swap3A_1255, %swap3A_1256, %swap3A_1257] {strides = array<i32>} : memref<2x8x10x128xf32, #tpu.memory_space<vmem>>, vector<1x1x1x16xf32>,
        %swap3A_1259 = vector.shape_cast %swap3A_1258 : vector<1x1x1x16xf32> to vector<16xf32>
        %swap3A_1260 = vector.shape_cast %add3A_1251 : vector<16xf32> to vector<1x1x1x16xf32>
        tpu.vector_store %arg6[%swap3A_1254, %swap3A_1255, %swap3A_1256, %swap3A_1257], %swap3A_1260 {strides = array<i32>} : memref<2x8x10x128xf32, #tpu.memory_space<vmem>>, vector<1x1x1x16xf32>,
        %get3A_1261 = arith.constant 0 : i32
        %get3A_1262 = arith.constant 5 : i32
        %get3A_1263 = arith.index_cast %get3A_1261 : i32 to index
        %get3A_1264 = arith.index_cast %scan3A_226 : i32 to index
        %get3A_1265 = arith.index_cast %get3A_1262 : i32 to index
        %get3A_1266 = arith.constant 80 : index
        %get3A_1267 = tpu.vector_load %arg5[%get3A_1263, %get3A_1264, %get3A_1265, %get3A_1266] {strides = array<i32>} : memref<2x8x10x128xf32, #tpu.memory_space<vmem>>, vector<1x1x1x16xf32>,
        %get3A_1268 = vector.shape_cast %get3A_1267 : vector<1x1x1x16xf32> to vector<16xf32>
        %get3A_1269 = arith.constant 5 : i32
        %get3A_1270 = arith.index_cast %get3A_1269 : i32 to index
        %get3A_1271 = arith.constant 80 : index
        %get3A_1272 = tpu.vector_load %arg7[%get3A_1270, %get3A_1271] {strides = array<i32>} : memref<16x128xf32, #tpu.memory_space<vmem>>, vector<1x16xf32>,
        %get3A_1273 = vector.shape_cast %get3A_1272 : vector<1x16xf32> to vector<16xf32>
        %add3A_1274 = arith.addf %get3A_1268, %get3A_1273 : vector<16xf32>
        %swap3A_1275 = arith.constant 0 : i32
        %swap3A_1276 = arith.constant 5 : i32
        %swap3A_1277 = arith.index_cast %swap3A_1275 : i32 to index
        %swap3A_1278 = arith.index_cast %scan3A_226 : i32 to index
        %swap3A_1279 = arith.index_cast %swap3A_1276 : i32 to index
        %swap3A_1280 = arith.constant 80 : index
        %swap3A_1281 = tpu.vector_load %arg6[%swap3A_1277, %swap3A_1278, %swap3A_1279, %swap3A_1280] {strides = array<i32>} : memref<2x8x10x128xf32, #tpu.memory_space<vmem>>, vector<1x1x1x16xf32>,
        %swap3A_1282 = vector.shape_cast %swap3A_1281 : vector<1x1x1x16xf32> to vector<16xf32>
        %swap3A_1283 = vector.shape_cast %add3A_1274 : vector<16xf32> to vector<1x1x1x16xf32>
        tpu.vector_store %arg6[%swap3A_1277, %swap3A_1278, %swap3A_1279, %swap3A_1280], %swap3A_1283 {strides = array<i32>} : memref<2x8x10x128xf32, #tpu.memory_space<vmem>>, vector<1x1x1x16xf32>,
        %get3A_1284 = arith.constant 0 : i32
        %get3A_1285 = arith.constant 5 : i32
        %get3A_1286 = arith.index_cast %get3A_1284 : i32 to index
        %get3A_1287 = arith.index_cast %scan3A_226 : i32 to index
        %get3A_1288 = arith.index_cast %get3A_1285 : i32 to index
        %get3A_1289 = arith.constant 96 : index
        %get3A_1290 = tpu.vector_load %arg5[%get3A_1286, %get3A_1287, %get3A_1288, %get3A_1289] {strides = array<i32>} : memref<2x8x10x128xf32, #tpu.memory_space<vmem>>, vector<1x1x1x16xf32>,
        %get3A_1291 = vector.shape_cast %get3A_1290 : vector<1x1x1x16xf32> to vector<16xf32>
        %get3A_1292 = arith.constant 5 : i32
        %get3A_1293 = arith.index_cast %get3A_1292 : i32 to index
        %get3A_1294 = arith.constant 96 : index
        %get3A_1295 = tpu.vector_load %arg7[%get3A_1293, %get3A_1294] {strides = array<i32>} : memref<16x128xf32, #tpu.memory_space<vmem>>, vector<1x16xf32>,
        %get3A_1296 = vector.shape_cast %get3A_1295 : vector<1x16xf32> to vector<16xf32>
        %add3A_1297 = arith.addf %get3A_1291, %get3A_1296 : vector<16xf32>
        %swap3A_1298 = arith.constant 0 : i32
        %swap3A_1299 = arith.constant 5 : i32
        %swap3A_1300 = arith.index_cast %swap3A_1298 : i32 to index
        %swap3A_1301 = arith.index_cast %scan3A_226 : i32 to index
        %swap3A_1302 = arith.index_cast %swap3A_1299 : i32 to index
        %swap3A_1303 = arith.constant 96 : index
        %swap3A_1304 = tpu.vector_load %arg6[%swap3A_1300, %swap3A_1301, %swap3A_1302, %swap3A_1303] {strides = array<i32>} : memref<2x8x10x128xf32, #tpu.memory_space<vmem>>, vector<1x1x1x16xf32>,
        %swap3A_1305 = vector.shape_cast %swap3A_1304 : vector<1x1x1x16xf32> to vector<16xf32>
        %swap3A_1306 = vector.shape_cast %add3A_1297 : vector<16xf32> to vector<1x1x1x16xf32>
        tpu.vector_store %arg6[%swap3A_1300, %swap3A_1301, %swap3A_1302, %swap3A_1303], %swap3A_1306 {strides = array<i32>} : memref<2x8x10x128xf32, #tpu.memory_space<vmem>>, vector<1x1x1x16xf32>,
        %get3A_1307 = arith.constant 0 : i32
        %get3A_1308 = arith.constant 5 : i32
        %get3A_1309 = arith.index_cast %get3A_1307 : i32 to index
        %get3A_1310 = arith.index_cast %scan3A_226 : i32 to index
        %get3A_1311 = arith.index_cast %get3A_1308 : i32 to index
        %get3A_1312 = arith.constant 112 : index
        %get3A_1313 = tpu.vector_load %arg5[%get3A_1309, %get3A_1310, %get3A_1311, %get3A_1312] {strides = array<i32>} : memref<2x8x10x128xf32, #tpu.memory_space<vmem>>, vector<1x1x1x16xf32>,
        %get3A_1314 = vector.shape_cast %get3A_1313 : vector<1x1x1x16xf32> to vector<16xf32>
        %get3A_1315 = arith.constant 5 : i32
        %get3A_1316 = arith.index_cast %get3A_1315 : i32 to index
        %get3A_1317 = arith.constant 112 : index
        %get3A_1318 = tpu.vector_load %arg7[%get3A_1316, %get3A_1317] {strides = array<i32>} : memref<16x128xf32, #tpu.memory_space<vmem>>, vector<1x16xf32>,
        %get3A_1319 = vector.shape_cast %get3A_1318 : vector<1x16xf32> to vector<16xf32>
        %add3A_1320 = arith.addf %get3A_1314, %get3A_1319 : vector<16xf32>
        %swap3A_1321 = arith.constant 0 : i32
        %swap3A_1322 = arith.constant 5 : i32
        %swap3A_1323 = arith.index_cast %swap3A_1321 : i32 to index
        %swap3A_1324 = arith.index_cast %scan3A_226 : i32 to index
        %swap3A_1325 = arith.index_cast %swap3A_1322 : i32 to index
        %swap3A_1326 = arith.constant 112 : index
        %swap3A_1327 = tpu.vector_load %arg6[%swap3A_1323, %swap3A_1324, %swap3A_1325, %swap3A_1326] {strides = array<i32>} : memref<2x8x10x128xf32, #tpu.memory_space<vmem>>, vector<1x1x1x16xf32>,
        %swap3A_1328 = vector.shape_cast %swap3A_1327 : vector<1x1x1x16xf32> to vector<16xf32>
        %swap3A_1329 = vector.shape_cast %add3A_1320 : vector<16xf32> to vector<1x1x1x16xf32>
        tpu.vector_store %arg6[%swap3A_1323, %swap3A_1324, %swap3A_1325, %swap3A_1326], %swap3A_1329 {strides = array<i32>} : memref<2x8x10x128xf32, #tpu.memory_space<vmem>>, vector<1x1x1x16xf32>,
        %get3A_1330 = arith.constant 0 : i32
        %get3A_1331 = arith.constant 6 : i32
        %get3A_1332 = arith.index_cast %get3A_1330 : i32 to index
        %get3A_1333 = arith.index_cast %scan3A_226 : i32 to index
        %get3A_1334 = arith.index_cast %get3A_1331 : i32 to index
        %get3A_1335 = arith.constant 0 : index
        %get3A_1336 = tpu.vector_load %arg5[%get3A_1332, %get3A_1333, %get3A_1334, %get3A_1335] {strides = array<i32>} : memref<2x8x10x128xf32, #tpu.memory_space<vmem>>, vector<1x1x1x16xf32>,
        %get3A_1337 = vector.shape_cast %get3A_1336 : vector<1x1x1x16xf32> to vector<16xf32>
        %get3A_1338 = arith.constant 6 : i32
        %get3A_1339 = arith.index_cast %get3A_1338 : i32 to index
        %get3A_1340 = arith.constant 0 : index
        %get3A_1341 = tpu.vector_load %arg7[%get3A_1339, %get3A_1340] {strides = array<i32>} : memref<16x128xf32, #tpu.memory_space<vmem>>, vector<1x16xf32>,
        %get3A_1342 = vector.shape_cast %get3A_1341 : vector<1x16xf32> to vector<16xf32>
        %add3A_1343 = arith.addf %get3A_1337, %get3A_1342 : vector<16xf32>
        %swap3A_1344 = arith.constant 0 : i32
        %swap3A_1345 = arith.constant 6 : i32
        %swap3A_1346 = arith.index_cast %swap3A_1344 : i32 to index
        %swap3A_1347 = arith.index_cast %scan3A_226 : i32 to index
        %swap3A_1348 = arith.index_cast %swap3A_1345 : i32 to index
        %swap3A_1349 = arith.constant 0 : index
        %swap3A_1350 = tpu.vector_load %arg6[%swap3A_1346, %swap3A_1347, %swap3A_1348, %swap3A_1349] {strides = array<i32>} : memref<2x8x10x128xf32, #tpu.memory_space<vmem>>, vector<1x1x1x16xf32>,
        %swap3A_1351 = vector.shape_cast %swap3A_1350 : vector<1x1x1x16xf32> to vector<16xf32>
        %swap3A_1352 = vector.shape_cast %add3A_1343 : vector<16xf32> to vector<1x1x1x16xf32>
        tpu.vector_store %arg6[%swap3A_1346, %swap3A_1347, %swap3A_1348, %swap3A_1349], %swap3A_1352 {strides = array<i32>} : memref<2x8x10x128xf32, #tpu.memory_space<vmem>>, vector<1x1x1x16xf32>,
        %get3A_1353 = arith.constant 0 : i32
        %get3A_1354 = arith.constant 6 : i32
        %get3A_1355 = arith.index_cast %get3A_1353 : i32 to index
        %get3A_1356 = arith.index_cast %scan3A_226 : i32 to index
        %get3A_1357 = arith.index_cast %get3A_1354 : i32 to index
        %get3A_1358 = arith.constant 16 : index
        %get3A_1359 = tpu.vector_load %arg5[%get3A_1355, %get3A_1356, %get3A_1357, %get3A_1358] {strides = array<i32>} : memref<2x8x10x128xf32, #tpu.memory_space<vmem>>, vector<1x1x1x16xf32>,
        %get3A_1360 = vector.shape_cast %get3A_1359 : vector<1x1x1x16xf32> to vector<16xf32>
        %get3A_1361 = arith.constant 6 : i32
        %get3A_1362 = arith.index_cast %get3A_1361 : i32 to index
        %get3A_1363 = arith.constant 16 : index
        %get3A_1364 = tpu.vector_load %arg7[%get3A_1362, %get3A_1363] {strides = array<i32>} : memref<16x128xf32, #tpu.memory_space<vmem>>, vector<1x16xf32>,
        %get3A_1365 = vector.shape_cast %get3A_1364 : vector<1x16xf32> to vector<16xf32>
        %add3A_1366 = arith.addf %get3A_1360, %get3A_1365 : vector<16xf32>
        %swap3A_1367 = arith.constant 0 : i32
        %swap3A_1368 = arith.constant 6 : i32
        %swap3A_1369 = arith.index_cast %swap3A_1367 : i32 to index
        %swap3A_1370 = arith.index_cast %scan3A_226 : i32 to index
        %swap3A_1371 = arith.index_cast %swap3A_1368 : i32 to index
        %swap3A_1372 = arith.constant 16 : index
        %swap3A_1373 = tpu.vector_load %arg6[%swap3A_1369, %swap3A_1370, %swap3A_1371, %swap3A_1372] {strides = array<i32>} : memref<2x8x10x128xf32, #tpu.memory_space<vmem>>, vector<1x1x1x16xf32>,
        %swap3A_1374 = vector.shape_cast %swap3A_1373 : vector<1x1x1x16xf32> to vector<16xf32>
        %swap3A_1375 = vector.shape_cast %add3A_1366 : vector<16xf32> to vector<1x1x1x16xf32>
        tpu.vector_store %arg6[%swap3A_1369, %swap3A_1370, %swap3A_1371, %swap3A_1372], %swap3A_1375 {strides = array<i32>} : memref<2x8x10x128xf32, #tpu.memory_space<vmem>>, vector<1x1x1x16xf32>,
        %get3A_1376 = arith.constant 0 : i32
        %get3A_1377 = arith.constant 6 : i32
        %get3A_1378 = arith.index_cast %get3A_1376 : i32 to index
        %get3A_1379 = arith.index_cast %scan3A_226 : i32 to index
        %get3A_1380 = arith.index_cast %get3A_1377 : i32 to index
        %get3A_1381 = arith.constant 32 : index
        %get3A_1382 = tpu.vector_load %arg5[%get3A_1378, %get3A_1379, %get3A_1380, %get3A_1381] {strides = array<i32>} : memref<2x8x10x128xf32, #tpu.memory_space<vmem>>, vector<1x1x1x16xf32>,
        %get3A_1383 = vector.shape_cast %get3A_1382 : vector<1x1x1x16xf32> to vector<16xf32>
        %get3A_1384 = arith.constant 6 : i32
        %get3A_1385 = arith.index_cast %get3A_1384 : i32 to index
        %get3A_1386 = arith.constant 32 : index
        %get3A_1387 = tpu.vector_load %arg7[%get3A_1385, %get3A_1386] {strides = array<i32>} : memref<16x128xf32, #tpu.memory_space<vmem>>, vector<1x16xf32>,
        %get3A_1388 = vector.shape_cast %get3A_1387 : vector<1x16xf32> to vector<16xf32>
        %add3A_1389 = arith.addf %get3A_1383, %get3A_1388 : vector<16xf32>
        %swap3A_1390 = arith.constant 0 : i32
        %swap3A_1391 = arith.constant 6 : i32
        %swap3A_1392 = arith.index_cast %swap3A_1390 : i32 to index
        %swap3A_1393 = arith.index_cast %scan3A_226 : i32 to index
        %swap3A_1394 = arith.index_cast %swap3A_1391 : i32 to index
        %swap3A_1395 = arith.constant 32 : index
        %swap3A_1396 = tpu.vector_load %arg6[%swap3A_1392, %swap3A_1393, %swap3A_1394, %swap3A_1395] {strides = array<i32>} : memref<2x8x10x128xf32, #tpu.memory_space<vmem>>, vector<1x1x1x16xf32>,
        %swap3A_1397 = vector.shape_cast %swap3A_1396 : vector<1x1x1x16xf32> to vector<16xf32>
        %swap3A_1398 = vector.shape_cast %add3A_1389 : vector<16xf32> to vector<1x1x1x16xf32>
        tpu.vector_store %arg6[%swap3A_1392, %swap3A_1393, %swap3A_1394, %swap3A_1395], %swap3A_1398 {strides = array<i32>} : memref<2x8x10x128xf32, #tpu.memory_space<vmem>>, vector<1x1x1x16xf32>,
        %get3A_1399 = arith.constant 0 : i32
        %get3A_1400 = arith.constant 6 : i32
        %get3A_1401 = arith.index_cast %get3A_1399 : i32 to index
        %get3A_1402 = arith.index_cast %scan3A_226 : i32 to index
        %get3A_1403 = arith.index_cast %get3A_1400 : i32 to index
        %get3A_1404 = arith.constant 48 : index
        %get3A_1405 = tpu.vector_load %arg5[%get3A_1401, %get3A_1402, %get3A_1403, %get3A_1404] {strides = array<i32>} : memref<2x8x10x128xf32, #tpu.memory_space<vmem>>, vector<1x1x1x16xf32>,
        %get3A_1406 = vector.shape_cast %get3A_1405 : vector<1x1x1x16xf32> to vector<16xf32>
        %get3A_1407 = arith.constant 6 : i32
        %get3A_1408 = arith.index_cast %get3A_1407 : i32 to index
        %get3A_1409 = arith.constant 48 : index
        %get3A_1410 = tpu.vector_load %arg7[%get3A_1408, %get3A_1409] {strides = array<i32>} : memref<16x128xf32, #tpu.memory_space<vmem>>, vector<1x16xf32>,
        %get3A_1411 = vector.shape_cast %get3A_1410 : vector<1x16xf32> to vector<16xf32>
        %add3A_1412 = arith.addf %get3A_1406, %get3A_1411 : vector<16xf32>
        %swap3A_1413 = arith.constant 0 : i32
        %swap3A_1414 = arith.constant 6 : i32
        %swap3A_1415 = arith.index_cast %swap3A_1413 : i32 to index
        %swap3A_1416 = arith.index_cast %scan3A_226 : i32 to index
        %swap3A_1417 = arith.index_cast %swap3A_1414 : i32 to index
        %swap3A_1418 = arith.constant 48 : index
        %swap3A_1419 = tpu.vector_load %arg6[%swap3A_1415, %swap3A_1416, %swap3A_1417, %swap3A_1418] {strides = array<i32>} : memref<2x8x10x128xf32, #tpu.memory_space<vmem>>, vector<1x1x1x16xf32>,
        %swap3A_1420 = vector.shape_cast %swap3A_1419 : vector<1x1x1x16xf32> to vector<16xf32>
        %swap3A_1421 = vector.shape_cast %add3A_1412 : vector<16xf32> to vector<1x1x1x16xf32>
        tpu.vector_store %arg6[%swap3A_1415, %swap3A_1416, %swap3A_1417, %swap3A_1418], %swap3A_1421 {strides = array<i32>} : memref<2x8x10x128xf32, #tpu.memory_space<vmem>>, vector<1x1x1x16xf32>,
        %get3A_1422 = arith.constant 0 : i32
        %get3A_1423 = arith.constant 6 : i32
        %get3A_1424 = arith.index_cast %get3A_1422 : i32 to index
        %get3A_1425 = arith.index_cast %scan3A_226 : i32 to index
        %get3A_1426 = arith.index_cast %get3A_1423 : i32 to index
        %get3A_1427 = arith.constant 64 : index
        %get3A_1428 = tpu.vector_load %arg5[%get3A_1424, %get3A_1425, %get3A_1426, %get3A_1427] {strides = array<i32>} : memref<2x8x10x128xf32, #tpu.memory_space<vmem>>, vector<1x1x1x16xf32>,
        %get3A_1429 = vector.shape_cast %get3A_1428 : vector<1x1x1x16xf32> to vector<16xf32>
        %get3A_1430 = arith.constant 6 : i32
        %get3A_1431 = arith.index_cast %get3A_1430 : i32 to index
        %get3A_1432 = arith.constant 64 : index
        %get3A_1433 = tpu.vector_load %arg7[%get3A_1431, %get3A_1432] {strides = array<i32>} : memref<16x128xf32, #tpu.memory_space<vmem>>, vector<1x16xf32>,
        %get3A_1434 = vector.shape_cast %get3A_1433 : vector<1x16xf32> to vector<16xf32>
        %add3A_1435 = arith.addf %get3A_1429, %get3A_1434 : vector<16xf32>
        %swap3A_1436 = arith.constant 0 : i32
        %swap3A_1437 = arith.constant 6 : i32
        %swap3A_1438 = arith.index_cast %swap3A_1436 : i32 to index
        %swap3A_1439 = arith.index_cast %scan3A_226 : i32 to index
        %swap3A_1440 = arith.index_cast %swap3A_1437 : i32 to index
        %swap3A_1441 = arith.constant 64 : index
        %swap3A_1442 = tpu.vector_load %arg6[%swap3A_1438, %swap3A_1439, %swap3A_1440, %swap3A_1441] {strides = array<i32>} : memref<2x8x10x128xf32, #tpu.memory_space<vmem>>, vector<1x1x1x16xf32>,
        %swap3A_1443 = vector.shape_cast %swap3A_1442 : vector<1x1x1x16xf32> to vector<16xf32>
        %swap3A_1444 = vector.shape_cast %add3A_1435 : vector<16xf32> to vector<1x1x1x16xf32>
        tpu.vector_store %arg6[%swap3A_1438, %swap3A_1439, %swap3A_1440, %swap3A_1441], %swap3A_1444 {strides = array<i32>} : memref<2x8x10x128xf32, #tpu.memory_space<vmem>>, vector<1x1x1x16xf32>,
        %get3A_1445 = arith.constant 0 : i32
        %get3A_1446 = arith.constant 6 : i32
        %get3A_1447 = arith.index_cast %get3A_1445 : i32 to index
        %get3A_1448 = arith.index_cast %scan3A_226 : i32 to index
        %get3A_1449 = arith.index_cast %get3A_1446 : i32 to index
        %get3A_1450 = arith.constant 80 : index
        %get3A_1451 = tpu.vector_load %arg5[%get3A_1447, %get3A_1448, %get3A_1449, %get3A_1450] {strides = array<i32>} : memref<2x8x10x128xf32, #tpu.memory_space<vmem>>, vector<1x1x1x16xf32>,
        %get3A_1452 = vector.shape_cast %get3A_1451 : vector<1x1x1x16xf32> to vector<16xf32>
        %get3A_1453 = arith.constant 6 : i32
        %get3A_1454 = arith.index_cast %get3A_1453 : i32 to index
        %get3A_1455 = arith.constant 80 : index
        %get3A_1456 = tpu.vector_load %arg7[%get3A_1454, %get3A_1455] {strides = array<i32>} : memref<16x128xf32, #tpu.memory_space<vmem>>, vector<1x16xf32>,
        %get3A_1457 = vector.shape_cast %get3A_1456 : vector<1x16xf32> to vector<16xf32>
        %add3A_1458 = arith.addf %get3A_1452, %get3A_1457 : vector<16xf32>
        %swap3A_1459 = arith.constant 0 : i32
        %swap3A_1460 = arith.constant 6 : i32
        %swap3A_1461 = arith.index_cast %swap3A_1459 : i32 to index
        %swap3A_1462 = arith.index_cast %scan3A_226 : i32 to index
        %swap3A_1463 = arith.index_cast %swap3A_1460 : i32 to index
        %swap3A_1464 = arith.constant 80 : index
        %swap3A_1465 = tpu.vector_load %arg6[%swap3A_1461, %swap3A_1462, %swap3A_1463, %swap3A_1464] {strides = array<i32>} : memref<2x8x10x128xf32, #tpu.memory_space<vmem>>, vector<1x1x1x16xf32>,
        %swap3A_1466 = vector.shape_cast %swap3A_1465 : vector<1x1x1x16xf32> to vector<16xf32>
        %swap3A_1467 = vector.shape_cast %add3A_1458 : vector<16xf32> to vector<1x1x1x16xf32>
        tpu.vector_store %arg6[%swap3A_1461, %swap3A_1462, %swap3A_1463, %swap3A_1464], %swap3A_1467 {strides = array<i32>} : memref<2x8x10x128xf32, #tpu.memory_space<vmem>>, vector<1x1x1x16xf32>,
        %get3A_1468 = arith.constant 0 : i32
        %get3A_1469 = arith.constant 6 : i32
        %get3A_1470 = arith.index_cast %get3A_1468 : i32 to index
        %get3A_1471 = arith.index_cast %scan3A_226 : i32 to index
        %get3A_1472 = arith.index_cast %get3A_1469 : i32 to index
        %get3A_1473 = arith.constant 96 : index
        %get3A_1474 = tpu.vector_load %arg5[%get3A_1470, %get3A_1471, %get3A_1472, %get3A_1473] {strides = array<i32>} : memref<2x8x10x128xf32, #tpu.memory_space<vmem>>, vector<1x1x1x16xf32>,
        %get3A_1475 = vector.shape_cast %get3A_1474 : vector<1x1x1x16xf32> to vector<16xf32>
        %get3A_1476 = arith.constant 6 : i32
        %get3A_1477 = arith.index_cast %get3A_1476 : i32 to index
        %get3A_1478 = arith.constant 96 : index
        %get3A_1479 = tpu.vector_load %arg7[%get3A_1477, %get3A_1478] {strides = array<i32>} : memref<16x128xf32, #tpu.memory_space<vmem>>, vector<1x16xf32>,
        %get3A_1480 = vector.shape_cast %get3A_1479 : vector<1x16xf32> to vector<16xf32>
        %add3A_1481 = arith.addf %get3A_1475, %get3A_1480 : vector<16xf32>
        %swap3A_1482 = arith.constant 0 : i32
        %swap3A_1483 = arith.constant 6 : i32
        %swap3A_1484 = arith.index_cast %swap3A_1482 : i32 to index
        %swap3A_1485 = arith.index_cast %scan3A_226 : i32 to index
        %swap3A_1486 = arith.index_cast %swap3A_1483 : i32 to index
        %swap3A_1487 = arith.constant 96 : index
        %swap3A_1488 = tpu.vector_load %arg6[%swap3A_1484, %swap3A_1485, %swap3A_1486, %swap3A_1487] {strides = array<i32>} : memref<2x8x10x128xf32, #tpu.memory_space<vmem>>, vector<1x1x1x16xf32>,
        %swap3A_1489 = vector.shape_cast %swap3A_1488 : vector<1x1x1x16xf32> to vector<16xf32>
        %swap3A_1490 = vector.shape_cast %add3A_1481 : vector<16xf32> to vector<1x1x1x16xf32>
        tpu.vector_store %arg6[%swap3A_1484, %swap3A_1485, %swap3A_1486, %swap3A_1487], %swap3A_1490 {strides = array<i32>} : memref<2x8x10x128xf32, #tpu.memory_space<vmem>>, vector<1x1x1x16xf32>,
        %get3A_1491 = arith.constant 0 : i32
        %get3A_1492 = arith.constant 6 : i32
        %get3A_1493 = arith.index_cast %get3A_1491 : i32 to index
        %get3A_1494 = arith.index_cast %scan3A_226 : i32 to index
        %get3A_1495 = arith.index_cast %get3A_1492 : i32 to index
        %get3A_1496 = arith.constant 112 : index
        %get3A_1497 = tpu.vector_load %arg5[%get3A_1493, %get3A_1494, %get3A_1495, %get3A_1496] {strides = array<i32>} : memref<2x8x10x128xf32, #tpu.memory_space<vmem>>, vector<1x1x1x16xf32>,
        %get3A_1498 = vector.shape_cast %get3A_1497 : vector<1x1x1x16xf32> to vector<16xf32>
        %get3A_1499 = arith.constant 6 : i32
        %get3A_1500 = arith.index_cast %get3A_1499 : i32 to index
        %get3A_1501 = arith.constant 112 : index
        %get3A_1502 = tpu.vector_load %arg7[%get3A_1500, %get3A_1501] {strides = array<i32>} : memref<16x128xf32, #tpu.memory_space<vmem>>, vector<1x16xf32>,
        %get3A_1503 = vector.shape_cast %get3A_1502 : vector<1x16xf32> to vector<16xf32>
        %add3A_1504 = arith.addf %get3A_1498, %get3A_1503 : vector<16xf32>
        %swap3A_1505 = arith.constant 0 : i32
        %swap3A_1506 = arith.constant 6 : i32
        %swap3A_1507 = arith.index_cast %swap3A_1505 : i32 to index
        %swap3A_1508 = arith.index_cast %scan3A_226 : i32 to index
        %swap3A_1509 = arith.index_cast %swap3A_1506 : i32 to index
        %swap3A_1510 = arith.constant 112 : index
        %swap3A_1511 = tpu.vector_load %arg6[%swap3A_1507, %swap3A_1508, %swap3A_1509, %swap3A_1510] {strides = array<i32>} : memref<2x8x10x128xf32, #tpu.memory_space<vmem>>, vector<1x1x1x16xf32>,
        %swap3A_1512 = vector.shape_cast %swap3A_1511 : vector<1x1x1x16xf32> to vector<16xf32>
        %swap3A_1513 = vector.shape_cast %add3A_1504 : vector<16xf32> to vector<1x1x1x16xf32>
        tpu.vector_store %arg6[%swap3A_1507, %swap3A_1508, %swap3A_1509, %swap3A_1510], %swap3A_1513 {strides = array<i32>} : memref<2x8x10x128xf32, #tpu.memory_space<vmem>>, vector<1x1x1x16xf32>,
        %get3A_1514 = arith.constant 0 : i32
        %get3A_1515 = arith.constant 7 : i32
        %get3A_1516 = arith.index_cast %get3A_1514 : i32 to index
        %get3A_1517 = arith.index_cast %scan3A_226 : i32 to index
        %get3A_1518 = arith.index_cast %get3A_1515 : i32 to index
        %get3A_1519 = arith.constant 0 : index
        %get3A_1520 = tpu.vector_load %arg5[%get3A_1516, %get3A_1517, %get3A_1518, %get3A_1519] {strides = array<i32>} : memref<2x8x10x128xf32, #tpu.memory_space<vmem>>, vector<1x1x1x16xf32>,
        %get3A_1521 = vector.shape_cast %get3A_1520 : vector<1x1x1x16xf32> to vector<16xf32>
        %get3A_1522 = arith.constant 7 : i32
        %get3A_1523 = arith.index_cast %get3A_1522 : i32 to index
        %get3A_1524 = arith.constant 0 : index
        %get3A_1525 = tpu.vector_load %arg7[%get3A_1523, %get3A_1524] {strides = array<i32>} : memref<16x128xf32, #tpu.memory_space<vmem>>, vector<1x16xf32>,
        %get3A_1526 = vector.shape_cast %get3A_1525 : vector<1x16xf32> to vector<16xf32>
        %add3A_1527 = arith.addf %get3A_1521, %get3A_1526 : vector<16xf32>
        %swap3A_1528 = arith.constant 0 : i32
        %swap3A_1529 = arith.constant 7 : i32
        %swap3A_1530 = arith.index_cast %swap3A_1528 : i32 to index
        %swap3A_1531 = arith.index_cast %scan3A_226 : i32 to index
        %swap3A_1532 = arith.index_cast %swap3A_1529 : i32 to index
        %swap3A_1533 = arith.constant 0 : index
        %swap3A_1534 = tpu.vector_load %arg6[%swap3A_1530, %swap3A_1531, %swap3A_1532, %swap3A_1533] {strides = array<i32>} : memref<2x8x10x128xf32, #tpu.memory_space<vmem>>, vector<1x1x1x16xf32>,
        %swap3A_1535 = vector.shape_cast %swap3A_1534 : vector<1x1x1x16xf32> to vector<16xf32>
        %swap3A_1536 = vector.shape_cast %add3A_1527 : vector<16xf32> to vector<1x1x1x16xf32>
        tpu.vector_store %arg6[%swap3A_1530, %swap3A_1531, %swap3A_1532, %swap3A_1533], %swap3A_1536 {strides = array<i32>} : memref<2x8x10x128xf32, #tpu.memory_space<vmem>>, vector<1x1x1x16xf32>,
        %get3A_1537 = arith.constant 0 : i32
        %get3A_1538 = arith.constant 7 : i32
        %get3A_1539 = arith.index_cast %get3A_1537 : i32 to index
        %get3A_1540 = arith.index_cast %scan3A_226 : i32 to index
        %get3A_1541 = arith.index_cast %get3A_1538 : i32 to index
        %get3A_1542 = arith.constant 16 : index
        %get3A_1543 = tpu.vector_load %arg5[%get3A_1539, %get3A_1540, %get3A_1541, %get3A_1542] {strides = array<i32>} : memref<2x8x10x128xf32, #tpu.memory_space<vmem>>, vector<1x1x1x16xf32>,
        %get3A_1544 = vector.shape_cast %get3A_1543 : vector<1x1x1x16xf32> to vector<16xf32>
        %get3A_1545 = arith.constant 7 : i32
        %get3A_1546 = arith.index_cast %get3A_1545 : i32 to index
        %get3A_1547 = arith.constant 16 : index
        %get3A_1548 = tpu.vector_load %arg7[%get3A_1546, %get3A_1547] {strides = array<i32>} : memref<16x128xf32, #tpu.memory_space<vmem>>, vector<1x16xf32>,
        %get3A_1549 = vector.shape_cast %get3A_1548 : vector<1x16xf32> to vector<16xf32>
        %add3A_1550 = arith.addf %get3A_1544, %get3A_1549 : vector<16xf32>
        %swap3A_1551 = arith.constant 0 : i32
        %swap3A_1552 = arith.constant 7 : i32
        %swap3A_1553 = arith.index_cast %swap3A_1551 : i32 to index
        %swap3A_1554 = arith.index_cast %scan3A_226 : i32 to index
        %swap3A_1555 = arith.index_cast %swap3A_1552 : i32 to index
        %swap3A_1556 = arith.constant 16 : index
        %swap3A_1557 = tpu.vector_load %arg6[%swap3A_1553, %swap3A_1554, %swap3A_1555, %swap3A_1556] {strides = array<i32>} : memref<2x8x10x128xf32, #tpu.memory_space<vmem>>, vector<1x1x1x16xf32>,
        %swap3A_1558 = vector.shape_cast %swap3A_1557 : vector<1x1x1x16xf32> to vector<16xf32>
        %swap3A_1559 = vector.shape_cast %add3A_1550 : vector<16xf32> to vector<1x1x1x16xf32>
        tpu.vector_store %arg6[%swap3A_1553, %swap3A_1554, %swap3A_1555, %swap3A_1556], %swap3A_1559 {strides = array<i32>} : memref<2x8x10x128xf32, #tpu.memory_space<vmem>>, vector<1x1x1x16xf32>,
        %get3A_1560 = arith.constant 0 : i32
        %get3A_1561 = arith.constant 7 : i32
        %get3A_1562 = arith.index_cast %get3A_1560 : i32 to index
        %get3A_1563 = arith.index_cast %scan3A_226 : i32 to index
        %get3A_1564 = arith.index_cast %get3A_1561 : i32 to index
        %get3A_1565 = arith.constant 32 : index
        %get3A_1566 = tpu.vector_load %arg5[%get3A_1562, %get3A_1563, %get3A_1564, %get3A_1565] {strides = array<i32>} : memref<2x8x10x128xf32, #tpu.memory_space<vmem>>, vector<1x1x1x16xf32>,
        %get3A_1567 = vector.shape_cast %get3A_1566 : vector<1x1x1x16xf32> to vector<16xf32>
        %get3A_1568 = arith.constant 7 : i32
        %get3A_1569 = arith.index_cast %get3A_1568 : i32 to index
        %get3A_1570 = arith.constant 32 : index
        %get3A_1571 = tpu.vector_load %arg7[%get3A_1569, %get3A_1570] {strides = array<i32>} : memref<16x128xf32, #tpu.memory_space<vmem>>, vector<1x16xf32>,
        %get3A_1572 = vector.shape_cast %get3A_1571 : vector<1x16xf32> to vector<16xf32>
        %add3A_1573 = arith.addf %get3A_1567, %get3A_1572 : vector<16xf32>
        %swap3A_1574 = arith.constant 0 : i32
        %swap3A_1575 = arith.constant 7 : i32
        %swap3A_1576 = arith.index_cast %swap3A_1574 : i32 to index
        %swap3A_1577 = arith.index_cast %scan3A_226 : i32 to index
        %swap3A_1578 = arith.index_cast %swap3A_1575 : i32 to index
        %swap3A_1579 = arith.constant 32 : index
        %swap3A_1580 = tpu.vector_load %arg6[%swap3A_1576, %swap3A_1577, %swap3A_1578, %swap3A_1579] {strides = array<i32>} : memref<2x8x10x128xf32, #tpu.memory_space<vmem>>, vector<1x1x1x16xf32>,
        %swap3A_1581 = vector.shape_cast %swap3A_1580 : vector<1x1x1x16xf32> to vector<16xf32>
        %swap3A_1582 = vector.shape_cast %add3A_1573 : vector<16xf32> to vector<1x1x1x16xf32>
        tpu.vector_store %arg6[%swap3A_1576, %swap3A_1577, %swap3A_1578, %swap3A_1579], %swap3A_1582 {strides = array<i32>} : memref<2x8x10x128xf32, #tpu.memory_space<vmem>>, vector<1x1x1x16xf32>,
        %get3A_1583 = arith.constant 0 : i32
        %get3A_1584 = arith.constant 7 : i32
        %get3A_1585 = arith.index_cast %get3A_1583 : i32 to index
        %get3A_1586 = arith.index_cast %scan3A_226 : i32 to index
        %get3A_1587 = arith.index_cast %get3A_1584 : i32 to index
        %get3A_1588 = arith.constant 48 : index
        %get3A_1589 = tpu.vector_load %arg5[%get3A_1585, %get3A_1586, %get3A_1587, %get3A_1588] {strides = array<i32>} : memref<2x8x10x128xf32, #tpu.memory_space<vmem>>, vector<1x1x1x16xf32>,
        %get3A_1590 = vector.shape_cast %get3A_1589 : vector<1x1x1x16xf32> to vector<16xf32>
        %get3A_1591 = arith.constant 7 : i32
        %get3A_1592 = arith.index_cast %get3A_1591 : i32 to index
        %get3A_1593 = arith.constant 48 : index
        %get3A_1594 = tpu.vector_load %arg7[%get3A_1592, %get3A_1593] {strides = array<i32>} : memref<16x128xf32, #tpu.memory_space<vmem>>, vector<1x16xf32>,
        %get3A_1595 = vector.shape_cast %get3A_1594 : vector<1x16xf32> to vector<16xf32>
        %add3A_1596 = arith.addf %get3A_1590, %get3A_1595 : vector<16xf32>
        %swap3A_1597 = arith.constant 0 : i32
        %swap3A_1598 = arith.constant 7 : i32
        %swap3A_1599 = arith.index_cast %swap3A_1597 : i32 to index
        %swap3A_1600 = arith.index_cast %scan3A_226 : i32 to index
        %swap3A_1601 = arith.index_cast %swap3A_1598 : i32 to index
        %swap3A_1602 = arith.constant 48 : index
        %swap3A_1603 = tpu.vector_load %arg6[%swap3A_1599, %swap3A_1600, %swap3A_1601, %swap3A_1602] {strides = array<i32>} : memref<2x8x10x128xf32, #tpu.memory_space<vmem>>, vector<1x1x1x16xf32>,
        %swap3A_1604 = vector.shape_cast %swap3A_1603 : vector<1x1x1x16xf32> to vector<16xf32>
        %swap3A_1605 = vector.shape_cast %add3A_1596 : vector<16xf32> to vector<1x1x1x16xf32>
        tpu.vector_store %arg6[%swap3A_1599, %swap3A_1600, %swap3A_1601, %swap3A_1602], %swap3A_1605 {strides = array<i32>} : memref<2x8x10x128xf32, #tpu.memory_space<vmem>>, vector<1x1x1x16xf32>,
        %get3A_1606 = arith.constant 0 : i32
        %get3A_1607 = arith.constant 7 : i32
        %get3A_1608 = arith.index_cast %get3A_1606 : i32 to index
        %get3A_1609 = arith.index_cast %scan3A_226 : i32 to index
        %get3A_1610 = arith.index_cast %get3A_1607 : i32 to index
        %get3A_1611 = arith.constant 64 : index
        %get3A_1612 = tpu.vector_load %arg5[%get3A_1608, %get3A_1609, %get3A_1610, %get3A_1611] {strides = array<i32>} : memref<2x8x10x128xf32, #tpu.memory_space<vmem>>, vector<1x1x1x16xf32>,
        %get3A_1613 = vector.shape_cast %get3A_1612 : vector<1x1x1x16xf32> to vector<16xf32>
        %get3A_1614 = arith.constant 7 : i32
        %get3A_1615 = arith.index_cast %get3A_1614 : i32 to index
        %get3A_1616 = arith.constant 64 : index
        %get3A_1617 = tpu.vector_load %arg7[%get3A_1615, %get3A_1616] {strides = array<i32>} : memref<16x128xf32, #tpu.memory_space<vmem>>, vector<1x16xf32>,
        %get3A_1618 = vector.shape_cast %get3A_1617 : vector<1x16xf32> to vector<16xf32>
        %add3A_1619 = arith.addf %get3A_1613, %get3A_1618 : vector<16xf32>
        %swap3A_1620 = arith.constant 0 : i32
        %swap3A_1621 = arith.constant 7 : i32
        %swap3A_1622 = arith.index_cast %swap3A_1620 : i32 to index
        %swap3A_1623 = arith.index_cast %scan3A_226 : i32 to index
        %swap3A_1624 = arith.index_cast %swap3A_1621 : i32 to index
        %swap3A_1625 = arith.constant 64 : index
        %swap3A_1626 = tpu.vector_load %arg6[%swap3A_1622, %swap3A_1623, %swap3A_1624, %swap3A_1625] {strides = array<i32>} : memref<2x8x10x128xf32, #tpu.memory_space<vmem>>, vector<1x1x1x16xf32>,
        %swap3A_1627 = vector.shape_cast %swap3A_1626 : vector<1x1x1x16xf32> to vector<16xf32>
        %swap3A_1628 = vector.shape_cast %add3A_1619 : vector<16xf32> to vector<1x1x1x16xf32>
        tpu.vector_store %arg6[%swap3A_1622, %swap3A_1623, %swap3A_1624, %swap3A_1625], %swap3A_1628 {strides = array<i32>} : memref<2x8x10x128xf32, #tpu.memory_space<vmem>>, vector<1x1x1x16xf32>,
        %get3A_1629 = arith.constant 0 : i32
        %get3A_1630 = arith.constant 7 : i32
        %get3A_1631 = arith.index_cast %get3A_1629 : i32 to index
        %get3A_1632 = arith.index_cast %scan3A_226 : i32 to index
        %get3A_1633 = arith.index_cast %get3A_1630 : i32 to index
        %get3A_1634 = arith.constant 80 : index
        %get3A_1635 = tpu.vector_load %arg5[%get3A_1631, %get3A_1632, %get3A_1633, %get3A_1634] {strides = array<i32>} : memref<2x8x10x128xf32, #tpu.memory_space<vmem>>, vector<1x1x1x16xf32>,
        %get3A_1636 = vector.shape_cast %get3A_1635 : vector<1x1x1x16xf32> to vector<16xf32>
        %get3A_1637 = arith.constant 7 : i32
        %get3A_1638 = arith.index_cast %get3A_1637 : i32 to index
        %get3A_1639 = arith.constant 80 : index
        %get3A_1640 = tpu.vector_load %arg7[%get3A_1638, %get3A_1639] {strides = array<i32>} : memref<16x128xf32, #tpu.memory_space<vmem>>, vector<1x16xf32>,
        %get3A_1641 = vector.shape_cast %get3A_1640 : vector<1x16xf32> to vector<16xf32>
        %add3A_1642 = arith.addf %get3A_1636, %get3A_1641 : vector<16xf32>
        %swap3A_1643 = arith.constant 0 : i32
        %swap3A_1644 = arith.constant 7 : i32
        %swap3A_1645 = arith.index_cast %swap3A_1643 : i32 to index
        %swap3A_1646 = arith.index_cast %scan3A_226 : i32 to index
        %swap3A_1647 = arith.index_cast %swap3A_1644 : i32 to index
        %swap3A_1648 = arith.constant 80 : index
        %swap3A_1649 = tpu.vector_load %arg6[%swap3A_1645, %swap3A_1646, %swap3A_1647, %swap3A_1648] {strides = array<i32>} : memref<2x8x10x128xf32, #tpu.memory_space<vmem>>, vector<1x1x1x16xf32>,
        %swap3A_1650 = vector.shape_cast %swap3A_1649 : vector<1x1x1x16xf32> to vector<16xf32>
        %swap3A_1651 = vector.shape_cast %add3A_1642 : vector<16xf32> to vector<1x1x1x16xf32>
        tpu.vector_store %arg6[%swap3A_1645, %swap3A_1646, %swap3A_1647, %swap3A_1648], %swap3A_1651 {strides = array<i32>} : memref<2x8x10x128xf32, #tpu.memory_space<vmem>>, vector<1x1x1x16xf32>,
        %get3A_1652 = arith.constant 0 : i32
        %get3A_1653 = arith.constant 7 : i32
        %get3A_1654 = arith.index_cast %get3A_1652 : i32 to index
        %get3A_1655 = arith.index_cast %scan3A_226 : i32 to index
        %get3A_1656 = arith.index_cast %get3A_1653 : i32 to index
        %get3A_1657 = arith.constant 96 : index
        %get3A_1658 = tpu.vector_load %arg5[%get3A_1654, %get3A_1655, %get3A_1656, %get3A_1657] {strides = array<i32>} : memref<2x8x10x128xf32, #tpu.memory_space<vmem>>, vector<1x1x1x16xf32>,
        %get3A_1659 = vector.shape_cast %get3A_1658 : vector<1x1x1x16xf32> to vector<16xf32>
        %get3A_1660 = arith.constant 7 : i32
        %get3A_1661 = arith.index_cast %get3A_1660 : i32 to index
        %get3A_1662 = arith.constant 96 : index
        %get3A_1663 = tpu.vector_load %arg7[%get3A_1661, %get3A_1662] {strides = array<i32>} : memref<16x128xf32, #tpu.memory_space<vmem>>, vector<1x16xf32>,
        %get3A_1664 = vector.shape_cast %get3A_1663 : vector<1x16xf32> to vector<16xf32>
        %add3A_1665 = arith.addf %get3A_1659, %get3A_1664 : vector<16xf32>
        %swap3A_1666 = arith.constant 0 : i32
        %swap3A_1667 = arith.constant 7 : i32
        %swap3A_1668 = arith.index_cast %swap3A_1666 : i32 to index
        %swap3A_1669 = arith.index_cast %scan3A_226 : i32 to index
        %swap3A_1670 = arith.index_cast %swap3A_1667 : i32 to index
        %swap3A_1671 = arith.constant 96 : index
        %swap3A_1672 = tpu.vector_load %arg6[%swap3A_1668, %swap3A_1669, %swap3A_1670, %swap3A_1671] {strides = array<i32>} : memref<2x8x10x128xf32, #tpu.memory_space<vmem>>, vector<1x1x1x16xf32>,
        %swap3A_1673 = vector.shape_cast %swap3A_1672 : vector<1x1x1x16xf32> to vector<16xf32>
        %swap3A_1674 = vector.shape_cast %add3A_1665 : vector<16xf32> to vector<1x1x1x16xf32>
        tpu.vector_store %arg6[%swap3A_1668, %swap3A_1669, %swap3A_1670, %swap3A_1671], %swap3A_1674 {strides = array<i32>} : memref<2x8x10x128xf32, #tpu.memory_space<vmem>>, vector<1x1x1x16xf32>,
        %get3A_1675 = arith.constant 0 : i32
        %get3A_1676 = arith.constant 7 : i32
        %get3A_1677 = arith.index_cast %get3A_1675 : i32 to index
        %get3A_1678 = arith.index_cast %scan3A_226 : i32 to index
        %get3A_1679 = arith.index_cast %get3A_1676 : i32 to index
        %get3A_1680 = arith.constant 112 : index
        %get3A_1681 = tpu.vector_load %arg5[%get3A_1677, %get3A_1678, %get3A_1679, %get3A_1680] {strides = array<i32>} : memref<2x8x10x128xf32, #tpu.memory_space<vmem>>, vector<1x1x1x16xf32>,
        %get3A_1682 = vector.shape_cast %get3A_1681 : vector<1x1x1x16xf32> to vector<16xf32>
        %get3A_1683 = arith.constant 7 : i32
        %get3A_1684 = arith.index_cast %get3A_1683 : i32 to index
        %get3A_1685 = arith.constant 112 : index
        %get3A_1686 = tpu.vector_load %arg7[%get3A_1684, %get3A_1685] {strides = array<i32>} : memref<16x128xf32, #tpu.memory_space<vmem>>, vector<1x16xf32>,
        %get3A_1687 = vector.shape_cast %get3A_1686 : vector<1x16xf32> to vector<16xf32>
        %add3A_1688 = arith.addf %get3A_1682, %get3A_1687 : vector<16xf32>
        %swap3A_1689 = arith.constant 0 : i32
        %swap3A_1690 = arith.constant 7 : i32
        %swap3A_1691 = arith.index_cast %swap3A_1689 : i32 to index
        %swap3A_1692 = arith.index_cast %scan3A_226 : i32 to index
        %swap3A_1693 = arith.index_cast %swap3A_1690 : i32 to index
        %swap3A_1694 = arith.constant 112 : index
        %swap3A_1695 = tpu.vector_load %arg6[%swap3A_1691, %swap3A_1692, %swap3A_1693, %swap3A_1694] {strides = array<i32>} : memref<2x8x10x128xf32, #tpu.memory_space<vmem>>, vector<1x1x1x16xf32>,
        %swap3A_1696 = vector.shape_cast %swap3A_1695 : vector<1x1x1x16xf32> to vector<16xf32>
        %swap3A_1697 = vector.shape_cast %add3A_1688 : vector<16xf32> to vector<1x1x1x16xf32>
        tpu.vector_store %arg6[%swap3A_1691, %swap3A_1692, %swap3A_1693, %swap3A_1694], %swap3A_1697 {strides = array<i32>} : memref<2x8x10x128xf32, #tpu.memory_space<vmem>>, vector<1x1x1x16xf32>,
        %get3A_1698 = arith.constant 0 : i32
        %get3A_1699 = arith.constant 8 : i32
        %get3A_1700 = arith.index_cast %get3A_1698 : i32 to index
        %get3A_1701 = arith.index_cast %scan3A_226 : i32 to index
        %get3A_1702 = arith.index_cast %get3A_1699 : i32 to index
        %get3A_1703 = arith.constant 0 : index
        %get3A_1704 = tpu.vector_load %arg5[%get3A_1700, %get3A_1701, %get3A_1702, %get3A_1703] {strides = array<i32>} : memref<2x8x10x128xf32, #tpu.memory_space<vmem>>, vector<1x1x1x16xf32>,
        %get3A_1705 = vector.shape_cast %get3A_1704 : vector<1x1x1x16xf32> to vector<16xf32>
        %get3A_1706 = arith.constant 8 : i32
        %get3A_1707 = arith.index_cast %get3A_1706 : i32 to index
        %get3A_1708 = arith.constant 0 : index
        %get3A_1709 = tpu.vector_load %arg7[%get3A_1707, %get3A_1708] {strides = array<i32>} : memref<16x128xf32, #tpu.memory_space<vmem>>, vector<1x16xf32>,
        %get3A_1710 = vector.shape_cast %get3A_1709 : vector<1x16xf32> to vector<16xf32>
        %add3A_1711 = arith.addf %get3A_1705, %get3A_1710 : vector<16xf32>
        %swap3A_1712 = arith.constant 0 : i32
        %swap3A_1713 = arith.constant 8 : i32
        %swap3A_1714 = arith.index_cast %swap3A_1712 : i32 to index
        %swap3A_1715 = arith.index_cast %scan3A_226 : i32 to index
        %swap3A_1716 = arith.index_cast %swap3A_1713 : i32 to index
        %swap3A_1717 = arith.constant 0 : index
        %swap3A_1718 = tpu.vector_load %arg6[%swap3A_1714, %swap3A_1715, %swap3A_1716, %swap3A_1717] {strides = array<i32>} : memref<2x8x10x128xf32, #tpu.memory_space<vmem>>, vector<1x1x1x16xf32>,
        %swap3A_1719 = vector.shape_cast %swap3A_1718 : vector<1x1x1x16xf32> to vector<16xf32>
        %swap3A_1720 = vector.shape_cast %add3A_1711 : vector<16xf32> to vector<1x1x1x16xf32>
        tpu.vector_store %arg6[%swap3A_1714, %swap3A_1715, %swap3A_1716, %swap3A_1717], %swap3A_1720 {strides = array<i32>} : memref<2x8x10x128xf32, #tpu.memory_space<vmem>>, vector<1x1x1x16xf32>,
        %get3A_1721 = arith.constant 0 : i32
        %get3A_1722 = arith.constant 8 : i32
        %get3A_1723 = arith.index_cast %get3A_1721 : i32 to index
        %get3A_1724 = arith.index_cast %scan3A_226 : i32 to index
        %get3A_1725 = arith.index_cast %get3A_1722 : i32 to index
        %get3A_1726 = arith.constant 16 : index
        %get3A_1727 = tpu.vector_load %arg5[%get3A_1723, %get3A_1724, %get3A_1725, %get3A_1726] {strides = array<i32>} : memref<2x8x10x128xf32, #tpu.memory_space<vmem>>, vector<1x1x1x16xf32>,
        %get3A_1728 = vector.shape_cast %get3A_1727 : vector<1x1x1x16xf32> to vector<16xf32>
        %get3A_1729 = arith.constant 8 : i32
        %get3A_1730 = arith.index_cast %get3A_1729 : i32 to index
        %get3A_1731 = arith.constant 16 : index
        %get3A_1732 = tpu.vector_load %arg7[%get3A_1730, %get3A_1731] {strides = array<i32>} : memref<16x128xf32, #tpu.memory_space<vmem>>, vector<1x16xf32>,
        %get3A_1733 = vector.shape_cast %get3A_1732 : vector<1x16xf32> to vector<16xf32>
        %add3A_1734 = arith.addf %get3A_1728, %get3A_1733 : vector<16xf32>
        %swap3A_1735 = arith.constant 0 : i32
        %swap3A_1736 = arith.constant 8 : i32
        %swap3A_1737 = arith.index_cast %swap3A_1735 : i32 to index
        %swap3A_1738 = arith.index_cast %scan3A_226 : i32 to index
        %swap3A_1739 = arith.index_cast %swap3A_1736 : i32 to index
        %swap3A_1740 = arith.constant 16 : index
        %swap3A_1741 = tpu.vector_load %arg6[%swap3A_1737, %swap3A_1738, %swap3A_1739, %swap3A_1740] {strides = array<i32>} : memref<2x8x10x128xf32, #tpu.memory_space<vmem>>, vector<1x1x1x16xf32>,
        %swap3A_1742 = vector.shape_cast %swap3A_1741 : vector<1x1x1x16xf32> to vector<16xf32>
        %swap3A_1743 = vector.shape_cast %add3A_1734 : vector<16xf32> to vector<1x1x1x16xf32>
        tpu.vector_store %arg6[%swap3A_1737, %swap3A_1738, %swap3A_1739, %swap3A_1740], %swap3A_1743 {strides = array<i32>} : memref<2x8x10x128xf32, #tpu.memory_space<vmem>>, vector<1x1x1x16xf32>,
        %get3A_1744 = arith.constant 0 : i32
        %get3A_1745 = arith.constant 8 : i32
        %get3A_1746 = arith.index_cast %get3A_1744 : i32 to index
        %get3A_1747 = arith.index_cast %scan3A_226 : i32 to index
        %get3A_1748 = arith.index_cast %get3A_1745 : i32 to index
        %get3A_1749 = arith.constant 32 : index
        %get3A_1750 = tpu.vector_load %arg5[%get3A_1746, %get3A_1747, %get3A_1748, %get3A_1749] {strides = array<i32>} : memref<2x8x10x128xf32, #tpu.memory_space<vmem>>, vector<1x1x1x16xf32>,
        %get3A_1751 = vector.shape_cast %get3A_1750 : vector<1x1x1x16xf32> to vector<16xf32>
        %get3A_1752 = arith.constant 8 : i32
        %get3A_1753 = arith.index_cast %get3A_1752 : i32 to index
        %get3A_1754 = arith.constant 32 : index
        %get3A_1755 = tpu.vector_load %arg7[%get3A_1753, %get3A_1754] {strides = array<i32>} : memref<16x128xf32, #tpu.memory_space<vmem>>, vector<1x16xf32>,
        %get3A_1756 = vector.shape_cast %get3A_1755 : vector<1x16xf32> to vector<16xf32>
        %add3A_1757 = arith.addf %get3A_1751, %get3A_1756 : vector<16xf32>
        %swap3A_1758 = arith.constant 0 : i32
        %swap3A_1759 = arith.constant 8 : i32
        %swap3A_1760 = arith.index_cast %swap3A_1758 : i32 to index
        %swap3A_1761 = arith.index_cast %scan3A_226 : i32 to index
        %swap3A_1762 = arith.index_cast %swap3A_1759 : i32 to index
        %swap3A_1763 = arith.constant 32 : index
        %swap3A_1764 = tpu.vector_load %arg6[%swap3A_1760, %swap3A_1761, %swap3A_1762, %swap3A_1763] {strides = array<i32>} : memref<2x8x10x128xf32, #tpu.memory_space<vmem>>, vector<1x1x1x16xf32>,
        %swap3A_1765 = vector.shape_cast %swap3A_1764 : vector<1x1x1x16xf32> to vector<16xf32>
        %swap3A_1766 = vector.shape_cast %add3A_1757 : vector<16xf32> to vector<1x1x1x16xf32>
        tpu.vector_store %arg6[%swap3A_1760, %swap3A_1761, %swap3A_1762, %swap3A_1763], %swap3A_1766 {strides = array<i32>} : memref<2x8x10x128xf32, #tpu.memory_space<vmem>>, vector<1x1x1x16xf32>,
        %get3A_1767 = arith.constant 0 : i32
        %get3A_1768 = arith.constant 8 : i32
        %get3A_1769 = arith.index_cast %get3A_1767 : i32 to index
        %get3A_1770 = arith.index_cast %scan3A_226 : i32 to index
        %get3A_1771 = arith.index_cast %get3A_1768 : i32 to index
        %get3A_1772 = arith.constant 48 : index
        %get3A_1773 = tpu.vector_load %arg5[%get3A_1769, %get3A_1770, %get3A_1771, %get3A_1772] {strides = array<i32>} : memref<2x8x10x128xf32, #tpu.memory_space<vmem>>, vector<1x1x1x16xf32>,
        %get3A_1774 = vector.shape_cast %get3A_1773 : vector<1x1x1x16xf32> to vector<16xf32>
        %get3A_1775 = arith.constant 8 : i32
        %get3A_1776 = arith.index_cast %get3A_1775 : i32 to index
        %get3A_1777 = arith.constant 48 : index
        %get3A_1778 = tpu.vector_load %arg7[%get3A_1776, %get3A_1777] {strides = array<i32>} : memref<16x128xf32, #tpu.memory_space<vmem>>, vector<1x16xf32>,
        %get3A_1779 = vector.shape_cast %get3A_1778 : vector<1x16xf32> to vector<16xf32>
        %add3A_1780 = arith.addf %get3A_1774, %get3A_1779 : vector<16xf32>
        %swap3A_1781 = arith.constant 0 : i32
        %swap3A_1782 = arith.constant 8 : i32
        %swap3A_1783 = arith.index_cast %swap3A_1781 : i32 to index
        %swap3A_1784 = arith.index_cast %scan3A_226 : i32 to index
        %swap3A_1785 = arith.index_cast %swap3A_1782 : i32 to index
        %swap3A_1786 = arith.constant 48 : index
        %swap3A_1787 = tpu.vector_load %arg6[%swap3A_1783, %swap3A_1784, %swap3A_1785, %swap3A_1786] {strides = array<i32>} : memref<2x8x10x128xf32, #tpu.memory_space<vmem>>, vector<1x1x1x16xf32>,
        %swap3A_1788 = vector.shape_cast %swap3A_1787 : vector<1x1x1x16xf32> to vector<16xf32>
        %swap3A_1789 = vector.shape_cast %add3A_1780 : vector<16xf32> to vector<1x1x1x16xf32>
        tpu.vector_store %arg6[%swap3A_1783, %swap3A_1784, %swap3A_1785, %swap3A_1786], %swap3A_1789 {strides = array<i32>} : memref<2x8x10x128xf32, #tpu.memory_space<vmem>>, vector<1x1x1x16xf32>,
        %get3A_1790 = arith.constant 0 : i32
        %get3A_1791 = arith.constant 8 : i32
        %get3A_1792 = arith.index_cast %get3A_1790 : i32 to index
        %get3A_1793 = arith.index_cast %scan3A_226 : i32 to index
        %get3A_1794 = arith.index_cast %get3A_1791 : i32 to index
        %get3A_1795 = arith.constant 64 : index
        %get3A_1796 = tpu.vector_load %arg5[%get3A_1792, %get3A_1793, %get3A_1794, %get3A_1795] {strides = array<i32>} : memref<2x8x10x128xf32, #tpu.memory_space<vmem>>, vector<1x1x1x16xf32>,
        %get3A_1797 = vector.shape_cast %get3A_1796 : vector<1x1x1x16xf32> to vector<16xf32>
        %get3A_1798 = arith.constant 8 : i32
        %get3A_1799 = arith.index_cast %get3A_1798 : i32 to index
        %get3A_1800 = arith.constant 64 : index
        %get3A_1801 = tpu.vector_load %arg7[%get3A_1799, %get3A_1800] {strides = array<i32>} : memref<16x128xf32, #tpu.memory_space<vmem>>, vector<1x16xf32>,
        %get3A_1802 = vector.shape_cast %get3A_1801 : vector<1x16xf32> to vector<16xf32>
        %add3A_1803 = arith.addf %get3A_1797, %get3A_1802 : vector<16xf32>
        %swap3A_1804 = arith.constant 0 : i32
        %swap3A_1805 = arith.constant 8 : i32
        %swap3A_1806 = arith.index_cast %swap3A_1804 : i32 to index
        %swap3A_1807 = arith.index_cast %scan3A_226 : i32 to index
        %swap3A_1808 = arith.index_cast %swap3A_1805 : i32 to index
        %swap3A_1809 = arith.constant 64 : index
        %swap3A_1810 = tpu.vector_load %arg6[%swap3A_1806, %swap3A_1807, %swap3A_1808, %swap3A_1809] {strides = array<i32>} : memref<2x8x10x128xf32, #tpu.memory_space<vmem>>, vector<1x1x1x16xf32>,
        %swap3A_1811 = vector.shape_cast %swap3A_1810 : vector<1x1x1x16xf32> to vector<16xf32>
        %swap3A_1812 = vector.shape_cast %add3A_1803 : vector<16xf32> to vector<1x1x1x16xf32>
        tpu.vector_store %arg6[%swap3A_1806, %swap3A_1807, %swap3A_1808, %swap3A_1809], %swap3A_1812 {strides = array<i32>} : memref<2x8x10x128xf32, #tpu.memory_space<vmem>>, vector<1x1x1x16xf32>,
        %get3A_1813 = arith.constant 0 : i32
        %get3A_1814 = arith.constant 8 : i32
        %get3A_1815 = arith.index_cast %get3A_1813 : i32 to index
        %get3A_1816 = arith.index_cast %scan3A_226 : i32 to index
        %get3A_1817 = arith.index_cast %get3A_1814 : i32 to index
        %get3A_1818 = arith.constant 80 : index
        %get3A_1819 = tpu.vector_load %arg5[%get3A_1815, %get3A_1816, %get3A_1817, %get3A_1818] {strides = array<i32>} : memref<2x8x10x128xf32, #tpu.memory_space<vmem>>, vector<1x1x1x16xf32>,
        %get3A_1820 = vector.shape_cast %get3A_1819 : vector<1x1x1x16xf32> to vector<16xf32>
        %get3A_1821 = arith.constant 8 : i32
        %get3A_1822 = arith.index_cast %get3A_1821 : i32 to index
        %get3A_1823 = arith.constant 80 : index
        %get3A_1824 = tpu.vector_load %arg7[%get3A_1822, %get3A_1823] {strides = array<i32>} : memref<16x128xf32, #tpu.memory_space<vmem>>, vector<1x16xf32>,
        %get3A_1825 = vector.shape_cast %get3A_1824 : vector<1x16xf32> to vector<16xf32>
        %add3A_1826 = arith.addf %get3A_1820, %get3A_1825 : vector<16xf32>
        %swap3A_1827 = arith.constant 0 : i32
        %swap3A_1828 = arith.constant 8 : i32
        %swap3A_1829 = arith.index_cast %swap3A_1827 : i32 to index
        %swap3A_1830 = arith.index_cast %scan3A_226 : i32 to index
        %swap3A_1831 = arith.index_cast %swap3A_1828 : i32 to index
        %swap3A_1832 = arith.constant 80 : index
        %swap3A_1833 = tpu.vector_load %arg6[%swap3A_1829, %swap3A_1830, %swap3A_1831, %swap3A_1832] {strides = array<i32>} : memref<2x8x10x128xf32, #tpu.memory_space<vmem>>, vector<1x1x1x16xf32>,
        %swap3A_1834 = vector.shape_cast %swap3A_1833 : vector<1x1x1x16xf32> to vector<16xf32>
        %swap3A_1835 = vector.shape_cast %add3A_1826 : vector<16xf32> to vector<1x1x1x16xf32>
        tpu.vector_store %arg6[%swap3A_1829, %swap3A_1830, %swap3A_1831, %swap3A_1832], %swap3A_1835 {strides = array<i32>} : memref<2x8x10x128xf32, #tpu.memory_space<vmem>>, vector<1x1x1x16xf32>,
        %get3A_1836 = arith.constant 0 : i32
        %get3A_1837 = arith.constant 8 : i32
        %get3A_1838 = arith.index_cast %get3A_1836 : i32 to index
        %get3A_1839 = arith.index_cast %scan3A_226 : i32 to index
        %get3A_1840 = arith.index_cast %get3A_1837 : i32 to index
        %get3A_1841 = arith.constant 96 : index
        %get3A_1842 = tpu.vector_load %arg5[%get3A_1838, %get3A_1839, %get3A_1840, %get3A_1841] {strides = array<i32>} : memref<2x8x10x128xf32, #tpu.memory_space<vmem>>, vector<1x1x1x16xf32>,
        %get3A_1843 = vector.shape_cast %get3A_1842 : vector<1x1x1x16xf32> to vector<16xf32>
        %get3A_1844 = arith.constant 8 : i32
        %get3A_1845 = arith.index_cast %get3A_1844 : i32 to index
        %get3A_1846 = arith.constant 96 : index
        %get3A_1847 = tpu.vector_load %arg7[%get3A_1845, %get3A_1846] {strides = array<i32>} : memref<16x128xf32, #tpu.memory_space<vmem>>, vector<1x16xf32>,
        %get3A_1848 = vector.shape_cast %get3A_1847 : vector<1x16xf32> to vector<16xf32>
        %add3A_1849 = arith.addf %get3A_1843, %get3A_1848 : vector<16xf32>
        %swap3A_1850 = arith.constant 0 : i32
        %swap3A_1851 = arith.constant 8 : i32
        %swap3A_1852 = arith.index_cast %swap3A_1850 : i32 to index
        %swap3A_1853 = arith.index_cast %scan3A_226 : i32 to index
        %swap3A_1854 = arith.index_cast %swap3A_1851 : i32 to index
        %swap3A_1855 = arith.constant 96 : index
        %swap3A_1856 = tpu.vector_load %arg6[%swap3A_1852, %swap3A_1853, %swap3A_1854, %swap3A_1855] {strides = array<i32>} : memref<2x8x10x128xf32, #tpu.memory_space<vmem>>, vector<1x1x1x16xf32>,
        %swap3A_1857 = vector.shape_cast %swap3A_1856 : vector<1x1x1x16xf32> to vector<16xf32>
        %swap3A_1858 = vector.shape_cast %add3A_1849 : vector<16xf32> to vector<1x1x1x16xf32>
        tpu.vector_store %arg6[%swap3A_1852, %swap3A_1853, %swap3A_1854, %swap3A_1855], %swap3A_1858 {strides = array<i32>} : memref<2x8x10x128xf32, #tpu.memory_space<vmem>>, vector<1x1x1x16xf32>,
        %get3A_1859 = arith.constant 0 : i32
        %get3A_1860 = arith.constant 8 : i32
        %get3A_1861 = arith.index_cast %get3A_1859 : i32 to index
        %get3A_1862 = arith.index_cast %scan3A_226 : i32 to index
        %get3A_1863 = arith.index_cast %get3A_1860 : i32 to index
        %get3A_1864 = arith.constant 112 : index
        %get3A_1865 = tpu.vector_load %arg5[%get3A_1861, %get3A_1862, %get3A_1863, %get3A_1864] {strides = array<i32>} : memref<2x8x10x128xf32, #tpu.memory_space<vmem>>, vector<1x1x1x16xf32>,
        %get3A_1866 = vector.shape_cast %get3A_1865 : vector<1x1x1x16xf32> to vector<16xf32>
        %get3A_1867 = arith.constant 8 : i32
        %get3A_1868 = arith.index_cast %get3A_1867 : i32 to index
        %get3A_1869 = arith.constant 112 : index
        %get3A_1870 = tpu.vector_load %arg7[%get3A_1868, %get3A_1869] {strides = array<i32>} : memref<16x128xf32, #tpu.memory_space<vmem>>, vector<1x16xf32>,
        %get3A_1871 = vector.shape_cast %get3A_1870 : vector<1x16xf32> to vector<16xf32>
        %add3A_1872 = arith.addf %get3A_1866, %get3A_1871 : vector<16xf32>
        %swap3A_1873 = arith.constant 0 : i32
        %swap3A_1874 = arith.constant 8 : i32
        %swap3A_1875 = arith.index_cast %swap3A_1873 : i32 to index
        %swap3A_1876 = arith.index_cast %scan3A_226 : i32 to index
        %swap3A_1877 = arith.index_cast %swap3A_1874 : i32 to index
        %swap3A_1878 = arith.constant 112 : index
        %swap3A_1879 = tpu.vector_load %arg6[%swap3A_1875, %swap3A_1876, %swap3A_1877, %swap3A_1878] {strides = array<i32>} : memref<2x8x10x128xf32, #tpu.memory_space<vmem>>, vector<1x1x1x16xf32>,
        %swap3A_1880 = vector.shape_cast %swap3A_1879 : vector<1x1x1x16xf32> to vector<16xf32>
        %swap3A_1881 = vector.shape_cast %add3A_1872 : vector<16xf32> to vector<1x1x1x16xf32>
        tpu.vector_store %arg6[%swap3A_1875, %swap3A_1876, %swap3A_1877, %swap3A_1878], %swap3A_1881 {strides = array<i32>} : memref<2x8x10x128xf32, #tpu.memory_space<vmem>>, vector<1x1x1x16xf32>,
        %get3A_1882 = arith.constant 0 : i32
        %get3A_1883 = arith.constant 9 : i32
        %get3A_1884 = arith.index_cast %get3A_1882 : i32 to index
        %get3A_1885 = arith.index_cast %scan3A_226 : i32 to index
        %get3A_1886 = arith.index_cast %get3A_1883 : i32 to index
        %get3A_1887 = arith.constant 0 : index
        %get3A_1888 = tpu.vector_load %arg5[%get3A_1884, %get3A_1885, %get3A_1886, %get3A_1887] {strides = array<i32>} : memref<2x8x10x128xf32, #tpu.memory_space<vmem>>, vector<1x1x1x16xf32>,
        %get3A_1889 = vector.shape_cast %get3A_1888 : vector<1x1x1x16xf32> to vector<16xf32>
        %get3A_1890 = arith.constant 9 : i32
        %get3A_1891 = arith.index_cast %get3A_1890 : i32 to index
        %get3A_1892 = arith.constant 0 : index
        %get3A_1893 = tpu.vector_load %arg7[%get3A_1891, %get3A_1892] {strides = array<i32>} : memref<16x128xf32, #tpu.memory_space<vmem>>, vector<1x16xf32>,
        %get3A_1894 = vector.shape_cast %get3A_1893 : vector<1x16xf32> to vector<16xf32>
        %add3A_1895 = arith.addf %get3A_1889, %get3A_1894 : vector<16xf32>
        %swap3A_1896 = arith.constant 0 : i32
        %swap3A_1897 = arith.constant 9 : i32
        %swap3A_1898 = arith.index_cast %swap3A_1896 : i32 to index
        %swap3A_1899 = arith.index_cast %scan3A_226 : i32 to index
        %swap3A_1900 = arith.index_cast %swap3A_1897 : i32 to index
        %swap3A_1901 = arith.constant 0 : index
        %swap3A_1902 = tpu.vector_load %arg6[%swap3A_1898, %swap3A_1899, %swap3A_1900, %swap3A_1901] {strides = array<i32>} : memref<2x8x10x128xf32, #tpu.memory_space<vmem>>, vector<1x1x1x16xf32>,
        %swap3A_1903 = vector.shape_cast %swap3A_1902 : vector<1x1x1x16xf32> to vector<16xf32>
        %swap3A_1904 = vector.shape_cast %add3A_1895 : vector<16xf32> to vector<1x1x1x16xf32>
        tpu.vector_store %arg6[%swap3A_1898, %swap3A_1899, %swap3A_1900, %swap3A_1901], %swap3A_1904 {strides = array<i32>} : memref<2x8x10x128xf32, #tpu.memory_space<vmem>>, vector<1x1x1x16xf32>,
        %get3A_1905 = arith.constant 0 : i32
        %get3A_1906 = arith.constant 9 : i32
        %get3A_1907 = arith.index_cast %get3A_1905 : i32 to index
        %get3A_1908 = arith.index_cast %scan3A_226 : i32 to index
        %get3A_1909 = arith.index_cast %get3A_1906 : i32 to index
        %get3A_1910 = arith.constant 16 : index
        %get3A_1911 = tpu.vector_load %arg5[%get3A_1907, %get3A_1908, %get3A_1909, %get3A_1910] {strides = array<i32>} : memref<2x8x10x128xf32, #tpu.memory_space<vmem>>, vector<1x1x1x16xf32>,
        %get3A_1912 = vector.shape_cast %get3A_1911 : vector<1x1x1x16xf32> to vector<16xf32>
        %get3A_1913 = arith.constant 9 : i32
        %get3A_1914 = arith.index_cast %get3A_1913 : i32 to index
        %get3A_1915 = arith.constant 16 : index
        %get3A_1916 = tpu.vector_load %arg7[%get3A_1914, %get3A_1915] {strides = array<i32>} : memref<16x128xf32, #tpu.memory_space<vmem>>, vector<1x16xf32>,
        %get3A_1917 = vector.shape_cast %get3A_1916 : vector<1x16xf32> to vector<16xf32>
        %add3A_1918 = arith.addf %get3A_1912, %get3A_1917 : vector<16xf32>
        %swap3A_1919 = arith.constant 0 : i32
        %swap3A_1920 = arith.constant 9 : i32
        %swap3A_1921 = arith.index_cast %swap3A_1919 : i32 to index
        %swap3A_1922 = arith.index_cast %scan3A_226 : i32 to index
        %swap3A_1923 = arith.index_cast %swap3A_1920 : i32 to index
        %swap3A_1924 = arith.constant 16 : index
        %swap3A_1925 = tpu.vector_load %arg6[%swap3A_1921, %swap3A_1922, %swap3A_1923, %swap3A_1924] {strides = array<i32>} : memref<2x8x10x128xf32, #tpu.memory_space<vmem>>, vector<1x1x1x16xf32>,
        %swap3A_1926 = vector.shape_cast %swap3A_1925 : vector<1x1x1x16xf32> to vector<16xf32>
        %swap3A_1927 = vector.shape_cast %add3A_1918 : vector<16xf32> to vector<1x1x1x16xf32>
        tpu.vector_store %arg6[%swap3A_1921, %swap3A_1922, %swap3A_1923, %swap3A_1924], %swap3A_1927 {strides = array<i32>} : memref<2x8x10x128xf32, #tpu.memory_space<vmem>>, vector<1x1x1x16xf32>,
        %get3A_1928 = arith.constant 0 : i32
        %get3A_1929 = arith.constant 9 : i32
        %get3A_1930 = arith.index_cast %get3A_1928 : i32 to index
        %get3A_1931 = arith.index_cast %scan3A_226 : i32 to index
        %get3A_1932 = arith.index_cast %get3A_1929 : i32 to index
        %get3A_1933 = arith.constant 32 : index
        %get3A_1934 = tpu.vector_load %arg5[%get3A_1930, %get3A_1931, %get3A_1932, %get3A_1933] {strides = array<i32>} : memref<2x8x10x128xf32, #tpu.memory_space<vmem>>, vector<1x1x1x16xf32>,
        %get3A_1935 = vector.shape_cast %get3A_1934 : vector<1x1x1x16xf32> to vector<16xf32>
        %get3A_1936 = arith.constant 9 : i32
        %get3A_1937 = arith.index_cast %get3A_1936 : i32 to index
        %get3A_1938 = arith.constant 32 : index
        %get3A_1939 = tpu.vector_load %arg7[%get3A_1937, %get3A_1938] {strides = array<i32>} : memref<16x128xf32, #tpu.memory_space<vmem>>, vector<1x16xf32>,
        %get3A_1940 = vector.shape_cast %get3A_1939 : vector<1x16xf32> to vector<16xf32>
        %add3A_1941 = arith.addf %get3A_1935, %get3A_1940 : vector<16xf32>
        %swap3A_1942 = arith.constant 0 : i32
        %swap3A_1943 = arith.constant 9 : i32
        %swap3A_1944 = arith.index_cast %swap3A_1942 : i32 to index
        %swap3A_1945 = arith.index_cast %scan3A_226 : i32 to index
        %swap3A_1946 = arith.index_cast %swap3A_1943 : i32 to index
        %swap3A_1947 = arith.constant 32 : index
        %swap3A_1948 = tpu.vector_load %arg6[%swap3A_1944, %swap3A_1945, %swap3A_1946, %swap3A_1947] {strides = array<i32>} : memref<2x8x10x128xf32, #tpu.memory_space<vmem>>, vector<1x1x1x16xf32>,
        %swap3A_1949 = vector.shape_cast %swap3A_1948 : vector<1x1x1x16xf32> to vector<16xf32>
        %swap3A_1950 = vector.shape_cast %add3A_1941 : vector<16xf32> to vector<1x1x1x16xf32>
        tpu.vector_store %arg6[%swap3A_1944, %swap3A_1945, %swap3A_1946, %swap3A_1947], %swap3A_1950 {strides = array<i32>} : memref<2x8x10x128xf32, #tpu.memory_space<vmem>>, vector<1x1x1x16xf32>,
        %get3A_1951 = arith.constant 0 : i32
        %get3A_1952 = arith.constant 9 : i32
        %get3A_1953 = arith.index_cast %get3A_1951 : i32 to index
        %get3A_1954 = arith.index_cast %scan3A_226 : i32 to index
        %get3A_1955 = arith.index_cast %get3A_1952 : i32 to index
        %get3A_1956 = arith.constant 48 : index
        %get3A_1957 = tpu.vector_load %arg5[%get3A_1953, %get3A_1954, %get3A_1955, %get3A_1956] {strides = array<i32>} : memref<2x8x10x128xf32, #tpu.memory_space<vmem>>, vector<1x1x1x16xf32>,
        %get3A_1958 = vector.shape_cast %get3A_1957 : vector<1x1x1x16xf32> to vector<16xf32>
        %get3A_1959 = arith.constant 9 : i32
        %get3A_1960 = arith.index_cast %get3A_1959 : i32 to index
        %get3A_1961 = arith.constant 48 : index
        %get3A_1962 = tpu.vector_load %arg7[%get3A_1960, %get3A_1961] {strides = array<i32>} : memref<16x128xf32, #tpu.memory_space<vmem>>, vector<1x16xf32>,
        %get3A_1963 = vector.shape_cast %get3A_1962 : vector<1x16xf32> to vector<16xf32>
        %add3A_1964 = arith.addf %get3A_1958, %get3A_1963 : vector<16xf32>
        %swap3A_1965 = arith.constant 0 : i32
        %swap3A_1966 = arith.constant 9 : i32
        %swap3A_1967 = arith.index_cast %swap3A_1965 : i32 to index
        %swap3A_1968 = arith.index_cast %scan3A_226 : i32 to index
        %swap3A_1969 = arith.index_cast %swap3A_1966 : i32 to index
        %swap3A_1970 = arith.constant 48 : index
        %swap3A_1971 = tpu.vector_load %arg6[%swap3A_1967, %swap3A_1968, %swap3A_1969, %swap3A_1970] {strides = array<i32>} : memref<2x8x10x128xf32, #tpu.memory_space<vmem>>, vector<1x1x1x16xf32>,
        %swap3A_1972 = vector.shape_cast %swap3A_1971 : vector<1x1x1x16xf32> to vector<16xf32>
        %swap3A_1973 = vector.shape_cast %add3A_1964 : vector<16xf32> to vector<1x1x1x16xf32>
        tpu.vector_store %arg6[%swap3A_1967, %swap3A_1968, %swap3A_1969, %swap3A_1970], %swap3A_1973 {strides = array<i32>} : memref<2x8x10x128xf32, #tpu.memory_space<vmem>>, vector<1x1x1x16xf32>,
        %get3A_1974 = arith.constant 0 : i32
        %get3A_1975 = arith.constant 9 : i32
        %get3A_1976 = arith.index_cast %get3A_1974 : i32 to index
        %get3A_1977 = arith.index_cast %scan3A_226 : i32 to index
        %get3A_1978 = arith.index_cast %get3A_1975 : i32 to index
        %get3A_1979 = arith.constant 64 : index
        %get3A_1980 = tpu.vector_load %arg5[%get3A_1976, %get3A_1977, %get3A_1978, %get3A_1979] {strides = array<i32>} : memref<2x8x10x128xf32, #tpu.memory_space<vmem>>, vector<1x1x1x16xf32>,
        %get3A_1981 = vector.shape_cast %get3A_1980 : vector<1x1x1x16xf32> to vector<16xf32>
        %get3A_1982 = arith.constant 9 : i32
        %get3A_1983 = arith.index_cast %get3A_1982 : i32 to index
        %get3A_1984 = arith.constant 64 : index
        %get3A_1985 = tpu.vector_load %arg7[%get3A_1983, %get3A_1984] {strides = array<i32>} : memref<16x128xf32, #tpu.memory_space<vmem>>, vector<1x16xf32>,
        %get3A_1986 = vector.shape_cast %get3A_1985 : vector<1x16xf32> to vector<16xf32>
        %add3A_1987 = arith.addf %get3A_1981, %get3A_1986 : vector<16xf32>
        %swap3A_1988 = arith.constant 0 : i32
        %swap3A_1989 = arith.constant 9 : i32
        %swap3A_1990 = arith.index_cast %swap3A_1988 : i32 to index
        %swap3A_1991 = arith.index_cast %scan3A_226 : i32 to index
        %swap3A_1992 = arith.index_cast %swap3A_1989 : i32 to index
        %swap3A_1993 = arith.constant 64 : index
        %swap3A_1994 = tpu.vector_load %arg6[%swap3A_1990, %swap3A_1991, %swap3A_1992, %swap3A_1993] {strides = array<i32>} : memref<2x8x10x128xf32, #tpu.memory_space<vmem>>, vector<1x1x1x16xf32>,
        %swap3A_1995 = vector.shape_cast %swap3A_1994 : vector<1x1x1x16xf32> to vector<16xf32>
        %swap3A_1996 = vector.shape_cast %add3A_1987 : vector<16xf32> to vector<1x1x1x16xf32>
        tpu.vector_store %arg6[%swap3A_1990, %swap3A_1991, %swap3A_1992, %swap3A_1993], %swap3A_1996 {strides = array<i32>} : memref<2x8x10x128xf32, #tpu.memory_space<vmem>>, vector<1x1x1x16xf32>,
        %get3A_1997 = arith.constant 0 : i32
        %get3A_1998 = arith.constant 9 : i32
        %get3A_1999 = arith.index_cast %get3A_1997 : i32 to index
        %get3A_2000 = arith.index_cast %scan3A_226 : i32 to index
        %get3A_2001 = arith.index_cast %get3A_1998 : i32 to index
        %get3A_2002 = arith.constant 80 : index
        %get3A_2003 = tpu.vector_load %arg5[%get3A_1999, %get3A_2000, %get3A_2001, %get3A_2002] {strides = array<i32>} : memref<2x8x10x128xf32, #tpu.memory_space<vmem>>, vector<1x1x1x16xf32>,
        %get3A_2004 = vector.shape_cast %get3A_2003 : vector<1x1x1x16xf32> to vector<16xf32>
        %get3A_2005 = arith.constant 9 : i32
        %get3A_2006 = arith.index_cast %get3A_2005 : i32 to index
        %get3A_2007 = arith.constant 80 : index
        %get3A_2008 = tpu.vector_load %arg7[%get3A_2006, %get3A_2007] {strides = array<i32>} : memref<16x128xf32, #tpu.memory_space<vmem>>, vector<1x16xf32>,
        %get3A_2009 = vector.shape_cast %get3A_2008 : vector<1x16xf32> to vector<16xf32>
        %add3A_2010 = arith.addf %get3A_2004, %get3A_2009 : vector<16xf32>
        %swap3A_2011 = arith.constant 0 : i32
        %swap3A_2012 = arith.constant 9 : i32
        %swap3A_2013 = arith.index_cast %swap3A_2011 : i32 to index
        %swap3A_2014 = arith.index_cast %scan3A_226 : i32 to index
        %swap3A_2015 = arith.index_cast %swap3A_2012 : i32 to index
        %swap3A_2016 = arith.constant 80 : index
        %swap3A_2017 = tpu.vector_load %arg6[%swap3A_2013, %swap3A_2014, %swap3A_2015, %swap3A_2016] {strides = array<i32>} : memref<2x8x10x128xf32, #tpu.memory_space<vmem>>, vector<1x1x1x16xf32>,
        %swap3A_2018 = vector.shape_cast %swap3A_2017 : vector<1x1x1x16xf32> to vector<16xf32>
        %swap3A_2019 = vector.shape_cast %add3A_2010 : vector<16xf32> to vector<1x1x1x16xf32>
        tpu.vector_store %arg6[%swap3A_2013, %swap3A_2014, %swap3A_2015, %swap3A_2016], %swap3A_2019 {strides = array<i32>} : memref<2x8x10x128xf32, #tpu.memory_space<vmem>>, vector<1x1x1x16xf32>,
        %get3A_2020 = arith.constant 0 : i32
        %get3A_2021 = arith.constant 9 : i32
        %get3A_2022 = arith.index_cast %get3A_2020 : i32 to index
        %get3A_2023 = arith.index_cast %scan3A_226 : i32 to index
        %get3A_2024 = arith.index_cast %get3A_2021 : i32 to index
        %get3A_2025 = arith.constant 96 : index
        %get3A_2026 = tpu.vector_load %arg5[%get3A_2022, %get3A_2023, %get3A_2024, %get3A_2025] {strides = array<i32>} : memref<2x8x10x128xf32, #tpu.memory_space<vmem>>, vector<1x1x1x16xf32>,
        %get3A_2027 = vector.shape_cast %get3A_2026 : vector<1x1x1x16xf32> to vector<16xf32>
        %get3A_2028 = arith.constant 9 : i32
        %get3A_2029 = arith.index_cast %get3A_2028 : i32 to index
        %get3A_2030 = arith.constant 96 : index
        %get3A_2031 = tpu.vector_load %arg7[%get3A_2029, %get3A_2030] {strides = array<i32>} : memref<16x128xf32, #tpu.memory_space<vmem>>, vector<1x16xf32>,
        %get3A_2032 = vector.shape_cast %get3A_2031 : vector<1x16xf32> to vector<16xf32>
        %add3A_2033 = arith.addf %get3A_2027, %get3A_2032 : vector<16xf32>
        %swap3A_2034 = arith.constant 0 : i32
        %swap3A_2035 = arith.constant 9 : i32
        %swap3A_2036 = arith.index_cast %swap3A_2034 : i32 to index
        %swap3A_2037 = arith.index_cast %scan3A_226 : i32 to index
        %swap3A_2038 = arith.index_cast %swap3A_2035 : i32 to index
        %swap3A_2039 = arith.constant 96 : index
        %swap3A_2040 = tpu.vector_load %arg6[%swap3A_2036, %swap3A_2037, %swap3A_2038, %swap3A_2039] {strides = array<i32>} : memref<2x8x10x128xf32, #tpu.memory_space<vmem>>, vector<1x1x1x16xf32>,
        %swap3A_2041 = vector.shape_cast %swap3A_2040 : vector<1x1x1x16xf32> to vector<16xf32>
        %swap3A_2042 = vector.shape_cast %add3A_2033 : vector<16xf32> to vector<1x1x1x16xf32>
        tpu.vector_store %arg6[%swap3A_2036, %swap3A_2037, %swap3A_2038, %swap3A_2039], %swap3A_2042 {strides = array<i32>} : memref<2x8x10x128xf32, #tpu.memory_space<vmem>>, vector<1x1x1x16xf32>,
        %get3A_2043 = arith.constant 0 : i32
        %get3A_2044 = arith.constant 9 : i32
        %get3A_2045 = arith.index_cast %get3A_2043 : i32 to index
        %get3A_2046 = arith.index_cast %scan3A_226 : i32 to index
        %get3A_2047 = arith.index_cast %get3A_2044 : i32 to index
        %get3A_2048 = arith.constant 112 : index
        %get3A_2049 = tpu.vector_load %arg5[%get3A_2045, %get3A_2046, %get3A_2047, %get3A_2048] {strides = array<i32>} : memref<2x8x10x128xf32, #tpu.memory_space<vmem>>, vector<1x1x1x16xf32>,
        %get3A_2050 = vector.shape_cast %get3A_2049 : vector<1x1x1x16xf32> to vector<16xf32>
        %get3A_2051 = arith.constant 9 : i32
        %get3A_2052 = arith.index_cast %get3A_2051 : i32 to index
        %get3A_2053 = arith.constant 112 : index
        %get3A_2054 = tpu.vector_load %arg7[%get3A_2052, %get3A_2053] {strides = array<i32>} : memref<16x128xf32, #tpu.memory_space<vmem>>, vector<1x16xf32>,
        %get3A_2055 = vector.shape_cast %get3A_2054 : vector<1x16xf32> to vector<16xf32>
        %add3A_2056 = arith.addf %get3A_2050, %get3A_2055 : vector<16xf32>
        %swap3A_2057 = arith.constant 0 : i32
        %swap3A_2058 = arith.constant 9 : i32
        %swap3A_2059 = arith.index_cast %swap3A_2057 : i32 to index
        %swap3A_2060 = arith.index_cast %scan3A_226 : i32 to index
        %swap3A_2061 = arith.index_cast %swap3A_2058 : i32 to index
        %swap3A_2062 = arith.constant 112 : index
        %swap3A_2063 = tpu.vector_load %arg6[%swap3A_2059, %swap3A_2060, %swap3A_2061, %swap3A_2062] {strides = array<i32>} : memref<2x8x10x128xf32, #tpu.memory_space<vmem>>, vector<1x1x1x16xf32>,
        %swap3A_2064 = vector.shape_cast %swap3A_2063 : vector<1x1x1x16xf32> to vector<16xf32>
        %swap3A_2065 = vector.shape_cast %add3A_2056 : vector<16xf32> to vector<1x1x1x16xf32>
        tpu.vector_store %arg6[%swap3A_2059, %swap3A_2060, %swap3A_2061, %swap3A_2062], %swap3A_2065 {strides = array<i32>} : memref<2x8x10x128xf32, #tpu.memory_space<vmem>>, vector<1x1x1x16xf32>,
        %scan3A_2066 = arith.constant 0 : i32
        scf.yield %scan3A_2066 : i32
      }
      %scan3A_132 = arith.constant 8 : i32
      %dma_start3A_133 = arith.constant 0 : i32
      %dma_start3A_134 = arith.constant 0 : i32
      %dma_start3A_135 = arith.constant 0 : i32
      %dma_start3A_136 = arith.constant 0 : i32
      %dma_start3A_137 = arith.constant 0 : i32
      %dma_start3A_138 = tpu.memref_slice %arg6[%dma_start3A_133, %dma_start3A_135, %dma_start3A_136, %dma_start3A_137] : memref<2x8x10x128xf32, #tpu.memory_space<vmem>> -> memref<1x8x10x128xf32, #tpu.memory_space<vmem>>
      %dma_start3A_139 = tpu.memref_squeeze %dma_start3A_138 : memref<1x8x10x128xf32, #tpu.memory_space<vmem>> -> memref<8x10x128xf32, #tpu.memory_space<vmem>>
      %dma_start3A_140 = arith.constant 0 : i32
      %dma_start3A_141 = arith.constant 0 : i32
      %dma_start3A_142 = tpu.memref_slice %arg4[%add3A_103, %dma_start3A_140, %dma_start3A_141] : memref<16384x10x128xf32, #tpu.memory_space<hbm>> -> memref<8x10x128xf32, #tpu.memory_space<hbm>>
      %dma_start3A_143 = tpu.memref_slice %arg9[%dma_start3A_134] : memref<2x!tpu.dma_semaphore, #tpu.memory_space<semaphore_mem>> -> memref<1x!tpu.dma_semaphore, #tpu.memory_space<semaphore_mem>>
      %dma_start3A_144 = tpu.memref_squeeze %dma_start3A_143 : memref<1x!tpu.dma_semaphore, #tpu.memory_space<semaphore_mem>> -> memref<!tpu.dma_semaphore, #tpu.memory_space<semaphore_mem>>
      %dma_start3A_145 = arith.constant 0 : i32
      %dma_start3A_146 = arith.constant 0 : i32
      %dma_start3A_147 = tpu.memref_slice %arg4[%add3A_103, %dma_start3A_145, %dma_start3A_146] : memref<16384x10x128xf32, #tpu.memory_space<hbm>> -> memref<8x10x128xf32, #tpu.memory_space<hbm>>
      %dma_start3A_148 = arith.constant 0 : i32
      %dma_start3A_149 = arith.constant 0 : i32
      %dma_start3A_150 = arith.constant 0 : i32
      %dma_start3A_151 = tpu.memref_slice %arg6[%dma_start3A_133, %dma_start3A_148, %dma_start3A_149, %dma_start3A_150] : memref<2x8x10x128xf32, #tpu.memory_space<vmem>> -> memref<1x8x10x128xf32, #tpu.memory_space<vmem>>
      %dma_start3A_152 = tpu.memref_squeeze %dma_start3A_151 : memref<1x8x10x128xf32, #tpu.memory_space<vmem>> -> memref<8x10x128xf32, #tpu.memory_space<vmem>>
      tpu.enqueue_dma source(%dma_start3A_152 : memref<8x10x128xf32, #tpu.memory_space<vmem>>) target(%dma_start3A_147 : memref<8x10x128xf32, #tpu.memory_space<hbm>>) target_semaphore(%dma_start3A_144 : memref<!tpu.dma_semaphore, #tpu.memory_space<semaphore_mem>>)
      %add3A_153 = arith.constant 2 : i32
      %add3A_154 = arith.addi %add3A_100, %add3A_153 : i32
      %lt3A = arith.constant 64 : i32
      %lt3A_155 = arith.cmpi slt, %add3A_154, %lt3A : i32
      %convert_element_type3A_156 = arith.extui %lt3A_155 : i1 to i32
      %cond3A_157 = arith.constant 0 : i32
      %cond3A_158 = arith.cmpi ne, %convert_element_type3A_156, %cond3A_157 : i32
      scf.if %cond3A_158 {
        %add3A_226 = arith.constant 16 : i32
        %add3A_227 = arith.addi %add3A_103, %add3A_226 : i32
        %dma_start3A_228 = arith.constant 0 : i32
        %dma_start3A_229 = arith.constant 0 : i32
        %dma_start3A_230 = arith.constant 0 : i32
        %dma_start3A_231 = arith.constant 0 : i32
        %dma_start3A_232 = arith.constant 0 : i32
        %dma_start3A_233 = tpu.memref_slice %arg5[%dma_start3A_228, %dma_start3A_230, %dma_start3A_231, %dma_start3A_232] : memref<2x8x10x128xf32, #tpu.memory_space<vmem>> -> memref<1x8x10x128xf32, #tpu.memory_space<vmem>>
        %dma_start3A_234 = tpu.memref_squeeze %dma_start3A_233 : memref<1x8x10x128xf32, #tpu.memory_space<vmem>> -> memref<8x10x128xf32, #tpu.memory_space<vmem>>
        %dma_start3A_235 = arith.constant 0 : i32
        %dma_start3A_236 = arith.constant 0 : i32
        %dma_start3A_237 = tpu.memref_slice %arg2[%add3A_227, %dma_start3A_235, %dma_start3A_236] : memref<16384x10x128xf32, #tpu.memory_space<hbm>> -> memref<8x10x128xf32, #tpu.memory_space<hbm>>
        %dma_start3A_238 = tpu.memref_slice %arg8[%dma_start3A_229] : memref<2x!tpu.dma_semaphore, #tpu.memory_space<semaphore_mem>> -> memref<1x!tpu.dma_semaphore, #tpu.memory_space<semaphore_mem>>
        %dma_start3A_239 = tpu.memref_squeeze %dma_start3A_238 : memref<1x!tpu.dma_semaphore, #tpu.memory_space<semaphore_mem>> -> memref<!tpu.dma_semaphore, #tpu.memory_space<semaphore_mem>>
        %dma_start3A_240 = arith.constant 0 : i32
        %dma_start3A_241 = arith.constant 0 : i32
        %dma_start3A_242 = arith.constant 0 : i32
        %dma_start3A_243 = tpu.memref_slice %arg5[%dma_start3A_228, %dma_start3A_240, %dma_start3A_241, %dma_start3A_242] : memref<2x8x10x128xf32, #tpu.memory_space<vmem>> -> memref<1x8x10x128xf32, #tpu.memory_space<vmem>>
        %dma_start3A_244 = tpu.memref_squeeze %dma_start3A_243 : memref<1x8x10x128xf32, #tpu.memory_space<vmem>> -> memref<8x10x128xf32, #tpu.memory_space<vmem>>
        %dma_start3A_245 = arith.constant 0 : i32
        %dma_start3A_246 = arith.constant 0 : i32
        %dma_start3A_247 = tpu.memref_slice %arg2[%add3A_227, %dma_start3A_245, %dma_start3A_246] : memref<16384x10x128xf32, #tpu.memory_space<hbm>> -> memref<8x10x128xf32, #tpu.memory_space<hbm>>
        tpu.enqueue_dma source(%dma_start3A_247 : memref<8x10x128xf32, #tpu.memory_space<hbm>>) target(%dma_start3A_244 : memref<8x10x128xf32, #tpu.memory_space<vmem>>) target_semaphore(%dma_start3A_239 : memref<!tpu.dma_semaphore, #tpu.memory_space<semaphore_mem>>)
      } else {
      }
      %mul3A_159 = arith.constant 2 : i32
      %mul3A_160 = arith.muli %scan3A_95, %mul3A_159 : i32
      %add3A_161 = arith.constant 1 : i32
      %add3A_162 = arith.addi %mul3A_160, %add3A_161 : i32
      %mul3A_163 = arith.constant 8 : i32
      %mul3A_164 = arith.muli %add3A_162, %mul3A_163 : i32
      %add3A_165 = arith.addi %mul3A_2, %mul3A_164 : i32
      %dma_wait3A_166 = arith.constant 1 : i32
      %dma_wait3A_167 = arith.constant 1 : i32
      %dma_wait3A_168 = arith.constant 0 : i32
      %dma_wait3A_169 = arith.constant 0 : i32
      %dma_wait3A_170 = arith.constant 0 : i32
      %dma_wait3A_171 = tpu.memref_slice %arg5[%dma_wait3A_166, %dma_wait3A_168, %dma_wait3A_169, %dma_wait3A_170] : memref<2x8x10x128xf32, #tpu.memory_space<vmem>> -> memref<1x8x10x128xf32, #tpu.memory_space<vmem>>
      %dma_wait3A_172 = tpu.memref_squeeze %dma_wait3A_171 : memref<1x8x10x128xf32, #tpu.memory_space<vmem>> -> memref<8x10x128xf32, #tpu.memory_space<vmem>>
      %dma_wait3A_173 = arith.constant 0 : i32
      %dma_wait3A_174 = arith.constant 0 : i32
      %dma_wait3A_175 = tpu.memref_slice %arg2[%add3A_165, %dma_wait3A_173, %dma_wait3A_174] : memref<16384x10x128xf32, #tpu.memory_space<hbm>> -> memref<8x10x128xf32, #tpu.memory_space<hbm>>
      %dma_wait3A_176 = tpu.memref_slice %arg8[%dma_wait3A_167] : memref<2x!tpu.dma_semaphore, #tpu.memory_space<semaphore_mem>> -> memref<1x!tpu.dma_semaphore, #tpu.memory_space<semaphore_mem>>
      %dma_wait3A_177 = tpu.memref_squeeze %dma_wait3A_176 : memref<1x!tpu.dma_semaphore, #tpu.memory_space<semaphore_mem>> -> memref<!tpu.dma_semaphore, #tpu.memory_space<semaphore_mem>>
      %dma_wait3A_178 = arith.constant 0 : i32
      %dma_wait3A_179 = arith.constant 0 : i32
      %dma_wait3A_180 = arith.constant 0 : i32
      %dma_wait3A_181 = tpu.memref_slice %arg5[%dma_wait3A_166, %dma_wait3A_178, %dma_wait3A_179, %dma_wait3A_180] : memref<2x8x10x128xf32, #tpu.memory_space<vmem>> -> memref<1x8x10x128xf32, #tpu.memory_space<vmem>>
      %dma_wait3A_182 = tpu.memref_squeeze %dma_wait3A_181 : memref<1x8x10x128xf32, #tpu.memory_space<vmem>> -> memref<8x10x128xf32, #tpu.memory_space<vmem>>
      %dma_wait3A_183 = arith.constant 0 : i32
      %dma_wait3A_184 = arith.constant 0 : i32
      %dma_wait3A_185 = tpu.memref_slice %arg2[%add3A_165, %dma_wait3A_183, %dma_wait3A_184] : memref<16384x10x128xf32, #tpu.memory_space<hbm>> -> memref<8x10x128xf32, #tpu.memory_space<hbm>>
      tpu.wait_dma2 semaphore(%dma_wait3A_177 : memref<!tpu.dma_semaphore, #tpu.memory_space<semaphore_mem>>) src(%dma_wait3A_185 : memref<8x10x128xf32, #tpu.memory_space<hbm>>) dst(%dma_wait3A_182 : memref<8x10x128xf32, #tpu.memory_space<vmem>>)
      %ge3A_186 = arith.constant 2 : i32
      %ge3A_187 = arith.cmpi sge, %add3A_162, %ge3A_186 : i32
      %convert_element_type3A_188 = arith.extui %ge3A_187 : i1 to i32
      %cond3A_189 = arith.constant 0 : i32
      %cond3A_190 = arith.cmpi ne, %convert_element_type3A_188, %cond3A_189 : i32
      scf.if %cond3A_190 {
        %dma_wait3A_226 = arith.constant 1 : i32
        %dma_wait3A_227 = arith.constant 1 : i32
        %dma_wait3A_228 = arith.constant 0 : i32
        %dma_wait3A_229 = arith.constant 0 : i32
        %dma_wait3A_230 = arith.constant 0 : i32
        %dma_wait3A_231 = tpu.memref_slice %arg6[%dma_wait3A_226, %dma_wait3A_228, %dma_wait3A_229, %dma_wait3A_230] : memref<2x8x10x128xf32, #tpu.memory_space<vmem>> -> memref<1x8x10x128xf32, #tpu.memory_space<vmem>>
        %dma_wait3A_232 = tpu.memref_squeeze %dma_wait3A_231 : memref<1x8x10x128xf32, #tpu.memory_space<vmem>> -> memref<8x10x128xf32, #tpu.memory_space<vmem>>
        %dma_wait3A_233 = arith.constant 0 : i32
        %dma_wait3A_234 = arith.constant 0 : i32
        %dma_wait3A_235 = arith.constant 0 : i32
        %dma_wait3A_236 = tpu.memref_slice %arg4[%dma_wait3A_233, %dma_wait3A_234, %dma_wait3A_235] : memref<16384x10x128xf32, #tpu.memory_space<hbm>> -> memref<8x10x128xf32, #tpu.memory_space<hbm>>
        %dma_wait3A_237 = tpu.memref_slice %arg9[%dma_wait3A_227] : memref<2x!tpu.dma_semaphore, #tpu.memory_space<semaphore_mem>> -> memref<1x!tpu.dma_semaphore, #tpu.memory_space<semaphore_mem>>
        %dma_wait3A_238 = tpu.memref_squeeze %dma_wait3A_237 : memref<1x!tpu.dma_semaphore, #tpu.memory_space<semaphore_mem>> -> memref<!tpu.dma_semaphore, #tpu.memory_space<semaphore_mem>>
        %dma_wait3A_239 = arith.constant 0 : i32
        %dma_wait3A_240 = arith.constant 0 : i32
        %dma_wait3A_241 = arith.constant 0 : i32
        %dma_wait3A_242 = tpu.memref_slice %arg4[%dma_wait3A_239, %dma_wait3A_240, %dma_wait3A_241] : memref<16384x10x128xf32, #tpu.memory_space<hbm>> -> memref<8x10x128xf32, #tpu.memory_space<hbm>>
        %dma_wait3A_243 = arith.constant 0 : i32
        %dma_wait3A_244 = arith.constant 0 : i32
        %dma_wait3A_245 = arith.constant 0 : i32
        %dma_wait3A_246 = tpu.memref_slice %arg6[%dma_wait3A_226, %dma_wait3A_243, %dma_wait3A_244, %dma_wait3A_245] : memref<2x8x10x128xf32, #tpu.memory_space<vmem>> -> memref<1x8x10x128xf32, #tpu.memory_space<vmem>>
        %dma_wait3A_247 = tpu.memref_squeeze %dma_wait3A_246 : memref<1x8x10x128xf32, #tpu.memory_space<vmem>> -> memref<8x10x128xf32, #tpu.memory_space<vmem>>
        tpu.wait_dma2 semaphore(%dma_wait3A_238 : memref<!tpu.dma_semaphore, #tpu.memory_space<semaphore_mem>>) src(%dma_wait3A_247 : memref<8x10x128xf32, #tpu.memory_space<vmem>>) dst(%dma_wait3A_242 : memref<8x10x128xf32, #tpu.memory_space<hbm>>)
      } else {
      }
      %scan3A_191 = arith.constant 0 : i32
      %scan3A_192 = arith.constant 0 : i32
      %scan3A_193 = arith.constant 8 : i32
      %scan3A_194 = arith.addi %scan3A_192, %scan3A_193 : i32
      %scan3A_195 = arith.constant 1 : i32
      %scan3A_196 = scf.for %scan3A_226 = %scan3A_192 to %scan3A_194 step %scan3A_195 iter_args(%scan3A_227 = %scan3A_191) -> (i32)  : i32 {
        %get3A = arith.constant 1 : i32
        %get3A_228 = arith.constant 0 : i32
        %get3A_229 = arith.index_cast %get3A : i32 to index
        %get3A_230 = arith.index_cast %scan3A_226 : i32 to index
        %get3A_231 = arith.index_cast %get3A_228 : i32 to index
        %get3A_232 = arith.constant 0 : index
        %get3A_233 = tpu.vector_load %arg5[%get3A_229, %get3A_230, %get3A_231, %get3A_232] {strides = array<i32>} : memref<2x8x10x128xf32, #tpu.memory_space<vmem>>, vector<1x1x1x16xf32>,
        %get3A_234 = vector.shape_cast %get3A_233 : vector<1x1x1x16xf32> to vector<16xf32>
        %get3A_235 = arith.constant 0 : i32
        %get3A_236 = arith.index_cast %get3A_235 : i32 to index
        %get3A_237 = arith.constant 0 : index
        %get3A_238 = tpu.vector_load %arg7[%get3A_236, %get3A_237] {strides = array<i32>} : memref<16x128xf32, #tpu.memory_space<vmem>>, vector<1x16xf32>,
        %get3A_239 = vector.shape_cast %get3A_238 : vector<1x16xf32> to vector<16xf32>
        %add3A_240 = arith.addf %get3A_234, %get3A_239 : vector<16xf32>
        %swap3A = arith.constant 1 : i32
        %swap3A_241 = arith.constant 0 : i32
        %swap3A_242 = arith.index_cast %swap3A : i32 to index
        %swap3A_243 = arith.index_cast %scan3A_226 : i32 to index
        %swap3A_244 = arith.index_cast %swap3A_241 : i32 to index
        %swap3A_245 = arith.constant 0 : index
        %swap3A_246 = tpu.vector_load %arg6[%swap3A_242, %swap3A_243, %swap3A_244, %swap3A_245] {strides = array<i32>} : memref<2x8x10x128xf32, #tpu.memory_space<vmem>>, vector<1x1x1x16xf32>,
        %swap3A_247 = vector.shape_cast %swap3A_246 : vector<1x1x1x16xf32> to vector<16xf32>
        %swap3A_248 = vector.shape_cast %add3A_240 : vector<16xf32> to vector<1x1x1x16xf32>
        tpu.vector_store %arg6[%swap3A_242, %swap3A_243, %swap3A_244, %swap3A_245], %swap3A_248 {strides = array<i32>} : memref<2x8x10x128xf32, #tpu.memory_space<vmem>>, vector<1x1x1x16xf32>,
        %get3A_249 = arith.constant 1 : i32
        %get3A_250 = arith.constant 0 : i32
        %get3A_251 = arith.index_cast %get3A_249 : i32 to index
        %get3A_252 = arith.index_cast %scan3A_226 : i32 to index
        %get3A_253 = arith.index_cast %get3A_250 : i32 to index
        %get3A_254 = arith.constant 16 : index
        %get3A_255 = tpu.vector_load %arg5[%get3A_251, %get3A_252, %get3A_253, %get3A_254] {strides = array<i32>} : memref<2x8x10x128xf32, #tpu.memory_space<vmem>>, vector<1x1x1x16xf32>,
        %get3A_256 = vector.shape_cast %get3A_255 : vector<1x1x1x16xf32> to vector<16xf32>
        %get3A_257 = arith.constant 0 : i32
        %get3A_258 = arith.index_cast %get3A_257 : i32 to index
        %get3A_259 = arith.constant 16 : index
        %get3A_260 = tpu.vector_load %arg7[%get3A_258, %get3A_259] {strides = array<i32>} : memref<16x128xf32, #tpu.memory_space<vmem>>, vector<1x16xf32>,
        %get3A_261 = vector.shape_cast %get3A_260 : vector<1x16xf32> to vector<16xf32>
        %add3A_262 = arith.addf %get3A_256, %get3A_261 : vector<16xf32>
        %swap3A_263 = arith.constant 1 : i32
        %swap3A_264 = arith.constant 0 : i32
        %swap3A_265 = arith.index_cast %swap3A_263 : i32 to index
        %swap3A_266 = arith.index_cast %scan3A_226 : i32 to index
        %swap3A_267 = arith.index_cast %swap3A_264 : i32 to index
        %swap3A_268 = arith.constant 16 : index
        %swap3A_269 = tpu.vector_load %arg6[%swap3A_265, %swap3A_266, %swap3A_267, %swap3A_268] {strides = array<i32>} : memref<2x8x10x128xf32, #tpu.memory_space<vmem>>, vector<1x1x1x16xf32>,
        %swap3A_270 = vector.shape_cast %swap3A_269 : vector<1x1x1x16xf32> to vector<16xf32>
        %swap3A_271 = vector.shape_cast %add3A_262 : vector<16xf32> to vector<1x1x1x16xf32>
        tpu.vector_store %arg6[%swap3A_265, %swap3A_266, %swap3A_267, %swap3A_268], %swap3A_271 {strides = array<i32>} : memref<2x8x10x128xf32, #tpu.memory_space<vmem>>, vector<1x1x1x16xf32>,
        %get3A_272 = arith.constant 1 : i32
        %get3A_273 = arith.constant 0 : i32
        %get3A_274 = arith.index_cast %get3A_272 : i32 to index
        %get3A_275 = arith.index_cast %scan3A_226 : i32 to index
        %get3A_276 = arith.index_cast %get3A_273 : i32 to index
        %get3A_277 = arith.constant 32 : index
        %get3A_278 = tpu.vector_load %arg5[%get3A_274, %get3A_275, %get3A_276, %get3A_277] {strides = array<i32>} : memref<2x8x10x128xf32, #tpu.memory_space<vmem>>, vector<1x1x1x16xf32>,
        %get3A_279 = vector.shape_cast %get3A_278 : vector<1x1x1x16xf32> to vector<16xf32>
        %get3A_280 = arith.constant 0 : i32
        %get3A_281 = arith.index_cast %get3A_280 : i32 to index
        %get3A_282 = arith.constant 32 : index
        %get3A_283 = tpu.vector_load %arg7[%get3A_281, %get3A_282] {strides = array<i32>} : memref<16x128xf32, #tpu.memory_space<vmem>>, vector<1x16xf32>,
        %get3A_284 = vector.shape_cast %get3A_283 : vector<1x16xf32> to vector<16xf32>
        %add3A_285 = arith.addf %get3A_279, %get3A_284 : vector<16xf32>
        %swap3A_286 = arith.constant 1 : i32
        %swap3A_287 = arith.constant 0 : i32
        %swap3A_288 = arith.index_cast %swap3A_286 : i32 to index
        %swap3A_289 = arith.index_cast %scan3A_226 : i32 to index
        %swap3A_290 = arith.index_cast %swap3A_287 : i32 to index
        %swap3A_291 = arith.constant 32 : index
        %swap3A_292 = tpu.vector_load %arg6[%swap3A_288, %swap3A_289, %swap3A_290, %swap3A_291] {strides = array<i32>} : memref<2x8x10x128xf32, #tpu.memory_space<vmem>>, vector<1x1x1x16xf32>,
        %swap3A_293 = vector.shape_cast %swap3A_292 : vector<1x1x1x16xf32> to vector<16xf32>
        %swap3A_294 = vector.shape_cast %add3A_285 : vector<16xf32> to vector<1x1x1x16xf32>
        tpu.vector_store %arg6[%swap3A_288, %swap3A_289, %swap3A_290, %swap3A_291], %swap3A_294 {strides = array<i32>} : memref<2x8x10x128xf32, #tpu.memory_space<vmem>>, vector<1x1x1x16xf32>,
        %get3A_295 = arith.constant 1 : i32
        %get3A_296 = arith.constant 0 : i32
        %get3A_297 = arith.index_cast %get3A_295 : i32 to index
        %get3A_298 = arith.index_cast %scan3A_226 : i32 to index
        %get3A_299 = arith.index_cast %get3A_296 : i32 to index
        %get3A_300 = arith.constant 48 : index
        %get3A_301 = tpu.vector_load %arg5[%get3A_297, %get3A_298, %get3A_299, %get3A_300] {strides = array<i32>} : memref<2x8x10x128xf32, #tpu.memory_space<vmem>>, vector<1x1x1x16xf32>,
        %get3A_302 = vector.shape_cast %get3A_301 : vector<1x1x1x16xf32> to vector<16xf32>
        %get3A_303 = arith.constant 0 : i32
        %get3A_304 = arith.index_cast %get3A_303 : i32 to index
        %get3A_305 = arith.constant 48 : index
        %get3A_306 = tpu.vector_load %arg7[%get3A_304, %get3A_305] {strides = array<i32>} : memref<16x128xf32, #tpu.memory_space<vmem>>, vector<1x16xf32>,
        %get3A_307 = vector.shape_cast %get3A_306 : vector<1x16xf32> to vector<16xf32>
        %add3A_308 = arith.addf %get3A_302, %get3A_307 : vector<16xf32>
        %swap3A_309 = arith.constant 1 : i32
        %swap3A_310 = arith.constant 0 : i32
        %swap3A_311 = arith.index_cast %swap3A_309 : i32 to index
        %swap3A_312 = arith.index_cast %scan3A_226 : i32 to index
        %swap3A_313 = arith.index_cast %swap3A_310 : i32 to index
        %swap3A_314 = arith.constant 48 : index
        %swap3A_315 = tpu.vector_load %arg6[%swap3A_311, %swap3A_312, %swap3A_313, %swap3A_314] {strides = array<i32>} : memref<2x8x10x128xf32, #tpu.memory_space<vmem>>, vector<1x1x1x16xf32>,
        %swap3A_316 = vector.shape_cast %swap3A_315 : vector<1x1x1x16xf32> to vector<16xf32>
        %swap3A_317 = vector.shape_cast %add3A_308 : vector<16xf32> to vector<1x1x1x16xf32>
        tpu.vector_store %arg6[%swap3A_311, %swap3A_312, %swap3A_313, %swap3A_314], %swap3A_317 {strides = array<i32>} : memref<2x8x10x128xf32, #tpu.memory_space<vmem>>, vector<1x1x1x16xf32>,
        %get3A_318 = arith.constant 1 : i32
        %get3A_319 = arith.constant 0 : i32
        %get3A_320 = arith.index_cast %get3A_318 : i32 to index
        %get3A_321 = arith.index_cast %scan3A_226 : i32 to index
        %get3A_322 = arith.index_cast %get3A_319 : i32 to index
        %get3A_323 = arith.constant 64 : index
        %get3A_324 = tpu.vector_load %arg5[%get3A_320, %get3A_321, %get3A_322, %get3A_323] {strides = array<i32>} : memref<2x8x10x128xf32, #tpu.memory_space<vmem>>, vector<1x1x1x16xf32>,
        %get3A_325 = vector.shape_cast %get3A_324 : vector<1x1x1x16xf32> to vector<16xf32>
        %get3A_326 = arith.constant 0 : i32
        %get3A_327 = arith.index_cast %get3A_326 : i32 to index
        %get3A_328 = arith.constant 64 : index
        %get3A_329 = tpu.vector_load %arg7[%get3A_327, %get3A_328] {strides = array<i32>} : memref<16x128xf32, #tpu.memory_space<vmem>>, vector<1x16xf32>,
        %get3A_330 = vector.shape_cast %get3A_329 : vector<1x16xf32> to vector<16xf32>
        %add3A_331 = arith.addf %get3A_325, %get3A_330 : vector<16xf32>
        %swap3A_332 = arith.constant 1 : i32
        %swap3A_333 = arith.constant 0 : i32
        %swap3A_334 = arith.index_cast %swap3A_332 : i32 to index
        %swap3A_335 = arith.index_cast %scan3A_226 : i32 to index
        %swap3A_336 = arith.index_cast %swap3A_333 : i32 to index
        %swap3A_337 = arith.constant 64 : index
        %swap3A_338 = tpu.vector_load %arg6[%swap3A_334, %swap3A_335, %swap3A_336, %swap3A_337] {strides = array<i32>} : memref<2x8x10x128xf32, #tpu.memory_space<vmem>>, vector<1x1x1x16xf32>,
        %swap3A_339 = vector.shape_cast %swap3A_338 : vector<1x1x1x16xf32> to vector<16xf32>
        %swap3A_340 = vector.shape_cast %add3A_331 : vector<16xf32> to vector<1x1x1x16xf32>
        tpu.vector_store %arg6[%swap3A_334, %swap3A_335, %swap3A_336, %swap3A_337], %swap3A_340 {strides = array<i32>} : memref<2x8x10x128xf32, #tpu.memory_space<vmem>>, vector<1x1x1x16xf32>,
        %get3A_341 = arith.constant 1 : i32
        %get3A_342 = arith.constant 0 : i32
        %get3A_343 = arith.index_cast %get3A_341 : i32 to index
        %get3A_344 = arith.index_cast %scan3A_226 : i32 to index
        %get3A_345 = arith.index_cast %get3A_342 : i32 to index
        %get3A_346 = arith.constant 80 : index
        %get3A_347 = tpu.vector_load %arg5[%get3A_343, %get3A_344, %get3A_345, %get3A_346] {strides = array<i32>} : memref<2x8x10x128xf32, #tpu.memory_space<vmem>>, vector<1x1x1x16xf32>,
        %get3A_348 = vector.shape_cast %get3A_347 : vector<1x1x1x16xf32> to vector<16xf32>
        %get3A_349 = arith.constant 0 : i32
        %get3A_350 = arith.index_cast %get3A_349 : i32 to index
        %get3A_351 = arith.constant 80 : index
        %get3A_352 = tpu.vector_load %arg7[%get3A_350, %get3A_351] {strides = array<i32>} : memref<16x128xf32, #tpu.memory_space<vmem>>, vector<1x16xf32>,
        %get3A_353 = vector.shape_cast %get3A_352 : vector<1x16xf32> to vector<16xf32>
        %add3A_354 = arith.addf %get3A_348, %get3A_353 : vector<16xf32>
        %swap3A_355 = arith.constant 1 : i32
        %swap3A_356 = arith.constant 0 : i32
        %swap3A_357 = arith.index_cast %swap3A_355 : i32 to index
        %swap3A_358 = arith.index_cast %scan3A_226 : i32 to index
        %swap3A_359 = arith.index_cast %swap3A_356 : i32 to index
        %swap3A_360 = arith.constant 80 : index
        %swap3A_361 = tpu.vector_load %arg6[%swap3A_357, %swap3A_358, %swap3A_359, %swap3A_360] {strides = array<i32>} : memref<2x8x10x128xf32, #tpu.memory_space<vmem>>, vector<1x1x1x16xf32>,
        %swap3A_362 = vector.shape_cast %swap3A_361 : vector<1x1x1x16xf32> to vector<16xf32>
        %swap3A_363 = vector.shape_cast %add3A_354 : vector<16xf32> to vector<1x1x1x16xf32>
        tpu.vector_store %arg6[%swap3A_357, %swap3A_358, %swap3A_359, %swap3A_360], %swap3A_363 {strides = array<i32>} : memref<2x8x10x128xf32, #tpu.memory_space<vmem>>, vector<1x1x1x16xf32>,
        %get3A_364 = arith.constant 1 : i32
        %get3A_365 = arith.constant 0 : i32
        %get3A_366 = arith.index_cast %get3A_364 : i32 to index
        %get3A_367 = arith.index_cast %scan3A_226 : i32 to index
        %get3A_368 = arith.index_cast %get3A_365 : i32 to index
        %get3A_369 = arith.constant 96 : index
        %get3A_370 = tpu.vector_load %arg5[%get3A_366, %get3A_367, %get3A_368, %get3A_369] {strides = array<i32>} : memref<2x8x10x128xf32, #tpu.memory_space<vmem>>, vector<1x1x1x16xf32>,
        %get3A_371 = vector.shape_cast %get3A_370 : vector<1x1x1x16xf32> to vector<16xf32>
        %get3A_372 = arith.constant 0 : i32
        %get3A_373 = arith.index_cast %get3A_372 : i32 to index
        %get3A_374 = arith.constant 96 : index
        %get3A_375 = tpu.vector_load %arg7[%get3A_373, %get3A_374] {strides = array<i32>} : memref<16x128xf32, #tpu.memory_space<vmem>>, vector<1x16xf32>,
        %get3A_376 = vector.shape_cast %get3A_375 : vector<1x16xf32> to vector<16xf32>
        %add3A_377 = arith.addf %get3A_371, %get3A_376 : vector<16xf32>
        %swap3A_378 = arith.constant 1 : i32
        %swap3A_379 = arith.constant 0 : i32
        %swap3A_380 = arith.index_cast %swap3A_378 : i32 to index
        %swap3A_381 = arith.index_cast %scan3A_226 : i32 to index
        %swap3A_382 = arith.index_cast %swap3A_379 : i32 to index
        %swap3A_383 = arith.constant 96 : index
        %swap3A_384 = tpu.vector_load %arg6[%swap3A_380, %swap3A_381, %swap3A_382, %swap3A_383] {strides = array<i32>} : memref<2x8x10x128xf32, #tpu.memory_space<vmem>>, vector<1x1x1x16xf32>,
        %swap3A_385 = vector.shape_cast %swap3A_384 : vector<1x1x1x16xf32> to vector<16xf32>
        %swap3A_386 = vector.shape_cast %add3A_377 : vector<16xf32> to vector<1x1x1x16xf32>
        tpu.vector_store %arg6[%swap3A_380, %swap3A_381, %swap3A_382, %swap3A_383], %swap3A_386 {strides = array<i32>} : memref<2x8x10x128xf32, #tpu.memory_space<vmem>>, vector<1x1x1x16xf32>,
        %get3A_387 = arith.constant 1 : i32
        %get3A_388 = arith.constant 0 : i32
        %get3A_389 = arith.index_cast %get3A_387 : i32 to index
        %get3A_390 = arith.index_cast %scan3A_226 : i32 to index
        %get3A_391 = arith.index_cast %get3A_388 : i32 to index
        %get3A_392 = arith.constant 112 : index
        %get3A_393 = tpu.vector_load %arg5[%get3A_389, %get3A_390, %get3A_391, %get3A_392] {strides = array<i32>} : memref<2x8x10x128xf32, #tpu.memory_space<vmem>>, vector<1x1x1x16xf32>,
        %get3A_394 = vector.shape_cast %get3A_393 : vector<1x1x1x16xf32> to vector<16xf32>
        %get3A_395 = arith.constant 0 : i32
        %get3A_396 = arith.index_cast %get3A_395 : i32 to index
        %get3A_397 = arith.constant 112 : index
        %get3A_398 = tpu.vector_load %arg7[%get3A_396, %get3A_397] {strides = array<i32>} : memref<16x128xf32, #tpu.memory_space<vmem>>, vector<1x16xf32>,
        %get3A_399 = vector.shape_cast %get3A_398 : vector<1x16xf32> to vector<16xf32>
        %add3A_400 = arith.addf %get3A_394, %get3A_399 : vector<16xf32>
        %swap3A_401 = arith.constant 1 : i32
        %swap3A_402 = arith.constant 0 : i32
        %swap3A_403 = arith.index_cast %swap3A_401 : i32 to index
        %swap3A_404 = arith.index_cast %scan3A_226 : i32 to index
        %swap3A_405 = arith.index_cast %swap3A_402 : i32 to index
        %swap3A_406 = arith.constant 112 : index
        %swap3A_407 = tpu.vector_load %arg6[%swap3A_403, %swap3A_404, %swap3A_405, %swap3A_406] {strides = array<i32>} : memref<2x8x10x128xf32, #tpu.memory_space<vmem>>, vector<1x1x1x16xf32>,
        %swap3A_408 = vector.shape_cast %swap3A_407 : vector<1x1x1x16xf32> to vector<16xf32>
        %swap3A_409 = vector.shape_cast %add3A_400 : vector<16xf32> to vector<1x1x1x16xf32>
        tpu.vector_store %arg6[%swap3A_403, %swap3A_404, %swap3A_405, %swap3A_406], %swap3A_409 {strides = array<i32>} : memref<2x8x10x128xf32, #tpu.memory_space<vmem>>, vector<1x1x1x16xf32>,
        %get3A_410 = arith.constant 1 : i32
        %get3A_411 = arith.constant 1 : i32
        %get3A_412 = arith.index_cast %get3A_410 : i32 to index
        %get3A_413 = arith.index_cast %scan3A_226 : i32 to index
        %get3A_414 = arith.index_cast %get3A_411 : i32 to index
        %get3A_415 = arith.constant 0 : index
        %get3A_416 = tpu.vector_load %arg5[%get3A_412, %get3A_413, %get3A_414, %get3A_415] {strides = array<i32>} : memref<2x8x10x128xf32, #tpu.memory_space<vmem>>, vector<1x1x1x16xf32>,
        %get3A_417 = vector.shape_cast %get3A_416 : vector<1x1x1x16xf32> to vector<16xf32>
        %get3A_418 = arith.constant 1 : i32
        %get3A_419 = arith.index_cast %get3A_418 : i32 to index
        %get3A_420 = arith.constant 0 : index
        %get3A_421 = tpu.vector_load %arg7[%get3A_419, %get3A_420] {strides = array<i32>} : memref<16x128xf32, #tpu.memory_space<vmem>>, vector<1x16xf32>,
        %get3A_422 = vector.shape_cast %get3A_421 : vector<1x16xf32> to vector<16xf32>
        %add3A_423 = arith.addf %get3A_417, %get3A_422 : vector<16xf32>
        %swap3A_424 = arith.constant 1 : i32
        %swap3A_425 = arith.constant 1 : i32
        %swap3A_426 = arith.index_cast %swap3A_424 : i32 to index
        %swap3A_427 = arith.index_cast %scan3A_226 : i32 to index
        %swap3A_428 = arith.index_cast %swap3A_425 : i32 to index
        %swap3A_429 = arith.constant 0 : index
        %swap3A_430 = tpu.vector_load %arg6[%swap3A_426, %swap3A_427, %swap3A_428, %swap3A_429] {strides = array<i32>} : memref<2x8x10x128xf32, #tpu.memory_space<vmem>>, vector<1x1x1x16xf32>,
        %swap3A_431 = vector.shape_cast %swap3A_430 : vector<1x1x1x16xf32> to vector<16xf32>
        %swap3A_432 = vector.shape_cast %add3A_423 : vector<16xf32> to vector<1x1x1x16xf32>
        tpu.vector_store %arg6[%swap3A_426, %swap3A_427, %swap3A_428, %swap3A_429], %swap3A_432 {strides = array<i32>} : memref<2x8x10x128xf32, #tpu.memory_space<vmem>>, vector<1x1x1x16xf32>,
        %get3A_433 = arith.constant 1 : i32
        %get3A_434 = arith.constant 1 : i32
        %get3A_435 = arith.index_cast %get3A_433 : i32 to index
        %get3A_436 = arith.index_cast %scan3A_226 : i32 to index
        %get3A_437 = arith.index_cast %get3A_434 : i32 to index
        %get3A_438 = arith.constant 16 : index
        %get3A_439 = tpu.vector_load %arg5[%get3A_435, %get3A_436, %get3A_437, %get3A_438] {strides = array<i32>} : memref<2x8x10x128xf32, #tpu.memory_space<vmem>>, vector<1x1x1x16xf32>,
        %get3A_440 = vector.shape_cast %get3A_439 : vector<1x1x1x16xf32> to vector<16xf32>
        %get3A_441 = arith.constant 1 : i32
        %get3A_442 = arith.index_cast %get3A_441 : i32 to index
        %get3A_443 = arith.constant 16 : index
        %get3A_444 = tpu.vector_load %arg7[%get3A_442, %get3A_443] {strides = array<i32>} : memref<16x128xf32, #tpu.memory_space<vmem>>, vector<1x16xf32>,
        %get3A_445 = vector.shape_cast %get3A_444 : vector<1x16xf32> to vector<16xf32>
        %add3A_446 = arith.addf %get3A_440, %get3A_445 : vector<16xf32>
        %swap3A_447 = arith.constant 1 : i32
        %swap3A_448 = arith.constant 1 : i32
        %swap3A_449 = arith.index_cast %swap3A_447 : i32 to index
        %swap3A_450 = arith.index_cast %scan3A_226 : i32 to index
        %swap3A_451 = arith.index_cast %swap3A_448 : i32 to index
        %swap3A_452 = arith.constant 16 : index
        %swap3A_453 = tpu.vector_load %arg6[%swap3A_449, %swap3A_450, %swap3A_451, %swap3A_452] {strides = array<i32>} : memref<2x8x10x128xf32, #tpu.memory_space<vmem>>, vector<1x1x1x16xf32>,
        %swap3A_454 = vector.shape_cast %swap3A_453 : vector<1x1x1x16xf32> to vector<16xf32>
        %swap3A_455 = vector.shape_cast %add3A_446 : vector<16xf32> to vector<1x1x1x16xf32>
        tpu.vector_store %arg6[%swap3A_449, %swap3A_450, %swap3A_451, %swap3A_452], %swap3A_455 {strides = array<i32>} : memref<2x8x10x128xf32, #tpu.memory_space<vmem>>, vector<1x1x1x16xf32>,
        %get3A_456 = arith.constant 1 : i32
        %get3A_457 = arith.constant 1 : i32
        %get3A_458 = arith.index_cast %get3A_456 : i32 to index
        %get3A_459 = arith.index_cast %scan3A_226 : i32 to index
        %get3A_460 = arith.index_cast %get3A_457 : i32 to index
        %get3A_461 = arith.constant 32 : index
        %get3A_462 = tpu.vector_load %arg5[%get3A_458, %get3A_459, %get3A_460, %get3A_461] {strides = array<i32>} : memref<2x8x10x128xf32, #tpu.memory_space<vmem>>, vector<1x1x1x16xf32>,
        %get3A_463 = vector.shape_cast %get3A_462 : vector<1x1x1x16xf32> to vector<16xf32>
        %get3A_464 = arith.constant 1 : i32
        %get3A_465 = arith.index_cast %get3A_464 : i32 to index
        %get3A_466 = arith.constant 32 : index
        %get3A_467 = tpu.vector_load %arg7[%get3A_465, %get3A_466] {strides = array<i32>} : memref<16x128xf32, #tpu.memory_space<vmem>>, vector<1x16xf32>,
        %get3A_468 = vector.shape_cast %get3A_467 : vector<1x16xf32> to vector<16xf32>
        %add3A_469 = arith.addf %get3A_463, %get3A_468 : vector<16xf32>
        %swap3A_470 = arith.constant 1 : i32
        %swap3A_471 = arith.constant 1 : i32
        %swap3A_472 = arith.index_cast %swap3A_470 : i32 to index
        %swap3A_473 = arith.index_cast %scan3A_226 : i32 to index
        %swap3A_474 = arith.index_cast %swap3A_471 : i32 to index
        %swap3A_475 = arith.constant 32 : index
        %swap3A_476 = tpu.vector_load %arg6[%swap3A_472, %swap3A_473, %swap3A_474, %swap3A_475] {strides = array<i32>} : memref<2x8x10x128xf32, #tpu.memory_space<vmem>>, vector<1x1x1x16xf32>,
        %swap3A_477 = vector.shape_cast %swap3A_476 : vector<1x1x1x16xf32> to vector<16xf32>
        %swap3A_478 = vector.shape_cast %add3A_469 : vector<16xf32> to vector<1x1x1x16xf32>
        tpu.vector_store %arg6[%swap3A_472, %swap3A_473, %swap3A_474, %swap3A_475], %swap3A_478 {strides = array<i32>} : memref<2x8x10x128xf32, #tpu.memory_space<vmem>>, vector<1x1x1x16xf32>,
        %get3A_479 = arith.constant 1 : i32
        %get3A_480 = arith.constant 1 : i32
        %get3A_481 = arith.index_cast %get3A_479 : i32 to index
        %get3A_482 = arith.index_cast %scan3A_226 : i32 to index
        %get3A_483 = arith.index_cast %get3A_480 : i32 to index
        %get3A_484 = arith.constant 48 : index
        %get3A_485 = tpu.vector_load %arg5[%get3A_481, %get3A_482, %get3A_483, %get3A_484] {strides = array<i32>} : memref<2x8x10x128xf32, #tpu.memory_space<vmem>>, vector<1x1x1x16xf32>,
        %get3A_486 = vector.shape_cast %get3A_485 : vector<1x1x1x16xf32> to vector<16xf32>
        %get3A_487 = arith.constant 1 : i32
        %get3A_488 = arith.index_cast %get3A_487 : i32 to index
        %get3A_489 = arith.constant 48 : index
        %get3A_490 = tpu.vector_load %arg7[%get3A_488, %get3A_489] {strides = array<i32>} : memref<16x128xf32, #tpu.memory_space<vmem>>, vector<1x16xf32>,
        %get3A_491 = vector.shape_cast %get3A_490 : vector<1x16xf32> to vector<16xf32>
        %add3A_492 = arith.addf %get3A_486, %get3A_491 : vector<16xf32>
        %swap3A_493 = arith.constant 1 : i32
        %swap3A_494 = arith.constant 1 : i32
        %swap3A_495 = arith.index_cast %swap3A_493 : i32 to index
        %swap3A_496 = arith.index_cast %scan3A_226 : i32 to index
        %swap3A_497 = arith.index_cast %swap3A_494 : i32 to index
        %swap3A_498 = arith.constant 48 : index
        %swap3A_499 = tpu.vector_load %arg6[%swap3A_495, %swap3A_496, %swap3A_497, %swap3A_498] {strides = array<i32>} : memref<2x8x10x128xf32, #tpu.memory_space<vmem>>, vector<1x1x1x16xf32>,
        %swap3A_500 = vector.shape_cast %swap3A_499 : vector<1x1x1x16xf32> to vector<16xf32>
        %swap3A_501 = vector.shape_cast %add3A_492 : vector<16xf32> to vector<1x1x1x16xf32>
        tpu.vector_store %arg6[%swap3A_495, %swap3A_496, %swap3A_497, %swap3A_498], %swap3A_501 {strides = array<i32>} : memref<2x8x10x128xf32, #tpu.memory_space<vmem>>, vector<1x1x1x16xf32>,
        %get3A_502 = arith.constant 1 : i32
        %get3A_503 = arith.constant 1 : i32
        %get3A_504 = arith.index_cast %get3A_502 : i32 to index
        %get3A_505 = arith.index_cast %scan3A_226 : i32 to index
        %get3A_506 = arith.index_cast %get3A_503 : i32 to index
        %get3A_507 = arith.constant 64 : index
        %get3A_508 = tpu.vector_load %arg5[%get3A_504, %get3A_505, %get3A_506, %get3A_507] {strides = array<i32>} : memref<2x8x10x128xf32, #tpu.memory_space<vmem>>, vector<1x1x1x16xf32>,
        %get3A_509 = vector.shape_cast %get3A_508 : vector<1x1x1x16xf32> to vector<16xf32>
        %get3A_510 = arith.constant 1 : i32
        %get3A_511 = arith.index_cast %get3A_510 : i32 to index
        %get3A_512 = arith.constant 64 : index
        %get3A_513 = tpu.vector_load %arg7[%get3A_511, %get3A_512] {strides = array<i32>} : memref<16x128xf32, #tpu.memory_space<vmem>>, vector<1x16xf32>,
        %get3A_514 = vector.shape_cast %get3A_513 : vector<1x16xf32> to vector<16xf32>
        %add3A_515 = arith.addf %get3A_509, %get3A_514 : vector<16xf32>
        %swap3A_516 = arith.constant 1 : i32
        %swap3A_517 = arith.constant 1 : i32
        %swap3A_518 = arith.index_cast %swap3A_516 : i32 to index
        %swap3A_519 = arith.index_cast %scan3A_226 : i32 to index
        %swap3A_520 = arith.index_cast %swap3A_517 : i32 to index
        %swap3A_521 = arith.constant 64 : index
        %swap3A_522 = tpu.vector_load %arg6[%swap3A_518, %swap3A_519, %swap3A_520, %swap3A_521] {strides = array<i32>} : memref<2x8x10x128xf32, #tpu.memory_space<vmem>>, vector<1x1x1x16xf32>,
        %swap3A_523 = vector.shape_cast %swap3A_522 : vector<1x1x1x16xf32> to vector<16xf32>
        %swap3A_524 = vector.shape_cast %add3A_515 : vector<16xf32> to vector<1x1x1x16xf32>
        tpu.vector_store %arg6[%swap3A_518, %swap3A_519, %swap3A_520, %swap3A_521], %swap3A_524 {strides = array<i32>} : memref<2x8x10x128xf32, #tpu.memory_space<vmem>>, vector<1x1x1x16xf32>,
        %get3A_525 = arith.constant 1 : i32
        %get3A_526 = arith.constant 1 : i32
        %get3A_527 = arith.index_cast %get3A_525 : i32 to index
        %get3A_528 = arith.index_cast %scan3A_226 : i32 to index
        %get3A_529 = arith.index_cast %get3A_526 : i32 to index
        %get3A_530 = arith.constant 80 : index
        %get3A_531 = tpu.vector_load %arg5[%get3A_527, %get3A_528, %get3A_529, %get3A_530] {strides = array<i32>} : memref<2x8x10x128xf32, #tpu.memory_space<vmem>>, vector<1x1x1x16xf32>,
        %get3A_532 = vector.shape_cast %get3A_531 : vector<1x1x1x16xf32> to vector<16xf32>
        %get3A_533 = arith.constant 1 : i32
        %get3A_534 = arith.index_cast %get3A_533 : i32 to index
        %get3A_535 = arith.constant 80 : index
        %get3A_536 = tpu.vector_load %arg7[%get3A_534, %get3A_535] {strides = array<i32>} : memref<16x128xf32, #tpu.memory_space<vmem>>, vector<1x16xf32>,
        %get3A_537 = vector.shape_cast %get3A_536 : vector<1x16xf32> to vector<16xf32>
        %add3A_538 = arith.addf %get3A_532, %get3A_537 : vector<16xf32>
        %swap3A_539 = arith.constant 1 : i32
        %swap3A_540 = arith.constant 1 : i32
        %swap3A_541 = arith.index_cast %swap3A_539 : i32 to index
        %swap3A_542 = arith.index_cast %scan3A_226 : i32 to index
        %swap3A_543 = arith.index_cast %swap3A_540 : i32 to index
        %swap3A_544 = arith.constant 80 : index
        %swap3A_545 = tpu.vector_load %arg6[%swap3A_541, %swap3A_542, %swap3A_543, %swap3A_544] {strides = array<i32>} : memref<2x8x10x128xf32, #tpu.memory_space<vmem>>, vector<1x1x1x16xf32>,
        %swap3A_546 = vector.shape_cast %swap3A_545 : vector<1x1x1x16xf32> to vector<16xf32>
        %swap3A_547 = vector.shape_cast %add3A_538 : vector<16xf32> to vector<1x1x1x16xf32>
        tpu.vector_store %arg6[%swap3A_541, %swap3A_542, %swap3A_543, %swap3A_544], %swap3A_547 {strides = array<i32>} : memref<2x8x10x128xf32, #tpu.memory_space<vmem>>, vector<1x1x1x16xf32>,
        %get3A_548 = arith.constant 1 : i32
        %get3A_549 = arith.constant 1 : i32
        %get3A_550 = arith.index_cast %get3A_548 : i32 to index
        %get3A_551 = arith.index_cast %scan3A_226 : i32 to index
        %get3A_552 = arith.index_cast %get3A_549 : i32 to index
        %get3A_553 = arith.constant 96 : index
        %get3A_554 = tpu.vector_load %arg5[%get3A_550, %get3A_551, %get3A_552, %get3A_553] {strides = array<i32>} : memref<2x8x10x128xf32, #tpu.memory_space<vmem>>, vector<1x1x1x16xf32>,
        %get3A_555 = vector.shape_cast %get3A_554 : vector<1x1x1x16xf32> to vector<16xf32>
        %get3A_556 = arith.constant 1 : i32
        %get3A_557 = arith.index_cast %get3A_556 : i32 to index
        %get3A_558 = arith.constant 96 : index
        %get3A_559 = tpu.vector_load %arg7[%get3A_557, %get3A_558] {strides = array<i32>} : memref<16x128xf32, #tpu.memory_space<vmem>>, vector<1x16xf32>,
        %get3A_560 = vector.shape_cast %get3A_559 : vector<1x16xf32> to vector<16xf32>
        %add3A_561 = arith.addf %get3A_555, %get3A_560 : vector<16xf32>
        %swap3A_562 = arith.constant 1 : i32
        %swap3A_563 = arith.constant 1 : i32
        %swap3A_564 = arith.index_cast %swap3A_562 : i32 to index
        %swap3A_565 = arith.index_cast %scan3A_226 : i32 to index
        %swap3A_566 = arith.index_cast %swap3A_563 : i32 to index
        %swap3A_567 = arith.constant 96 : index
        %swap3A_568 = tpu.vector_load %arg6[%swap3A_564, %swap3A_565, %swap3A_566, %swap3A_567] {strides = array<i32>} : memref<2x8x10x128xf32, #tpu.memory_space<vmem>>, vector<1x1x1x16xf32>,
        %swap3A_569 = vector.shape_cast %swap3A_568 : vector<1x1x1x16xf32> to vector<16xf32>
        %swap3A_570 = vector.shape_cast %add3A_561 : vector<16xf32> to vector<1x1x1x16xf32>
        tpu.vector_store %arg6[%swap3A_564, %swap3A_565, %swap3A_566, %swap3A_567], %swap3A_570 {strides = array<i32>} : memref<2x8x10x128xf32, #tpu.memory_space<vmem>>, vector<1x1x1x16xf32>,
        %get3A_571 = arith.constant 1 : i32
        %get3A_572 = arith.constant 1 : i32
        %get3A_573 = arith.index_cast %get3A_571 : i32 to index
        %get3A_574 = arith.index_cast %scan3A_226 : i32 to index
        %get3A_575 = arith.index_cast %get3A_572 : i32 to index
        %get3A_576 = arith.constant 112 : index
        %get3A_577 = tpu.vector_load %arg5[%get3A_573, %get3A_574, %get3A_575, %get3A_576] {strides = array<i32>} : memref<2x8x10x128xf32, #tpu.memory_space<vmem>>, vector<1x1x1x16xf32>,
        %get3A_578 = vector.shape_cast %get3A_577 : vector<1x1x1x16xf32> to vector<16xf32>
        %get3A_579 = arith.constant 1 : i32
        %get3A_580 = arith.index_cast %get3A_579 : i32 to index
        %get3A_581 = arith.constant 112 : index
        %get3A_582 = tpu.vector_load %arg7[%get3A_580, %get3A_581] {strides = array<i32>} : memref<16x128xf32, #tpu.memory_space<vmem>>, vector<1x16xf32>,
        %get3A_583 = vector.shape_cast %get3A_582 : vector<1x16xf32> to vector<16xf32>
        %add3A_584 = arith.addf %get3A_578, %get3A_583 : vector<16xf32>
        %swap3A_585 = arith.constant 1 : i32
        %swap3A_586 = arith.constant 1 : i32
        %swap3A_587 = arith.index_cast %swap3A_585 : i32 to index
        %swap3A_588 = arith.index_cast %scan3A_226 : i32 to index
        %swap3A_589 = arith.index_cast %swap3A_586 : i32 to index
        %swap3A_590 = arith.constant 112 : index
        %swap3A_591 = tpu.vector_load %arg6[%swap3A_587, %swap3A_588, %swap3A_589, %swap3A_590] {strides = array<i32>} : memref<2x8x10x128xf32, #tpu.memory_space<vmem>>, vector<1x1x1x16xf32>,
        %swap3A_592 = vector.shape_cast %swap3A_591 : vector<1x1x1x16xf32> to vector<16xf32>
        %swap3A_593 = vector.shape_cast %add3A_584 : vector<16xf32> to vector<1x1x1x16xf32>
        tpu.vector_store %arg6[%swap3A_587, %swap3A_588, %swap3A_589, %swap3A_590], %swap3A_593 {strides = array<i32>} : memref<2x8x10x128xf32, #tpu.memory_space<vmem>>, vector<1x1x1x16xf32>,
        %get3A_594 = arith.constant 1 : i32
        %get3A_595 = arith.constant 2 : i32
        %get3A_596 = arith.index_cast %get3A_594 : i32 to index
        %get3A_597 = arith.index_cast %scan3A_226 : i32 to index
        %get3A_598 = arith.index_cast %get3A_595 : i32 to index
        %get3A_599 = arith.constant 0 : index
        %get3A_600 = tpu.vector_load %arg5[%get3A_596, %get3A_597, %get3A_598, %get3A_599] {strides = array<i32>} : memref<2x8x10x128xf32, #tpu.memory_space<vmem>>, vector<1x1x1x16xf32>,
        %get3A_601 = vector.shape_cast %get3A_600 : vector<1x1x1x16xf32> to vector<16xf32>
        %get3A_602 = arith.constant 2 : i32
        %get3A_603 = arith.index_cast %get3A_602 : i32 to index
        %get3A_604 = arith.constant 0 : index
        %get3A_605 = tpu.vector_load %arg7[%get3A_603, %get3A_604] {strides = array<i32>} : memref<16x128xf32, #tpu.memory_space<vmem>>, vector<1x16xf32>,
        %get3A_606 = vector.shape_cast %get3A_605 : vector<1x16xf32> to vector<16xf32>
        %add3A_607 = arith.addf %get3A_601, %get3A_606 : vector<16xf32>
        %swap3A_608 = arith.constant 1 : i32
        %swap3A_609 = arith.constant 2 : i32
        %swap3A_610 = arith.index_cast %swap3A_608 : i32 to index
        %swap3A_611 = arith.index_cast %scan3A_226 : i32 to index
        %swap3A_612 = arith.index_cast %swap3A_609 : i32 to index
        %swap3A_613 = arith.constant 0 : index
        %swap3A_614 = tpu.vector_load %arg6[%swap3A_610, %swap3A_611, %swap3A_612, %swap3A_613] {strides = array<i32>} : memref<2x8x10x128xf32, #tpu.memory_space<vmem>>, vector<1x1x1x16xf32>,
        %swap3A_615 = vector.shape_cast %swap3A_614 : vector<1x1x1x16xf32> to vector<16xf32>
        %swap3A_616 = vector.shape_cast %add3A_607 : vector<16xf32> to vector<1x1x1x16xf32>
        tpu.vector_store %arg6[%swap3A_610, %swap3A_611, %swap3A_612, %swap3A_613], %swap3A_616 {strides = array<i32>} : memref<2x8x10x128xf32, #tpu.memory_space<vmem>>, vector<1x1x1x16xf32>,
        %get3A_617 = arith.constant 1 : i32
        %get3A_618 = arith.constant 2 : i32
        %get3A_619 = arith.index_cast %get3A_617 : i32 to index
        %get3A_620 = arith.index_cast %scan3A_226 : i32 to index
        %get3A_621 = arith.index_cast %get3A_618 : i32 to index
        %get3A_622 = arith.constant 16 : index
        %get3A_623 = tpu.vector_load %arg5[%get3A_619, %get3A_620, %get3A_621, %get3A_622] {strides = array<i32>} : memref<2x8x10x128xf32, #tpu.memory_space<vmem>>, vector<1x1x1x16xf32>,
        %get3A_624 = vector.shape_cast %get3A_623 : vector<1x1x1x16xf32> to vector<16xf32>
        %get3A_625 = arith.constant 2 : i32
        %get3A_626 = arith.index_cast %get3A_625 : i32 to index
        %get3A_627 = arith.constant 16 : index
        %get3A_628 = tpu.vector_load %arg7[%get3A_626, %get3A_627] {strides = array<i32>} : memref<16x128xf32, #tpu.memory_space<vmem>>, vector<1x16xf32>,
        %get3A_629 = vector.shape_cast %get3A_628 : vector<1x16xf32> to vector<16xf32>
        %add3A_630 = arith.addf %get3A_624, %get3A_629 : vector<16xf32>
        %swap3A_631 = arith.constant 1 : i32
        %swap3A_632 = arith.constant 2 : i32
        %swap3A_633 = arith.index_cast %swap3A_631 : i32 to index
        %swap3A_634 = arith.index_cast %scan3A_226 : i32 to index
        %swap3A_635 = arith.index_cast %swap3A_632 : i32 to index
        %swap3A_636 = arith.constant 16 : index
        %swap3A_637 = tpu.vector_load %arg6[%swap3A_633, %swap3A_634, %swap3A_635, %swap3A_636] {strides = array<i32>} : memref<2x8x10x128xf32, #tpu.memory_space<vmem>>, vector<1x1x1x16xf32>,
        %swap3A_638 = vector.shape_cast %swap3A_637 : vector<1x1x1x16xf32> to vector<16xf32>
        %swap3A_639 = vector.shape_cast %add3A_630 : vector<16xf32> to vector<1x1x1x16xf32>
        tpu.vector_store %arg6[%swap3A_633, %swap3A_634, %swap3A_635, %swap3A_636], %swap3A_639 {strides = array<i32>} : memref<2x8x10x128xf32, #tpu.memory_space<vmem>>, vector<1x1x1x16xf32>,
        %get3A_640 = arith.constant 1 : i32
        %get3A_641 = arith.constant 2 : i32
        %get3A_642 = arith.index_cast %get3A_640 : i32 to index
        %get3A_643 = arith.index_cast %scan3A_226 : i32 to index
        %get3A_644 = arith.index_cast %get3A_641 : i32 to index
        %get3A_645 = arith.constant 32 : index
        %get3A_646 = tpu.vector_load %arg5[%get3A_642, %get3A_643, %get3A_644, %get3A_645] {strides = array<i32>} : memref<2x8x10x128xf32, #tpu.memory_space<vmem>>, vector<1x1x1x16xf32>,
        %get3A_647 = vector.shape_cast %get3A_646 : vector<1x1x1x16xf32> to vector<16xf32>
        %get3A_648 = arith.constant 2 : i32
        %get3A_649 = arith.index_cast %get3A_648 : i32 to index
        %get3A_650 = arith.constant 32 : index
        %get3A_651 = tpu.vector_load %arg7[%get3A_649, %get3A_650] {strides = array<i32>} : memref<16x128xf32, #tpu.memory_space<vmem>>, vector<1x16xf32>,
        %get3A_652 = vector.shape_cast %get3A_651 : vector<1x16xf32> to vector<16xf32>
        %add3A_653 = arith.addf %get3A_647, %get3A_652 : vector<16xf32>
        %swap3A_654 = arith.constant 1 : i32
        %swap3A_655 = arith.constant 2 : i32
        %swap3A_656 = arith.index_cast %swap3A_654 : i32 to index
        %swap3A_657 = arith.index_cast %scan3A_226 : i32 to index
        %swap3A_658 = arith.index_cast %swap3A_655 : i32 to index
        %swap3A_659 = arith.constant 32 : index
        %swap3A_660 = tpu.vector_load %arg6[%swap3A_656, %swap3A_657, %swap3A_658, %swap3A_659] {strides = array<i32>} : memref<2x8x10x128xf32, #tpu.memory_space<vmem>>, vector<1x1x1x16xf32>,
        %swap3A_661 = vector.shape_cast %swap3A_660 : vector<1x1x1x16xf32> to vector<16xf32>
        %swap3A_662 = vector.shape_cast %add3A_653 : vector<16xf32> to vector<1x1x1x16xf32>
        tpu.vector_store %arg6[%swap3A_656, %swap3A_657, %swap3A_658, %swap3A_659], %swap3A_662 {strides = array<i32>} : memref<2x8x10x128xf32, #tpu.memory_space<vmem>>, vector<1x1x1x16xf32>,
        %get3A_663 = arith.constant 1 : i32
        %get3A_664 = arith.constant 2 : i32
        %get3A_665 = arith.index_cast %get3A_663 : i32 to index
        %get3A_666 = arith.index_cast %scan3A_226 : i32 to index
        %get3A_667 = arith.index_cast %get3A_664 : i32 to index
        %get3A_668 = arith.constant 48 : index
        %get3A_669 = tpu.vector_load %arg5[%get3A_665, %get3A_666, %get3A_667, %get3A_668] {strides = array<i32>} : memref<2x8x10x128xf32, #tpu.memory_space<vmem>>, vector<1x1x1x16xf32>,
        %get3A_670 = vector.shape_cast %get3A_669 : vector<1x1x1x16xf32> to vector<16xf32>
        %get3A_671 = arith.constant 2 : i32
        %get3A_672 = arith.index_cast %get3A_671 : i32 to index
        %get3A_673 = arith.constant 48 : index
        %get3A_674 = tpu.vector_load %arg7[%get3A_672, %get3A_673] {strides = array<i32>} : memref<16x128xf32, #tpu.memory_space<vmem>>, vector<1x16xf32>,
        %get3A_675 = vector.shape_cast %get3A_674 : vector<1x16xf32> to vector<16xf32>
        %add3A_676 = arith.addf %get3A_670, %get3A_675 : vector<16xf32>
        %swap3A_677 = arith.constant 1 : i32
        %swap3A_678 = arith.constant 2 : i32
        %swap3A_679 = arith.index_cast %swap3A_677 : i32 to index
        %swap3A_680 = arith.index_cast %scan3A_226 : i32 to index
        %swap3A_681 = arith.index_cast %swap3A_678 : i32 to index
        %swap3A_682 = arith.constant 48 : index
        %swap3A_683 = tpu.vector_load %arg6[%swap3A_679, %swap3A_680, %swap3A_681, %swap3A_682] {strides = array<i32>} : memref<2x8x10x128xf32, #tpu.memory_space<vmem>>, vector<1x1x1x16xf32>,
        %swap3A_684 = vector.shape_cast %swap3A_683 : vector<1x1x1x16xf32> to vector<16xf32>
        %swap3A_685 = vector.shape_cast %add3A_676 : vector<16xf32> to vector<1x1x1x16xf32>
        tpu.vector_store %arg6[%swap3A_679, %swap3A_680, %swap3A_681, %swap3A_682], %swap3A_685 {strides = array<i32>} : memref<2x8x10x128xf32, #tpu.memory_space<vmem>>, vector<1x1x1x16xf32>,
        %get3A_686 = arith.constant 1 : i32
        %get3A_687 = arith.constant 2 : i32
        %get3A_688 = arith.index_cast %get3A_686 : i32 to index
        %get3A_689 = arith.index_cast %scan3A_226 : i32 to index
        %get3A_690 = arith.index_cast %get3A_687 : i32 to index
        %get3A_691 = arith.constant 64 : index
        %get3A_692 = tpu.vector_load %arg5[%get3A_688, %get3A_689, %get3A_690, %get3A_691] {strides = array<i32>} : memref<2x8x10x128xf32, #tpu.memory_space<vmem>>, vector<1x1x1x16xf32>,
        %get3A_693 = vector.shape_cast %get3A_692 : vector<1x1x1x16xf32> to vector<16xf32>
        %get3A_694 = arith.constant 2 : i32
        %get3A_695 = arith.index_cast %get3A_694 : i32 to index
        %get3A_696 = arith.constant 64 : index
        %get3A_697 = tpu.vector_load %arg7[%get3A_695, %get3A_696] {strides = array<i32>} : memref<16x128xf32, #tpu.memory_space<vmem>>, vector<1x16xf32>,
        %get3A_698 = vector.shape_cast %get3A_697 : vector<1x16xf32> to vector<16xf32>
        %add3A_699 = arith.addf %get3A_693, %get3A_698 : vector<16xf32>
        %swap3A_700 = arith.constant 1 : i32
        %swap3A_701 = arith.constant 2 : i32
        %swap3A_702 = arith.index_cast %swap3A_700 : i32 to index
        %swap3A_703 = arith.index_cast %scan3A_226 : i32 to index
        %swap3A_704 = arith.index_cast %swap3A_701 : i32 to index
        %swap3A_705 = arith.constant 64 : index
        %swap3A_706 = tpu.vector_load %arg6[%swap3A_702, %swap3A_703, %swap3A_704, %swap3A_705] {strides = array<i32>} : memref<2x8x10x128xf32, #tpu.memory_space<vmem>>, vector<1x1x1x16xf32>,
        %swap3A_707 = vector.shape_cast %swap3A_706 : vector<1x1x1x16xf32> to vector<16xf32>
        %swap3A_708 = vector.shape_cast %add3A_699 : vector<16xf32> to vector<1x1x1x16xf32>
        tpu.vector_store %arg6[%swap3A_702, %swap3A_703, %swap3A_704, %swap3A_705], %swap3A_708 {strides = array<i32>} : memref<2x8x10x128xf32, #tpu.memory_space<vmem>>, vector<1x1x1x16xf32>,
        %get3A_709 = arith.constant 1 : i32
        %get3A_710 = arith.constant 2 : i32
        %get3A_711 = arith.index_cast %get3A_709 : i32 to index
        %get3A_712 = arith.index_cast %scan3A_226 : i32 to index
        %get3A_713 = arith.index_cast %get3A_710 : i32 to index
        %get3A_714 = arith.constant 80 : index
        %get3A_715 = tpu.vector_load %arg5[%get3A_711, %get3A_712, %get3A_713, %get3A_714] {strides = array<i32>} : memref<2x8x10x128xf32, #tpu.memory_space<vmem>>, vector<1x1x1x16xf32>,
        %get3A_716 = vector.shape_cast %get3A_715 : vector<1x1x1x16xf32> to vector<16xf32>
        %get3A_717 = arith.constant 2 : i32
        %get3A_718 = arith.index_cast %get3A_717 : i32 to index
        %get3A_719 = arith.constant 80 : index
        %get3A_720 = tpu.vector_load %arg7[%get3A_718, %get3A_719] {strides = array<i32>} : memref<16x128xf32, #tpu.memory_space<vmem>>, vector<1x16xf32>,
        %get3A_721 = vector.shape_cast %get3A_720 : vector<1x16xf32> to vector<16xf32>
        %add3A_722 = arith.addf %get3A_716, %get3A_721 : vector<16xf32>
        %swap3A_723 = arith.constant 1 : i32
        %swap3A_724 = arith.constant 2 : i32
        %swap3A_725 = arith.index_cast %swap3A_723 : i32 to index
        %swap3A_726 = arith.index_cast %scan3A_226 : i32 to index
        %swap3A_727 = arith.index_cast %swap3A_724 : i32 to index
        %swap3A_728 = arith.constant 80 : index
        %swap3A_729 = tpu.vector_load %arg6[%swap3A_725, %swap3A_726, %swap3A_727, %swap3A_728] {strides = array<i32>} : memref<2x8x10x128xf32, #tpu.memory_space<vmem>>, vector<1x1x1x16xf32>,
        %swap3A_730 = vector.shape_cast %swap3A_729 : vector<1x1x1x16xf32> to vector<16xf32>
        %swap3A_731 = vector.shape_cast %add3A_722 : vector<16xf32> to vector<1x1x1x16xf32>
        tpu.vector_store %arg6[%swap3A_725, %swap3A_726, %swap3A_727, %swap3A_728], %swap3A_731 {strides = array<i32>} : memref<2x8x10x128xf32, #tpu.memory_space<vmem>>, vector<1x1x1x16xf32>,
        %get3A_732 = arith.constant 1 : i32
        %get3A_733 = arith.constant 2 : i32
        %get3A_734 = arith.index_cast %get3A_732 : i32 to index
        %get3A_735 = arith.index_cast %scan3A_226 : i32 to index
        %get3A_736 = arith.index_cast %get3A_733 : i32 to index
        %get3A_737 = arith.constant 96 : index
        %get3A_738 = tpu.vector_load %arg5[%get3A_734, %get3A_735, %get3A_736, %get3A_737] {strides = array<i32>} : memref<2x8x10x128xf32, #tpu.memory_space<vmem>>, vector<1x1x1x16xf32>,
        %get3A_739 = vector.shape_cast %get3A_738 : vector<1x1x1x16xf32> to vector<16xf32>
        %get3A_740 = arith.constant 2 : i32
        %get3A_741 = arith.index_cast %get3A_740 : i32 to index
        %get3A_742 = arith.constant 96 : index
        %get3A_743 = tpu.vector_load %arg7[%get3A_741, %get3A_742] {strides = array<i32>} : memref<16x128xf32, #tpu.memory_space<vmem>>, vector<1x16xf32>,
        %get3A_744 = vector.shape_cast %get3A_743 : vector<1x16xf32> to vector<16xf32>
        %add3A_745 = arith.addf %get3A_739, %get3A_744 : vector<16xf32>
        %swap3A_746 = arith.constant 1 : i32
        %swap3A_747 = arith.constant 2 : i32
        %swap3A_748 = arith.index_cast %swap3A_746 : i32 to index
        %swap3A_749 = arith.index_cast %scan3A_226 : i32 to index
        %swap3A_750 = arith.index_cast %swap3A_747 : i32 to index
        %swap3A_751 = arith.constant 96 : index
        %swap3A_752 = tpu.vector_load %arg6[%swap3A_748, %swap3A_749, %swap3A_750, %swap3A_751] {strides = array<i32>} : memref<2x8x10x128xf32, #tpu.memory_space<vmem>>, vector<1x1x1x16xf32>,
        %swap3A_753 = vector.shape_cast %swap3A_752 : vector<1x1x1x16xf32> to vector<16xf32>
        %swap3A_754 = vector.shape_cast %add3A_745 : vector<16xf32> to vector<1x1x1x16xf32>
        tpu.vector_store %arg6[%swap3A_748, %swap3A_749, %swap3A_750, %swap3A_751], %swap3A_754 {strides = array<i32>} : memref<2x8x10x128xf32, #tpu.memory_space<vmem>>, vector<1x1x1x16xf32>,
        %get3A_755 = arith.constant 1 : i32
        %get3A_756 = arith.constant 2 : i32
        %get3A_757 = arith.index_cast %get3A_755 : i32 to index
        %get3A_758 = arith.index_cast %scan3A_226 : i32 to index
        %get3A_759 = arith.index_cast %get3A_756 : i32 to index
        %get3A_760 = arith.constant 112 : index
        %get3A_761 = tpu.vector_load %arg5[%get3A_757, %get3A_758, %get3A_759, %get3A_760] {strides = array<i32>} : memref<2x8x10x128xf32, #tpu.memory_space<vmem>>, vector<1x1x1x16xf32>,
        %get3A_762 = vector.shape_cast %get3A_761 : vector<1x1x1x16xf32> to vector<16xf32>
        %get3A_763 = arith.constant 2 : i32
        %get3A_764 = arith.index_cast %get3A_763 : i32 to index
        %get3A_765 = arith.constant 112 : index
        %get3A_766 = tpu.vector_load %arg7[%get3A_764, %get3A_765] {strides = array<i32>} : memref<16x128xf32, #tpu.memory_space<vmem>>, vector<1x16xf32>,
        %get3A_767 = vector.shape_cast %get3A_766 : vector<1x16xf32> to vector<16xf32>
        %add3A_768 = arith.addf %get3A_762, %get3A_767 : vector<16xf32>
        %swap3A_769 = arith.constant 1 : i32
        %swap3A_770 = arith.constant 2 : i32
        %swap3A_771 = arith.index_cast %swap3A_769 : i32 to index
        %swap3A_772 = arith.index_cast %scan3A_226 : i32 to index
        %swap3A_773 = arith.index_cast %swap3A_770 : i32 to index
        %swap3A_774 = arith.constant 112 : index
        %swap3A_775 = tpu.vector_load %arg6[%swap3A_771, %swap3A_772, %swap3A_773, %swap3A_774] {strides = array<i32>} : memref<2x8x10x128xf32, #tpu.memory_space<vmem>>, vector<1x1x1x16xf32>,
        %swap3A_776 = vector.shape_cast %swap3A_775 : vector<1x1x1x16xf32> to vector<16xf32>
        %swap3A_777 = vector.shape_cast %add3A_768 : vector<16xf32> to vector<1x1x1x16xf32>
        tpu.vector_store %arg6[%swap3A_771, %swap3A_772, %swap3A_773, %swap3A_774], %swap3A_777 {strides = array<i32>} : memref<2x8x10x128xf32, #tpu.memory_space<vmem>>, vector<1x1x1x16xf32>,
        %get3A_778 = arith.constant 1 : i32
        %get3A_779 = arith.constant 3 : i32
        %get3A_780 = arith.index_cast %get3A_778 : i32 to index
        %get3A_781 = arith.index_cast %scan3A_226 : i32 to index
        %get3A_782 = arith.index_cast %get3A_779 : i32 to index
        %get3A_783 = arith.constant 0 : index
        %get3A_784 = tpu.vector_load %arg5[%get3A_780, %get3A_781, %get3A_782, %get3A_783] {strides = array<i32>} : memref<2x8x10x128xf32, #tpu.memory_space<vmem>>, vector<1x1x1x16xf32>,
        %get3A_785 = vector.shape_cast %get3A_784 : vector<1x1x1x16xf32> to vector<16xf32>
        %get3A_786 = arith.constant 3 : i32
        %get3A_787 = arith.index_cast %get3A_786 : i32 to index
        %get3A_788 = arith.constant 0 : index
        %get3A_789 = tpu.vector_load %arg7[%get3A_787, %get3A_788] {strides = array<i32>} : memref<16x128xf32, #tpu.memory_space<vmem>>, vector<1x16xf32>,
        %get3A_790 = vector.shape_cast %get3A_789 : vector<1x16xf32> to vector<16xf32>
        %add3A_791 = arith.addf %get3A_785, %get3A_790 : vector<16xf32>
        %swap3A_792 = arith.constant 1 : i32
        %swap3A_793 = arith.constant 3 : i32
        %swap3A_794 = arith.index_cast %swap3A_792 : i32 to index
        %swap3A_795 = arith.index_cast %scan3A_226 : i32 to index
        %swap3A_796 = arith.index_cast %swap3A_793 : i32 to index
        %swap3A_797 = arith.constant 0 : index
        %swap3A_798 = tpu.vector_load %arg6[%swap3A_794, %swap3A_795, %swap3A_796, %swap3A_797] {strides = array<i32>} : memref<2x8x10x128xf32, #tpu.memory_space<vmem>>, vector<1x1x1x16xf32>,
        %swap3A_799 = vector.shape_cast %swap3A_798 : vector<1x1x1x16xf32> to vector<16xf32>
        %swap3A_800 = vector.shape_cast %add3A_791 : vector<16xf32> to vector<1x1x1x16xf32>
        tpu.vector_store %arg6[%swap3A_794, %swap3A_795, %swap3A_796, %swap3A_797], %swap3A_800 {strides = array<i32>} : memref<2x8x10x128xf32, #tpu.memory_space<vmem>>, vector<1x1x1x16xf32>,
        %get3A_801 = arith.constant 1 : i32
        %get3A_802 = arith.constant 3 : i32
        %get3A_803 = arith.index_cast %get3A_801 : i32 to index
        %get3A_804 = arith.index_cast %scan3A_226 : i32 to index
        %get3A_805 = arith.index_cast %get3A_802 : i32 to index
        %get3A_806 = arith.constant 16 : index
        %get3A_807 = tpu.vector_load %arg5[%get3A_803, %get3A_804, %get3A_805, %get3A_806] {strides = array<i32>} : memref<2x8x10x128xf32, #tpu.memory_space<vmem>>, vector<1x1x1x16xf32>,
        %get3A_808 = vector.shape_cast %get3A_807 : vector<1x1x1x16xf32> to vector<16xf32>
        %get3A_809 = arith.constant 3 : i32
        %get3A_810 = arith.index_cast %get3A_809 : i32 to index
        %get3A_811 = arith.constant 16 : index
        %get3A_812 = tpu.vector_load %arg7[%get3A_810, %get3A_811] {strides = array<i32>} : memref<16x128xf32, #tpu.memory_space<vmem>>, vector<1x16xf32>,
        %get3A_813 = vector.shape_cast %get3A_812 : vector<1x16xf32> to vector<16xf32>
        %add3A_814 = arith.addf %get3A_808, %get3A_813 : vector<16xf32>
        %swap3A_815 = arith.constant 1 : i32
        %swap3A_816 = arith.constant 3 : i32
        %swap3A_817 = arith.index_cast %swap3A_815 : i32 to index
        %swap3A_818 = arith.index_cast %scan3A_226 : i32 to index
        %swap3A_819 = arith.index_cast %swap3A_816 : i32 to index
        %swap3A_820 = arith.constant 16 : index
        %swap3A_821 = tpu.vector_load %arg6[%swap3A_817, %swap3A_818, %swap3A_819, %swap3A_820] {strides = array<i32>} : memref<2x8x10x128xf32, #tpu.memory_space<vmem>>, vector<1x1x1x16xf32>,
        %swap3A_822 = vector.shape_cast %swap3A_821 : vector<1x1x1x16xf32> to vector<16xf32>
        %swap3A_823 = vector.shape_cast %add3A_814 : vector<16xf32> to vector<1x1x1x16xf32>
        tpu.vector_store %arg6[%swap3A_817, %swap3A_818, %swap3A_819, %swap3A_820], %swap3A_823 {strides = array<i32>} : memref<2x8x10x128xf32, #tpu.memory_space<vmem>>, vector<1x1x1x16xf32>,
        %get3A_824 = arith.constant 1 : i32
        %get3A_825 = arith.constant 3 : i32
        %get3A_826 = arith.index_cast %get3A_824 : i32 to index
        %get3A_827 = arith.index_cast %scan3A_226 : i32 to index
        %get3A_828 = arith.index_cast %get3A_825 : i32 to index
        %get3A_829 = arith.constant 32 : index
        %get3A_830 = tpu.vector_load %arg5[%get3A_826, %get3A_827, %get3A_828, %get3A_829] {strides = array<i32>} : memref<2x8x10x128xf32, #tpu.memory_space<vmem>>, vector<1x1x1x16xf32>,
        %get3A_831 = vector.shape_cast %get3A_830 : vector<1x1x1x16xf32> to vector<16xf32>
        %get3A_832 = arith.constant 3 : i32
        %get3A_833 = arith.index_cast %get3A_832 : i32 to index
        %get3A_834 = arith.constant 32 : index
        %get3A_835 = tpu.vector_load %arg7[%get3A_833, %get3A_834] {strides = array<i32>} : memref<16x128xf32, #tpu.memory_space<vmem>>, vector<1x16xf32>,
        %get3A_836 = vector.shape_cast %get3A_835 : vector<1x16xf32> to vector<16xf32>
        %add3A_837 = arith.addf %get3A_831, %get3A_836 : vector<16xf32>
        %swap3A_838 = arith.constant 1 : i32
        %swap3A_839 = arith.constant 3 : i32
        %swap3A_840 = arith.index_cast %swap3A_838 : i32 to index
        %swap3A_841 = arith.index_cast %scan3A_226 : i32 to index
        %swap3A_842 = arith.index_cast %swap3A_839 : i32 to index
        %swap3A_843 = arith.constant 32 : index
        %swap3A_844 = tpu.vector_load %arg6[%swap3A_840, %swap3A_841, %swap3A_842, %swap3A_843] {strides = array<i32>} : memref<2x8x10x128xf32, #tpu.memory_space<vmem>>, vector<1x1x1x16xf32>,
        %swap3A_845 = vector.shape_cast %swap3A_844 : vector<1x1x1x16xf32> to vector<16xf32>
        %swap3A_846 = vector.shape_cast %add3A_837 : vector<16xf32> to vector<1x1x1x16xf32>
        tpu.vector_store %arg6[%swap3A_840, %swap3A_841, %swap3A_842, %swap3A_843], %swap3A_846 {strides = array<i32>} : memref<2x8x10x128xf32, #tpu.memory_space<vmem>>, vector<1x1x1x16xf32>,
        %get3A_847 = arith.constant 1 : i32
        %get3A_848 = arith.constant 3 : i32
        %get3A_849 = arith.index_cast %get3A_847 : i32 to index
        %get3A_850 = arith.index_cast %scan3A_226 : i32 to index
        %get3A_851 = arith.index_cast %get3A_848 : i32 to index
        %get3A_852 = arith.constant 48 : index
        %get3A_853 = tpu.vector_load %arg5[%get3A_849, %get3A_850, %get3A_851, %get3A_852] {strides = array<i32>} : memref<2x8x10x128xf32, #tpu.memory_space<vmem>>, vector<1x1x1x16xf32>,
        %get3A_854 = vector.shape_cast %get3A_853 : vector<1x1x1x16xf32> to vector<16xf32>
        %get3A_855 = arith.constant 3 : i32
        %get3A_856 = arith.index_cast %get3A_855 : i32 to index
        %get3A_857 = arith.constant 48 : index
        %get3A_858 = tpu.vector_load %arg7[%get3A_856, %get3A_857] {strides = array<i32>} : memref<16x128xf32, #tpu.memory_space<vmem>>, vector<1x16xf32>,
        %get3A_859 = vector.shape_cast %get3A_858 : vector<1x16xf32> to vector<16xf32>
        %add3A_860 = arith.addf %get3A_854, %get3A_859 : vector<16xf32>
        %swap3A_861 = arith.constant 1 : i32
        %swap3A_862 = arith.constant 3 : i32
        %swap3A_863 = arith.index_cast %swap3A_861 : i32 to index
        %swap3A_864 = arith.index_cast %scan3A_226 : i32 to index
        %swap3A_865 = arith.index_cast %swap3A_862 : i32 to index
        %swap3A_866 = arith.constant 48 : index
        %swap3A_867 = tpu.vector_load %arg6[%swap3A_863, %swap3A_864, %swap3A_865, %swap3A_866] {strides = array<i32>} : memref<2x8x10x128xf32, #tpu.memory_space<vmem>>, vector<1x1x1x16xf32>,
        %swap3A_868 = vector.shape_cast %swap3A_867 : vector<1x1x1x16xf32> to vector<16xf32>
        %swap3A_869 = vector.shape_cast %add3A_860 : vector<16xf32> to vector<1x1x1x16xf32>
        tpu.vector_store %arg6[%swap3A_863, %swap3A_864, %swap3A_865, %swap3A_866], %swap3A_869 {strides = array<i32>} : memref<2x8x10x128xf32, #tpu.memory_space<vmem>>, vector<1x1x1x16xf32>,
        %get3A_870 = arith.constant 1 : i32
        %get3A_871 = arith.constant 3 : i32
        %get3A_872 = arith.index_cast %get3A_870 : i32 to index
        %get3A_873 = arith.index_cast %scan3A_226 : i32 to index
        %get3A_874 = arith.index_cast %get3A_871 : i32 to index
        %get3A_875 = arith.constant 64 : index
        %get3A_876 = tpu.vector_load %arg5[%get3A_872, %get3A_873, %get3A_874, %get3A_875] {strides = array<i32>} : memref<2x8x10x128xf32, #tpu.memory_space<vmem>>, vector<1x1x1x16xf32>,
        %get3A_877 = vector.shape_cast %get3A_876 : vector<1x1x1x16xf32> to vector<16xf32>
        %get3A_878 = arith.constant 3 : i32
        %get3A_879 = arith.index_cast %get3A_878 : i32 to index
        %get3A_880 = arith.constant 64 : index
        %get3A_881 = tpu.vector_load %arg7[%get3A_879, %get3A_880] {strides = array<i32>} : memref<16x128xf32, #tpu.memory_space<vmem>>, vector<1x16xf32>,
        %get3A_882 = vector.shape_cast %get3A_881 : vector<1x16xf32> to vector<16xf32>
        %add3A_883 = arith.addf %get3A_877, %get3A_882 : vector<16xf32>
        %swap3A_884 = arith.constant 1 : i32
        %swap3A_885 = arith.constant 3 : i32
        %swap3A_886 = arith.index_cast %swap3A_884 : i32 to index
        %swap3A_887 = arith.index_cast %scan3A_226 : i32 to index
        %swap3A_888 = arith.index_cast %swap3A_885 : i32 to index
        %swap3A_889 = arith.constant 64 : index
        %swap3A_890 = tpu.vector_load %arg6[%swap3A_886, %swap3A_887, %swap3A_888, %swap3A_889] {strides = array<i32>} : memref<2x8x10x128xf32, #tpu.memory_space<vmem>>, vector<1x1x1x16xf32>,
        %swap3A_891 = vector.shape_cast %swap3A_890 : vector<1x1x1x16xf32> to vector<16xf32>
        %swap3A_892 = vector.shape_cast %add3A_883 : vector<16xf32> to vector<1x1x1x16xf32>
        tpu.vector_store %arg6[%swap3A_886, %swap3A_887, %swap3A_888, %swap3A_889], %swap3A_892 {strides = array<i32>} : memref<2x8x10x128xf32, #tpu.memory_space<vmem>>, vector<1x1x1x16xf32>,
        %get3A_893 = arith.constant 1 : i32
        %get3A_894 = arith.constant 3 : i32
        %get3A_895 = arith.index_cast %get3A_893 : i32 to index
        %get3A_896 = arith.index_cast %scan3A_226 : i32 to index
        %get3A_897 = arith.index_cast %get3A_894 : i32 to index
        %get3A_898 = arith.constant 80 : index
        %get3A_899 = tpu.vector_load %arg5[%get3A_895, %get3A_896, %get3A_897, %get3A_898] {strides = array<i32>} : memref<2x8x10x128xf32, #tpu.memory_space<vmem>>, vector<1x1x1x16xf32>,
        %get3A_900 = vector.shape_cast %get3A_899 : vector<1x1x1x16xf32> to vector<16xf32>
        %get3A_901 = arith.constant 3 : i32
        %get3A_902 = arith.index_cast %get3A_901 : i32 to index
        %get3A_903 = arith.constant 80 : index
        %get3A_904 = tpu.vector_load %arg7[%get3A_902, %get3A_903] {strides = array<i32>} : memref<16x128xf32, #tpu.memory_space<vmem>>, vector<1x16xf32>,
        %get3A_905 = vector.shape_cast %get3A_904 : vector<1x16xf32> to vector<16xf32>
        %add3A_906 = arith.addf %get3A_900, %get3A_905 : vector<16xf32>
        %swap3A_907 = arith.constant 1 : i32
        %swap3A_908 = arith.constant 3 : i32
        %swap3A_909 = arith.index_cast %swap3A_907 : i32 to index
        %swap3A_910 = arith.index_cast %scan3A_226 : i32 to index
        %swap3A_911 = arith.index_cast %swap3A_908 : i32 to index
        %swap3A_912 = arith.constant 80 : index
        %swap3A_913 = tpu.vector_load %arg6[%swap3A_909, %swap3A_910, %swap3A_911, %swap3A_912] {strides = array<i32>} : memref<2x8x10x128xf32, #tpu.memory_space<vmem>>, vector<1x1x1x16xf32>,
        %swap3A_914 = vector.shape_cast %swap3A_913 : vector<1x1x1x16xf32> to vector<16xf32>
        %swap3A_915 = vector.shape_cast %add3A_906 : vector<16xf32> to vector<1x1x1x16xf32>
        tpu.vector_store %arg6[%swap3A_909, %swap3A_910, %swap3A_911, %swap3A_912], %swap3A_915 {strides = array<i32>} : memref<2x8x10x128xf32, #tpu.memory_space<vmem>>, vector<1x1x1x16xf32>,
        %get3A_916 = arith.constant 1 : i32
        %get3A_917 = arith.constant 3 : i32
        %get3A_918 = arith.index_cast %get3A_916 : i32 to index
        %get3A_919 = arith.index_cast %scan3A_226 : i32 to index
        %get3A_920 = arith.index_cast %get3A_917 : i32 to index
        %get3A_921 = arith.constant 96 : index
        %get3A_922 = tpu.vector_load %arg5[%get3A_918, %get3A_919, %get3A_920, %get3A_921] {strides = array<i32>} : memref<2x8x10x128xf32, #tpu.memory_space<vmem>>, vector<1x1x1x16xf32>,
        %get3A_923 = vector.shape_cast %get3A_922 : vector<1x1x1x16xf32> to vector<16xf32>
        %get3A_924 = arith.constant 3 : i32
        %get3A_925 = arith.index_cast %get3A_924 : i32 to index
        %get3A_926 = arith.constant 96 : index
        %get3A_927 = tpu.vector_load %arg7[%get3A_925, %get3A_926] {strides = array<i32>} : memref<16x128xf32, #tpu.memory_space<vmem>>, vector<1x16xf32>,
        %get3A_928 = vector.shape_cast %get3A_927 : vector<1x16xf32> to vector<16xf32>
        %add3A_929 = arith.addf %get3A_923, %get3A_928 : vector<16xf32>
        %swap3A_930 = arith.constant 1 : i32
        %swap3A_931 = arith.constant 3 : i32
        %swap3A_932 = arith.index_cast %swap3A_930 : i32 to index
        %swap3A_933 = arith.index_cast %scan3A_226 : i32 to index
        %swap3A_934 = arith.index_cast %swap3A_931 : i32 to index
        %swap3A_935 = arith.constant 96 : index
        %swap3A_936 = tpu.vector_load %arg6[%swap3A_932, %swap3A_933, %swap3A_934, %swap3A_935] {strides = array<i32>} : memref<2x8x10x128xf32, #tpu.memory_space<vmem>>, vector<1x1x1x16xf32>,
        %swap3A_937 = vector.shape_cast %swap3A_936 : vector<1x1x1x16xf32> to vector<16xf32>
        %swap3A_938 = vector.shape_cast %add3A_929 : vector<16xf32> to vector<1x1x1x16xf32>
        tpu.vector_store %arg6[%swap3A_932, %swap3A_933, %swap3A_934, %swap3A_935], %swap3A_938 {strides = array<i32>} : memref<2x8x10x128xf32, #tpu.memory_space<vmem>>, vector<1x1x1x16xf32>,
        %get3A_939 = arith.constant 1 : i32
        %get3A_940 = arith.constant 3 : i32
        %get3A_941 = arith.index_cast %get3A_939 : i32 to index
        %get3A_942 = arith.index_cast %scan3A_226 : i32 to index
        %get3A_943 = arith.index_cast %get3A_940 : i32 to index
        %get3A_944 = arith.constant 112 : index
        %get3A_945 = tpu.vector_load %arg5[%get3A_941, %get3A_942, %get3A_943, %get3A_944] {strides = array<i32>} : memref<2x8x10x128xf32, #tpu.memory_space<vmem>>, vector<1x1x1x16xf32>,
        %get3A_946 = vector.shape_cast %get3A_945 : vector<1x1x1x16xf32> to vector<16xf32>
        %get3A_947 = arith.constant 3 : i32
        %get3A_948 = arith.index_cast %get3A_947 : i32 to index
        %get3A_949 = arith.constant 112 : index
        %get3A_950 = tpu.vector_load %arg7[%get3A_948, %get3A_949] {strides = array<i32>} : memref<16x128xf32, #tpu.memory_space<vmem>>, vector<1x16xf32>,
        %get3A_951 = vector.shape_cast %get3A_950 : vector<1x16xf32> to vector<16xf32>
        %add3A_952 = arith.addf %get3A_946, %get3A_951 : vector<16xf32>
        %swap3A_953 = arith.constant 1 : i32
        %swap3A_954 = arith.constant 3 : i32
        %swap3A_955 = arith.index_cast %swap3A_953 : i32 to index
        %swap3A_956 = arith.index_cast %scan3A_226 : i32 to index
        %swap3A_957 = arith.index_cast %swap3A_954 : i32 to index
        %swap3A_958 = arith.constant 112 : index
        %swap3A_959 = tpu.vector_load %arg6[%swap3A_955, %swap3A_956, %swap3A_957, %swap3A_958] {strides = array<i32>} : memref<2x8x10x128xf32, #tpu.memory_space<vmem>>, vector<1x1x1x16xf32>,
        %swap3A_960 = vector.shape_cast %swap3A_959 : vector<1x1x1x16xf32> to vector<16xf32>
        %swap3A_961 = vector.shape_cast %add3A_952 : vector<16xf32> to vector<1x1x1x16xf32>
        tpu.vector_store %arg6[%swap3A_955, %swap3A_956, %swap3A_957, %swap3A_958], %swap3A_961 {strides = array<i32>} : memref<2x8x10x128xf32, #tpu.memory_space<vmem>>, vector<1x1x1x16xf32>,
        %get3A_962 = arith.constant 1 : i32
        %get3A_963 = arith.constant 4 : i32
        %get3A_964 = arith.index_cast %get3A_962 : i32 to index
        %get3A_965 = arith.index_cast %scan3A_226 : i32 to index
        %get3A_966 = arith.index_cast %get3A_963 : i32 to index
        %get3A_967 = arith.constant 0 : index
        %get3A_968 = tpu.vector_load %arg5[%get3A_964, %get3A_965, %get3A_966, %get3A_967] {strides = array<i32>} : memref<2x8x10x128xf32, #tpu.memory_space<vmem>>, vector<1x1x1x16xf32>,
        %get3A_969 = vector.shape_cast %get3A_968 : vector<1x1x1x16xf32> to vector<16xf32>
        %get3A_970 = arith.constant 4 : i32
        %get3A_971 = arith.index_cast %get3A_970 : i32 to index
        %get3A_972 = arith.constant 0 : index
        %get3A_973 = tpu.vector_load %arg7[%get3A_971, %get3A_972] {strides = array<i32>} : memref<16x128xf32, #tpu.memory_space<vmem>>, vector<1x16xf32>,
        %get3A_974 = vector.shape_cast %get3A_973 : vector<1x16xf32> to vector<16xf32>
        %add3A_975 = arith.addf %get3A_969, %get3A_974 : vector<16xf32>
        %swap3A_976 = arith.constant 1 : i32
        %swap3A_977 = arith.constant 4 : i32
        %swap3A_978 = arith.index_cast %swap3A_976 : i32 to index
        %swap3A_979 = arith.index_cast %scan3A_226 : i32 to index
        %swap3A_980 = arith.index_cast %swap3A_977 : i32 to index
        %swap3A_981 = arith.constant 0 : index
        %swap3A_982 = tpu.vector_load %arg6[%swap3A_978, %swap3A_979, %swap3A_980, %swap3A_981] {strides = array<i32>} : memref<2x8x10x128xf32, #tpu.memory_space<vmem>>, vector<1x1x1x16xf32>,
        %swap3A_983 = vector.shape_cast %swap3A_982 : vector<1x1x1x16xf32> to vector<16xf32>
        %swap3A_984 = vector.shape_cast %add3A_975 : vector<16xf32> to vector<1x1x1x16xf32>
        tpu.vector_store %arg6[%swap3A_978, %swap3A_979, %swap3A_980, %swap3A_981], %swap3A_984 {strides = array<i32>} : memref<2x8x10x128xf32, #tpu.memory_space<vmem>>, vector<1x1x1x16xf32>,
        %get3A_985 = arith.constant 1 : i32
        %get3A_986 = arith.constant 4 : i32
        %get3A_987 = arith.index_cast %get3A_985 : i32 to index
        %get3A_988 = arith.index_cast %scan3A_226 : i32 to index
        %get3A_989 = arith.index_cast %get3A_986 : i32 to index
        %get3A_990 = arith.constant 16 : index
        %get3A_991 = tpu.vector_load %arg5[%get3A_987, %get3A_988, %get3A_989, %get3A_990] {strides = array<i32>} : memref<2x8x10x128xf32, #tpu.memory_space<vmem>>, vector<1x1x1x16xf32>,
        %get3A_992 = vector.shape_cast %get3A_991 : vector<1x1x1x16xf32> to vector<16xf32>
        %get3A_993 = arith.constant 4 : i32
        %get3A_994 = arith.index_cast %get3A_993 : i32 to index
        %get3A_995 = arith.constant 16 : index
        %get3A_996 = tpu.vector_load %arg7[%get3A_994, %get3A_995] {strides = array<i32>} : memref<16x128xf32, #tpu.memory_space<vmem>>, vector<1x16xf32>,
        %get3A_997 = vector.shape_cast %get3A_996 : vector<1x16xf32> to vector<16xf32>
        %add3A_998 = arith.addf %get3A_992, %get3A_997 : vector<16xf32>
        %swap3A_999 = arith.constant 1 : i32
        %swap3A_1000 = arith.constant 4 : i32
        %swap3A_1001 = arith.index_cast %swap3A_999 : i32 to index
        %swap3A_1002 = arith.index_cast %scan3A_226 : i32 to index
        %swap3A_1003 = arith.index_cast %swap3A_1000 : i32 to index
        %swap3A_1004 = arith.constant 16 : index
        %swap3A_1005 = tpu.vector_load %arg6[%swap3A_1001, %swap3A_1002, %swap3A_1003, %swap3A_1004] {strides = array<i32>} : memref<2x8x10x128xf32, #tpu.memory_space<vmem>>, vector<1x1x1x16xf32>,
        %swap3A_1006 = vector.shape_cast %swap3A_1005 : vector<1x1x1x16xf32> to vector<16xf32>
        %swap3A_1007 = vector.shape_cast %add3A_998 : vector<16xf32> to vector<1x1x1x16xf32>
        tpu.vector_store %arg6[%swap3A_1001, %swap3A_1002, %swap3A_1003, %swap3A_1004], %swap3A_1007 {strides = array<i32>} : memref<2x8x10x128xf32, #tpu.memory_space<vmem>>, vector<1x1x1x16xf32>,
        %get3A_1008 = arith.constant 1 : i32
        %get3A_1009 = arith.constant 4 : i32
        %get3A_1010 = arith.index_cast %get3A_1008 : i32 to index
        %get3A_1011 = arith.index_cast %scan3A_226 : i32 to index
        %get3A_1012 = arith.index_cast %get3A_1009 : i32 to index
        %get3A_1013 = arith.constant 32 : index
        %get3A_1014 = tpu.vector_load %arg5[%get3A_1010, %get3A_1011, %get3A_1012, %get3A_1013] {strides = array<i32>} : memref<2x8x10x128xf32, #tpu.memory_space<vmem>>, vector<1x1x1x16xf32>,
        %get3A_1015 = vector.shape_cast %get3A_1014 : vector<1x1x1x16xf32> to vector<16xf32>
        %get3A_1016 = arith.constant 4 : i32
        %get3A_1017 = arith.index_cast %get3A_1016 : i32 to index
        %get3A_1018 = arith.constant 32 : index
        %get3A_1019 = tpu.vector_load %arg7[%get3A_1017, %get3A_1018] {strides = array<i32>} : memref<16x128xf32, #tpu.memory_space<vmem>>, vector<1x16xf32>,
        %get3A_1020 = vector.shape_cast %get3A_1019 : vector<1x16xf32> to vector<16xf32>
        %add3A_1021 = arith.addf %get3A_1015, %get3A_1020 : vector<16xf32>
        %swap3A_1022 = arith.constant 1 : i32
        %swap3A_1023 = arith.constant 4 : i32
        %swap3A_1024 = arith.index_cast %swap3A_1022 : i32 to index
        %swap3A_1025 = arith.index_cast %scan3A_226 : i32 to index
        %swap3A_1026 = arith.index_cast %swap3A_1023 : i32 to index
        %swap3A_1027 = arith.constant 32 : index
        %swap3A_1028 = tpu.vector_load %arg6[%swap3A_1024, %swap3A_1025, %swap3A_1026, %swap3A_1027] {strides = array<i32>} : memref<2x8x10x128xf32, #tpu.memory_space<vmem>>, vector<1x1x1x16xf32>,
        %swap3A_1029 = vector.shape_cast %swap3A_1028 : vector<1x1x1x16xf32> to vector<16xf32>
        %swap3A_1030 = vector.shape_cast %add3A_1021 : vector<16xf32> to vector<1x1x1x16xf32>
        tpu.vector_store %arg6[%swap3A_1024, %swap3A_1025, %swap3A_1026, %swap3A_1027], %swap3A_1030 {strides = array<i32>} : memref<2x8x10x128xf32, #tpu.memory_space<vmem>>, vector<1x1x1x16xf32>,
        %get3A_1031 = arith.constant 1 : i32
        %get3A_1032 = arith.constant 4 : i32
        %get3A_1033 = arith.index_cast %get3A_1031 : i32 to index
        %get3A_1034 = arith.index_cast %scan3A_226 : i32 to index
        %get3A_1035 = arith.index_cast %get3A_1032 : i32 to index
        %get3A_1036 = arith.constant 48 : index
        %get3A_1037 = tpu.vector_load %arg5[%get3A_1033, %get3A_1034, %get3A_1035, %get3A_1036] {strides = array<i32>} : memref<2x8x10x128xf32, #tpu.memory_space<vmem>>, vector<1x1x1x16xf32>,
        %get3A_1038 = vector.shape_cast %get3A_1037 : vector<1x1x1x16xf32> to vector<16xf32>
        %get3A_1039 = arith.constant 4 : i32
        %get3A_1040 = arith.index_cast %get3A_1039 : i32 to index
        %get3A_1041 = arith.constant 48 : index
        %get3A_1042 = tpu.vector_load %arg7[%get3A_1040, %get3A_1041] {strides = array<i32>} : memref<16x128xf32, #tpu.memory_space<vmem>>, vector<1x16xf32>,
        %get3A_1043 = vector.shape_cast %get3A_1042 : vector<1x16xf32> to vector<16xf32>
        %add3A_1044 = arith.addf %get3A_1038, %get3A_1043 : vector<16xf32>
        %swap3A_1045 = arith.constant 1 : i32
        %swap3A_1046 = arith.constant 4 : i32
        %swap3A_1047 = arith.index_cast %swap3A_1045 : i32 to index
        %swap3A_1048 = arith.index_cast %scan3A_226 : i32 to index
        %swap3A_1049 = arith.index_cast %swap3A_1046 : i32 to index
        %swap3A_1050 = arith.constant 48 : index
        %swap3A_1051 = tpu.vector_load %arg6[%swap3A_1047, %swap3A_1048, %swap3A_1049, %swap3A_1050] {strides = array<i32>} : memref<2x8x10x128xf32, #tpu.memory_space<vmem>>, vector<1x1x1x16xf32>,
        %swap3A_1052 = vector.shape_cast %swap3A_1051 : vector<1x1x1x16xf32> to vector<16xf32>
        %swap3A_1053 = vector.shape_cast %add3A_1044 : vector<16xf32> to vector<1x1x1x16xf32>
        tpu.vector_store %arg6[%swap3A_1047, %swap3A_1048, %swap3A_1049, %swap3A_1050], %swap3A_1053 {strides = array<i32>} : memref<2x8x10x128xf32, #tpu.memory_space<vmem>>, vector<1x1x1x16xf32>,
        %get3A_1054 = arith.constant 1 : i32
        %get3A_1055 = arith.constant 4 : i32
        %get3A_1056 = arith.index_cast %get3A_1054 : i32 to index
        %get3A_1057 = arith.index_cast %scan3A_226 : i32 to index
        %get3A_1058 = arith.index_cast %get3A_1055 : i32 to index
        %get3A_1059 = arith.constant 64 : index
        %get3A_1060 = tpu.vector_load %arg5[%get3A_1056, %get3A_1057, %get3A_1058, %get3A_1059] {strides = array<i32>} : memref<2x8x10x128xf32, #tpu.memory_space<vmem>>, vector<1x1x1x16xf32>,
        %get3A_1061 = vector.shape_cast %get3A_1060 : vector<1x1x1x16xf32> to vector<16xf32>
        %get3A_1062 = arith.constant 4 : i32
        %get3A_1063 = arith.index_cast %get3A_1062 : i32 to index
        %get3A_1064 = arith.constant 64 : index
        %get3A_1065 = tpu.vector_load %arg7[%get3A_1063, %get3A_1064] {strides = array<i32>} : memref<16x128xf32, #tpu.memory_space<vmem>>, vector<1x16xf32>,
        %get3A_1066 = vector.shape_cast %get3A_1065 : vector<1x16xf32> to vector<16xf32>
        %add3A_1067 = arith.addf %get3A_1061, %get3A_1066 : vector<16xf32>
        %swap3A_1068 = arith.constant 1 : i32
        %swap3A_1069 = arith.constant 4 : i32
        %swap3A_1070 = arith.index_cast %swap3A_1068 : i32 to index
        %swap3A_1071 = arith.index_cast %scan3A_226 : i32 to index
        %swap3A_1072 = arith.index_cast %swap3A_1069 : i32 to index
        %swap3A_1073 = arith.constant 64 : index
        %swap3A_1074 = tpu.vector_load %arg6[%swap3A_1070, %swap3A_1071, %swap3A_1072, %swap3A_1073] {strides = array<i32>} : memref<2x8x10x128xf32, #tpu.memory_space<vmem>>, vector<1x1x1x16xf32>,
        %swap3A_1075 = vector.shape_cast %swap3A_1074 : vector<1x1x1x16xf32> to vector<16xf32>
        %swap3A_1076 = vector.shape_cast %add3A_1067 : vector<16xf32> to vector<1x1x1x16xf32>
        tpu.vector_store %arg6[%swap3A_1070, %swap3A_1071, %swap3A_1072, %swap3A_1073], %swap3A_1076 {strides = array<i32>} : memref<2x8x10x128xf32, #tpu.memory_space<vmem>>, vector<1x1x1x16xf32>,
        %get3A_1077 = arith.constant 1 : i32
        %get3A_1078 = arith.constant 4 : i32
        %get3A_1079 = arith.index_cast %get3A_1077 : i32 to index
        %get3A_1080 = arith.index_cast %scan3A_226 : i32 to index
        %get3A_1081 = arith.index_cast %get3A_1078 : i32 to index
        %get3A_1082 = arith.constant 80 : index
        %get3A_1083 = tpu.vector_load %arg5[%get3A_1079, %get3A_1080, %get3A_1081, %get3A_1082] {strides = array<i32>} : memref<2x8x10x128xf32, #tpu.memory_space<vmem>>, vector<1x1x1x16xf32>,
        %get3A_1084 = vector.shape_cast %get3A_1083 : vector<1x1x1x16xf32> to vector<16xf32>
        %get3A_1085 = arith.constant 4 : i32
        %get3A_1086 = arith.index_cast %get3A_1085 : i32 to index
        %get3A_1087 = arith.constant 80 : index
        %get3A_1088 = tpu.vector_load %arg7[%get3A_1086, %get3A_1087] {strides = array<i32>} : memref<16x128xf32, #tpu.memory_space<vmem>>, vector<1x16xf32>,
        %get3A_1089 = vector.shape_cast %get3A_1088 : vector<1x16xf32> to vector<16xf32>
        %add3A_1090 = arith.addf %get3A_1084, %get3A_1089 : vector<16xf32>
        %swap3A_1091 = arith.constant 1 : i32
        %swap3A_1092 = arith.constant 4 : i32
        %swap3A_1093 = arith.index_cast %swap3A_1091 : i32 to index
        %swap3A_1094 = arith.index_cast %scan3A_226 : i32 to index
        %swap3A_1095 = arith.index_cast %swap3A_1092 : i32 to index
        %swap3A_1096 = arith.constant 80 : index
        %swap3A_1097 = tpu.vector_load %arg6[%swap3A_1093, %swap3A_1094, %swap3A_1095, %swap3A_1096] {strides = array<i32>} : memref<2x8x10x128xf32, #tpu.memory_space<vmem>>, vector<1x1x1x16xf32>,
        %swap3A_1098 = vector.shape_cast %swap3A_1097 : vector<1x1x1x16xf32> to vector<16xf32>
        %swap3A_1099 = vector.shape_cast %add3A_1090 : vector<16xf32> to vector<1x1x1x16xf32>
        tpu.vector_store %arg6[%swap3A_1093, %swap3A_1094, %swap3A_1095, %swap3A_1096], %swap3A_1099 {strides = array<i32>} : memref<2x8x10x128xf32, #tpu.memory_space<vmem>>, vector<1x1x1x16xf32>,
        %get3A_1100 = arith.constant 1 : i32
        %get3A_1101 = arith.constant 4 : i32
        %get3A_1102 = arith.index_cast %get3A_1100 : i32 to index
        %get3A_1103 = arith.index_cast %scan3A_226 : i32 to index
        %get3A_1104 = arith.index_cast %get3A_1101 : i32 to index
        %get3A_1105 = arith.constant 96 : index
        %get3A_1106 = tpu.vector_load %arg5[%get3A_1102, %get3A_1103, %get3A_1104, %get3A_1105] {strides = array<i32>} : memref<2x8x10x128xf32, #tpu.memory_space<vmem>>, vector<1x1x1x16xf32>,
        %get3A_1107 = vector.shape_cast %get3A_1106 : vector<1x1x1x16xf32> to vector<16xf32>
        %get3A_1108 = arith.constant 4 : i32
        %get3A_1109 = arith.index_cast %get3A_1108 : i32 to index
        %get3A_1110 = arith.constant 96 : index
        %get3A_1111 = tpu.vector_load %arg7[%get3A_1109, %get3A_1110] {strides = array<i32>} : memref<16x128xf32, #tpu.memory_space<vmem>>, vector<1x16xf32>,
        %get3A_1112 = vector.shape_cast %get3A_1111 : vector<1x16xf32> to vector<16xf32>
        %add3A_1113 = arith.addf %get3A_1107, %get3A_1112 : vector<16xf32>
        %swap3A_1114 = arith.constant 1 : i32
        %swap3A_1115 = arith.constant 4 : i32
        %swap3A_1116 = arith.index_cast %swap3A_1114 : i32 to index
        %swap3A_1117 = arith.index_cast %scan3A_226 : i32 to index
        %swap3A_1118 = arith.index_cast %swap3A_1115 : i32 to index
        %swap3A_1119 = arith.constant 96 : index
        %swap3A_1120 = tpu.vector_load %arg6[%swap3A_1116, %swap3A_1117, %swap3A_1118, %swap3A_1119] {strides = array<i32>} : memref<2x8x10x128xf32, #tpu.memory_space<vmem>>, vector<1x1x1x16xf32>,
        %swap3A_1121 = vector.shape_cast %swap3A_1120 : vector<1x1x1x16xf32> to vector<16xf32>
        %swap3A_1122 = vector.shape_cast %add3A_1113 : vector<16xf32> to vector<1x1x1x16xf32>
        tpu.vector_store %arg6[%swap3A_1116, %swap3A_1117, %swap3A_1118, %swap3A_1119], %swap3A_1122 {strides = array<i32>} : memref<2x8x10x128xf32, #tpu.memory_space<vmem>>, vector<1x1x1x16xf32>,
        %get3A_1123 = arith.constant 1 : i32
        %get3A_1124 = arith.constant 4 : i32
        %get3A_1125 = arith.index_cast %get3A_1123 : i32 to index
        %get3A_1126 = arith.index_cast %scan3A_226 : i32 to index
        %get3A_1127 = arith.index_cast %get3A_1124 : i32 to index
        %get3A_1128 = arith.constant 112 : index
        %get3A_1129 = tpu.vector_load %arg5[%get3A_1125, %get3A_1126, %get3A_1127, %get3A_1128] {strides = array<i32>} : memref<2x8x10x128xf32, #tpu.memory_space<vmem>>, vector<1x1x1x16xf32>,
        %get3A_1130 = vector.shape_cast %get3A_1129 : vector<1x1x1x16xf32> to vector<16xf32>
        %get3A_1131 = arith.constant 4 : i32
        %get3A_1132 = arith.index_cast %get3A_1131 : i32 to index
        %get3A_1133 = arith.constant 112 : index
        %get3A_1134 = tpu.vector_load %arg7[%get3A_1132, %get3A_1133] {strides = array<i32>} : memref<16x128xf32, #tpu.memory_space<vmem>>, vector<1x16xf32>,
        %get3A_1135 = vector.shape_cast %get3A_1134 : vector<1x16xf32> to vector<16xf32>
        %add3A_1136 = arith.addf %get3A_1130, %get3A_1135 : vector<16xf32>
        %swap3A_1137 = arith.constant 1 : i32
        %swap3A_1138 = arith.constant 4 : i32
        %swap3A_1139 = arith.index_cast %swap3A_1137 : i32 to index
        %swap3A_1140 = arith.index_cast %scan3A_226 : i32 to index
        %swap3A_1141 = arith.index_cast %swap3A_1138 : i32 to index
        %swap3A_1142 = arith.constant 112 : index
        %swap3A_1143 = tpu.vector_load %arg6[%swap3A_1139, %swap3A_1140, %swap3A_1141, %swap3A_1142] {strides = array<i32>} : memref<2x8x10x128xf32, #tpu.memory_space<vmem>>, vector<1x1x1x16xf32>,
        %swap3A_1144 = vector.shape_cast %swap3A_1143 : vector<1x1x1x16xf32> to vector<16xf32>
        %swap3A_1145 = vector.shape_cast %add3A_1136 : vector<16xf32> to vector<1x1x1x16xf32>
        tpu.vector_store %arg6[%swap3A_1139, %swap3A_1140, %swap3A_1141, %swap3A_1142], %swap3A_1145 {strides = array<i32>} : memref<2x8x10x128xf32, #tpu.memory_space<vmem>>, vector<1x1x1x16xf32>,
        %get3A_1146 = arith.constant 1 : i32
        %get3A_1147 = arith.constant 5 : i32
        %get3A_1148 = arith.index_cast %get3A_1146 : i32 to index
        %get3A_1149 = arith.index_cast %scan3A_226 : i32 to index
        %get3A_1150 = arith.index_cast %get3A_1147 : i32 to index
        %get3A_1151 = arith.constant 0 : index
        %get3A_1152 = tpu.vector_load %arg5[%get3A_1148, %get3A_1149, %get3A_1150, %get3A_1151] {strides = array<i32>} : memref<2x8x10x128xf32, #tpu.memory_space<vmem>>, vector<1x1x1x16xf32>,
        %get3A_1153 = vector.shape_cast %get3A_1152 : vector<1x1x1x16xf32> to vector<16xf32>
        %get3A_1154 = arith.constant 5 : i32
        %get3A_1155 = arith.index_cast %get3A_1154 : i32 to index
        %get3A_1156 = arith.constant 0 : index
        %get3A_1157 = tpu.vector_load %arg7[%get3A_1155, %get3A_1156] {strides = array<i32>} : memref<16x128xf32, #tpu.memory_space<vmem>>, vector<1x16xf32>,
        %get3A_1158 = vector.shape_cast %get3A_1157 : vector<1x16xf32> to vector<16xf32>
        %add3A_1159 = arith.addf %get3A_1153, %get3A_1158 : vector<16xf32>
        %swap3A_1160 = arith.constant 1 : i32
        %swap3A_1161 = arith.constant 5 : i32
        %swap3A_1162 = arith.index_cast %swap3A_1160 : i32 to index
        %swap3A_1163 = arith.index_cast %scan3A_226 : i32 to index
        %swap3A_1164 = arith.index_cast %swap3A_1161 : i32 to index
        %swap3A_1165 = arith.constant 0 : index
        %swap3A_1166 = tpu.vector_load %arg6[%swap3A_1162, %swap3A_1163, %swap3A_1164, %swap3A_1165] {strides = array<i32>} : memref<2x8x10x128xf32, #tpu.memory_space<vmem>>, vector<1x1x1x16xf32>,
        %swap3A_1167 = vector.shape_cast %swap3A_1166 : vector<1x1x1x16xf32> to vector<16xf32>
        %swap3A_1168 = vector.shape_cast %add3A_1159 : vector<16xf32> to vector<1x1x1x16xf32>
        tpu.vector_store %arg6[%swap3A_1162, %swap3A_1163, %swap3A_1164, %swap3A_1165], %swap3A_1168 {strides = array<i32>} : memref<2x8x10x128xf32, #tpu.memory_space<vmem>>, vector<1x1x1x16xf32>,
        %get3A_1169 = arith.constant 1 : i32
        %get3A_1170 = arith.constant 5 : i32
        %get3A_1171 = arith.index_cast %get3A_1169 : i32 to index
        %get3A_1172 = arith.index_cast %scan3A_226 : i32 to index
        %get3A_1173 = arith.index_cast %get3A_1170 : i32 to index
        %get3A_1174 = arith.constant 16 : index
        %get3A_1175 = tpu.vector_load %arg5[%get3A_1171, %get3A_1172, %get3A_1173, %get3A_1174] {strides = array<i32>} : memref<2x8x10x128xf32, #tpu.memory_space<vmem>>, vector<1x1x1x16xf32>,
        %get3A_1176 = vector.shape_cast %get3A_1175 : vector<1x1x1x16xf32> to vector<16xf32>
        %get3A_1177 = arith.constant 5 : i32
        %get3A_1178 = arith.index_cast %get3A_1177 : i32 to index
        %get3A_1179 = arith.constant 16 : index
        %get3A_1180 = tpu.vector_load %arg7[%get3A_1178, %get3A_1179] {strides = array<i32>} : memref<16x128xf32, #tpu.memory_space<vmem>>, vector<1x16xf32>,
        %get3A_1181 = vector.shape_cast %get3A_1180 : vector<1x16xf32> to vector<16xf32>
        %add3A_1182 = arith.addf %get3A_1176, %get3A_1181 : vector<16xf32>
        %swap3A_1183 = arith.constant 1 : i32
        %swap3A_1184 = arith.constant 5 : i32
        %swap3A_1185 = arith.index_cast %swap3A_1183 : i32 to index
        %swap3A_1186 = arith.index_cast %scan3A_226 : i32 to index
        %swap3A_1187 = arith.index_cast %swap3A_1184 : i32 to index
        %swap3A_1188 = arith.constant 16 : index
        %swap3A_1189 = tpu.vector_load %arg6[%swap3A_1185, %swap3A_1186, %swap3A_1187, %swap3A_1188] {strides = array<i32>} : memref<2x8x10x128xf32, #tpu.memory_space<vmem>>, vector<1x1x1x16xf32>,
        %swap3A_1190 = vector.shape_cast %swap3A_1189 : vector<1x1x1x16xf32> to vector<16xf32>
        %swap3A_1191 = vector.shape_cast %add3A_1182 : vector<16xf32> to vector<1x1x1x16xf32>
        tpu.vector_store %arg6[%swap3A_1185, %swap3A_1186, %swap3A_1187, %swap3A_1188], %swap3A_1191 {strides = array<i32>} : memref<2x8x10x128xf32, #tpu.memory_space<vmem>>, vector<1x1x1x16xf32>,
        %get3A_1192 = arith.constant 1 : i32
        %get3A_1193 = arith.constant 5 : i32
        %get3A_1194 = arith.index_cast %get3A_1192 : i32 to index
        %get3A_1195 = arith.index_cast %scan3A_226 : i32 to index
        %get3A_1196 = arith.index_cast %get3A_1193 : i32 to index
        %get3A_1197 = arith.constant 32 : index
        %get3A_1198 = tpu.vector_load %arg5[%get3A_1194, %get3A_1195, %get3A_1196, %get3A_1197] {strides = array<i32>} : memref<2x8x10x128xf32, #tpu.memory_space<vmem>>, vector<1x1x1x16xf32>,
        %get3A_1199 = vector.shape_cast %get3A_1198 : vector<1x1x1x16xf32> to vector<16xf32>
        %get3A_1200 = arith.constant 5 : i32
        %get3A_1201 = arith.index_cast %get3A_1200 : i32 to index
        %get3A_1202 = arith.constant 32 : index
        %get3A_1203 = tpu.vector_load %arg7[%get3A_1201, %get3A_1202] {strides = array<i32>} : memref<16x128xf32, #tpu.memory_space<vmem>>, vector<1x16xf32>,
        %get3A_1204 = vector.shape_cast %get3A_1203 : vector<1x16xf32> to vector<16xf32>
        %add3A_1205 = arith.addf %get3A_1199, %get3A_1204 : vector<16xf32>
        %swap3A_1206 = arith.constant 1 : i32
        %swap3A_1207 = arith.constant 5 : i32
        %swap3A_1208 = arith.index_cast %swap3A_1206 : i32 to index
        %swap3A_1209 = arith.index_cast %scan3A_226 : i32 to index
        %swap3A_1210 = arith.index_cast %swap3A_1207 : i32 to index
        %swap3A_1211 = arith.constant 32 : index
        %swap3A_1212 = tpu.vector_load %arg6[%swap3A_1208, %swap3A_1209, %swap3A_1210, %swap3A_1211] {strides = array<i32>} : memref<2x8x10x128xf32, #tpu.memory_space<vmem>>, vector<1x1x1x16xf32>,
        %swap3A_1213 = vector.shape_cast %swap3A_1212 : vector<1x1x1x16xf32> to vector<16xf32>
        %swap3A_1214 = vector.shape_cast %add3A_1205 : vector<16xf32> to vector<1x1x1x16xf32>
        tpu.vector_store %arg6[%swap3A_1208, %swap3A_1209, %swap3A_1210, %swap3A_1211], %swap3A_1214 {strides = array<i32>} : memref<2x8x10x128xf32, #tpu.memory_space<vmem>>, vector<1x1x1x16xf32>,
        %get3A_1215 = arith.constant 1 : i32
        %get3A_1216 = arith.constant 5 : i32
        %get3A_1217 = arith.index_cast %get3A_1215 : i32 to index
        %get3A_1218 = arith.index_cast %scan3A_226 : i32 to index
        %get3A_1219 = arith.index_cast %get3A_1216 : i32 to index
        %get3A_1220 = arith.constant 48 : index
        %get3A_1221 = tpu.vector_load %arg5[%get3A_1217, %get3A_1218, %get3A_1219, %get3A_1220] {strides = array<i32>} : memref<2x8x10x128xf32, #tpu.memory_space<vmem>>, vector<1x1x1x16xf32>,
        %get3A_1222 = vector.shape_cast %get3A_1221 : vector<1x1x1x16xf32> to vector<16xf32>
        %get3A_1223 = arith.constant 5 : i32
        %get3A_1224 = arith.index_cast %get3A_1223 : i32 to index
        %get3A_1225 = arith.constant 48 : index
        %get3A_1226 = tpu.vector_load %arg7[%get3A_1224, %get3A_1225] {strides = array<i32>} : memref<16x128xf32, #tpu.memory_space<vmem>>, vector<1x16xf32>,
        %get3A_1227 = vector.shape_cast %get3A_1226 : vector<1x16xf32> to vector<16xf32>
        %add3A_1228 = arith.addf %get3A_1222, %get3A_1227 : vector<16xf32>
        %swap3A_1229 = arith.constant 1 : i32
        %swap3A_1230 = arith.constant 5 : i32
        %swap3A_1231 = arith.index_cast %swap3A_1229 : i32 to index
        %swap3A_1232 = arith.index_cast %scan3A_226 : i32 to index
        %swap3A_1233 = arith.index_cast %swap3A_1230 : i32 to index
        %swap3A_1234 = arith.constant 48 : index
        %swap3A_1235 = tpu.vector_load %arg6[%swap3A_1231, %swap3A_1232, %swap3A_1233, %swap3A_1234] {strides = array<i32>} : memref<2x8x10x128xf32, #tpu.memory_space<vmem>>, vector<1x1x1x16xf32>,
        %swap3A_1236 = vector.shape_cast %swap3A_1235 : vector<1x1x1x16xf32> to vector<16xf32>
        %swap3A_1237 = vector.shape_cast %add3A_1228 : vector<16xf32> to vector<1x1x1x16xf32>
        tpu.vector_store %arg6[%swap3A_1231, %swap3A_1232, %swap3A_1233, %swap3A_1234], %swap3A_1237 {strides = array<i32>} : memref<2x8x10x128xf32, #tpu.memory_space<vmem>>, vector<1x1x1x16xf32>,
        %get3A_1238 = arith.constant 1 : i32
        %get3A_1239 = arith.constant 5 : i32
        %get3A_1240 = arith.index_cast %get3A_1238 : i32 to index
        %get3A_1241 = arith.index_cast %scan3A_226 : i32 to index
        %get3A_1242 = arith.index_cast %get3A_1239 : i32 to index
        %get3A_1243 = arith.constant 64 : index
        %get3A_1244 = tpu.vector_load %arg5[%get3A_1240, %get3A_1241, %get3A_1242, %get3A_1243] {strides = array<i32>} : memref<2x8x10x128xf32, #tpu.memory_space<vmem>>, vector<1x1x1x16xf32>,
        %get3A_1245 = vector.shape_cast %get3A_1244 : vector<1x1x1x16xf32> to vector<16xf32>
        %get3A_1246 = arith.constant 5 : i32
        %get3A_1247 = arith.index_cast %get3A_1246 : i32 to index
        %get3A_1248 = arith.constant 64 : index
        %get3A_1249 = tpu.vector_load %arg7[%get3A_1247, %get3A_1248] {strides = array<i32>} : memref<16x128xf32, #tpu.memory_space<vmem>>, vector<1x16xf32>,
        %get3A_1250 = vector.shape_cast %get3A_1249 : vector<1x16xf32> to vector<16xf32>
        %add3A_1251 = arith.addf %get3A_1245, %get3A_1250 : vector<16xf32>
        %swap3A_1252 = arith.constant 1 : i32
        %swap3A_1253 = arith.constant 5 : i32
        %swap3A_1254 = arith.index_cast %swap3A_1252 : i32 to index
        %swap3A_1255 = arith.index_cast %scan3A_226 : i32 to index
        %swap3A_1256 = arith.index_cast %swap3A_1253 : i32 to index
        %swap3A_1257 = arith.constant 64 : index
        %swap3A_1258 = tpu.vector_load %arg6[%swap3A_1254, %swap3A_1255, %swap3A_1256, %swap3A_1257] {strides = array<i32>} : memref<2x8x10x128xf32, #tpu.memory_space<vmem>>, vector<1x1x1x16xf32>,
        %swap3A_1259 = vector.shape_cast %swap3A_1258 : vector<1x1x1x16xf32> to vector<16xf32>
        %swap3A_1260 = vector.shape_cast %add3A_1251 : vector<16xf32> to vector<1x1x1x16xf32>
        tpu.vector_store %arg6[%swap3A_1254, %swap3A_1255, %swap3A_1256, %swap3A_1257], %swap3A_1260 {strides = array<i32>} : memref<2x8x10x128xf32, #tpu.memory_space<vmem>>, vector<1x1x1x16xf32>,
        %get3A_1261 = arith.constant 1 : i32
        %get3A_1262 = arith.constant 5 : i32
        %get3A_1263 = arith.index_cast %get3A_1261 : i32 to index
        %get3A_1264 = arith.index_cast %scan3A_226 : i32 to index
        %get3A_1265 = arith.index_cast %get3A_1262 : i32 to index
        %get3A_1266 = arith.constant 80 : index
        %get3A_1267 = tpu.vector_load %arg5[%get3A_1263, %get3A_1264, %get3A_1265, %get3A_1266] {strides = array<i32>} : memref<2x8x10x128xf32, #tpu.memory_space<vmem>>, vector<1x1x1x16xf32>,
        %get3A_1268 = vector.shape_cast %get3A_1267 : vector<1x1x1x16xf32> to vector<16xf32>
        %get3A_1269 = arith.constant 5 : i32
        %get3A_1270 = arith.index_cast %get3A_1269 : i32 to index
        %get3A_1271 = arith.constant 80 : index
        %get3A_1272 = tpu.vector_load %arg7[%get3A_1270, %get3A_1271] {strides = array<i32>} : memref<16x128xf32, #tpu.memory_space<vmem>>, vector<1x16xf32>,
        %get3A_1273 = vector.shape_cast %get3A_1272 : vector<1x16xf32> to vector<16xf32>
        %add3A_1274 = arith.addf %get3A_1268, %get3A_1273 : vector<16xf32>
        %swap3A_1275 = arith.constant 1 : i32
        %swap3A_1276 = arith.constant 5 : i32
        %swap3A_1277 = arith.index_cast %swap3A_1275 : i32 to index
        %swap3A_1278 = arith.index_cast %scan3A_226 : i32 to index
        %swap3A_1279 = arith.index_cast %swap3A_1276 : i32 to index
        %swap3A_1280 = arith.constant 80 : index
        %swap3A_1281 = tpu.vector_load %arg6[%swap3A_1277, %swap3A_1278, %swap3A_1279, %swap3A_1280] {strides = array<i32>} : memref<2x8x10x128xf32, #tpu.memory_space<vmem>>, vector<1x1x1x16xf32>,
        %swap3A_1282 = vector.shape_cast %swap3A_1281 : vector<1x1x1x16xf32> to vector<16xf32>
        %swap3A_1283 = vector.shape_cast %add3A_1274 : vector<16xf32> to vector<1x1x1x16xf32>
        tpu.vector_store %arg6[%swap3A_1277, %swap3A_1278, %swap3A_1279, %swap3A_1280], %swap3A_1283 {strides = array<i32>} : memref<2x8x10x128xf32, #tpu.memory_space<vmem>>, vector<1x1x1x16xf32>,
        %get3A_1284 = arith.constant 1 : i32
        %get3A_1285 = arith.constant 5 : i32
        %get3A_1286 = arith.index_cast %get3A_1284 : i32 to index
        %get3A_1287 = arith.index_cast %scan3A_226 : i32 to index
        %get3A_1288 = arith.index_cast %get3A_1285 : i32 to index
        %get3A_1289 = arith.constant 96 : index
        %get3A_1290 = tpu.vector_load %arg5[%get3A_1286, %get3A_1287, %get3A_1288, %get3A_1289] {strides = array<i32>} : memref<2x8x10x128xf32, #tpu.memory_space<vmem>>, vector<1x1x1x16xf32>,
        %get3A_1291 = vector.shape_cast %get3A_1290 : vector<1x1x1x16xf32> to vector<16xf32>
        %get3A_1292 = arith.constant 5 : i32
        %get3A_1293 = arith.index_cast %get3A_1292 : i32 to index
        %get3A_1294 = arith.constant 96 : index
        %get3A_1295 = tpu.vector_load %arg7[%get3A_1293, %get3A_1294] {strides = array<i32>} : memref<16x128xf32, #tpu.memory_space<vmem>>, vector<1x16xf32>,
        %get3A_1296 = vector.shape_cast %get3A_1295 : vector<1x16xf32> to vector<16xf32>
        %add3A_1297 = arith.addf %get3A_1291, %get3A_1296 : vector<16xf32>
        %swap3A_1298 = arith.constant 1 : i32
        %swap3A_1299 = arith.constant 5 : i32
        %swap3A_1300 = arith.index_cast %swap3A_1298 : i32 to index
        %swap3A_1301 = arith.index_cast %scan3A_226 : i32 to index
        %swap3A_1302 = arith.index_cast %swap3A_1299 : i32 to index
        %swap3A_1303 = arith.constant 96 : index
        %swap3A_1304 = tpu.vector_load %arg6[%swap3A_1300, %swap3A_1301, %swap3A_1302, %swap3A_1303] {strides = array<i32>} : memref<2x8x10x128xf32, #tpu.memory_space<vmem>>, vector<1x1x1x16xf32>,
        %swap3A_1305 = vector.shape_cast %swap3A_1304 : vector<1x1x1x16xf32> to vector<16xf32>
        %swap3A_1306 = vector.shape_cast %add3A_1297 : vector<16xf32> to vector<1x1x1x16xf32>
        tpu.vector_store %arg6[%swap3A_1300, %swap3A_1301, %swap3A_1302, %swap3A_1303], %swap3A_1306 {strides = array<i32>} : memref<2x8x10x128xf32, #tpu.memory_space<vmem>>, vector<1x1x1x16xf32>,
        %get3A_1307 = arith.constant 1 : i32
        %get3A_1308 = arith.constant 5 : i32
        %get3A_1309 = arith.index_cast %get3A_1307 : i32 to index
        %get3A_1310 = arith.index_cast %scan3A_226 : i32 to index
        %get3A_1311 = arith.index_cast %get3A_1308 : i32 to index
        %get3A_1312 = arith.constant 112 : index
        %get3A_1313 = tpu.vector_load %arg5[%get3A_1309, %get3A_1310, %get3A_1311, %get3A_1312] {strides = array<i32>} : memref<2x8x10x128xf32, #tpu.memory_space<vmem>>, vector<1x1x1x16xf32>,
        %get3A_1314 = vector.shape_cast %get3A_1313 : vector<1x1x1x16xf32> to vector<16xf32>
        %get3A_1315 = arith.constant 5 : i32
        %get3A_1316 = arith.index_cast %get3A_1315 : i32 to index
        %get3A_1317 = arith.constant 112 : index
        %get3A_1318 = tpu.vector_load %arg7[%get3A_1316, %get3A_1317] {strides = array<i32>} : memref<16x128xf32, #tpu.memory_space<vmem>>, vector<1x16xf32>,
        %get3A_1319 = vector.shape_cast %get3A_1318 : vector<1x16xf32> to vector<16xf32>
        %add3A_1320 = arith.addf %get3A_1314, %get3A_1319 : vector<16xf32>
        %swap3A_1321 = arith.constant 1 : i32
        %swap3A_1322 = arith.constant 5 : i32
        %swap3A_1323 = arith.index_cast %swap3A_1321 : i32 to index
        %swap3A_1324 = arith.index_cast %scan3A_226 : i32 to index
        %swap3A_1325 = arith.index_cast %swap3A_1322 : i32 to index
        %swap3A_1326 = arith.constant 112 : index
        %swap3A_1327 = tpu.vector_load %arg6[%swap3A_1323, %swap3A_1324, %swap3A_1325, %swap3A_1326] {strides = array<i32>} : memref<2x8x10x128xf32, #tpu.memory_space<vmem>>, vector<1x1x1x16xf32>,
        %swap3A_1328 = vector.shape_cast %swap3A_1327 : vector<1x1x1x16xf32> to vector<16xf32>
        %swap3A_1329 = vector.shape_cast %add3A_1320 : vector<16xf32> to vector<1x1x1x16xf32>
        tpu.vector_store %arg6[%swap3A_1323, %swap3A_1324, %swap3A_1325, %swap3A_1326], %swap3A_1329 {strides = array<i32>} : memref<2x8x10x128xf32, #tpu.memory_space<vmem>>, vector<1x1x1x16xf32>,
        %get3A_1330 = arith.constant 1 : i32
        %get3A_1331 = arith.constant 6 : i32
        %get3A_1332 = arith.index_cast %get3A_1330 : i32 to index
        %get3A_1333 = arith.index_cast %scan3A_226 : i32 to index
        %get3A_1334 = arith.index_cast %get3A_1331 : i32 to index
        %get3A_1335 = arith.constant 0 : index
        %get3A_1336 = tpu.vector_load %arg5[%get3A_1332, %get3A_1333, %get3A_1334, %get3A_1335] {strides = array<i32>} : memref<2x8x10x128xf32, #tpu.memory_space<vmem>>, vector<1x1x1x16xf32>,
        %get3A_1337 = vector.shape_cast %get3A_1336 : vector<1x1x1x16xf32> to vector<16xf32>
        %get3A_1338 = arith.constant 6 : i32
        %get3A_1339 = arith.index_cast %get3A_1338 : i32 to index
        %get3A_1340 = arith.constant 0 : index
        %get3A_1341 = tpu.vector_load %arg7[%get3A_1339, %get3A_1340] {strides = array<i32>} : memref<16x128xf32, #tpu.memory_space<vmem>>, vector<1x16xf32>,
        %get3A_1342 = vector.shape_cast %get3A_1341 : vector<1x16xf32> to vector<16xf32>
        %add3A_1343 = arith.addf %get3A_1337, %get3A_1342 : vector<16xf32>
        %swap3A_1344 = arith.constant 1 : i32
        %swap3A_1345 = arith.constant 6 : i32
        %swap3A_1346 = arith.index_cast %swap3A_1344 : i32 to index
        %swap3A_1347 = arith.index_cast %scan3A_226 : i32 to index
        %swap3A_1348 = arith.index_cast %swap3A_1345 : i32 to index
        %swap3A_1349 = arith.constant 0 : index
        %swap3A_1350 = tpu.vector_load %arg6[%swap3A_1346, %swap3A_1347, %swap3A_1348, %swap3A_1349] {strides = array<i32>} : memref<2x8x10x128xf32, #tpu.memory_space<vmem>>, vector<1x1x1x16xf32>,
        %swap3A_1351 = vector.shape_cast %swap3A_1350 : vector<1x1x1x16xf32> to vector<16xf32>
        %swap3A_1352 = vector.shape_cast %add3A_1343 : vector<16xf32> to vector<1x1x1x16xf32>
        tpu.vector_store %arg6[%swap3A_1346, %swap3A_1347, %swap3A_1348, %swap3A_1349], %swap3A_1352 {strides = array<i32>} : memref<2x8x10x128xf32, #tpu.memory_space<vmem>>, vector<1x1x1x16xf32>,
        %get3A_1353 = arith.constant 1 : i32
        %get3A_1354 = arith.constant 6 : i32
        %get3A_1355 = arith.index_cast %get3A_1353 : i32 to index
        %get3A_1356 = arith.index_cast %scan3A_226 : i32 to index
        %get3A_1357 = arith.index_cast %get3A_1354 : i32 to index
        %get3A_1358 = arith.constant 16 : index
        %get3A_1359 = tpu.vector_load %arg5[%get3A_1355, %get3A_1356, %get3A_1357, %get3A_1358] {strides = array<i32>} : memref<2x8x10x128xf32, #tpu.memory_space<vmem>>, vector<1x1x1x16xf32>,
        %get3A_1360 = vector.shape_cast %get3A_1359 : vector<1x1x1x16xf32> to vector<16xf32>
        %get3A_1361 = arith.constant 6 : i32
        %get3A_1362 = arith.index_cast %get3A_1361 : i32 to index
        %get3A_1363 = arith.constant 16 : index
        %get3A_1364 = tpu.vector_load %arg7[%get3A_1362, %get3A_1363] {strides = array<i32>} : memref<16x128xf32, #tpu.memory_space<vmem>>, vector<1x16xf32>,
        %get3A_1365 = vector.shape_cast %get3A_1364 : vector<1x16xf32> to vector<16xf32>
        %add3A_1366 = arith.addf %get3A_1360, %get3A_1365 : vector<16xf32>
        %swap3A_1367 = arith.constant 1 : i32
        %swap3A_1368 = arith.constant 6 : i32
        %swap3A_1369 = arith.index_cast %swap3A_1367 : i32 to index
        %swap3A_1370 = arith.index_cast %scan3A_226 : i32 to index
        %swap3A_1371 = arith.index_cast %swap3A_1368 : i32 to index
        %swap3A_1372 = arith.constant 16 : index
        %swap3A_1373 = tpu.vector_load %arg6[%swap3A_1369, %swap3A_1370, %swap3A_1371, %swap3A_1372] {strides = array<i32>} : memref<2x8x10x128xf32, #tpu.memory_space<vmem>>, vector<1x1x1x16xf32>,
        %swap3A_1374 = vector.shape_cast %swap3A_1373 : vector<1x1x1x16xf32> to vector<16xf32>
        %swap3A_1375 = vector.shape_cast %add3A_1366 : vector<16xf32> to vector<1x1x1x16xf32>
        tpu.vector_store %arg6[%swap3A_1369, %swap3A_1370, %swap3A_1371, %swap3A_1372], %swap3A_1375 {strides = array<i32>} : memref<2x8x10x128xf32, #tpu.memory_space<vmem>>, vector<1x1x1x16xf32>,
        %get3A_1376 = arith.constant 1 : i32
        %get3A_1377 = arith.constant 6 : i32
        %get3A_1378 = arith.index_cast %get3A_1376 : i32 to index
        %get3A_1379 = arith.index_cast %scan3A_226 : i32 to index
        %get3A_1380 = arith.index_cast %get3A_1377 : i32 to index
        %get3A_1381 = arith.constant 32 : index
        %get3A_1382 = tpu.vector_load %arg5[%get3A_1378, %get3A_1379, %get3A_1380, %get3A_1381] {strides = array<i32>} : memref<2x8x10x128xf32, #tpu.memory_space<vmem>>, vector<1x1x1x16xf32>,
        %get3A_1383 = vector.shape_cast %get3A_1382 : vector<1x1x1x16xf32> to vector<16xf32>
        %get3A_1384 = arith.constant 6 : i32
        %get3A_1385 = arith.index_cast %get3A_1384 : i32 to index
        %get3A_1386 = arith.constant 32 : index
        %get3A_1387 = tpu.vector_load %arg7[%get3A_1385, %get3A_1386] {strides = array<i32>} : memref<16x128xf32, #tpu.memory_space<vmem>>, vector<1x16xf32>,
        %get3A_1388 = vector.shape_cast %get3A_1387 : vector<1x16xf32> to vector<16xf32>
        %add3A_1389 = arith.addf %get3A_1383, %get3A_1388 : vector<16xf32>
        %swap3A_1390 = arith.constant 1 : i32
        %swap3A_1391 = arith.constant 6 : i32
        %swap3A_1392 = arith.index_cast %swap3A_1390 : i32 to index
        %swap3A_1393 = arith.index_cast %scan3A_226 : i32 to index
        %swap3A_1394 = arith.index_cast %swap3A_1391 : i32 to index
        %swap3A_1395 = arith.constant 32 : index
        %swap3A_1396 = tpu.vector_load %arg6[%swap3A_1392, %swap3A_1393, %swap3A_1394, %swap3A_1395] {strides = array<i32>} : memref<2x8x10x128xf32, #tpu.memory_space<vmem>>, vector<1x1x1x16xf32>,
        %swap3A_1397 = vector.shape_cast %swap3A_1396 : vector<1x1x1x16xf32> to vector<16xf32>
        %swap3A_1398 = vector.shape_cast %add3A_1389 : vector<16xf32> to vector<1x1x1x16xf32>
        tpu.vector_store %arg6[%swap3A_1392, %swap3A_1393, %swap3A_1394, %swap3A_1395], %swap3A_1398 {strides = array<i32>} : memref<2x8x10x128xf32, #tpu.memory_space<vmem>>, vector<1x1x1x16xf32>,
        %get3A_1399 = arith.constant 1 : i32
        %get3A_1400 = arith.constant 6 : i32
        %get3A_1401 = arith.index_cast %get3A_1399 : i32 to index
        %get3A_1402 = arith.index_cast %scan3A_226 : i32 to index
        %get3A_1403 = arith.index_cast %get3A_1400 : i32 to index
        %get3A_1404 = arith.constant 48 : index
        %get3A_1405 = tpu.vector_load %arg5[%get3A_1401, %get3A_1402, %get3A_1403, %get3A_1404] {strides = array<i32>} : memref<2x8x10x128xf32, #tpu.memory_space<vmem>>, vector<1x1x1x16xf32>,
        %get3A_1406 = vector.shape_cast %get3A_1405 : vector<1x1x1x16xf32> to vector<16xf32>
        %get3A_1407 = arith.constant 6 : i32
        %get3A_1408 = arith.index_cast %get3A_1407 : i32 to index
        %get3A_1409 = arith.constant 48 : index
        %get3A_1410 = tpu.vector_load %arg7[%get3A_1408, %get3A_1409] {strides = array<i32>} : memref<16x128xf32, #tpu.memory_space<vmem>>, vector<1x16xf32>,
        %get3A_1411 = vector.shape_cast %get3A_1410 : vector<1x16xf32> to vector<16xf32>
        %add3A_1412 = arith.addf %get3A_1406, %get3A_1411 : vector<16xf32>
        %swap3A_1413 = arith.constant 1 : i32
        %swap3A_1414 = arith.constant 6 : i32
        %swap3A_1415 = arith.index_cast %swap3A_1413 : i32 to index
        %swap3A_1416 = arith.index_cast %scan3A_226 : i32 to index
        %swap3A_1417 = arith.index_cast %swap3A_1414 : i32 to index
        %swap3A_1418 = arith.constant 48 : index
        %swap3A_1419 = tpu.vector_load %arg6[%swap3A_1415, %swap3A_1416, %swap3A_1417, %swap3A_1418] {strides = array<i32>} : memref<2x8x10x128xf32, #tpu.memory_space<vmem>>, vector<1x1x1x16xf32>,
        %swap3A_1420 = vector.shape_cast %swap3A_1419 : vector<1x1x1x16xf32> to vector<16xf32>
        %swap3A_1421 = vector.shape_cast %add3A_1412 : vector<16xf32> to vector<1x1x1x16xf32>
        tpu.vector_store %arg6[%swap3A_1415, %swap3A_1416, %swap3A_1417, %swap3A_1418], %swap3A_1421 {strides = array<i32>} : memref<2x8x10x128xf32, #tpu.memory_space<vmem>>, vector<1x1x1x16xf32>,
        %get3A_1422 = arith.constant 1 : i32
        %get3A_1423 = arith.constant 6 : i32
        %get3A_1424 = arith.index_cast %get3A_1422 : i32 to index
        %get3A_1425 = arith.index_cast %scan3A_226 : i32 to index
        %get3A_1426 = arith.index_cast %get3A_1423 : i32 to index
        %get3A_1427 = arith.constant 64 : index
        %get3A_1428 = tpu.vector_load %arg5[%get3A_1424, %get3A_1425, %get3A_1426, %get3A_1427] {strides = array<i32>} : memref<2x8x10x128xf32, #tpu.memory_space<vmem>>, vector<1x1x1x16xf32>,
        %get3A_1429 = vector.shape_cast %get3A_1428 : vector<1x1x1x16xf32> to vector<16xf32>
        %get3A_1430 = arith.constant 6 : i32
        %get3A_1431 = arith.index_cast %get3A_1430 : i32 to index
        %get3A_1432 = arith.constant 64 : index
        %get3A_1433 = tpu.vector_load %arg7[%get3A_1431, %get3A_1432] {strides = array<i32>} : memref<16x128xf32, #tpu.memory_space<vmem>>, vector<1x16xf32>,
        %get3A_1434 = vector.shape_cast %get3A_1433 : vector<1x16xf32> to vector<16xf32>
        %add3A_1435 = arith.addf %get3A_1429, %get3A_1434 : vector<16xf32>
        %swap3A_1436 = arith.constant 1 : i32
        %swap3A_1437 = arith.constant 6 : i32
        %swap3A_1438 = arith.index_cast %swap3A_1436 : i32 to index
        %swap3A_1439 = arith.index_cast %scan3A_226 : i32 to index
        %swap3A_1440 = arith.index_cast %swap3A_1437 : i32 to index
        %swap3A_1441 = arith.constant 64 : index
        %swap3A_1442 = tpu.vector_load %arg6[%swap3A_1438, %swap3A_1439, %swap3A_1440, %swap3A_1441] {strides = array<i32>} : memref<2x8x10x128xf32, #tpu.memory_space<vmem>>, vector<1x1x1x16xf32>,
        %swap3A_1443 = vector.shape_cast %swap3A_1442 : vector<1x1x1x16xf32> to vector<16xf32>
        %swap3A_1444 = vector.shape_cast %add3A_1435 : vector<16xf32> to vector<1x1x1x16xf32>
        tpu.vector_store %arg6[%swap3A_1438, %swap3A_1439, %swap3A_1440, %swap3A_1441], %swap3A_1444 {strides = array<i32>} : memref<2x8x10x128xf32, #tpu.memory_space<vmem>>, vector<1x1x1x16xf32>,
        %get3A_1445 = arith.constant 1 : i32
        %get3A_1446 = arith.constant 6 : i32
        %get3A_1447 = arith.index_cast %get3A_1445 : i32 to index
        %get3A_1448 = arith.index_cast %scan3A_226 : i32 to index
        %get3A_1449 = arith.index_cast %get3A_1446 : i32 to index
        %get3A_1450 = arith.constant 80 : index
        %get3A_1451 = tpu.vector_load %arg5[%get3A_1447, %get3A_1448, %get3A_1449, %get3A_1450] {strides = array<i32>} : memref<2x8x10x128xf32, #tpu.memory_space<vmem>>, vector<1x1x1x16xf32>,
        %get3A_1452 = vector.shape_cast %get3A_1451 : vector<1x1x1x16xf32> to vector<16xf32>
        %get3A_1453 = arith.constant 6 : i32
        %get3A_1454 = arith.index_cast %get3A_1453 : i32 to index
        %get3A_1455 = arith.constant 80 : index
        %get3A_1456 = tpu.vector_load %arg7[%get3A_1454, %get3A_1455] {strides = array<i32>} : memref<16x128xf32, #tpu.memory_space<vmem>>, vector<1x16xf32>,
        %get3A_1457 = vector.shape_cast %get3A_1456 : vector<1x16xf32> to vector<16xf32>
        %add3A_1458 = arith.addf %get3A_1452, %get3A_1457 : vector<16xf32>
        %swap3A_1459 = arith.constant 1 : i32
        %swap3A_1460 = arith.constant 6 : i32
        %swap3A_1461 = arith.index_cast %swap3A_1459 : i32 to index
        %swap3A_1462 = arith.index_cast %scan3A_226 : i32 to index
        %swap3A_1463 = arith.index_cast %swap3A_1460 : i32 to index
        %swap3A_1464 = arith.constant 80 : index
        %swap3A_1465 = tpu.vector_load %arg6[%swap3A_1461, %swap3A_1462, %swap3A_1463, %swap3A_1464] {strides = array<i32>} : memref<2x8x10x128xf32, #tpu.memory_space<vmem>>, vector<1x1x1x16xf32>,
        %swap3A_1466 = vector.shape_cast %swap3A_1465 : vector<1x1x1x16xf32> to vector<16xf32>
        %swap3A_1467 = vector.shape_cast %add3A_1458 : vector<16xf32> to vector<1x1x1x16xf32>
        tpu.vector_store %arg6[%swap3A_1461, %swap3A_1462, %swap3A_1463, %swap3A_1464], %swap3A_1467 {strides = array<i32>} : memref<2x8x10x128xf32, #tpu.memory_space<vmem>>, vector<1x1x1x16xf32>,
        %get3A_1468 = arith.constant 1 : i32
        %get3A_1469 = arith.constant 6 : i32
        %get3A_1470 = arith.index_cast %get3A_1468 : i32 to index
        %get3A_1471 = arith.index_cast %scan3A_226 : i32 to index
        %get3A_1472 = arith.index_cast %get3A_1469 : i32 to index
        %get3A_1473 = arith.constant 96 : index
        %get3A_1474 = tpu.vector_load %arg5[%get3A_1470, %get3A_1471, %get3A_1472, %get3A_1473] {strides = array<i32>} : memref<2x8x10x128xf32, #tpu.memory_space<vmem>>, vector<1x1x1x16xf32>,
        %get3A_1475 = vector.shape_cast %get3A_1474 : vector<1x1x1x16xf32> to vector<16xf32>
        %get3A_1476 = arith.constant 6 : i32
        %get3A_1477 = arith.index_cast %get3A_1476 : i32 to index
        %get3A_1478 = arith.constant 96 : index
        %get3A_1479 = tpu.vector_load %arg7[%get3A_1477, %get3A_1478] {strides = array<i32>} : memref<16x128xf32, #tpu.memory_space<vmem>>, vector<1x16xf32>,
        %get3A_1480 = vector.shape_cast %get3A_1479 : vector<1x16xf32> to vector<16xf32>
        %add3A_1481 = arith.addf %get3A_1475, %get3A_1480 : vector<16xf32>
        %swap3A_1482 = arith.constant 1 : i32
        %swap3A_1483 = arith.constant 6 : i32
        %swap3A_1484 = arith.index_cast %swap3A_1482 : i32 to index
        %swap3A_1485 = arith.index_cast %scan3A_226 : i32 to index
        %swap3A_1486 = arith.index_cast %swap3A_1483 : i32 to index
        %swap3A_1487 = arith.constant 96 : index
        %swap3A_1488 = tpu.vector_load %arg6[%swap3A_1484, %swap3A_1485, %swap3A_1486, %swap3A_1487] {strides = array<i32>} : memref<2x8x10x128xf32, #tpu.memory_space<vmem>>, vector<1x1x1x16xf32>,
        %swap3A_1489 = vector.shape_cast %swap3A_1488 : vector<1x1x1x16xf32> to vector<16xf32>
        %swap3A_1490 = vector.shape_cast %add3A_1481 : vector<16xf32> to vector<1x1x1x16xf32>
        tpu.vector_store %arg6[%swap3A_1484, %swap3A_1485, %swap3A_1486, %swap3A_1487], %swap3A_1490 {strides = array<i32>} : memref<2x8x10x128xf32, #tpu.memory_space<vmem>>, vector<1x1x1x16xf32>,
        %get3A_1491 = arith.constant 1 : i32
        %get3A_1492 = arith.constant 6 : i32
        %get3A_1493 = arith.index_cast %get3A_1491 : i32 to index
        %get3A_1494 = arith.index_cast %scan3A_226 : i32 to index
        %get3A_1495 = arith.index_cast %get3A_1492 : i32 to index
        %get3A_1496 = arith.constant 112 : index
        %get3A_1497 = tpu.vector_load %arg5[%get3A_1493, %get3A_1494, %get3A_1495, %get3A_1496] {strides = array<i32>} : memref<2x8x10x128xf32, #tpu.memory_space<vmem>>, vector<1x1x1x16xf32>,
        %get3A_1498 = vector.shape_cast %get3A_1497 : vector<1x1x1x16xf32> to vector<16xf32>
        %get3A_1499 = arith.constant 6 : i32
        %get3A_1500 = arith.index_cast %get3A_1499 : i32 to index
        %get3A_1501 = arith.constant 112 : index
        %get3A_1502 = tpu.vector_load %arg7[%get3A_1500, %get3A_1501] {strides = array<i32>} : memref<16x128xf32, #tpu.memory_space<vmem>>, vector<1x16xf32>,
        %get3A_1503 = vector.shape_cast %get3A_1502 : vector<1x16xf32> to vector<16xf32>
        %add3A_1504 = arith.addf %get3A_1498, %get3A_1503 : vector<16xf32>
        %swap3A_1505 = arith.constant 1 : i32
        %swap3A_1506 = arith.constant 6 : i32
        %swap3A_1507 = arith.index_cast %swap3A_1505 : i32 to index
        %swap3A_1508 = arith.index_cast %scan3A_226 : i32 to index
        %swap3A_1509 = arith.index_cast %swap3A_1506 : i32 to index
        %swap3A_1510 = arith.constant 112 : index
        %swap3A_1511 = tpu.vector_load %arg6[%swap3A_1507, %swap3A_1508, %swap3A_1509, %swap3A_1510] {strides = array<i32>} : memref<2x8x10x128xf32, #tpu.memory_space<vmem>>, vector<1x1x1x16xf32>,
        %swap3A_1512 = vector.shape_cast %swap3A_1511 : vector<1x1x1x16xf32> to vector<16xf32>
        %swap3A_1513 = vector.shape_cast %add3A_1504 : vector<16xf32> to vector<1x1x1x16xf32>
        tpu.vector_store %arg6[%swap3A_1507, %swap3A_1508, %swap3A_1509, %swap3A_1510], %swap3A_1513 {strides = array<i32>} : memref<2x8x10x128xf32, #tpu.memory_space<vmem>>, vector<1x1x1x16xf32>,
        %get3A_1514 = arith.constant 1 : i32
        %get3A_1515 = arith.constant 7 : i32
        %get3A_1516 = arith.index_cast %get3A_1514 : i32 to index
        %get3A_1517 = arith.index_cast %scan3A_226 : i32 to index
        %get3A_1518 = arith.index_cast %get3A_1515 : i32 to index
        %get3A_1519 = arith.constant 0 : index
        %get3A_1520 = tpu.vector_load %arg5[%get3A_1516, %get3A_1517, %get3A_1518, %get3A_1519] {strides = array<i32>} : memref<2x8x10x128xf32, #tpu.memory_space<vmem>>, vector<1x1x1x16xf32>,
        %get3A_1521 = vector.shape_cast %get3A_1520 : vector<1x1x1x16xf32> to vector<16xf32>
        %get3A_1522 = arith.constant 7 : i32
        %get3A_1523 = arith.index_cast %get3A_1522 : i32 to index
        %get3A_1524 = arith.constant 0 : index
        %get3A_1525 = tpu.vector_load %arg7[%get3A_1523, %get3A_1524] {strides = array<i32>} : memref<16x128xf32, #tpu.memory_space<vmem>>, vector<1x16xf32>,
        %get3A_1526 = vector.shape_cast %get3A_1525 : vector<1x16xf32> to vector<16xf32>
        %add3A_1527 = arith.addf %get3A_1521, %get3A_1526 : vector<16xf32>
        %swap3A_1528 = arith.constant 1 : i32
        %swap3A_1529 = arith.constant 7 : i32
        %swap3A_1530 = arith.index_cast %swap3A_1528 : i32 to index
        %swap3A_1531 = arith.index_cast %scan3A_226 : i32 to index
        %swap3A_1532 = arith.index_cast %swap3A_1529 : i32 to index
        %swap3A_1533 = arith.constant 0 : index
        %swap3A_1534 = tpu.vector_load %arg6[%swap3A_1530, %swap3A_1531, %swap3A_1532, %swap3A_1533] {strides = array<i32>} : memref<2x8x10x128xf32, #tpu.memory_space<vmem>>, vector<1x1x1x16xf32>,
        %swap3A_1535 = vector.shape_cast %swap3A_1534 : vector<1x1x1x16xf32> to vector<16xf32>
        %swap3A_1536 = vector.shape_cast %add3A_1527 : vector<16xf32> to vector<1x1x1x16xf32>
        tpu.vector_store %arg6[%swap3A_1530, %swap3A_1531, %swap3A_1532, %swap3A_1533], %swap3A_1536 {strides = array<i32>} : memref<2x8x10x128xf32, #tpu.memory_space<vmem>>, vector<1x1x1x16xf32>,
        %get3A_1537 = arith.constant 1 : i32
        %get3A_1538 = arith.constant 7 : i32
        %get3A_1539 = arith.index_cast %get3A_1537 : i32 to index
        %get3A_1540 = arith.index_cast %scan3A_226 : i32 to index
        %get3A_1541 = arith.index_cast %get3A_1538 : i32 to index
        %get3A_1542 = arith.constant 16 : index
        %get3A_1543 = tpu.vector_load %arg5[%get3A_1539, %get3A_1540, %get3A_1541, %get3A_1542] {strides = array<i32>} : memref<2x8x10x128xf32, #tpu.memory_space<vmem>>, vector<1x1x1x16xf32>,
        %get3A_1544 = vector.shape_cast %get3A_1543 : vector<1x1x1x16xf32> to vector<16xf32>
        %get3A_1545 = arith.constant 7 : i32
        %get3A_1546 = arith.index_cast %get3A_1545 : i32 to index
        %get3A_1547 = arith.constant 16 : index
        %get3A_1548 = tpu.vector_load %arg7[%get3A_1546, %get3A_1547] {strides = array<i32>} : memref<16x128xf32, #tpu.memory_space<vmem>>, vector<1x16xf32>,
        %get3A_1549 = vector.shape_cast %get3A_1548 : vector<1x16xf32> to vector<16xf32>
        %add3A_1550 = arith.addf %get3A_1544, %get3A_1549 : vector<16xf32>
        %swap3A_1551 = arith.constant 1 : i32
        %swap3A_1552 = arith.constant 7 : i32
        %swap3A_1553 = arith.index_cast %swap3A_1551 : i32 to index
        %swap3A_1554 = arith.index_cast %scan3A_226 : i32 to index
        %swap3A_1555 = arith.index_cast %swap3A_1552 : i32 to index
        %swap3A_1556 = arith.constant 16 : index
        %swap3A_1557 = tpu.vector_load %arg6[%swap3A_1553, %swap3A_1554, %swap3A_1555, %swap3A_1556] {strides = array<i32>} : memref<2x8x10x128xf32, #tpu.memory_space<vmem>>, vector<1x1x1x16xf32>,
        %swap3A_1558 = vector.shape_cast %swap3A_1557 : vector<1x1x1x16xf32> to vector<16xf32>
        %swap3A_1559 = vector.shape_cast %add3A_1550 : vector<16xf32> to vector<1x1x1x16xf32>
        tpu.vector_store %arg6[%swap3A_1553, %swap3A_1554, %swap3A_1555, %swap3A_1556], %swap3A_1559 {strides = array<i32>} : memref<2x8x10x128xf32, #tpu.memory_space<vmem>>, vector<1x1x1x16xf32>,
        %get3A_1560 = arith.constant 1 : i32
        %get3A_1561 = arith.constant 7 : i32
        %get3A_1562 = arith.index_cast %get3A_1560 : i32 to index
        %get3A_1563 = arith.index_cast %scan3A_226 : i32 to index
        %get3A_1564 = arith.index_cast %get3A_1561 : i32 to index
        %get3A_1565 = arith.constant 32 : index
        %get3A_1566 = tpu.vector_load %arg5[%get3A_1562, %get3A_1563, %get3A_1564, %get3A_1565] {strides = array<i32>} : memref<2x8x10x128xf32, #tpu.memory_space<vmem>>, vector<1x1x1x16xf32>,
        %get3A_1567 = vector.shape_cast %get3A_1566 : vector<1x1x1x16xf32> to vector<16xf32>
        %get3A_1568 = arith.constant 7 : i32
        %get3A_1569 = arith.index_cast %get3A_1568 : i32 to index
        %get3A_1570 = arith.constant 32 : index
        %get3A_1571 = tpu.vector_load %arg7[%get3A_1569, %get3A_1570] {strides = array<i32>} : memref<16x128xf32, #tpu.memory_space<vmem>>, vector<1x16xf32>,
        %get3A_1572 = vector.shape_cast %get3A_1571 : vector<1x16xf32> to vector<16xf32>
        %add3A_1573 = arith.addf %get3A_1567, %get3A_1572 : vector<16xf32>
        %swap3A_1574 = arith.constant 1 : i32
        %swap3A_1575 = arith.constant 7 : i32
        %swap3A_1576 = arith.index_cast %swap3A_1574 : i32 to index
        %swap3A_1577 = arith.index_cast %scan3A_226 : i32 to index
        %swap3A_1578 = arith.index_cast %swap3A_1575 : i32 to index
        %swap3A_1579 = arith.constant 32 : index
        %swap3A_1580 = tpu.vector_load %arg6[%swap3A_1576, %swap3A_1577, %swap3A_1578, %swap3A_1579] {strides = array<i32>} : memref<2x8x10x128xf32, #tpu.memory_space<vmem>>, vector<1x1x1x16xf32>,
        %swap3A_1581 = vector.shape_cast %swap3A_1580 : vector<1x1x1x16xf32> to vector<16xf32>
        %swap3A_1582 = vector.shape_cast %add3A_1573 : vector<16xf32> to vector<1x1x1x16xf32>
        tpu.vector_store %arg6[%swap3A_1576, %swap3A_1577, %swap3A_1578, %swap3A_1579], %swap3A_1582 {strides = array<i32>} : memref<2x8x10x128xf32, #tpu.memory_space<vmem>>, vector<1x1x1x16xf32>,
        %get3A_1583 = arith.constant 1 : i32
        %get3A_1584 = arith.constant 7 : i32
        %get3A_1585 = arith.index_cast %get3A_1583 : i32 to index
        %get3A_1586 = arith.index_cast %scan3A_226 : i32 to index
        %get3A_1587 = arith.index_cast %get3A_1584 : i32 to index
        %get3A_1588 = arith.constant 48 : index
        %get3A_1589 = tpu.vector_load %arg5[%get3A_1585, %get3A_1586, %get3A_1587, %get3A_1588] {strides = array<i32>} : memref<2x8x10x128xf32, #tpu.memory_space<vmem>>, vector<1x1x1x16xf32>,
        %get3A_1590 = vector.shape_cast %get3A_1589 : vector<1x1x1x16xf32> to vector<16xf32>
        %get3A_1591 = arith.constant 7 : i32
        %get3A_1592 = arith.index_cast %get3A_1591 : i32 to index
        %get3A_1593 = arith.constant 48 : index
        %get3A_1594 = tpu.vector_load %arg7[%get3A_1592, %get3A_1593] {strides = array<i32>} : memref<16x128xf32, #tpu.memory_space<vmem>>, vector<1x16xf32>,
        %get3A_1595 = vector.shape_cast %get3A_1594 : vector<1x16xf32> to vector<16xf32>
        %add3A_1596 = arith.addf %get3A_1590, %get3A_1595 : vector<16xf32>
        %swap3A_1597 = arith.constant 1 : i32
        %swap3A_1598 = arith.constant 7 : i32
        %swap3A_1599 = arith.index_cast %swap3A_1597 : i32 to index
        %swap3A_1600 = arith.index_cast %scan3A_226 : i32 to index
        %swap3A_1601 = arith.index_cast %swap3A_1598 : i32 to index
        %swap3A_1602 = arith.constant 48 : index
        %swap3A_1603 = tpu.vector_load %arg6[%swap3A_1599, %swap3A_1600, %swap3A_1601, %swap3A_1602] {strides = array<i32>} : memref<2x8x10x128xf32, #tpu.memory_space<vmem>>, vector<1x1x1x16xf32>,
        %swap3A_1604 = vector.shape_cast %swap3A_1603 : vector<1x1x1x16xf32> to vector<16xf32>
        %swap3A_1605 = vector.shape_cast %add3A_1596 : vector<16xf32> to vector<1x1x1x16xf32>
        tpu.vector_store %arg6[%swap3A_1599, %swap3A_1600, %swap3A_1601, %swap3A_1602], %swap3A_1605 {strides = array<i32>} : memref<2x8x10x128xf32, #tpu.memory_space<vmem>>, vector<1x1x1x16xf32>,
        %get3A_1606 = arith.constant 1 : i32
        %get3A_1607 = arith.constant 7 : i32
        %get3A_1608 = arith.index_cast %get3A_1606 : i32 to index
        %get3A_1609 = arith.index_cast %scan3A_226 : i32 to index
        %get3A_1610 = arith.index_cast %get3A_1607 : i32 to index
        %get3A_1611 = arith.constant 64 : index
        %get3A_1612 = tpu.vector_load %arg5[%get3A_1608, %get3A_1609, %get3A_1610, %get3A_1611] {strides = array<i32>} : memref<2x8x10x128xf32, #tpu.memory_space<vmem>>, vector<1x1x1x16xf32>,
        %get3A_1613 = vector.shape_cast %get3A_1612 : vector<1x1x1x16xf32> to vector<16xf32>
        %get3A_1614 = arith.constant 7 : i32
        %get3A_1615 = arith.index_cast %get3A_1614 : i32 to index
        %get3A_1616 = arith.constant 64 : index
        %get3A_1617 = tpu.vector_load %arg7[%get3A_1615, %get3A_1616] {strides = array<i32>} : memref<16x128xf32, #tpu.memory_space<vmem>>, vector<1x16xf32>,
        %get3A_1618 = vector.shape_cast %get3A_1617 : vector<1x16xf32> to vector<16xf32>
        %add3A_1619 = arith.addf %get3A_1613, %get3A_1618 : vector<16xf32>
        %swap3A_1620 = arith.constant 1 : i32
        %swap3A_1621 = arith.constant 7 : i32
        %swap3A_1622 = arith.index_cast %swap3A_1620 : i32 to index
        %swap3A_1623 = arith.index_cast %scan3A_226 : i32 to index
        %swap3A_1624 = arith.index_cast %swap3A_1621 : i32 to index
        %swap3A_1625 = arith.constant 64 : index
        %swap3A_1626 = tpu.vector_load %arg6[%swap3A_1622, %swap3A_1623, %swap3A_1624, %swap3A_1625] {strides = array<i32>} : memref<2x8x10x128xf32, #tpu.memory_space<vmem>>, vector<1x1x1x16xf32>,
        %swap3A_1627 = vector.shape_cast %swap3A_1626 : vector<1x1x1x16xf32> to vector<16xf32>
        %swap3A_1628 = vector.shape_cast %add3A_1619 : vector<16xf32> to vector<1x1x1x16xf32>
        tpu.vector_store %arg6[%swap3A_1622, %swap3A_1623, %swap3A_1624, %swap3A_1625], %swap3A_1628 {strides = array<i32>} : memref<2x8x10x128xf32, #tpu.memory_space<vmem>>, vector<1x1x1x16xf32>,
        %get3A_1629 = arith.constant 1 : i32
        %get3A_1630 = arith.constant 7 : i32
        %get3A_1631 = arith.index_cast %get3A_1629 : i32 to index
        %get3A_1632 = arith.index_cast %scan3A_226 : i32 to index
        %get3A_1633 = arith.index_cast %get3A_1630 : i32 to index
        %get3A_1634 = arith.constant 80 : index
        %get3A_1635 = tpu.vector_load %arg5[%get3A_1631, %get3A_1632, %get3A_1633, %get3A_1634] {strides = array<i32>} : memref<2x8x10x128xf32, #tpu.memory_space<vmem>>, vector<1x1x1x16xf32>,
        %get3A_1636 = vector.shape_cast %get3A_1635 : vector<1x1x1x16xf32> to vector<16xf32>
        %get3A_1637 = arith.constant 7 : i32
        %get3A_1638 = arith.index_cast %get3A_1637 : i32 to index
        %get3A_1639 = arith.constant 80 : index
        %get3A_1640 = tpu.vector_load %arg7[%get3A_1638, %get3A_1639] {strides = array<i32>} : memref<16x128xf32, #tpu.memory_space<vmem>>, vector<1x16xf32>,
        %get3A_1641 = vector.shape_cast %get3A_1640 : vector<1x16xf32> to vector<16xf32>
        %add3A_1642 = arith.addf %get3A_1636, %get3A_1641 : vector<16xf32>
        %swap3A_1643 = arith.constant 1 : i32
        %swap3A_1644 = arith.constant 7 : i32
        %swap3A_1645 = arith.index_cast %swap3A_1643 : i32 to index
        %swap3A_1646 = arith.index_cast %scan3A_226 : i32 to index
        %swap3A_1647 = arith.index_cast %swap3A_1644 : i32 to index
        %swap3A_1648 = arith.constant 80 : index
        %swap3A_1649 = tpu.vector_load %arg6[%swap3A_1645, %swap3A_1646, %swap3A_1647, %swap3A_1648] {strides = array<i32>} : memref<2x8x10x128xf32, #tpu.memory_space<vmem>>, vector<1x1x1x16xf32>,
        %swap3A_1650 = vector.shape_cast %swap3A_1649 : vector<1x1x1x16xf32> to vector<16xf32>
        %swap3A_1651 = vector.shape_cast %add3A_1642 : vector<16xf32> to vector<1x1x1x16xf32>
        tpu.vector_store %arg6[%swap3A_1645, %swap3A_1646, %swap3A_1647, %swap3A_1648], %swap3A_1651 {strides = array<i32>} : memref<2x8x10x128xf32, #tpu.memory_space<vmem>>, vector<1x1x1x16xf32>,
        %get3A_1652 = arith.constant 1 : i32
        %get3A_1653 = arith.constant 7 : i32
        %get3A_1654 = arith.index_cast %get3A_1652 : i32 to index
        %get3A_1655 = arith.index_cast %scan3A_226 : i32 to index
        %get3A_1656 = arith.index_cast %get3A_1653 : i32 to index
        %get3A_1657 = arith.constant 96 : index
        %get3A_1658 = tpu.vector_load %arg5[%get3A_1654, %get3A_1655, %get3A_1656, %get3A_1657] {strides = array<i32>} : memref<2x8x10x128xf32, #tpu.memory_space<vmem>>, vector<1x1x1x16xf32>,
        %get3A_1659 = vector.shape_cast %get3A_1658 : vector<1x1x1x16xf32> to vector<16xf32>
        %get3A_1660 = arith.constant 7 : i32
        %get3A_1661 = arith.index_cast %get3A_1660 : i32 to index
        %get3A_1662 = arith.constant 96 : index
        %get3A_1663 = tpu.vector_load %arg7[%get3A_1661, %get3A_1662] {strides = array<i32>} : memref<16x128xf32, #tpu.memory_space<vmem>>, vector<1x16xf32>,
        %get3A_1664 = vector.shape_cast %get3A_1663 : vector<1x16xf32> to vector<16xf32>
        %add3A_1665 = arith.addf %get3A_1659, %get3A_1664 : vector<16xf32>
        %swap3A_1666 = arith.constant 1 : i32
        %swap3A_1667 = arith.constant 7 : i32
        %swap3A_1668 = arith.index_cast %swap3A_1666 : i32 to index
        %swap3A_1669 = arith.index_cast %scan3A_226 : i32 to index
        %swap3A_1670 = arith.index_cast %swap3A_1667 : i32 to index
        %swap3A_1671 = arith.constant 96 : index
        %swap3A_1672 = tpu.vector_load %arg6[%swap3A_1668, %swap3A_1669, %swap3A_1670, %swap3A_1671] {strides = array<i32>} : memref<2x8x10x128xf32, #tpu.memory_space<vmem>>, vector<1x1x1x16xf32>,
        %swap3A_1673 = vector.shape_cast %swap3A_1672 : vector<1x1x1x16xf32> to vector<16xf32>
        %swap3A_1674 = vector.shape_cast %add3A_1665 : vector<16xf32> to vector<1x1x1x16xf32>
        tpu.vector_store %arg6[%swap3A_1668, %swap3A_1669, %swap3A_1670, %swap3A_1671], %swap3A_1674 {strides = array<i32>} : memref<2x8x10x128xf32, #tpu.memory_space<vmem>>, vector<1x1x1x16xf32>,
        %get3A_1675 = arith.constant 1 : i32
        %get3A_1676 = arith.constant 7 : i32
        %get3A_1677 = arith.index_cast %get3A_1675 : i32 to index
        %get3A_1678 = arith.index_cast %scan3A_226 : i32 to index
        %get3A_1679 = arith.index_cast %get3A_1676 : i32 to index
        %get3A_1680 = arith.constant 112 : index
        %get3A_1681 = tpu.vector_load %arg5[%get3A_1677, %get3A_1678, %get3A_1679, %get3A_1680] {strides = array<i32>} : memref<2x8x10x128xf32, #tpu.memory_space<vmem>>, vector<1x1x1x16xf32>,
        %get3A_1682 = vector.shape_cast %get3A_1681 : vector<1x1x1x16xf32> to vector<16xf32>
        %get3A_1683 = arith.constant 7 : i32
        %get3A_1684 = arith.index_cast %get3A_1683 : i32 to index
        %get3A_1685 = arith.constant 112 : index
        %get3A_1686 = tpu.vector_load %arg7[%get3A_1684, %get3A_1685] {strides = array<i32>} : memref<16x128xf32, #tpu.memory_space<vmem>>, vector<1x16xf32>,
        %get3A_1687 = vector.shape_cast %get3A_1686 : vector<1x16xf32> to vector<16xf32>
        %add3A_1688 = arith.addf %get3A_1682, %get3A_1687 : vector<16xf32>
        %swap3A_1689 = arith.constant 1 : i32
        %swap3A_1690 = arith.constant 7 : i32
        %swap3A_1691 = arith.index_cast %swap3A_1689 : i32 to index
        %swap3A_1692 = arith.index_cast %scan3A_226 : i32 to index
        %swap3A_1693 = arith.index_cast %swap3A_1690 : i32 to index
        %swap3A_1694 = arith.constant 112 : index
        %swap3A_1695 = tpu.vector_load %arg6[%swap3A_1691, %swap3A_1692, %swap3A_1693, %swap3A_1694] {strides = array<i32>} : memref<2x8x10x128xf32, #tpu.memory_space<vmem>>, vector<1x1x1x16xf32>,
        %swap3A_1696 = vector.shape_cast %swap3A_1695 : vector<1x1x1x16xf32> to vector<16xf32>
        %swap3A_1697 = vector.shape_cast %add3A_1688 : vector<16xf32> to vector<1x1x1x16xf32>
        tpu.vector_store %arg6[%swap3A_1691, %swap3A_1692, %swap3A_1693, %swap3A_1694], %swap3A_1697 {strides = array<i32>} : memref<2x8x10x128xf32, #tpu.memory_space<vmem>>, vector<1x1x1x16xf32>,
        %get3A_1698 = arith.constant 1 : i32
        %get3A_1699 = arith.constant 8 : i32
        %get3A_1700 = arith.index_cast %get3A_1698 : i32 to index
        %get3A_1701 = arith.index_cast %scan3A_226 : i32 to index
        %get3A_1702 = arith.index_cast %get3A_1699 : i32 to index
        %get3A_1703 = arith.constant 0 : index
        %get3A_1704 = tpu.vector_load %arg5[%get3A_1700, %get3A_1701, %get3A_1702, %get3A_1703] {strides = array<i32>} : memref<2x8x10x128xf32, #tpu.memory_space<vmem>>, vector<1x1x1x16xf32>,
        %get3A_1705 = vector.shape_cast %get3A_1704 : vector<1x1x1x16xf32> to vector<16xf32>
        %get3A_1706 = arith.constant 8 : i32
        %get3A_1707 = arith.index_cast %get3A_1706 : i32 to index
        %get3A_1708 = arith.constant 0 : index
        %get3A_1709 = tpu.vector_load %arg7[%get3A_1707, %get3A_1708] {strides = array<i32>} : memref<16x128xf32, #tpu.memory_space<vmem>>, vector<1x16xf32>,
        %get3A_1710 = vector.shape_cast %get3A_1709 : vector<1x16xf32> to vector<16xf32>
        %add3A_1711 = arith.addf %get3A_1705, %get3A_1710 : vector<16xf32>
        %swap3A_1712 = arith.constant 1 : i32
        %swap3A_1713 = arith.constant 8 : i32
        %swap3A_1714 = arith.index_cast %swap3A_1712 : i32 to index
        %swap3A_1715 = arith.index_cast %scan3A_226 : i32 to index
        %swap3A_1716 = arith.index_cast %swap3A_1713 : i32 to index
        %swap3A_1717 = arith.constant 0 : index
        %swap3A_1718 = tpu.vector_load %arg6[%swap3A_1714, %swap3A_1715, %swap3A_1716, %swap3A_1717] {strides = array<i32>} : memref<2x8x10x128xf32, #tpu.memory_space<vmem>>, vector<1x1x1x16xf32>,
        %swap3A_1719 = vector.shape_cast %swap3A_1718 : vector<1x1x1x16xf32> to vector<16xf32>
        %swap3A_1720 = vector.shape_cast %add3A_1711 : vector<16xf32> to vector<1x1x1x16xf32>
        tpu.vector_store %arg6[%swap3A_1714, %swap3A_1715, %swap3A_1716, %swap3A_1717], %swap3A_1720 {strides = array<i32>} : memref<2x8x10x128xf32, #tpu.memory_space<vmem>>, vector<1x1x1x16xf32>,
        %get3A_1721 = arith.constant 1 : i32
        %get3A_1722 = arith.constant 8 : i32
        %get3A_1723 = arith.index_cast %get3A_1721 : i32 to index
        %get3A_1724 = arith.index_cast %scan3A_226 : i32 to index
        %get3A_1725 = arith.index_cast %get3A_1722 : i32 to index
        %get3A_1726 = arith.constant 16 : index
        %get3A_1727 = tpu.vector_load %arg5[%get3A_1723, %get3A_1724, %get3A_1725, %get3A_1726] {strides = array<i32>} : memref<2x8x10x128xf32, #tpu.memory_space<vmem>>, vector<1x1x1x16xf32>,
        %get3A_1728 = vector.shape_cast %get3A_1727 : vector<1x1x1x16xf32> to vector<16xf32>
        %get3A_1729 = arith.constant 8 : i32
        %get3A_1730 = arith.index_cast %get3A_1729 : i32 to index
        %get3A_1731 = arith.constant 16 : index
        %get3A_1732 = tpu.vector_load %arg7[%get3A_1730, %get3A_1731] {strides = array<i32>} : memref<16x128xf32, #tpu.memory_space<vmem>>, vector<1x16xf32>,
        %get3A_1733 = vector.shape_cast %get3A_1732 : vector<1x16xf32> to vector<16xf32>
        %add3A_1734 = arith.addf %get3A_1728, %get3A_1733 : vector<16xf32>
        %swap3A_1735 = arith.constant 1 : i32
        %swap3A_1736 = arith.constant 8 : i32
        %swap3A_1737 = arith.index_cast %swap3A_1735 : i32 to index
        %swap3A_1738 = arith.index_cast %scan3A_226 : i32 to index
        %swap3A_1739 = arith.index_cast %swap3A_1736 : i32 to index
        %swap3A_1740 = arith.constant 16 : index
        %swap3A_1741 = tpu.vector_load %arg6[%swap3A_1737, %swap3A_1738, %swap3A_1739, %swap3A_1740] {strides = array<i32>} : memref<2x8x10x128xf32, #tpu.memory_space<vmem>>, vector<1x1x1x16xf32>,
        %swap3A_1742 = vector.shape_cast %swap3A_1741 : vector<1x1x1x16xf32> to vector<16xf32>
        %swap3A_1743 = vector.shape_cast %add3A_1734 : vector<16xf32> to vector<1x1x1x16xf32>
        tpu.vector_store %arg6[%swap3A_1737, %swap3A_1738, %swap3A_1739, %swap3A_1740], %swap3A_1743 {strides = array<i32>} : memref<2x8x10x128xf32, #tpu.memory_space<vmem>>, vector<1x1x1x16xf32>,
        %get3A_1744 = arith.constant 1 : i32
        %get3A_1745 = arith.constant 8 : i32
        %get3A_1746 = arith.index_cast %get3A_1744 : i32 to index
        %get3A_1747 = arith.index_cast %scan3A_226 : i32 to index
        %get3A_1748 = arith.index_cast %get3A_1745 : i32 to index
        %get3A_1749 = arith.constant 32 : index
        %get3A_1750 = tpu.vector_load %arg5[%get3A_1746, %get3A_1747, %get3A_1748, %get3A_1749] {strides = array<i32>} : memref<2x8x10x128xf32, #tpu.memory_space<vmem>>, vector<1x1x1x16xf32>,
        %get3A_1751 = vector.shape_cast %get3A_1750 : vector<1x1x1x16xf32> to vector<16xf32>
        %get3A_1752 = arith.constant 8 : i32
        %get3A_1753 = arith.index_cast %get3A_1752 : i32 to index
        %get3A_1754 = arith.constant 32 : index
        %get3A_1755 = tpu.vector_load %arg7[%get3A_1753, %get3A_1754] {strides = array<i32>} : memref<16x128xf32, #tpu.memory_space<vmem>>, vector<1x16xf32>,
        %get3A_1756 = vector.shape_cast %get3A_1755 : vector<1x16xf32> to vector<16xf32>
        %add3A_1757 = arith.addf %get3A_1751, %get3A_1756 : vector<16xf32>
        %swap3A_1758 = arith.constant 1 : i32
        %swap3A_1759 = arith.constant 8 : i32
        %swap3A_1760 = arith.index_cast %swap3A_1758 : i32 to index
        %swap3A_1761 = arith.index_cast %scan3A_226 : i32 to index
        %swap3A_1762 = arith.index_cast %swap3A_1759 : i32 to index
        %swap3A_1763 = arith.constant 32 : index
        %swap3A_1764 = tpu.vector_load %arg6[%swap3A_1760, %swap3A_1761, %swap3A_1762, %swap3A_1763] {strides = array<i32>} : memref<2x8x10x128xf32, #tpu.memory_space<vmem>>, vector<1x1x1x16xf32>,
        %swap3A_1765 = vector.shape_cast %swap3A_1764 : vector<1x1x1x16xf32> to vector<16xf32>
        %swap3A_1766 = vector.shape_cast %add3A_1757 : vector<16xf32> to vector<1x1x1x16xf32>
        tpu.vector_store %arg6[%swap3A_1760, %swap3A_1761, %swap3A_1762, %swap3A_1763], %swap3A_1766 {strides = array<i32>} : memref<2x8x10x128xf32, #tpu.memory_space<vmem>>, vector<1x1x1x16xf32>,
        %get3A_1767 = arith.constant 1 : i32
        %get3A_1768 = arith.constant 8 : i32
        %get3A_1769 = arith.index_cast %get3A_1767 : i32 to index
        %get3A_1770 = arith.index_cast %scan3A_226 : i32 to index
        %get3A_1771 = arith.index_cast %get3A_1768 : i32 to index
        %get3A_1772 = arith.constant 48 : index
        %get3A_1773 = tpu.vector_load %arg5[%get3A_1769, %get3A_1770, %get3A_1771, %get3A_1772] {strides = array<i32>} : memref<2x8x10x128xf32, #tpu.memory_space<vmem>>, vector<1x1x1x16xf32>,
        %get3A_1774 = vector.shape_cast %get3A_1773 : vector<1x1x1x16xf32> to vector<16xf32>
        %get3A_1775 = arith.constant 8 : i32
        %get3A_1776 = arith.index_cast %get3A_1775 : i32 to index
        %get3A_1777 = arith.constant 48 : index
        %get3A_1778 = tpu.vector_load %arg7[%get3A_1776, %get3A_1777] {strides = array<i32>} : memref<16x128xf32, #tpu.memory_space<vmem>>, vector<1x16xf32>,
        %get3A_1779 = vector.shape_cast %get3A_1778 : vector<1x16xf32> to vector<16xf32>
        %add3A_1780 = arith.addf %get3A_1774, %get3A_1779 : vector<16xf32>
        %swap3A_1781 = arith.constant 1 : i32
        %swap3A_1782 = arith.constant 8 : i32
        %swap3A_1783 = arith.index_cast %swap3A_1781 : i32 to index
        %swap3A_1784 = arith.index_cast %scan3A_226 : i32 to index
        %swap3A_1785 = arith.index_cast %swap3A_1782 : i32 to index
        %swap3A_1786 = arith.constant 48 : index
        %swap3A_1787 = tpu.vector_load %arg6[%swap3A_1783, %swap3A_1784, %swap3A_1785, %swap3A_1786] {strides = array<i32>} : memref<2x8x10x128xf32, #tpu.memory_space<vmem>>, vector<1x1x1x16xf32>,
        %swap3A_1788 = vector.shape_cast %swap3A_1787 : vector<1x1x1x16xf32> to vector<16xf32>
        %swap3A_1789 = vector.shape_cast %add3A_1780 : vector<16xf32> to vector<1x1x1x16xf32>
        tpu.vector_store %arg6[%swap3A_1783, %swap3A_1784, %swap3A_1785, %swap3A_1786], %swap3A_1789 {strides = array<i32>} : memref<2x8x10x128xf32, #tpu.memory_space<vmem>>, vector<1x1x1x16xf32>,
        %get3A_1790 = arith.constant 1 : i32
        %get3A_1791 = arith.constant 8 : i32
        %get3A_1792 = arith.index_cast %get3A_1790 : i32 to index
        %get3A_1793 = arith.index_cast %scan3A_226 : i32 to index
        %get3A_1794 = arith.index_cast %get3A_1791 : i32 to index
        %get3A_1795 = arith.constant 64 : index
        %get3A_1796 = tpu.vector_load %arg5[%get3A_1792, %get3A_1793, %get3A_1794, %get3A_1795] {strides = array<i32>} : memref<2x8x10x128xf32, #tpu.memory_space<vmem>>, vector<1x1x1x16xf32>,
        %get3A_1797 = vector.shape_cast %get3A_1796 : vector<1x1x1x16xf32> to vector<16xf32>
        %get3A_1798 = arith.constant 8 : i32
        %get3A_1799 = arith.index_cast %get3A_1798 : i32 to index
        %get3A_1800 = arith.constant 64 : index
        %get3A_1801 = tpu.vector_load %arg7[%get3A_1799, %get3A_1800] {strides = array<i32>} : memref<16x128xf32, #tpu.memory_space<vmem>>, vector<1x16xf32>,
        %get3A_1802 = vector.shape_cast %get3A_1801 : vector<1x16xf32> to vector<16xf32>
        %add3A_1803 = arith.addf %get3A_1797, %get3A_1802 : vector<16xf32>
        %swap3A_1804 = arith.constant 1 : i32
        %swap3A_1805 = arith.constant 8 : i32
        %swap3A_1806 = arith.index_cast %swap3A_1804 : i32 to index
        %swap3A_1807 = arith.index_cast %scan3A_226 : i32 to index
        %swap3A_1808 = arith.index_cast %swap3A_1805 : i32 to index
        %swap3A_1809 = arith.constant 64 : index
        %swap3A_1810 = tpu.vector_load %arg6[%swap3A_1806, %swap3A_1807, %swap3A_1808, %swap3A_1809] {strides = array<i32>} : memref<2x8x10x128xf32, #tpu.memory_space<vmem>>, vector<1x1x1x16xf32>,
        %swap3A_1811 = vector.shape_cast %swap3A_1810 : vector<1x1x1x16xf32> to vector<16xf32>
        %swap3A_1812 = vector.shape_cast %add3A_1803 : vector<16xf32> to vector<1x1x1x16xf32>
        tpu.vector_store %arg6[%swap3A_1806, %swap3A_1807, %swap3A_1808, %swap3A_1809], %swap3A_1812 {strides = array<i32>} : memref<2x8x10x128xf32, #tpu.memory_space<vmem>>, vector<1x1x1x16xf32>,
        %get3A_1813 = arith.constant 1 : i32
        %get3A_1814 = arith.constant 8 : i32
        %get3A_1815 = arith.index_cast %get3A_1813 : i32 to index
        %get3A_1816 = arith.index_cast %scan3A_226 : i32 to index
        %get3A_1817 = arith.index_cast %get3A_1814 : i32 to index
        %get3A_1818 = arith.constant 80 : index
        %get3A_1819 = tpu.vector_load %arg5[%get3A_1815, %get3A_1816, %get3A_1817, %get3A_1818] {strides = array<i32>} : memref<2x8x10x128xf32, #tpu.memory_space<vmem>>, vector<1x1x1x16xf32>,
        %get3A_1820 = vector.shape_cast %get3A_1819 : vector<1x1x1x16xf32> to vector<16xf32>
        %get3A_1821 = arith.constant 8 : i32
        %get3A_1822 = arith.index_cast %get3A_1821 : i32 to index
        %get3A_1823 = arith.constant 80 : index
        %get3A_1824 = tpu.vector_load %arg7[%get3A_1822, %get3A_1823] {strides = array<i32>} : memref<16x128xf32, #tpu.memory_space<vmem>>, vector<1x16xf32>,
        %get3A_1825 = vector.shape_cast %get3A_1824 : vector<1x16xf32> to vector<16xf32>
        %add3A_1826 = arith.addf %get3A_1820, %get3A_1825 : vector<16xf32>
        %swap3A_1827 = arith.constant 1 : i32
        %swap3A_1828 = arith.constant 8 : i32
        %swap3A_1829 = arith.index_cast %swap3A_1827 : i32 to index
        %swap3A_1830 = arith.index_cast %scan3A_226 : i32 to index
        %swap3A_1831 = arith.index_cast %swap3A_1828 : i32 to index
        %swap3A_1832 = arith.constant 80 : index
        %swap3A_1833 = tpu.vector_load %arg6[%swap3A_1829, %swap3A_1830, %swap3A_1831, %swap3A_1832] {strides = array<i32>} : memref<2x8x10x128xf32, #tpu.memory_space<vmem>>, vector<1x1x1x16xf32>,
        %swap3A_1834 = vector.shape_cast %swap3A_1833 : vector<1x1x1x16xf32> to vector<16xf32>
        %swap3A_1835 = vector.shape_cast %add3A_1826 : vector<16xf32> to vector<1x1x1x16xf32>
        tpu.vector_store %arg6[%swap3A_1829, %swap3A_1830, %swap3A_1831, %swap3A_1832], %swap3A_1835 {strides = array<i32>} : memref<2x8x10x128xf32, #tpu.memory_space<vmem>>, vector<1x1x1x16xf32>,
        %get3A_1836 = arith.constant 1 : i32
        %get3A_1837 = arith.constant 8 : i32
        %get3A_1838 = arith.index_cast %get3A_1836 : i32 to index
        %get3A_1839 = arith.index_cast %scan3A_226 : i32 to index
        %get3A_1840 = arith.index_cast %get3A_1837 : i32 to index
        %get3A_1841 = arith.constant 96 : index
        %get3A_1842 = tpu.vector_load %arg5[%get3A_1838, %get3A_1839, %get3A_1840, %get3A_1841] {strides = array<i32>} : memref<2x8x10x128xf32, #tpu.memory_space<vmem>>, vector<1x1x1x16xf32>,
        %get3A_1843 = vector.shape_cast %get3A_1842 : vector<1x1x1x16xf32> to vector<16xf32>
        %get3A_1844 = arith.constant 8 : i32
        %get3A_1845 = arith.index_cast %get3A_1844 : i32 to index
        %get3A_1846 = arith.constant 96 : index
        %get3A_1847 = tpu.vector_load %arg7[%get3A_1845, %get3A_1846] {strides = array<i32>} : memref<16x128xf32, #tpu.memory_space<vmem>>, vector<1x16xf32>,
        %get3A_1848 = vector.shape_cast %get3A_1847 : vector<1x16xf32> to vector<16xf32>
        %add3A_1849 = arith.addf %get3A_1843, %get3A_1848 : vector<16xf32>
        %swap3A_1850 = arith.constant 1 : i32
        %swap3A_1851 = arith.constant 8 : i32
        %swap3A_1852 = arith.index_cast %swap3A_1850 : i32 to index
        %swap3A_1853 = arith.index_cast %scan3A_226 : i32 to index
        %swap3A_1854 = arith.index_cast %swap3A_1851 : i32 to index
        %swap3A_1855 = arith.constant 96 : index
        %swap3A_1856 = tpu.vector_load %arg6[%swap3A_1852, %swap3A_1853, %swap3A_1854, %swap3A_1855] {strides = array<i32>} : memref<2x8x10x128xf32, #tpu.memory_space<vmem>>, vector<1x1x1x16xf32>,
        %swap3A_1857 = vector.shape_cast %swap3A_1856 : vector<1x1x1x16xf32> to vector<16xf32>
        %swap3A_1858 = vector.shape_cast %add3A_1849 : vector<16xf32> to vector<1x1x1x16xf32>
        tpu.vector_store %arg6[%swap3A_1852, %swap3A_1853, %swap3A_1854, %swap3A_1855], %swap3A_1858 {strides = array<i32>} : memref<2x8x10x128xf32, #tpu.memory_space<vmem>>, vector<1x1x1x16xf32>,
        %get3A_1859 = arith.constant 1 : i32
        %get3A_1860 = arith.constant 8 : i32
        %get3A_1861 = arith.index_cast %get3A_1859 : i32 to index
        %get3A_1862 = arith.index_cast %scan3A_226 : i32 to index
        %get3A_1863 = arith.index_cast %get3A_1860 : i32 to index
        %get3A_1864 = arith.constant 112 : index
        %get3A_1865 = tpu.vector_load %arg5[%get3A_1861, %get3A_1862, %get3A_1863, %get3A_1864] {strides = array<i32>} : memref<2x8x10x128xf32, #tpu.memory_space<vmem>>, vector<1x1x1x16xf32>,
        %get3A_1866 = vector.shape_cast %get3A_1865 : vector<1x1x1x16xf32> to vector<16xf32>
        %get3A_1867 = arith.constant 8 : i32
        %get3A_1868 = arith.index_cast %get3A_1867 : i32 to index
        %get3A_1869 = arith.constant 112 : index
        %get3A_1870 = tpu.vector_load %arg7[%get3A_1868, %get3A_1869] {strides = array<i32>} : memref<16x128xf32, #tpu.memory_space<vmem>>, vector<1x16xf32>,
        %get3A_1871 = vector.shape_cast %get3A_1870 : vector<1x16xf32> to vector<16xf32>
        %add3A_1872 = arith.addf %get3A_1866, %get3A_1871 : vector<16xf32>
        %swap3A_1873 = arith.constant 1 : i32
        %swap3A_1874 = arith.constant 8 : i32
        %swap3A_1875 = arith.index_cast %swap3A_1873 : i32 to index
        %swap3A_1876 = arith.index_cast %scan3A_226 : i32 to index
        %swap3A_1877 = arith.index_cast %swap3A_1874 : i32 to index
        %swap3A_1878 = arith.constant 112 : index
        %swap3A_1879 = tpu.vector_load %arg6[%swap3A_1875, %swap3A_1876, %swap3A_1877, %swap3A_1878] {strides = array<i32>} : memref<2x8x10x128xf32, #tpu.memory_space<vmem>>, vector<1x1x1x16xf32>,
        %swap3A_1880 = vector.shape_cast %swap3A_1879 : vector<1x1x1x16xf32> to vector<16xf32>
        %swap3A_1881 = vector.shape_cast %add3A_1872 : vector<16xf32> to vector<1x1x1x16xf32>
        tpu.vector_store %arg6[%swap3A_1875, %swap3A_1876, %swap3A_1877, %swap3A_1878], %swap3A_1881 {strides = array<i32>} : memref<2x8x10x128xf32, #tpu.memory_space<vmem>>, vector<1x1x1x16xf32>,
        %get3A_1882 = arith.constant 1 : i32
        %get3A_1883 = arith.constant 9 : i32
        %get3A_1884 = arith.index_cast %get3A_1882 : i32 to index
        %get3A_1885 = arith.index_cast %scan3A_226 : i32 to index
        %get3A_1886 = arith.index_cast %get3A_1883 : i32 to index
        %get3A_1887 = arith.constant 0 : index
        %get3A_1888 = tpu.vector_load %arg5[%get3A_1884, %get3A_1885, %get3A_1886, %get3A_1887] {strides = array<i32>} : memref<2x8x10x128xf32, #tpu.memory_space<vmem>>, vector<1x1x1x16xf32>,
        %get3A_1889 = vector.shape_cast %get3A_1888 : vector<1x1x1x16xf32> to vector<16xf32>
        %get3A_1890 = arith.constant 9 : i32
        %get3A_1891 = arith.index_cast %get3A_1890 : i32 to index
        %get3A_1892 = arith.constant 0 : index
        %get3A_1893 = tpu.vector_load %arg7[%get3A_1891, %get3A_1892] {strides = array<i32>} : memref<16x128xf32, #tpu.memory_space<vmem>>, vector<1x16xf32>,
        %get3A_1894 = vector.shape_cast %get3A_1893 : vector<1x16xf32> to vector<16xf32>
        %add3A_1895 = arith.addf %get3A_1889, %get3A_1894 : vector<16xf32>
        %swap3A_1896 = arith.constant 1 : i32
        %swap3A_1897 = arith.constant 9 : i32
        %swap3A_1898 = arith.index_cast %swap3A_1896 : i32 to index
        %swap3A_1899 = arith.index_cast %scan3A_226 : i32 to index
        %swap3A_1900 = arith.index_cast %swap3A_1897 : i32 to index
        %swap3A_1901 = arith.constant 0 : index
        %swap3A_1902 = tpu.vector_load %arg6[%swap3A_1898, %swap3A_1899, %swap3A_1900, %swap3A_1901] {strides = array<i32>} : memref<2x8x10x128xf32, #tpu.memory_space<vmem>>, vector<1x1x1x16xf32>,
        %swap3A_1903 = vector.shape_cast %swap3A_1902 : vector<1x1x1x16xf32> to vector<16xf32>
        %swap3A_1904 = vector.shape_cast %add3A_1895 : vector<16xf32> to vector<1x1x1x16xf32>
        tpu.vector_store %arg6[%swap3A_1898, %swap3A_1899, %swap3A_1900, %swap3A_1901], %swap3A_1904 {strides = array<i32>} : memref<2x8x10x128xf32, #tpu.memory_space<vmem>>, vector<1x1x1x16xf32>,
        %get3A_1905 = arith.constant 1 : i32
        %get3A_1906 = arith.constant 9 : i32
        %get3A_1907 = arith.index_cast %get3A_1905 : i32 to index
        %get3A_1908 = arith.index_cast %scan3A_226 : i32 to index
        %get3A_1909 = arith.index_cast %get3A_1906 : i32 to index
        %get3A_1910 = arith.constant 16 : index
        %get3A_1911 = tpu.vector_load %arg5[%get3A_1907, %get3A_1908, %get3A_1909, %get3A_1910] {strides = array<i32>} : memref<2x8x10x128xf32, #tpu.memory_space<vmem>>, vector<1x1x1x16xf32>,
        %get3A_1912 = vector.shape_cast %get3A_1911 : vector<1x1x1x16xf32> to vector<16xf32>
        %get3A_1913 = arith.constant 9 : i32
        %get3A_1914 = arith.index_cast %get3A_1913 : i32 to index
        %get3A_1915 = arith.constant 16 : index
        %get3A_1916 = tpu.vector_load %arg7[%get3A_1914, %get3A_1915] {strides = array<i32>} : memref<16x128xf32, #tpu.memory_space<vmem>>, vector<1x16xf32>,
        %get3A_1917 = vector.shape_cast %get3A_1916 : vector<1x16xf32> to vector<16xf32>
        %add3A_1918 = arith.addf %get3A_1912, %get3A_1917 : vector<16xf32>
        %swap3A_1919 = arith.constant 1 : i32
        %swap3A_1920 = arith.constant 9 : i32
        %swap3A_1921 = arith.index_cast %swap3A_1919 : i32 to index
        %swap3A_1922 = arith.index_cast %scan3A_226 : i32 to index
        %swap3A_1923 = arith.index_cast %swap3A_1920 : i32 to index
        %swap3A_1924 = arith.constant 16 : index
        %swap3A_1925 = tpu.vector_load %arg6[%swap3A_1921, %swap3A_1922, %swap3A_1923, %swap3A_1924] {strides = array<i32>} : memref<2x8x10x128xf32, #tpu.memory_space<vmem>>, vector<1x1x1x16xf32>,
        %swap3A_1926 = vector.shape_cast %swap3A_1925 : vector<1x1x1x16xf32> to vector<16xf32>
        %swap3A_1927 = vector.shape_cast %add3A_1918 : vector<16xf32> to vector<1x1x1x16xf32>
        tpu.vector_store %arg6[%swap3A_1921, %swap3A_1922, %swap3A_1923, %swap3A_1924], %swap3A_1927 {strides = array<i32>} : memref<2x8x10x128xf32, #tpu.memory_space<vmem>>, vector<1x1x1x16xf32>,
        %get3A_1928 = arith.constant 1 : i32
        %get3A_1929 = arith.constant 9 : i32
        %get3A_1930 = arith.index_cast %get3A_1928 : i32 to index
        %get3A_1931 = arith.index_cast %scan3A_226 : i32 to index
        %get3A_1932 = arith.index_cast %get3A_1929 : i32 to index
        %get3A_1933 = arith.constant 32 : index
        %get3A_1934 = tpu.vector_load %arg5[%get3A_1930, %get3A_1931, %get3A_1932, %get3A_1933] {strides = array<i32>} : memref<2x8x10x128xf32, #tpu.memory_space<vmem>>, vector<1x1x1x16xf32>,
        %get3A_1935 = vector.shape_cast %get3A_1934 : vector<1x1x1x16xf32> to vector<16xf32>
        %get3A_1936 = arith.constant 9 : i32
        %get3A_1937 = arith.index_cast %get3A_1936 : i32 to index
        %get3A_1938 = arith.constant 32 : index
        %get3A_1939 = tpu.vector_load %arg7[%get3A_1937, %get3A_1938] {strides = array<i32>} : memref<16x128xf32, #tpu.memory_space<vmem>>, vector<1x16xf32>,
        %get3A_1940 = vector.shape_cast %get3A_1939 : vector<1x16xf32> to vector<16xf32>
        %add3A_1941 = arith.addf %get3A_1935, %get3A_1940 : vector<16xf32>
        %swap3A_1942 = arith.constant 1 : i32
        %swap3A_1943 = arith.constant 9 : i32
        %swap3A_1944 = arith.index_cast %swap3A_1942 : i32 to index
        %swap3A_1945 = arith.index_cast %scan3A_226 : i32 to index
        %swap3A_1946 = arith.index_cast %swap3A_1943 : i32 to index
        %swap3A_1947 = arith.constant 32 : index
        %swap3A_1948 = tpu.vector_load %arg6[%swap3A_1944, %swap3A_1945, %swap3A_1946, %swap3A_1947] {strides = array<i32>} : memref<2x8x10x128xf32, #tpu.memory_space<vmem>>, vector<1x1x1x16xf32>,
        %swap3A_1949 = vector.shape_cast %swap3A_1948 : vector<1x1x1x16xf32> to vector<16xf32>
        %swap3A_1950 = vector.shape_cast %add3A_1941 : vector<16xf32> to vector<1x1x1x16xf32>
        tpu.vector_store %arg6[%swap3A_1944, %swap3A_1945, %swap3A_1946, %swap3A_1947], %swap3A_1950 {strides = array<i32>} : memref<2x8x10x128xf32, #tpu.memory_space<vmem>>, vector<1x1x1x16xf32>,
        %get3A_1951 = arith.constant 1 : i32
        %get3A_1952 = arith.constant 9 : i32
        %get3A_1953 = arith.index_cast %get3A_1951 : i32 to index
        %get3A_1954 = arith.index_cast %scan3A_226 : i32 to index
        %get3A_1955 = arith.index_cast %get3A_1952 : i32 to index
        %get3A_1956 = arith.constant 48 : index
        %get3A_1957 = tpu.vector_load %arg5[%get3A_1953, %get3A_1954, %get3A_1955, %get3A_1956] {strides = array<i32>} : memref<2x8x10x128xf32, #tpu.memory_space<vmem>>, vector<1x1x1x16xf32>,
        %get3A_1958 = vector.shape_cast %get3A_1957 : vector<1x1x1x16xf32> to vector<16xf32>
        %get3A_1959 = arith.constant 9 : i32
        %get3A_1960 = arith.index_cast %get3A_1959 : i32 to index
        %get3A_1961 = arith.constant 48 : index
        %get3A_1962 = tpu.vector_load %arg7[%get3A_1960, %get3A_1961] {strides = array<i32>} : memref<16x128xf32, #tpu.memory_space<vmem>>, vector<1x16xf32>,
        %get3A_1963 = vector.shape_cast %get3A_1962 : vector<1x16xf32> to vector<16xf32>
        %add3A_1964 = arith.addf %get3A_1958, %get3A_1963 : vector<16xf32>
        %swap3A_1965 = arith.constant 1 : i32
        %swap3A_1966 = arith.constant 9 : i32
        %swap3A_1967 = arith.index_cast %swap3A_1965 : i32 to index
        %swap3A_1968 = arith.index_cast %scan3A_226 : i32 to index
        %swap3A_1969 = arith.index_cast %swap3A_1966 : i32 to index
        %swap3A_1970 = arith.constant 48 : index
        %swap3A_1971 = tpu.vector_load %arg6[%swap3A_1967, %swap3A_1968, %swap3A_1969, %swap3A_1970] {strides = array<i32>} : memref<2x8x10x128xf32, #tpu.memory_space<vmem>>, vector<1x1x1x16xf32>,
        %swap3A_1972 = vector.shape_cast %swap3A_1971 : vector<1x1x1x16xf32> to vector<16xf32>
        %swap3A_1973 = vector.shape_cast %add3A_1964 : vector<16xf32> to vector<1x1x1x16xf32>
        tpu.vector_store %arg6[%swap3A_1967, %swap3A_1968, %swap3A_1969, %swap3A_1970], %swap3A_1973 {strides = array<i32>} : memref<2x8x10x128xf32, #tpu.memory_space<vmem>>, vector<1x1x1x16xf32>,
        %get3A_1974 = arith.constant 1 : i32
        %get3A_1975 = arith.constant 9 : i32
        %get3A_1976 = arith.index_cast %get3A_1974 : i32 to index
        %get3A_1977 = arith.index_cast %scan3A_226 : i32 to index
        %get3A_1978 = arith.index_cast %get3A_1975 : i32 to index
        %get3A_1979 = arith.constant 64 : index
        %get3A_1980 = tpu.vector_load %arg5[%get3A_1976, %get3A_1977, %get3A_1978, %get3A_1979] {strides = array<i32>} : memref<2x8x10x128xf32, #tpu.memory_space<vmem>>, vector<1x1x1x16xf32>,
        %get3A_1981 = vector.shape_cast %get3A_1980 : vector<1x1x1x16xf32> to vector<16xf32>
        %get3A_1982 = arith.constant 9 : i32
        %get3A_1983 = arith.index_cast %get3A_1982 : i32 to index
        %get3A_1984 = arith.constant 64 : index
        %get3A_1985 = tpu.vector_load %arg7[%get3A_1983, %get3A_1984] {strides = array<i32>} : memref<16x128xf32, #tpu.memory_space<vmem>>, vector<1x16xf32>,
        %get3A_1986 = vector.shape_cast %get3A_1985 : vector<1x16xf32> to vector<16xf32>
        %add3A_1987 = arith.addf %get3A_1981, %get3A_1986 : vector<16xf32>
        %swap3A_1988 = arith.constant 1 : i32
        %swap3A_1989 = arith.constant 9 : i32
        %swap3A_1990 = arith.index_cast %swap3A_1988 : i32 to index
        %swap3A_1991 = arith.index_cast %scan3A_226 : i32 to index
        %swap3A_1992 = arith.index_cast %swap3A_1989 : i32 to index
        %swap3A_1993 = arith.constant 64 : index
        %swap3A_1994 = tpu.vector_load %arg6[%swap3A_1990, %swap3A_1991, %swap3A_1992, %swap3A_1993] {strides = array<i32>} : memref<2x8x10x128xf32, #tpu.memory_space<vmem>>, vector<1x1x1x16xf32>,
        %swap3A_1995 = vector.shape_cast %swap3A_1994 : vector<1x1x1x16xf32> to vector<16xf32>
        %swap3A_1996 = vector.shape_cast %add3A_1987 : vector<16xf32> to vector<1x1x1x16xf32>
        tpu.vector_store %arg6[%swap3A_1990, %swap3A_1991, %swap3A_1992, %swap3A_1993], %swap3A_1996 {strides = array<i32>} : memref<2x8x10x128xf32, #tpu.memory_space<vmem>>, vector<1x1x1x16xf32>,
        %get3A_1997 = arith.constant 1 : i32
        %get3A_1998 = arith.constant 9 : i32
        %get3A_1999 = arith.index_cast %get3A_1997 : i32 to index
        %get3A_2000 = arith.index_cast %scan3A_226 : i32 to index
        %get3A_2001 = arith.index_cast %get3A_1998 : i32 to index
        %get3A_2002 = arith.constant 80 : index
        %get3A_2003 = tpu.vector_load %arg5[%get3A_1999, %get3A_2000, %get3A_2001, %get3A_2002] {strides = array<i32>} : memref<2x8x10x128xf32, #tpu.memory_space<vmem>>, vector<1x1x1x16xf32>,
        %get3A_2004 = vector.shape_cast %get3A_2003 : vector<1x1x1x16xf32> to vector<16xf32>
        %get3A_2005 = arith.constant 9 : i32
        %get3A_2006 = arith.index_cast %get3A_2005 : i32 to index
        %get3A_2007 = arith.constant 80 : index
        %get3A_2008 = tpu.vector_load %arg7[%get3A_2006, %get3A_2007] {strides = array<i32>} : memref<16x128xf32, #tpu.memory_space<vmem>>, vector<1x16xf32>,
        %get3A_2009 = vector.shape_cast %get3A_2008 : vector<1x16xf32> to vector<16xf32>
        %add3A_2010 = arith.addf %get3A_2004, %get3A_2009 : vector<16xf32>
        %swap3A_2011 = arith.constant 1 : i32
        %swap3A_2012 = arith.constant 9 : i32
        %swap3A_2013 = arith.index_cast %swap3A_2011 : i32 to index
        %swap3A_2014 = arith.index_cast %scan3A_226 : i32 to index
        %swap3A_2015 = arith.index_cast %swap3A_2012 : i32 to index
        %swap3A_2016 = arith.constant 80 : index
        %swap3A_2017 = tpu.vector_load %arg6[%swap3A_2013, %swap3A_2014, %swap3A_2015, %swap3A_2016] {strides = array<i32>} : memref<2x8x10x128xf32, #tpu.memory_space<vmem>>, vector<1x1x1x16xf32>,
        %swap3A_2018 = vector.shape_cast %swap3A_2017 : vector<1x1x1x16xf32> to vector<16xf32>
        %swap3A_2019 = vector.shape_cast %add3A_2010 : vector<16xf32> to vector<1x1x1x16xf32>
        tpu.vector_store %arg6[%swap3A_2013, %swap3A_2014, %swap3A_2015, %swap3A_2016], %swap3A_2019 {strides = array<i32>} : memref<2x8x10x128xf32, #tpu.memory_space<vmem>>, vector<1x1x1x16xf32>,
        %get3A_2020 = arith.constant 1 : i32
        %get3A_2021 = arith.constant 9 : i32
        %get3A_2022 = arith.index_cast %get3A_2020 : i32 to index
        %get3A_2023 = arith.index_cast %scan3A_226 : i32 to index
        %get3A_2024 = arith.index_cast %get3A_2021 : i32 to index
        %get3A_2025 = arith.constant 96 : index
        %get3A_2026 = tpu.vector_load %arg5[%get3A_2022, %get3A_2023, %get3A_2024, %get3A_2025] {strides = array<i32>} : memref<2x8x10x128xf32, #tpu.memory_space<vmem>>, vector<1x1x1x16xf32>,
        %get3A_2027 = vector.shape_cast %get3A_2026 : vector<1x1x1x16xf32> to vector<16xf32>
        %get3A_2028 = arith.constant 9 : i32
        %get3A_2029 = arith.index_cast %get3A_2028 : i32 to index
        %get3A_2030 = arith.constant 96 : index
        %get3A_2031 = tpu.vector_load %arg7[%get3A_2029, %get3A_2030] {strides = array<i32>} : memref<16x128xf32, #tpu.memory_space<vmem>>, vector<1x16xf32>,
        %get3A_2032 = vector.shape_cast %get3A_2031 : vector<1x16xf32> to vector<16xf32>
        %add3A_2033 = arith.addf %get3A_2027, %get3A_2032 : vector<16xf32>
        %swap3A_2034 = arith.constant 1 : i32
        %swap3A_2035 = arith.constant 9 : i32
        %swap3A_2036 = arith.index_cast %swap3A_2034 : i32 to index
        %swap3A_2037 = arith.index_cast %scan3A_226 : i32 to index
        %swap3A_2038 = arith.index_cast %swap3A_2035 : i32 to index
        %swap3A_2039 = arith.constant 96 : index
        %swap3A_2040 = tpu.vector_load %arg6[%swap3A_2036, %swap3A_2037, %swap3A_2038, %swap3A_2039] {strides = array<i32>} : memref<2x8x10x128xf32, #tpu.memory_space<vmem>>, vector<1x1x1x16xf32>,
        %swap3A_2041 = vector.shape_cast %swap3A_2040 : vector<1x1x1x16xf32> to vector<16xf32>
        %swap3A_2042 = vector.shape_cast %add3A_2033 : vector<16xf32> to vector<1x1x1x16xf32>
        tpu.vector_store %arg6[%swap3A_2036, %swap3A_2037, %swap3A_2038, %swap3A_2039], %swap3A_2042 {strides = array<i32>} : memref<2x8x10x128xf32, #tpu.memory_space<vmem>>, vector<1x1x1x16xf32>,
        %get3A_2043 = arith.constant 1 : i32
        %get3A_2044 = arith.constant 9 : i32
        %get3A_2045 = arith.index_cast %get3A_2043 : i32 to index
        %get3A_2046 = arith.index_cast %scan3A_226 : i32 to index
        %get3A_2047 = arith.index_cast %get3A_2044 : i32 to index
        %get3A_2048 = arith.constant 112 : index
        %get3A_2049 = tpu.vector_load %arg5[%get3A_2045, %get3A_2046, %get3A_2047, %get3A_2048] {strides = array<i32>} : memref<2x8x10x128xf32, #tpu.memory_space<vmem>>, vector<1x1x1x16xf32>,
        %get3A_2050 = vector.shape_cast %get3A_2049 : vector<1x1x1x16xf32> to vector<16xf32>
        %get3A_2051 = arith.constant 9 : i32
        %get3A_2052 = arith.index_cast %get3A_2051 : i32 to index
        %get3A_2053 = arith.constant 112 : index
        %get3A_2054 = tpu.vector_load %arg7[%get3A_2052, %get3A_2053] {strides = array<i32>} : memref<16x128xf32, #tpu.memory_space<vmem>>, vector<1x16xf32>,
        %get3A_2055 = vector.shape_cast %get3A_2054 : vector<1x16xf32> to vector<16xf32>
        %add3A_2056 = arith.addf %get3A_2050, %get3A_2055 : vector<16xf32>
        %swap3A_2057 = arith.constant 1 : i32
        %swap3A_2058 = arith.constant 9 : i32
        %swap3A_2059 = arith.index_cast %swap3A_2057 : i32 to index
        %swap3A_2060 = arith.index_cast %scan3A_226 : i32 to index
        %swap3A_2061 = arith.index_cast %swap3A_2058 : i32 to index
        %swap3A_2062 = arith.constant 112 : index
        %swap3A_2063 = tpu.vector_load %arg6[%swap3A_2059, %swap3A_2060, %swap3A_2061, %swap3A_2062] {strides = array<i32>} : memref<2x8x10x128xf32, #tpu.memory_space<vmem>>, vector<1x1x1x16xf32>,
        %swap3A_2064 = vector.shape_cast %swap3A_2063 : vector<1x1x1x16xf32> to vector<16xf32>
        %swap3A_2065 = vector.shape_cast %add3A_2056 : vector<16xf32> to vector<1x1x1x16xf32>
        tpu.vector_store %arg6[%swap3A_2059, %swap3A_2060, %swap3A_2061, %swap3A_2062], %swap3A_2065 {strides = array<i32>} : memref<2x8x10x128xf32, #tpu.memory_space<vmem>>, vector<1x1x1x16xf32>,
        %scan3A_2066 = arith.constant 0 : i32
        scf.yield %scan3A_2066 : i32
      }
      %scan3A_197 = arith.constant 8 : i32
      %dma_start3A_198 = arith.constant 1 : i32
      %dma_start3A_199 = arith.constant 1 : i32
      %dma_start3A_200 = arith.constant 0 : i32
      %dma_start3A_201 = arith.constant 0 : i32
      %dma_start3A_202 = arith.constant 0 : i32
      %dma_start3A_203 = tpu.memref_slice %arg6[%dma_start3A_198, %dma_start3A_200, %dma_start3A_201, %dma_start3A_202] : memref<2x8x10x128xf32, #tpu.memory_space<vmem>> -> memref<1x8x10x128xf32, #tpu.memory_space<vmem>>
      %dma_start3A_204 = tpu.memref_squeeze %dma_start3A_203 : memref<1x8x10x128xf32, #tpu.memory_space<vmem>> -> memref<8x10x128xf32, #tpu.memory_space<vmem>>
      %dma_start3A_205 = arith.constant 0 : i32
      %dma_start3A_206 = arith.constant 0 : i32
      %dma_start3A_207 = tpu.memref_slice %arg4[%add3A_165, %dma_start3A_205, %dma_start3A_206] : memref<16384x10x128xf32, #tpu.memory_space<hbm>> -> memref<8x10x128xf32, #tpu.memory_space<hbm>>
      %dma_start3A_208 = tpu.memref_slice %arg9[%dma_start3A_199] : memref<2x!tpu.dma_semaphore, #tpu.memory_space<semaphore_mem>> -> memref<1x!tpu.dma_semaphore, #tpu.memory_space<semaphore_mem>>
      %dma_start3A_209 = tpu.memref_squeeze %dma_start3A_208 : memref<1x!tpu.dma_semaphore, #tpu.memory_space<semaphore_mem>> -> memref<!tpu.dma_semaphore, #tpu.memory_space<semaphore_mem>>
      %dma_start3A_210 = arith.constant 0 : i32
      %dma_start3A_211 = arith.constant 0 : i32
      %dma_start3A_212 = tpu.memref_slice %arg4[%add3A_165, %dma_start3A_210, %dma_start3A_211] : memref<16384x10x128xf32, #tpu.memory_space<hbm>> -> memref<8x10x128xf32, #tpu.memory_space<hbm>>
      %dma_start3A_213 = arith.constant 0 : i32
      %dma_start3A_214 = arith.constant 0 : i32
      %dma_start3A_215 = arith.constant 0 : i32
      %dma_start3A_216 = tpu.memref_slice %arg6[%dma_start3A_198, %dma_start3A_213, %dma_start3A_214, %dma_start3A_215] : memref<2x8x10x128xf32, #tpu.memory_space<vmem>> -> memref<1x8x10x128xf32, #tpu.memory_space<vmem>>
      %dma_start3A_217 = tpu.memref_squeeze %dma_start3A_216 : memref<1x8x10x128xf32, #tpu.memory_space<vmem>> -> memref<8x10x128xf32, #tpu.memory_space<vmem>>
      tpu.enqueue_dma source(%dma_start3A_217 : memref<8x10x128xf32, #tpu.memory_space<vmem>>) target(%dma_start3A_212 : memref<8x10x128xf32, #tpu.memory_space<hbm>>) target_semaphore(%dma_start3A_209 : memref<!tpu.dma_semaphore, #tpu.memory_space<semaphore_mem>>)
      %add3A_218 = arith.constant 2 : i32
      %add3A_219 = arith.addi %add3A_162, %add3A_218 : i32
      %lt3A_220 = arith.constant 64 : i32
      %lt3A_221 = arith.cmpi slt, %add3A_219, %lt3A_220 : i32
      %convert_element_type3A_222 = arith.extui %lt3A_221 : i1 to i32
      %cond3A_223 = arith.constant 0 : i32
      %cond3A_224 = arith.cmpi ne, %convert_element_type3A_222, %cond3A_223 : i32
      scf.if %cond3A_224 {
        %add3A_226 = arith.constant 16 : i32
        %add3A_227 = arith.addi %add3A_165, %add3A_226 : i32
        %dma_start3A_228 = arith.constant 1 : i32
        %dma_start3A_229 = arith.constant 1 : i32
        %dma_start3A_230 = arith.constant 0 : i32
        %dma_start3A_231 = arith.constant 0 : i32
        %dma_start3A_232 = arith.constant 0 : i32
        %dma_start3A_233 = tpu.memref_slice %arg5[%dma_start3A_228, %dma_start3A_230, %dma_start3A_231, %dma_start3A_232] : memref<2x8x10x128xf32, #tpu.memory_space<vmem>> -> memref<1x8x10x128xf32, #tpu.memory_space<vmem>>
        %dma_start3A_234 = tpu.memref_squeeze %dma_start3A_233 : memref<1x8x10x128xf32, #tpu.memory_space<vmem>> -> memref<8x10x128xf32, #tpu.memory_space<vmem>>
        %dma_start3A_235 = arith.constant 0 : i32
        %dma_start3A_236 = arith.constant 0 : i32
        %dma_start3A_237 = tpu.memref_slice %arg2[%add3A_227, %dma_start3A_235, %dma_start3A_236] : memref<16384x10x128xf32, #tpu.memory_space<hbm>> -> memref<8x10x128xf32, #tpu.memory_space<hbm>>
        %dma_start3A_238 = tpu.memref_slice %arg8[%dma_start3A_229] : memref<2x!tpu.dma_semaphore, #tpu.memory_space<semaphore_mem>> -> memref<1x!tpu.dma_semaphore, #tpu.memory_space<semaphore_mem>>
        %dma_start3A_239 = tpu.memref_squeeze %dma_start3A_238 : memref<1x!tpu.dma_semaphore, #tpu.memory_space<semaphore_mem>> -> memref<!tpu.dma_semaphore, #tpu.memory_space<semaphore_mem>>
        %dma_start3A_240 = arith.constant 0 : i32
        %dma_start3A_241 = arith.constant 0 : i32
        %dma_start3A_242 = arith.constant 0 : i32
        %dma_start3A_243 = tpu.memref_slice %arg5[%dma_start3A_228, %dma_start3A_240, %dma_start3A_241, %dma_start3A_242] : memref<2x8x10x128xf32, #tpu.memory_space<vmem>> -> memref<1x8x10x128xf32, #tpu.memory_space<vmem>>
        %dma_start3A_244 = tpu.memref_squeeze %dma_start3A_243 : memref<1x8x10x128xf32, #tpu.memory_space<vmem>> -> memref<8x10x128xf32, #tpu.memory_space<vmem>>
        %dma_start3A_245 = arith.constant 0 : i32
        %dma_start3A_246 = arith.constant 0 : i32
        %dma_start3A_247 = tpu.memref_slice %arg2[%add3A_227, %dma_start3A_245, %dma_start3A_246] : memref<16384x10x128xf32, #tpu.memory_space<hbm>> -> memref<8x10x128xf32, #tpu.memory_space<hbm>>
        tpu.enqueue_dma source(%dma_start3A_247 : memref<8x10x128xf32, #tpu.memory_space<hbm>>) target(%dma_start3A_244 : memref<8x10x128xf32, #tpu.memory_space<vmem>>) target_semaphore(%dma_start3A_239 : memref<!tpu.dma_semaphore, #tpu.memory_space<semaphore_mem>>)
      } else {
      }
      %scan3A_225 = arith.constant 0 : i32
      scf.yield %scan3A_225 : i32
    }
    %scan3A_51 = arith.constant 32 : i32
    %dma_wait3A = arith.constant 0 : i32
    %dma_wait3A_52 = arith.constant 0 : i32
    %dma_wait3A_53 = arith.constant 0 : i32
    %dma_wait3A_54 = arith.constant 0 : i32
    %dma_wait3A_55 = arith.constant 0 : i32
    %dma_wait3A_56 = tpu.memref_slice %arg6[%dma_wait3A, %dma_wait3A_53, %dma_wait3A_54, %dma_wait3A_55] : memref<2x8x10x128xf32, #tpu.memory_space<vmem>> -> memref<1x8x10x128xf32, #tpu.memory_space<vmem>>
    %dma_wait3A_57 = tpu.memref_squeeze %dma_wait3A_56 : memref<1x8x10x128xf32, #tpu.memory_space<vmem>> -> memref<8x10x128xf32, #tpu.memory_space<vmem>>
    %dma_wait3A_58 = arith.constant 0 : i32
    %dma_wait3A_59 = arith.constant 0 : i32
    %dma_wait3A_60 = arith.constant 0 : i32
    %dma_wait3A_61 = tpu.memref_slice %arg4[%dma_wait3A_58, %dma_wait3A_59, %dma_wait3A_60] : memref<16384x10x128xf32, #tpu.memory_space<hbm>> -> memref<8x10x128xf32, #tpu.memory_space<hbm>>
    %dma_wait3A_62 = tpu.memref_slice %arg9[%dma_wait3A_52] : memref<2x!tpu.dma_semaphore, #tpu.memory_space<semaphore_mem>> -> memref<1x!tpu.dma_semaphore, #tpu.memory_space<semaphore_mem>>
    %dma_wait3A_63 = tpu.memref_squeeze %dma_wait3A_62 : memref<1x!tpu.dma_semaphore, #tpu.memory_space<semaphore_mem>> -> memref<!tpu.dma_semaphore, #tpu.memory_space<semaphore_mem>>
    %dma_wait3A_64 = arith.constant 0 : i32
    %dma_wait3A_65 = arith.constant 0 : i32
    %dma_wait3A_66 = arith.constant 0 : i32
    %dma_wait3A_67 = tpu.memref_slice %arg4[%dma_wait3A_64, %dma_wait3A_65, %dma_wait3A_66] : memref<16384x10x128xf32, #tpu.memory_space<hbm>> -> memref<8x10x128xf32, #tpu.memory_space<hbm>>
    %dma_wait3A_68 = arith.constant 0 : i32
    %dma_wait3A_69 = arith.constant 0 : i32
    %dma_wait3A_70 = arith.constant 0 : i32
    %dma_wait3A_71 = tpu.memref_slice %arg6[%dma_wait3A, %dma_wait3A_68, %dma_wait3A_69, %dma_wait3A_70] : memref<2x8x10x128xf32, #tpu.memory_space<vmem>> -> memref<1x8x10x128xf32, #tpu.memory_space<vmem>>
    %dma_wait3A_72 = tpu.memref_squeeze %dma_wait3A_71 : memref<1x8x10x128xf32, #tpu.memory_space<vmem>> -> memref<8x10x128xf32, #tpu.memory_space<vmem>>
    tpu.wait_dma2 semaphore(%dma_wait3A_63 : memref<!tpu.dma_semaphore, #tpu.memory_space<semaphore_mem>>) src(%dma_wait3A_72 : memref<8x10x128xf32, #tpu.memory_space<vmem>>) dst(%dma_wait3A_67 : memref<8x10x128xf32, #tpu.memory_space<hbm>>)
    %dma_wait3A_73 = arith.constant 1 : i32
    %dma_wait3A_74 = arith.constant 1 : i32
    %dma_wait3A_75 = arith.constant 0 : i32
    %dma_wait3A_76 = arith.constant 0 : i32
    %dma_wait3A_77 = arith.constant 0 : i32
    %dma_wait3A_78 = tpu.memref_slice %arg6[%dma_wait3A_73, %dma_wait3A_75, %dma_wait3A_76, %dma_wait3A_77] : memref<2x8x10x128xf32, #tpu.memory_space<vmem>> -> memref<1x8x10x128xf32, #tpu.memory_space<vmem>>
    %dma_wait3A_79 = tpu.memref_squeeze %dma_wait3A_78 : memref<1x8x10x128xf32, #tpu.memory_space<vmem>> -> memref<8x10x128xf32, #tpu.memory_space<vmem>>
    %dma_wait3A_80 = arith.constant 0 : i32
    %dma_wait3A_81 = arith.constant 0 : i32
    %dma_wait3A_82 = arith.constant 0 : i32
    %dma_wait3A_83 = tpu.memref_slice %arg4[%dma_wait3A_80, %dma_wait3A_81, %dma_wait3A_82] : memref<16384x10x128xf32, #tpu.memory_space<hbm>> -> memref<8x10x128xf32, #tpu.memory_space<hbm>>
    %dma_wait3A_84 = tpu.memref_slice %arg9[%dma_wait3A_74] : memref<2x!tpu.dma_semaphore, #tpu.memory_space<semaphore_mem>> -> memref<1x!tpu.dma_semaphore, #tpu.memory_space<semaphore_mem>>
    %dma_wait3A_85 = tpu.memref_squeeze %dma_wait3A_84 : memref<1x!tpu.dma_semaphore, #tpu.memory_space<semaphore_mem>> -> memref<!tpu.dma_semaphore, #tpu.memory_space<semaphore_mem>>
    %dma_wait3A_86 = arith.constant 0 : i32
    %dma_wait3A_87 = arith.constant 0 : i32
    %dma_wait3A_88 = arith.constant 0 : i32
    %dma_wait3A_89 = tpu.memref_slice %arg4[%dma_wait3A_86, %dma_wait3A_87, %dma_wait3A_88] : memref<16384x10x128xf32, #tpu.memory_space<hbm>> -> memref<8x10x128xf32, #tpu.memory_space<hbm>>
    %dma_wait3A_90 = arith.constant 0 : i32
    %dma_wait3A_91 = arith.constant 0 : i32
    %dma_wait3A_92 = arith.constant 0 : i32
    %dma_wait3A_93 = tpu.memref_slice %arg6[%dma_wait3A_73, %dma_wait3A_90, %dma_wait3A_91, %dma_wait3A_92] : memref<2x8x10x128xf32, #tpu.memory_space<vmem>> -> memref<1x8x10x128xf32, #tpu.memory_space<vmem>>
    %dma_wait3A_94 = tpu.memref_squeeze %dma_wait3A_93 : memref<1x8x10x128xf32, #tpu.memory_space<vmem>> -> memref<8x10x128xf32, #tpu.memory_space<vmem>>
    tpu.wait_dma2 semaphore(%dma_wait3A_85 : memref<!tpu.dma_semaphore, #tpu.memory_space<semaphore_mem>>) src(%dma_wait3A_94 : memref<8x10x128xf32, #tpu.memory_space<vmem>>) dst(%dma_wait3A_89 : memref<8x10x128xf32, #tpu.memory_space<hbm>>)
    return
  }
}

</mosaic_0001>

<sc_bundles>
// kernel: kernel.3.cloned.1.call-start
scs
__scs_entry_jumppad:
0x0: {  	(pc) =	sbr.rel $0x88, $3  }
0x1: {  	(tag) =	ssettag $0x0;
	lr =	simm.s32 $0x1  }
0x2: {  	[smem:$0x3F9F] =	sst lr;
	_ =	strace $0xD0000000  }
0x3: {  	_ = 	snop  }
0x4: {  	_ = 	snop  }
0x5: {  	_ = 	snop  }
0x6: {  	_ = 	snop  }
0x7: {  	_ = 	snop  }
__scs_overlays_trampoline_lowered:
0x8: {  	[smem:$0x3FAE] =	sst s0  }
0x9: {  	[smem:$0x3FAF] =	sst s1  }
0xa: {  	[smem:$0x3FB0] =	sst s2  }
0xb: {  	[smem:$0x3FB1] =	sst s3  }
0xc: {  	[smem:$0x3FB2] =	sst s4  }
0xd: {  	[smem:$0x3FB3] =	sst s5  }
0xe: {  	[smem:$0x3FB4] =	sst s6  }
0xf: {  	[smem:$0x3FB5] =	sst s7  }
0x10: {  	[smem:$0x3FB6] =	sst s8  }
0x11: {  	[smem:$0x3FB7] =	sst s9;
	s0 =	simm.s32 @!p0 $0x0  }
0x12: {  	s1 =	sld [smem:$0x3F9D];
	s0 =	simm.s32 @p0 $0x1  }
0x13: {  	[smem:$0x3FB8] =	sst s0;
	s0 =	simm.s32 @!p1 $0x0  }
0x14: {  	s2 =	sld [smem:$0x3F9C];
	s0 =	simm.s32 @p1 $0x1  }
0x15: {  	[smem:$0x3FB9] =	sst s0;
	s0 =	simm.s32 @!p2 $0x0  }
0x16: {  	s3 =	sld [smem:$0x3FDB];
	s0 =	simm.s32 @p2 $0x1  }
0x17: {  	s4 =	simm.s32 $0x1BF5;
	[smem:$0x3FBB] =	sst s0  }
0x18: {  	s0 =	sld [smem:$0x3F9E];
	_ =	swait.ge [sflag:s4], $0x0  }
0x19: {  	s7 =	sld [smem:$0x3F9F]  }
0x1a: {  	s8 =	sadd.s32 $0xFFFFE003, lr  }
0x1b: {  	s9 =	sadd.s32 $0xFFFFFEF7, lr;
	s5 =	simm.s32 $0xFFFFFFFF;
	p2 =	slt.u32 s8, $0xFFFFF086  }
0x1c: {  	p1 =	slt.u32 s9, $0xF7A;
	s5 =	simm.s32 @!p2 $0x0  }
0x1d: {  	s5 =	simm.s32 @p1 $0x1;
	p0 =	seq.s32 s7, s2  }
0x1e: {  	s7 =	smul.u32 @!p0 $0xF7A, s2;
	p2 =	seq.s32 @!p0 s5, $0x0  }
0x1f: {  	s9 =	smul.u32 $0xF7A, s1;
	s8 =	simm.s32 @!p0 $0x1BF5;
	p2 =	por !p2, p0  }
0x20: {  	[sflag:s8] =	ssyncset.s32 @!p0 $0xFFFFF086;
	s6 =	sadd.s32 @!p0 s3, s7;
	s7 =	simm.s32 @!p0 $0x108  }
0x21: {  	s3 =	sadd.s32 s3, s9;
	s6 =	sadd.s32 @!p0 $0x88, s6;
	s7 =	simm.s32 @p2 $0x1082  }
0x22: {  	[simem:s7], [sflag:s8] =	dma.local @!p0 [hbm:s6], $0xF7A  }
0x23: {  	s9 =	sor.u32 $0xD0000000, s2;
	s6 =	simm.s32 $0x108;
	_ =	swait.ge @!p0 [sflag:s8], $0x0  }
0x24: {  	s3 =	sadd.s32 $0x88, s3;
	s6 =	simm.s32 @!p1 $0x1082;
	[sflag:s4] =	ssyncset.s32 $0xFFFFF086  }
0x25: {  	[simem:s6], [sflag:s4] =	dma.local [hbm:s3], $0xF7A  }
0x26: {  	[smem:$0x3F9F] =	sst s1;
	(tag) =	ssettag s2;
	_ =	strace s9  }
0x27: {  	s1 =	sld [smem:$0x3FAF]  }
0x28: {  	s2 =	sld [smem:$0x3FB0]  }
0x29: {  	s4 =	sld [smem:$0x3FB2]  }
0x2a: {  	p0 =	seq.s32 s5, $0x0;
	s5 =	sld [smem:$0x3FB3]  }
0x2b: {  	s6 =	sld [smem:$0x3FB4]  }
0x2c: {  	s7 =	sld [smem:$0x3FB5]  }
0x2d: {  	s3 =	simm.s32 $0x108;
	s8 =	sld [smem:$0x3FB6]  }
0x2e: {  	s3 =	simm.s32 @!p0 $0x1082;
	s9 =	sld [smem:$0x3FB7]  }
0x2f: {  	lr =	sadd.s32 s0, s3;
	s0 =	sld [smem:$0x3FAE]  }
0x30: {  	s3 =	sld [smem:$0x3FB1]  }
0x31: {  	[smem:$0x3FBA] =	sst s10  }
0x32: {  	s10 =	sld [smem:$0x3FB8];
	_ =	sdelay $0x3  }
0x33: {  	p0 =	seq.s32 s10, $0x1;
	s10 =	sld [smem:$0x3FBA];
	_ =	sdelay $0x3  }
0x34: {  	[smem:$0x3FBA] =	sst s10  }
0x35: {  	s10 =	sld [smem:$0x3FB9];
	_ =	sdelay $0x3  }
0x36: {  	p1 =	seq.s32 s10, $0x1;
	s10 =	sld [smem:$0x3FBA];
	_ =	sdelay $0x3  }
0x37: {  	[smem:$0x3FBA] =	sst s10  }
0x38: {  	s10 =	sld [smem:$0x3FBB]  }
0x39: {  	_ = 	snop;
	(pc) =	sbr.ind lr, $3  }
0x3a: {  	_ = 	snop  }
0x3b: {  	_ = 	snop  }
0x3c: {  	p2 =	seq.s32 s10, $0x1;
	s10 =	sld [smem:$0x3FBA]  }
0x3d: {  	_ =	shalt  }
0x3e: {  	_ =	shalt  }
0x3f: {  	_ =	shalt  }
0x40: {  	_ =	shalt  }
0x41: {  	_ =	shalt  }
0x42: {  	_ =	shalt  }
0x43: {  	_ =	shalt  }
0x44: {  	_ =	shalt  }
0x45: {  	_ =	shalt  }
0x46: {  	_ =	shalt  }
0x47: {  	_ =	shalt  }
0x48: {  	_ =	shalt  }
0x49: {  	_ =	shalt  }
0x4a: {  	_ =	shalt  }
0x4b: {  	_ =	shalt  }
0x4c: {  	_ =	shalt  }
0x4d: {  	_ =	shalt  }
0x4e: {  	_ =	shalt  }
0x4f: {  	_ =	shalt  }
0x50: {  	_ =	shalt  }
0x51: {  	_ =	shalt  }
0x52: {  	_ =	shalt  }
0x53: {  	_ =	shalt  }
0x54: {  	_ =	shalt  }
0x55: {  	_ =	shalt  }
0x56: {  	_ =	shalt  }
0x57: {  	_ =	shalt  }
0x58: {  	_ =	shalt  }
0x59: {  	_ =	shalt  }
0x5a: {  	_ =	shalt  }
0x5b: {  	_ =	shalt  }
0x5c: {  	_ =	shalt  }
0x5d: {  	_ =	shalt  }
0x5e: {  	_ =	shalt  }
0x5f: {  	_ =	shalt  }
0x60: {  	_ =	shalt  }
0x61: {  	_ =	shalt  }
0x62: {  	_ =	shalt  }
0x63: {  	_ =	shalt  }
0x64: {  	_ =	shalt  }
0x65: {  	_ =	shalt  }
0x66: {  	_ =	shalt  }
0x67: {  	_ =	shalt  }
0x68: {  	_ =	shalt  }
0x69: {  	_ =	shalt  }
0x6a: {  	_ =	shalt  }
0x6b: {  	_ =	shalt  }
0x6c: {  	_ =	shalt  }
0x6d: {  	_ =	shalt  }
0x6e: {  	_ =	shalt  }
0x6f: {  	_ =	shalt  }
0x70: {  	_ =	shalt  }
0x71: {  	_ =	shalt  }
0x72: {  	_ =	shalt  }
0x73: {  	_ =	shalt  }
0x74: {  	_ =	shalt  }
0x75: {  	_ =	shalt  }
0x76: {  	_ =	shalt  }
0x77: {  	_ =	shalt  }
0x78: {  	_ =	shalt  }
0x79: {  	_ =	shalt  }
0x7a: {  	_ =	shalt  }
0x7b: {  	_ =	shalt  }
0x7c: {  	_ =	shalt  }
0x7d: {  	_ =	shalt  }
0x7e: {  	_ =	shalt  }
0x7f: {  	_ =	shalt  }
0x80: {  	_ =	shalt  }
0x81: {  	_ =	shalt  }
0x82: {  	_ =	shalt  }
0x83: {  	_ =	shalt  }
0x84: {  	_ =	shalt  }
0x85: {  	_ =	shalt  }
0x86: {  	_ =	shalt  }
0x87: {  	_ =	shalt  }
.Lfunc_end0:
.L_simem_size_0:
called_computation_lowered:
.L_overlay_start_0:
0x88: {  	s2 =	sld [smem:$0x3FD9]  }
0x89: {  	s3 =	sld [smem:$0x3FFE];
	_ =	sdelay $0x1  }
0x8a: {  	s1 =	srdreg.scid  }
0x8b: {  	s0 =	sand.u32 $0x1, s1  }
0x8c: {  	s17 =	sshll.u32 s0, $0xA;
	s2 =	sadd.s32 s3, s2  }
0x8d: {  	s2 =	sadd.s32 s2, s17  }
0x8e: {  	[smem:$0x3FC6] =	sst s2  }
0x8f: {  	_ = 	snop  }
0x90: {  	s2 =	sld [smem:$0x3FC8];
	(tm) =	ssettm $0x1  }
0x91: {  	s18 =	sld [smem:$0x3FFB];
	_ =	sdelay $0x3  }
0x92: {  	_ =	strace s18  }
0x93: {  	s3 =	sld [smem:$0x3FFC];
	_ =	sdelay $0x3  }
0x94: {  	_ =	strace s3  }
0x95: {  	s3 =	sld [smem:$0x3FFD];
	_ =	sdelay $0x3  }
0x96: {  	_ =	strace s3  }
0x97: {  	_ =	strace $0x8FFFFFFF  }
0x98: {  	s19 =	sld [smem:$0x3FDB];
	_ =	sdelay $0x1  }
0x99: {  	s4 =	simm.s32 $_scs_section_size  }
0x9a: {  	s5 =	simm.s32 $_size__tile_overlayer_lowered;
	s6 =	simm.s32 $_tile_overlayer_lowered  }
0x9b: {  	s22 =	simm.s32 $0x1BFF;
	s21 =	sshll.u32 s6, $0x1;
	s3 =	sadd.s32 s4, s19  }
0x9c: {  	s7 =	simm.s32 $0x0;
	s20 =	sshll.u32 s5, $0x1;
	s5 =	sadd.s32 s21, s3  }
0x9d: {  	[timem:s7], [sflag:s22] =	dma.local [hbm:s5], s20  }
0x9e: {  	_ =	swait.ge [sflag:s22], s20  }
0x9f: {  	s4 =	ssub.s32 $0x0, s20;
	[sflag:s22] =	ssyncset.done $0x0  }
0xa0: {  	[sflag:s22] =	ssyncadd.s32 s4;
	_ =	sdelay $0x1  }
0xa1: {  	s23 =	simm.s32 $0x1B8B  }
0xa2: {  	_ =	swait.ge [sflag:s23], $0x1  }
0xa3: {  	[sflag:s23] =	ssyncset.done $0x0  }
0xa4: {  	s25 =	simm.s32 $0x1B8E;
	s24 =	sld [smem:$0x3FFE];
	[sflag:s23] =	ssyncadd.s32 $0xFFFFFFFF  }
0xa5: {  	s26 =	simm.s32 $execute0_lowered;
	[smem:$0x3FD2] =	sst s25  }
0xa6: {  	s5 =	sshll.u32 s26, $0x1;
	_ =	strace $0x80000046;
	[dreg:$0x1] =	wrdreg $0xFFFFFFFF  }
0xa7: {  	s28 =	simm.s32 $_size_execute0_lowered;
	s3 =	sadd.s32 s3, s5;
	[dreg:$0x0] =	wrdreg $0x0  }
0xa8: {  	s5 =	sshll.u32 s28, $0x1;
	[dreg:$0x2] =	wrdreg s3  }
0xa9: {  	[dreg:$0x3] =	wrdreg s5  }
0xaa: {  	[dreg:$0x4] =	wrdreg $0xC0  }
0xab: {  	_ =	task [dreg:s7], $0x5FFFF  }
0xac: {  	[dreg:$0x1] =	wrdreg $0xFFFFFFFF  }
0xad: {  	[dreg:$0x0] =	wrdreg $0x60  }
0xae: {  	[dreg:$0x2] =	wrdreg s24  }
0xaf: {  	[dreg:$0x3] =	wrdreg s2  }
0xb0: {  	[dreg:$0x4] =	wrdreg $0x9  }
0xb1: {  	_ =	task.clear_ibuf [dreg:s7], $0x5FFFF;
	_ =	strace $0x90000046  }
0xb2: {  	s29 =	simm.s32 $0x9;
	_ =	strace $0x80000048  }
0xb3: {  	_ =	swait.ge [sflag:s29], $0x1  }
0xb4: {  	[sflag:s29] =	ssyncadd.s32 $0xFFFFFFFF  }
0xb5: {  	_ =	strace $0x90000048  }
0xb6: {  	_ =	sfence  }
0xb7: {  	s30 =	sld [smem:$0x0];
	_ =	sdelay $0x2  }
0xb8: {  	s31 =	sshll.u32 s1, $0xD;
	s1 =	sshrl.u32 s1, $0x2  }
0xb9: {  	s3 =	sand.u32 $0x4000, s31;
	s1 =	sadd.s32 s1, s30  }
0xba: {  	s0 =	sor.u32 s3, s0;
	s1 =	sshll.u32 s1, $0x11  }
0xbb: {  	s0 =	sor.u32 s1, s0  }
0xbc: {  	s0 =	sadd.s32 $0x8F2B, s0  }
0xbd: {  	[sflag:s0] =	ssyncadd.remote.s32 $0x1  }
0xbe: {  	_ =	sfence.sel $0xFFFF  }
0xbf: {  	[dreg:$0x0] =	wrdreg $0xFFFFFFFF;
	(pc) =	sbr.abs _section_cstart, $3  }
0xc0: {  	[dreg:$0x1] =	wrdreg $0xFFFFFFFF  }
0xc1: {  	_ =	task.clear_ibuf [dreg:s7], $0x2FFFF;
	_ =	strace $0x9FFFFFFF  }
0xc2: {  	(tm) =	ssettm $0x7FFFFFFF  }
0xc3: {  	_ =	shalt  }
tec
execute0_lowered:
.L_overlay_start_1:
0x0: {  	(tag) =	ssettag $0x1  }
0x1: {  	s0 =	rddreg [dreg:$0x0]  }
0x2: {  	s1 =	srdreg.scid;
	s2 =	stileid.u32  }
0x3: {  	s3 =	simm.s32 $0x0;
	s10 =	simm.s32 $0x1;
	s9 =	simm.s32 $0x8000  }
0x4: {  	s12 =	simm.s32 $0x8800;
	s14 =	simm.s32 $0x9000;
	s16 =	simm.s32 $0x9800  }
0x5: {  	s18 =	simm.s32 $0xA000;
	s20 =	simm.s32 $0xA800;
	s11 =	simm.s32 $0x4  }
0x6: {  	s7 =	simm.s32 $0xC000;
	s13 =	simm.s32 $0xC800;
	s1 =	sand.u32 $0x1, s1  }
0x7: {  	s15 =	simm.s32 $0xD000;
	s2 =	sshll.u32 s2, $0x12;
	s4 =	sshll.u32 s1, $0x11  }
0x8: {  	s17 =	simm.s32 $0xD800;
	s1 =	ssub.s32 $0x2, s1;
	s4 =	sor.u32 s4, s2  }
0x9: {  	[smem:$0x7FF] =	sst s3;
	s6 =	sshrl.u32 s1, $0x1;
	s2 =	sadd.s32 s4, s0  }
0xa: {  	s1 =	ssub.s32 s1, s6;
	s21 =	sadd.s32 $0x400, s2;
	s2 =	sadd.s32 $0xC00, s2  }
0xb: {  	_ =	strace $0x80000047;
	s22 =	smax.u32 s1, $0x1;
	[dreg:$0x4] =	wrdreg s2  }
0xc: {  	s19 =	simm.s32 $0xE000;
	s28 =	simm.s32 $0x0;
	[dreg:$0x5] =	wrdreg s22  }
0xd: {  	s5 =	sadd.s32 $0x400400, s0;
	s23 =	sadd.s32 $0x100, s21;
	[dreg:$0x3] =	wrdreg s21  }
0xe: {  	s8 =	sadd.s32 $0x1400, s0;
	s24 =	sadd.s32 $0x200, s21;
	[dreg:$0x6] =	wrdreg s23  }
0xf: {  	s0 =	simm.s32 $0x6800;
	s25 =	sadd.s32 $0x300, s21;
	[dreg:$0x7] =	wrdreg s24  }
0x10: {  	s6 =	simm.s32 $0x2;
	s26 =	sadd.s32 $0x400, s21;
	[dreg:$0x8] =	wrdreg s25  }
.Ltmp0:
0x11: {  	s29 =	sadd.s32 $0x500, s21;
	[dreg:$0x9] =	wrdreg s26;
	(pc) =	sbr.rel .LBB2_1-.Ltmp0, $4  }
0x12: {  	s1 =	simm.s32 $0x7000;
	s30 =	sadd.s32 $0x600, s21;
	[dreg:$0xa] =	wrdreg s29  }
0x13: {  	s31 =	sadd.s32 $0x700, s21;
	s2 =	simm.s32 $0x7800;
	[dreg:$0xb] =	wrdreg s30  }
0x14: {  	s22 =	simm.s32 $0xB000;
	s21 =	simm.s32 $0xE800;
	[dreg:$0xc] =	wrdreg s31  }
0x15: {  	s24 =	simm.s32 $0xB800;
	s23 =	simm.s32 $0xF000;
	s25 =	simm.s32 $0xF800  }
.LBB2_12:
0x16: {  	s26 =	simm.s32 $0x3  }
0x17: {  	_ =	swait.ge [sflag:s26], $0x2800  }
0x18: {  	[sflag:s26] =	ssyncset.done $0x0  }
0x19: {  	[sflag:s26] =	ssyncadd.s32 $0xFFFFD800  }
0x1a: {  	_ =	swait.ge [sflag:s11], $0x2800  }
0x1b: {  	s28 =	rddreg [dreg:$0xd]  }
0x1c: {  	s31 =	rddreg [dreg:$0x5];
	s28 =	sadd.s32 $0x1, s28  }
0x1d: {  	p0 =	sne.s32 s28, s31  }
.Ltmp1:
0x1e: {  	_ = 	snop;
	(pc) =	sbr.rel @!p0 .LBB2_13-.Ltmp1, $3  }
0x1f: {  	_ =	sdelay $0x1  }
0x20: {  	[sflag:s11] =	ssyncset.done $0x0  }
0x21: {  	[sflag:s11] =	ssyncadd.s32 $0xFFFFD800  }
.LBB2_1:
0x22: {  	[dreg:$0xd] =	wrdreg s28  }
0x23: {  	s26 =	rddreg [dreg:$0x1];
	s31 =	simm.s32 $0x10000;
	s29 =	simm.s32 $0x5  }
0x24: {  	[tilespmem:s31], [sflag:$0x5] =	stream.linear.gather [hbm4b:s26+s3], $0x800, $0x38;
	[tilespmem:$0x10800] =	vst v63  }
0x25: {  	_ =	swait.ge [sflag:s29], $0x800  }
0x26: {  	[sflag:s29] =	ssyncset.done $0x0  }
0x27: {  	s30 =	rddreg [dreg:$0x3];
	[sflag:s29] =	ssyncadd.s32 $0xFFFFF800  }
0x28: {  	[tilespmem:s3], [sflag:$0x1] =	stream.linear.gather [hbm4b:s30+s3], $0x500, $0x38;
	[tilespmem:$0x10800] =	vst v63  }
0x29: {  	s31 =	rddreg [dreg:$0x6];
	s29 =	simm.s32 $0x800  }
0x2a: {  	[tilespmem:s29], [sflag:$0x1] =	stream.linear.gather [hbm4b:s31+s3], $0x500, $0x38;
	[tilespmem:$0x10800] =	vst v63  }
0x2b: {  	s30 =	rddreg [dreg:$0x7];
	s31 =	simm.s32 $0x1000  }
0x2c: {  	[tilespmem:s31], [sflag:$0x1] =	stream.linear.gather [hbm4b:s30+s3], $0x500, $0x38;
	[tilespmem:$0x10800] =	vst v63  }
0x2d: {  	s29 =	rddreg [dreg:$0x8];
	s30 =	simm.s32 $0x1800  }
0x2e: {  	[tilespmem:s30], [sflag:$0x1] =	stream.linear.gather [hbm4b:s29+s3], $0x500, $0x38;
	[tilespmem:$0x10800] =	vst v63  }
0x2f: {  	s31 =	rddreg [dreg:$0x9];
	s29 =	simm.s32 $0x2000  }
0x30: {  	[tilespmem:s29], [sflag:$0x1] =	stream.linear.gather [hbm4b:s31+s3], $0x500, $0x38;
	[tilespmem:$0x10800] =	vst v63  }
0x31: {  	s30 =	rddreg [dreg:$0xa];
	s31 =	simm.s32 $0x2800  }
0x32: {  	[tilespmem:s31], [sflag:$0x1] =	stream.linear.gather [hbm4b:s30+s3], $0x500, $0x38;
	[tilespmem:$0x10800] =	vst v63  }
0x33: {  	s29 =	rddreg [dreg:$0xb];
	s30 =	simm.s32 $0x3000  }
0x34: {  	[tilespmem:s30], [sflag:$0x1] =	stream.linear.gather [hbm4b:s29+s3], $0x500, $0x38;
	[tilespmem:$0x10800] =	vst v63  }
0x35: {  	s31 =	rddreg [dreg:$0xc];
	s29 =	simm.s32 $0x3800  }
0x36: {  	[tilespmem:s29], [sflag:$0x1] =	stream.linear.gather [hbm4b:s31+s3], $0x500, $0x38;
	[tilespmem:$0x10800] =	vst v63  }
0x37: {  	s28 =	rddreg [dreg:$0x4];
	s30 =	simm.s32 $0x4000  }
0x38: {  	[tilespmem:s30], [sflag:$0x2] =	stream.linear.gather [hbm4b:s28+s3], $0x500, $0x38;
	[tilespmem:$0x10800] =	vst v63  }
0x39: {  	s31 =	sadd.s32 $0x100, s28;
	s29 =	simm.s32 $0x4800  }
0x3a: {  	[tilespmem:s29], [sflag:$0x2] =	stream.linear.gather [hbm4b:s31+s3], $0x500, $0x38;
	[tilespmem:$0x10800] =	vst v63  }
0x3b: {  	s30 =	sadd.s32 $0x200, s28;
	s31 =	simm.s32 $0x5000  }
0x3c: {  	[tilespmem:s31], [sflag:$0x2] =	stream.linear.gather [hbm4b:s30+s3], $0x500, $0x38;
	[tilespmem:$0x10800] =	vst v63  }
0x3d: {  	s30 =	sadd.s32 $0x300, s28;
	s31 =	simm.s32 $0x5800  }
0x3e: {  	[tilespmem:s31], [sflag:$0x2] =	stream.linear.gather [hbm4b:s30+s3], $0x500, $0x38;
	[tilespmem:$0x10800] =	vst v63  }
0x3f: {  	s30 =	sadd.s32 $0x400, s28;
	s31 =	simm.s32 $0x6000  }
0x40: {  	[tilespmem:s31], [sflag:$0x2] =	stream.linear.gather [hbm4b:s30+s3], $0x500, $0x38;
	[tilespmem:$0x10800] =	vst v63  }
0x41: {  	s29 =	sadd.s32 $0x500, s28  }
0x42: {  	[tilespmem:s0], [sflag:$0x2] =	stream.linear.gather [hbm4b:s29+s3], $0x500, $0x38;
	[tilespmem:$0x10800] =	vst v63  }
0x43: {  	s30 =	sadd.s32 $0x600, s28  }
0x44: {  	[tilespmem:s1], [sflag:$0x2] =	stream.linear.gather [hbm4b:s30+s3], $0x500, $0x38;
	[tilespmem:$0x10800] =	vst v63  }
0x45: {  	s26 =	simm.s32 $0x0;
	s31 =	sadd.s32 $0x700, s28  }
0x46: {  	[tilespmem:s2], [sflag:$0x2] =	stream.linear.gather [hbm4b:s31+s3], $0x500, $0x38;
	[tilespmem:$0x10800] =	vst v63  }
.LBB2_2:
0x47: {  	_ =	swait.ge [sflag:s10], $0x2800  }
0x48: {  	p0 =	seq.s32 s26, $0x0;
	[sflag:s10] =	ssyncset.done $0x0  }
0x49: {  	s28 =	simm.s32 @!p0 $0x3;
	[sflag:s10] =	ssyncadd.s32 $0xFFFFD800  }
0x4a: {  	_ =	swait.ge @!p0 [sflag:s28], $0x2800  }
0x4b: {  	[sflag:s28] =	ssyncset.done @!p0 $0x0  }
0x4c: {  	s29 =	simm.s32 $0x0;
	[sflag:s28] =	ssyncadd.s32 @!p0 $0xFFFFD800  }
0x4d: {  	s28 =	simm.s32 $0x2000;
	v0 =	vld [tilespmem:s29+$0x0]  }
.LBB2_3:
0x4e: {  	p1 =	sne.s32 s28, $0xE000;
	v1 =	vld [tilespmem:$0x10000];
	_ =	sdelay $0x4  }
0x4f: {  	v0 =	vadd.f32 v1, v0;
	_ =	sdelay $0x1  }
0x50: {  	[tilespmem:s29+$0x8000] =	vst v0;
	v0 =	vld [tilespmem:s29+$0x10]  }
0x51: {  	v1 =	vld [tilespmem:$0x10010];
	_ =	sdelay $0x4  }
0x52: {  	v0 =	vadd.f32 v1, v0;
	_ =	sdelay $0x1  }
0x53: {  	[tilespmem:s29+$0x8010] =	vst v0;
	v0 =	vld [tilespmem:s29+$0x20]  }
0x54: {  	v1 =	vld [tilespmem:$0x10020];
	_ =	sdelay $0x4  }
0x55: {  	v0 =	vadd.f32 v1, v0;
	_ =	sdelay $0x1  }
0x56: {  	[tilespmem:s29+$0x8020] =	vst v0;
	v0 =	vld [tilespmem:s29+$0x30]  }
0x57: {  	v1 =	vld [tilespmem:$0x10030];
	_ =	sdelay $0x4  }
0x58: {  	v0 =	vadd.f32 v1, v0;
	_ =	sdelay $0x1  }
0x59: {  	[tilespmem:s29+$0x8030] =	vst v0;
	v0 =	vld [tilespmem:s29+$0x40]  }
0x5a: {  	v1 =	vld [tilespmem:$0x10040];
	_ =	sdelay $0x4  }
0x5b: {  	v0 =	vadd.f32 v1, v0;
	_ =	sdelay $0x1  }
0x5c: {  	[tilespmem:s29+$0x8040] =	vst v0;
	v0 =	vld [tilespmem:s29+$0x50]  }
0x5d: {  	v1 =	vld [tilespmem:$0x10050];
	_ =	sdelay $0x4  }
0x5e: {  	v0 =	vadd.f32 v1, v0;
	_ =	sdelay $0x1  }
0x5f: {  	[tilespmem:s29+$0x8050] =	vst v0;
	v0 =	vld [tilespmem:s29+$0x60]  }
0x60: {  	v1 =	vld [tilespmem:$0x10060];
	_ =	sdelay $0x4  }
0x61: {  	v0 =	vadd.f32 v1, v0;
	_ =	sdelay $0x1  }
0x62: {  	[tilespmem:s29+$0x8060] =	vst v0;
	v0 =	vld [tilespmem:s29+$0x70]  }
0x63: {  	v1 =	vld [tilespmem:$0x10070];
	_ =	sdelay $0x4  }
0x64: {  	v0 =	vadd.f32 v1, v0;
	_ =	sdelay $0x1  }
0x65: {  	[tilespmem:s29+$0x8070] =	vst v0;
	v0 =	vld [tilespmem:s29+$0x80]  }
0x66: {  	v1 =	vld [tilespmem:$0x10080];
	_ =	sdelay $0x4  }
0x67: {  	v0 =	vadd.f32 v1, v0;
	_ =	sdelay $0x1  }
0x68: {  	[tilespmem:s29+$0x8080] =	vst v0;
	v0 =	vld [tilespmem:s29+$0x90]  }
0x69: {  	v1 =	vld [tilespmem:$0x10090];
	_ =	sdelay $0x4  }
0x6a: {  	v0 =	vadd.f32 v1, v0;
	_ =	sdelay $0x1  }
0x6b: {  	[tilespmem:s29+$0x8090] =	vst v0;
	v0 =	vld [tilespmem:s29+$0xA0]  }
0x6c: {  	v1 =	vld [tilespmem:$0x100A0];
	_ =	sdelay $0x4  }
0x6d: {  	v0 =	vadd.f32 v1, v0;
	_ =	sdelay $0x1  }
0x6e: {  	[tilespmem:s29+$0x80A0] =	vst v0;
	v0 =	vld [tilespmem:s29+$0xB0]  }
0x6f: {  	v1 =	vld [tilespmem:$0x100B0];
	_ =	sdelay $0x4  }
0x70: {  	v0 =	vadd.f32 v1, v0;
	_ =	sdelay $0x1  }
0x71: {  	[tilespmem:s29+$0x80B0] =	vst v0;
	v0 =	vld [tilespmem:s29+$0xC0]  }
0x72: {  	v1 =	vld [tilespmem:$0x100C0];
	_ =	sdelay $0x4  }
0x73: {  	v0 =	vadd.f32 v1, v0;
	_ =	sdelay $0x1  }
0x74: {  	[tilespmem:s29+$0x80C0] =	vst v0;
	v0 =	vld [tilespmem:s29+$0xD0]  }
0x75: {  	v1 =	vld [tilespmem:$0x100D0];
	_ =	sdelay $0x4  }
0x76: {  	v0 =	vadd.f32 v1, v0;
	_ =	sdelay $0x1  }
0x77: {  	[tilespmem:s29+$0x80D0] =	vst v0;
	v0 =	vld [tilespmem:s29+$0xE0]  }
0x78: {  	v1 =	vld [tilespmem:$0x100E0];
	_ =	sdelay $0x4  }
0x79: {  	v0 =	vadd.f32 v1, v0;
	_ =	sdelay $0x1  }
0x7a: {  	[tilespmem:s29+$0x80E0] =	vst v0;
	v0 =	vld [tilespmem:s29+$0xF0]  }
0x7b: {  	v1 =	vld [tilespmem:$0x100F0];
	_ =	sdelay $0x4  }
0x7c: {  	v0 =	vadd.f32 v1, v0;
	_ =	sdelay $0x1  }
0x7d: {  	[tilespmem:s29+$0x80F0] =	vst v0;
	v0 =	vld [tilespmem:s29+$0x100]  }
0x7e: {  	v1 =	vld [tilespmem:$0x10100];
	_ =	sdelay $0x4  }
0x7f: {  	v0 =	vadd.f32 v1, v0;
	_ =	sdelay $0x1  }
0x80: {  	[tilespmem:s29+$0x8100] =	vst v0;
	v0 =	vld [tilespmem:s29+$0x110]  }
0x81: {  	v1 =	vld [tilespmem:$0x10110];
	_ =	sdelay $0x4  }
0x82: {  	v0 =	vadd.f32 v1, v0;
	_ =	sdelay $0x1  }
0x83: {  	[tilespmem:s29+$0x8110] =	vst v0;
	v0 =	vld [tilespmem:s29+$0x120]  }
0x84: {  	v1 =	vld [tilespmem:$0x10120];
	_ =	sdelay $0x4  }
0x85: {  	v0 =	vadd.f32 v1, v0;
	_ =	sdelay $0x1  }
0x86: {  	[tilespmem:s29+$0x8120] =	vst v0;
	v0 =	vld [tilespmem:s29+$0x130]  }
0x87: {  	v1 =	vld [tilespmem:$0x10130];
	_ =	sdelay $0x4  }
0x88: {  	v0 =	vadd.f32 v1, v0;
	_ =	sdelay $0x1  }
0x89: {  	[tilespmem:s29+$0x8130] =	vst v0;
	v0 =	vld [tilespmem:s29+$0x140]  }
0x8a: {  	v1 =	vld [tilespmem:$0x10140];
	_ =	sdelay $0x4  }
0x8b: {  	v0 =	vadd.f32 v1, v0;
	_ =	sdelay $0x1  }
0x8c: {  	[tilespmem:s29+$0x8140] =	vst v0;
	v0 =	vld [tilespmem:s29+$0x150]  }
0x8d: {  	v1 =	vld [tilespmem:$0x10150];
	_ =	sdelay $0x4  }
0x8e: {  	v0 =	vadd.f32 v1, v0;
	_ =	sdelay $0x1  }
0x8f: {  	[tilespmem:s29+$0x8150] =	vst v0;
	v0 =	vld [tilespmem:s29+$0x160]  }
0x90: {  	v1 =	vld [tilespmem:$0x10160];
	_ =	sdelay $0x4  }
0x91: {  	v0 =	vadd.f32 v1, v0;
	_ =	sdelay $0x1  }
0x92: {  	[tilespmem:s29+$0x8160] =	vst v0;
	v0 =	vld [tilespmem:s29+$0x170]  }
0x93: {  	v1 =	vld [tilespmem:$0x10170];
	_ =	sdelay $0x4  }
0x94: {  	v0 =	vadd.f32 v1, v0;
	_ =	sdelay $0x1  }
0x95: {  	[tilespmem:s29+$0x8170] =	vst v0;
	v0 =	vld [tilespmem:s29+$0x180]  }
0x96: {  	v1 =	vld [tilespmem:$0x10180];
	_ =	sdelay $0x4  }
0x97: {  	v0 =	vadd.f32 v1, v0;
	_ =	sdelay $0x1  }
0x98: {  	[tilespmem:s29+$0x8180] =	vst v0;
	v0 =	vld [tilespmem:s29+$0x190]  }
0x99: {  	v1 =	vld [tilespmem:$0x10190];
	_ =	sdelay $0x4  }
0x9a: {  	v0 =	vadd.f32 v1, v0;
	_ =	sdelay $0x1  }
0x9b: {  	[tilespmem:s29+$0x8190] =	vst v0;
	v0 =	vld [tilespmem:s29+$0x1A0]  }
0x9c: {  	v1 =	vld [tilespmem:$0x101A0];
	_ =	sdelay $0x4  }
0x9d: {  	v0 =	vadd.f32 v1, v0;
	_ =	sdelay $0x1  }
0x9e: {  	[tilespmem:s29+$0x81A0] =	vst v0;
	v0 =	vld [tilespmem:s29+$0x1B0]  }
0x9f: {  	v1 =	vld [tilespmem:$0x101B0];
	_ =	sdelay $0x4  }
0xa0: {  	v0 =	vadd.f32 v1, v0;
	_ =	sdelay $0x1  }
0xa1: {  	[tilespmem:s29+$0x81B0] =	vst v0;
	v0 =	vld [tilespmem:s29+$0x1C0]  }
0xa2: {  	v1 =	vld [tilespmem:$0x101C0];
	_ =	sdelay $0x4  }
0xa3: {  	v0 =	vadd.f32 v1, v0;
	_ =	sdelay $0x1  }
0xa4: {  	[tilespmem:s29+$0x81C0] =	vst v0;
	v0 =	vld [tilespmem:s29+$0x1D0]  }
0xa5: {  	v1 =	vld [tilespmem:$0x101D0];
	_ =	sdelay $0x4  }
0xa6: {  	v0 =	vadd.f32 v1, v0;
	_ =	sdelay $0x1  }
0xa7: {  	[tilespmem:s29+$0x81D0] =	vst v0;
	v0 =	vld [tilespmem:s29+$0x1E0]  }
0xa8: {  	v1 =	vld [tilespmem:$0x101E0];
	_ =	sdelay $0x4  }
0xa9: {  	v0 =	vadd.f32 v1, v0;
	_ =	sdelay $0x1  }
0xaa: {  	[tilespmem:s29+$0x81E0] =	vst v0;
	v0 =	vld [tilespmem:s29+$0x1F0]  }
0xab: {  	v1 =	vld [tilespmem:$0x101F0];
	_ =	sdelay $0x4  }
0xac: {  	v0 =	vadd.f32 v1, v0;
	_ =	sdelay $0x1  }
0xad: {  	[tilespmem:s29+$0x81F0] =	vst v0;
	v0 =	vld [tilespmem:s29+$0x200]  }
0xae: {  	v1 =	vld [tilespmem:$0x10200];
	_ =	sdelay $0x4  }
0xaf: {  	v0 =	vadd.f32 v1, v0;
	_ =	sdelay $0x1  }
0xb0: {  	[tilespmem:s29+$0x8200] =	vst v0;
	v0 =	vld [tilespmem:s29+$0x210]  }
0xb1: {  	v1 =	vld [tilespmem:$0x10210];
	_ =	sdelay $0x4  }
0xb2: {  	v0 =	vadd.f32 v1, v0;
	_ =	sdelay $0x1  }
0xb3: {  	[tilespmem:s29+$0x8210] =	vst v0;
	v0 =	vld [tilespmem:s29+$0x220]  }
0xb4: {  	v1 =	vld [tilespmem:$0x10220];
	_ =	sdelay $0x4  }
0xb5: {  	v0 =	vadd.f32 v1, v0;
	_ =	sdelay $0x1  }
0xb6: {  	[tilespmem:s29+$0x8220] =	vst v0;
	v0 =	vld [tilespmem:s29+$0x230]  }
0xb7: {  	v1 =	vld [tilespmem:$0x10230];
	_ =	sdelay $0x4  }
0xb8: {  	v0 =	vadd.f32 v1, v0;
	_ =	sdelay $0x1  }
0xb9: {  	[tilespmem:s29+$0x8230] =	vst v0;
	v0 =	vld [tilespmem:s29+$0x240]  }
0xba: {  	v1 =	vld [tilespmem:$0x10240];
	_ =	sdelay $0x4  }
0xbb: {  	v0 =	vadd.f32 v1, v0;
	_ =	sdelay $0x1  }
0xbc: {  	[tilespmem:s29+$0x8240] =	vst v0;
	v0 =	vld [tilespmem:s29+$0x250]  }
0xbd: {  	v1 =	vld [tilespmem:$0x10250];
	_ =	sdelay $0x4  }
0xbe: {  	v0 =	vadd.f32 v1, v0;
	_ =	sdelay $0x1  }
0xbf: {  	[tilespmem:s29+$0x8250] =	vst v0;
	v0 =	vld [tilespmem:s29+$0x260]  }
0xc0: {  	v1 =	vld [tilespmem:$0x10260];
	_ =	sdelay $0x4  }
0xc1: {  	v0 =	vadd.f32 v1, v0;
	_ =	sdelay $0x1  }
0xc2: {  	[tilespmem:s29+$0x8260] =	vst v0;
	v0 =	vld [tilespmem:s29+$0x270]  }
0xc3: {  	v1 =	vld [tilespmem:$0x10270];
	_ =	sdelay $0x4  }
0xc4: {  	v0 =	vadd.f32 v1, v0;
	_ =	sdelay $0x1  }
0xc5: {  	[tilespmem:s29+$0x8270] =	vst v0;
	v0 =	vld [tilespmem:s29+$0x280]  }
0xc6: {  	v1 =	vld [tilespmem:$0x10280];
	_ =	sdelay $0x4  }
0xc7: {  	v0 =	vadd.f32 v1, v0;
	_ =	sdelay $0x1  }
0xc8: {  	[tilespmem:s29+$0x8280] =	vst v0;
	v0 =	vld [tilespmem:s29+$0x290]  }
0xc9: {  	v1 =	vld [tilespmem:$0x10290];
	_ =	sdelay $0x4  }
0xca: {  	v0 =	vadd.f32 v1, v0;
	_ =	sdelay $0x1  }
0xcb: {  	[tilespmem:s29+$0x8290] =	vst v0;
	v0 =	vld [tilespmem:s29+$0x2A0]  }
0xcc: {  	v1 =	vld [tilespmem:$0x102A0];
	_ =	sdelay $0x4  }
0xcd: {  	v0 =	vadd.f32 v1, v0;
	_ =	sdelay $0x1  }
0xce: {  	[tilespmem:s29+$0x82A0] =	vst v0;
	v0 =	vld [tilespmem:s29+$0x2B0]  }
0xcf: {  	v1 =	vld [tilespmem:$0x102B0];
	_ =	sdelay $0x4  }
0xd0: {  	v0 =	vadd.f32 v1, v0;
	_ =	sdelay $0x1  }
0xd1: {  	[tilespmem:s29+$0x82B0] =	vst v0;
	v0 =	vld [tilespmem:s29+$0x2C0]  }
0xd2: {  	v1 =	vld [tilespmem:$0x102C0];
	_ =	sdelay $0x4  }
0xd3: {  	v0 =	vadd.f32 v1, v0;
	_ =	sdelay $0x1  }
0xd4: {  	[tilespmem:s29+$0x82C0] =	vst v0;
	v0 =	vld [tilespmem:s29+$0x2D0]  }
0xd5: {  	v1 =	vld [tilespmem:$0x102D0];
	_ =	sdelay $0x4  }
0xd6: {  	v0 =	vadd.f32 v1, v0;
	_ =	sdelay $0x1  }
0xd7: {  	[tilespmem:s29+$0x82D0] =	vst v0;
	v0 =	vld [tilespmem:s29+$0x2E0]  }
0xd8: {  	v1 =	vld [tilespmem:$0x102E0];
	_ =	sdelay $0x4  }
0xd9: {  	v0 =	vadd.f32 v1, v0;
	_ =	sdelay $0x1  }
0xda: {  	[tilespmem:s29+$0x82E0] =	vst v0;
	v0 =	vld [tilespmem:s29+$0x2F0]  }
0xdb: {  	v1 =	vld [tilespmem:$0x102F0];
	_ =	sdelay $0x4  }
0xdc: {  	v0 =	vadd.f32 v1, v0;
	_ =	sdelay $0x1  }
0xdd: {  	[tilespmem:s29+$0x82F0] =	vst v0;
	v0 =	vld [tilespmem:s29+$0x300]  }
0xde: {  	v1 =	vld [tilespmem:$0x10300];
	_ =	sdelay $0x4  }
0xdf: {  	v0 =	vadd.f32 v1, v0;
	_ =	sdelay $0x1  }
0xe0: {  	[tilespmem:s29+$0x8300] =	vst v0;
	v0 =	vld [tilespmem:s29+$0x310]  }
0xe1: {  	v1 =	vld [tilespmem:$0x10310];
	_ =	sdelay $0x4  }
0xe2: {  	v0 =	vadd.f32 v1, v0;
	_ =	sdelay $0x1  }
0xe3: {  	[tilespmem:s29+$0x8310] =	vst v0;
	v0 =	vld [tilespmem:s29+$0x320]  }
0xe4: {  	v1 =	vld [tilespmem:$0x10320];
	_ =	sdelay $0x4  }
0xe5: {  	v0 =	vadd.f32 v1, v0;
	_ =	sdelay $0x1  }
0xe6: {  	[tilespmem:s29+$0x8320] =	vst v0;
	v0 =	vld [tilespmem:s29+$0x330]  }
0xe7: {  	v1 =	vld [tilespmem:$0x10330];
	_ =	sdelay $0x4  }
0xe8: {  	v0 =	vadd.f32 v1, v0;
	_ =	sdelay $0x1  }
0xe9: {  	[tilespmem:s29+$0x8330] =	vst v0;
	v0 =	vld [tilespmem:s29+$0x340]  }
0xea: {  	v1 =	vld [tilespmem:$0x10340];
	_ =	sdelay $0x4  }
0xeb: {  	v0 =	vadd.f32 v1, v0;
	_ =	sdelay $0x1  }
0xec: {  	[tilespmem:s29+$0x8340] =	vst v0;
	v0 =	vld [tilespmem:s29+$0x350]  }
0xed: {  	v1 =	vld [tilespmem:$0x10350];
	_ =	sdelay $0x4  }
0xee: {  	v0 =	vadd.f32 v1, v0;
	_ =	sdelay $0x1  }
0xef: {  	[tilespmem:s29+$0x8350] =	vst v0;
	v0 =	vld [tilespmem:s29+$0x360]  }
0xf0: {  	v1 =	vld [tilespmem:$0x10360];
	_ =	sdelay $0x4  }
0xf1: {  	v0 =	vadd.f32 v1, v0;
	_ =	sdelay $0x1  }
0xf2: {  	[tilespmem:s29+$0x8360] =	vst v0;
	v0 =	vld [tilespmem:s29+$0x370]  }
0xf3: {  	v1 =	vld [tilespmem:$0x10370];
	_ =	sdelay $0x4  }
0xf4: {  	v0 =	vadd.f32 v1, v0;
	_ =	sdelay $0x1  }
0xf5: {  	[tilespmem:s29+$0x8370] =	vst v0;
	v0 =	vld [tilespmem:s29+$0x380]  }
0xf6: {  	v1 =	vld [tilespmem:$0x10380];
	_ =	sdelay $0x4  }
0xf7: {  	v0 =	vadd.f32 v1, v0;
	_ =	sdelay $0x1  }
0xf8: {  	[tilespmem:s29+$0x8380] =	vst v0;
	v0 =	vld [tilespmem:s29+$0x390]  }
0xf9: {  	v1 =	vld [tilespmem:$0x10390];
	_ =	sdelay $0x4  }
0xfa: {  	v0 =	vadd.f32 v1, v0;
	_ =	sdelay $0x1  }
0xfb: {  	[tilespmem:s29+$0x8390] =	vst v0;
	v0 =	vld [tilespmem:s29+$0x3A0]  }
0xfc: {  	v1 =	vld [tilespmem:$0x103A0];
	_ =	sdelay $0x4  }
0xfd: {  	v0 =	vadd.f32 v1, v0;
	_ =	sdelay $0x1  }
0xfe: {  	[tilespmem:s29+$0x83A0] =	vst v0;
	v0 =	vld [tilespmem:s29+$0x3B0]  }
0xff: {  	v1 =	vld [tilespmem:$0x103B0];
	_ =	sdelay $0x4  }
0x100: {  	v0 =	vadd.f32 v1, v0;
	_ =	sdelay $0x1  }
0x101: {  	[tilespmem:s29+$0x83B0] =	vst v0;
	v0 =	vld [tilespmem:s29+$0x3C0]  }
0x102: {  	v1 =	vld [tilespmem:$0x103C0];
	_ =	sdelay $0x4  }
0x103: {  	v0 =	vadd.f32 v1, v0;
	_ =	sdelay $0x1  }
0x104: {  	[tilespmem:s29+$0x83C0] =	vst v0;
	v0 =	vld [tilespmem:s29+$0x3D0]  }
0x105: {  	v1 =	vld [tilespmem:$0x103D0];
	_ =	sdelay $0x4  }
0x106: {  	v0 =	vadd.f32 v1, v0;
	_ =	sdelay $0x1  }
0x107: {  	[tilespmem:s29+$0x83D0] =	vst v0;
	v0 =	vld [tilespmem:s29+$0x3E0]  }
0x108: {  	v1 =	vld [tilespmem:$0x103E0];
	_ =	sdelay $0x4  }
0x109: {  	v0 =	vadd.f32 v1, v0;
	_ =	sdelay $0x1  }
0x10a: {  	[tilespmem:s29+$0x83E0] =	vst v0;
	v0 =	vld [tilespmem:s29+$0x3F0]  }
0x10b: {  	v1 =	vld [tilespmem:$0x103F0];
	_ =	sdelay $0x4  }
0x10c: {  	v0 =	vadd.f32 v1, v0;
	_ =	sdelay $0x1  }
0x10d: {  	[tilespmem:s29+$0x83F0] =	vst v0;
	v0 =	vld [tilespmem:s29+$0x400]  }
0x10e: {  	v1 =	vld [tilespmem:$0x10400];
	_ =	sdelay $0x4  }
0x10f: {  	v0 =	vadd.f32 v1, v0;
	_ =	sdelay $0x1  }
0x110: {  	[tilespmem:s29+$0x8400] =	vst v0;
	v0 =	vld [tilespmem:s29+$0x410]  }
0x111: {  	v1 =	vld [tilespmem:$0x10410];
	_ =	sdelay $0x4  }
0x112: {  	v0 =	vadd.f32 v1, v0;
	_ =	sdelay $0x1  }
0x113: {  	[tilespmem:s29+$0x8410] =	vst v0;
	v0 =	vld [tilespmem:s29+$0x420]  }
0x114: {  	v1 =	vld [tilespmem:$0x10420];
	_ =	sdelay $0x4  }
0x115: {  	v0 =	vadd.f32 v1, v0;
	_ =	sdelay $0x1  }
0x116: {  	[tilespmem:s29+$0x8420] =	vst v0;
	v0 =	vld [tilespmem:s29+$0x430]  }
0x117: {  	v1 =	vld [tilespmem:$0x10430];
	_ =	sdelay $0x4  }
0x118: {  	v0 =	vadd.f32 v1, v0;
	_ =	sdelay $0x1  }
0x119: {  	[tilespmem:s29+$0x8430] =	vst v0;
	v0 =	vld [tilespmem:s29+$0x440]  }
0x11a: {  	v1 =	vld [tilespmem:$0x10440];
	_ =	sdelay $0x4  }
0x11b: {  	v0 =	vadd.f32 v1, v0;
	_ =	sdelay $0x1  }
0x11c: {  	[tilespmem:s29+$0x8440] =	vst v0;
	v0 =	vld [tilespmem:s29+$0x450]  }
0x11d: {  	v1 =	vld [tilespmem:$0x10450];
	_ =	sdelay $0x4  }
0x11e: {  	v0 =	vadd.f32 v1, v0;
	_ =	sdelay $0x1  }
0x11f: {  	[tilespmem:s29+$0x8450] =	vst v0;
	v0 =	vld [tilespmem:s29+$0x460]  }
0x120: {  	v1 =	vld [tilespmem:$0x10460];
	_ =	sdelay $0x4  }
0x121: {  	v0 =	vadd.f32 v1, v0;
	_ =	sdelay $0x1  }
0x122: {  	[tilespmem:s29+$0x8460] =	vst v0;
	v0 =	vld [tilespmem:s29+$0x470]  }
0x123: {  	v1 =	vld [tilespmem:$0x10470];
	_ =	sdelay $0x4  }
0x124: {  	v0 =	vadd.f32 v1, v0;
	_ =	sdelay $0x1  }
0x125: {  	[tilespmem:s29+$0x8470] =	vst v0;
	v0 =	vld [tilespmem:s29+$0x480]  }
0x126: {  	v1 =	vld [tilespmem:$0x10480];
	_ =	sdelay $0x4  }
0x127: {  	v0 =	vadd.f32 v1, v0;
	_ =	sdelay $0x1  }
0x128: {  	[tilespmem:s29+$0x8480] =	vst v0;
	v0 =	vld [tilespmem:s29+$0x490]  }
0x129: {  	v1 =	vld [tilespmem:$0x10490];
	_ =	sdelay $0x4  }
0x12a: {  	v0 =	vadd.f32 v1, v0;
	_ =	sdelay $0x1  }
0x12b: {  	[tilespmem:s29+$0x8490] =	vst v0;
	v0 =	vld [tilespmem:s29+$0x4A0]  }
0x12c: {  	v1 =	vld [tilespmem:$0x104A0];
	_ =	sdelay $0x4  }
0x12d: {  	v0 =	vadd.f32 v1, v0;
	_ =	sdelay $0x1  }
0x12e: {  	[tilespmem:s29+$0x84A0] =	vst v0;
	v0 =	vld [tilespmem:s29+$0x4B0]  }
0x12f: {  	v1 =	vld [tilespmem:$0x104B0];
	_ =	sdelay $0x4  }
0x130: {  	v0 =	vadd.f32 v1, v0;
	_ =	sdelay $0x1  }
0x131: {  	[tilespmem:s29+$0x84B0] =	vst v0;
	v0 =	vld [tilespmem:s29+$0x4C0]  }
0x132: {  	v1 =	vld [tilespmem:$0x104C0];
	_ =	sdelay $0x4  }
0x133: {  	v0 =	vadd.f32 v1, v0;
	_ =	sdelay $0x1  }
0x134: {  	[tilespmem:s29+$0x84C0] =	vst v0;
	v0 =	vld [tilespmem:s29+$0x4D0]  }
0x135: {  	v1 =	vld [tilespmem:$0x104D0];
	_ =	sdelay $0x4  }
0x136: {  	v0 =	vadd.f32 v1, v0;
	_ =	sdelay $0x1  }
0x137: {  	[tilespmem:s29+$0x84D0] =	vst v0;
	v0 =	vld [tilespmem:s29+$0x4E0]  }
0x138: {  	v1 =	vld [tilespmem:$0x104E0];
	_ =	sdelay $0x4  }
0x139: {  	v0 =	vadd.f32 v1, v0;
	_ =	sdelay $0x1  }
0x13a: {  	[tilespmem:s29+$0x84E0] =	vst v0;
	v0 =	vld [tilespmem:s29+$0x4F0]  }
0x13b: {  	v1 =	vld [tilespmem:$0x104F0];
	_ =	sdelay $0x2  }
.Ltmp2:
0x13c: {  	(pc) =	sbr.rel @p1 .LBB2_3-.Ltmp2, $4  }
0x13d: {  	_ = 	snop  }
0x13e: {  	v1 =	vadd.f32 v1, v0  }
0x13f: {  	s30 =	sshra.s32 s28, $0x2  }
0x140: {  	s28 =	sadd.s32 $0x2000, s28;
	v0 =	vld [tilespmem:s30+$0x0];
	[tilespmem:s29+$0x84F0] =	vst v1;
	s29 =	smov.u32 s30  }
0x141: {  	v1 =	vld [tilespmem:$0x10000];
	_ =	sdelay $0x4  }
0x142: {  	v0 =	vadd.f32 v1, v0;
	_ =	sdelay $0x1  }
0x143: {  	v26 =	vld [tilespmem:s29+$0x10];
	[tilespmem:s29+$0x8000] =	vst v0  }
0x144: {  	v27 =	vld [tilespmem:$0x10010];
	_ =	sdelay $0x4  }
0x145: {  	v0 =	vadd.f32 v27, v26;
	_ =	sdelay $0x1  }
0x146: {  	v28 =	vld [tilespmem:s29+$0x20];
	[tilespmem:s29+$0x8010] =	vst v0  }
0x147: {  	v29 =	vld [tilespmem:$0x10020];
	_ =	sdelay $0x4  }
0x148: {  	v0 =	vadd.f32 v29, v28;
	_ =	sdelay $0x1  }
0x149: {  	v30 =	vld [tilespmem:s29+$0x30];
	[tilespmem:s29+$0x8020] =	vst v0  }
0x14a: {  	v31 =	vld [tilespmem:$0x10030];
	_ =	sdelay $0x4  }
0x14b: {  	v0 =	vadd.f32 v31, v30;
	_ =	sdelay $0x1  }
0x14c: {  	v32 =	vld [tilespmem:s29+$0x40];
	[tilespmem:s29+$0x8030] =	vst v0  }
0x14d: {  	v33 =	vld [tilespmem:$0x10040];
	_ =	sdelay $0x4  }
0x14e: {  	v0 =	vadd.f32 v33, v32;
	_ =	sdelay $0x1  }
0x14f: {  	v34 =	vld [tilespmem:s29+$0x50];
	[tilespmem:s29+$0x8040] =	vst v0  }
0x150: {  	v35 =	vld [tilespmem:$0x10050];
	_ =	sdelay $0x4  }
0x151: {  	v0 =	vadd.f32 v35, v34;
	_ =	sdelay $0x1  }
0x152: {  	v36 =	vld [tilespmem:s29+$0x60];
	[tilespmem:s29+$0x8050] =	vst v0  }
0x153: {  	v37 =	vld [tilespmem:$0x10060];
	_ =	sdelay $0x4  }
0x154: {  	v0 =	vadd.f32 v37, v36;
	_ =	sdelay $0x1  }
0x155: {  	v38 =	vld [tilespmem:s29+$0x70];
	[tilespmem:s29+$0x8060] =	vst v0  }
0x156: {  	v39 =	vld [tilespmem:$0x10070];
	_ =	sdelay $0x4  }
0x157: {  	v0 =	vadd.f32 v39, v38;
	_ =	sdelay $0x1  }
0x158: {  	v40 =	vld [tilespmem:s29+$0x80];
	[tilespmem:s29+$0x8070] =	vst v0  }
0x159: {  	v41 =	vld [tilespmem:$0x10080];
	_ =	sdelay $0x4  }
0x15a: {  	v0 =	vadd.f32 v41, v40;
	_ =	sdelay $0x1  }
0x15b: {  	v42 =	vld [tilespmem:s29+$0x90];
	[tilespmem:s29+$0x8080] =	vst v0  }
0x15c: {  	v43 =	vld [tilespmem:$0x10090];
	_ =	sdelay $0x4  }
0x15d: {  	v0 =	vadd.f32 v43, v42;
	_ =	sdelay $0x1  }
0x15e: {  	v44 =	vld [tilespmem:s29+$0xA0];
	[tilespmem:s29+$0x8090] =	vst v0  }
0x15f: {  	v45 =	vld [tilespmem:$0x100A0];
	_ =	sdelay $0x4  }
0x160: {  	v0 =	vadd.f32 v45, v44;
	_ =	sdelay $0x1  }
0x161: {  	v46 =	vld [tilespmem:s29+$0xB0];
	[tilespmem:s29+$0x80A0] =	vst v0  }
0x162: {  	v47 =	vld [tilespmem:$0x100B0];
	_ =	sdelay $0x4  }
0x163: {  	v0 =	vadd.f32 v47, v46;
	_ =	sdelay $0x1  }
0x164: {  	v48 =	vld [tilespmem:s29+$0xC0];
	[tilespmem:s29+$0x80B0] =	vst v0  }
0x165: {  	v49 =	vld [tilespmem:$0x100C0];
	_ =	sdelay $0x4  }
0x166: {  	v0 =	vadd.f32 v49, v48;
	_ =	sdelay $0x1  }
0x167: {  	v50 =	vld [tilespmem:s29+$0xD0];
	[tilespmem:s29+$0x80C0] =	vst v0  }
0x168: {  	v51 =	vld [tilespmem:$0x100D0];
	_ =	sdelay $0x4  }
0x169: {  	v0 =	vadd.f32 v51, v50;
	_ =	sdelay $0x1  }
0x16a: {  	v52 =	vld [tilespmem:s29+$0xE0];
	[tilespmem:s29+$0x80D0] =	vst v0  }
0x16b: {  	v53 =	vld [tilespmem:$0x100E0];
	_ =	sdelay $0x4  }
0x16c: {  	v0 =	vadd.f32 v53, v52;
	_ =	sdelay $0x1  }
0x16d: {  	v54 =	vld [tilespmem:s29+$0xF0];
	[tilespmem:s29+$0x80E0] =	vst v0  }
0x16e: {  	v55 =	vld [tilespmem:$0x100F0];
	_ =	sdelay $0x4  }
0x16f: {  	v0 =	vadd.f32 v55, v54;
	_ =	sdelay $0x1  }
0x170: {  	v56 =	vld [tilespmem:s29+$0x100];
	[tilespmem:s29+$0x80F0] =	vst v0  }
0x171: {  	v57 =	vld [tilespmem:$0x10100];
	_ =	sdelay $0x4  }
0x172: {  	v0 =	vadd.f32 v57, v56;
	_ =	sdelay $0x1  }
0x173: {  	v58 =	vld [tilespmem:s29+$0x110];
	[tilespmem:s29+$0x8100] =	vst v0  }
0x174: {  	v59 =	vld [tilespmem:$0x10110];
	_ =	sdelay $0x4  }
0x175: {  	v0 =	vadd.f32 v59, v58;
	_ =	sdelay $0x1  }
0x176: {  	v60 =	vld [tilespmem:s29+$0x120];
	[tilespmem:s29+$0x8110] =	vst v0  }
0x177: {  	v61 =	vld [tilespmem:$0x10120];
	_ =	sdelay $0x4  }
0x178: {  	v0 =	vadd.f32 v61, v60;
	_ =	sdelay $0x1  }
0x179: {  	v62 =	vld [tilespmem:s29+$0x130];
	[tilespmem:s29+$0x8120] =	vst v0  }
0x17a: {  	v63 =	vld [tilespmem:$0x10130];
	_ =	sdelay $0x4  }
0x17b: {  	v0 =	vadd.f32 v63, v62;
	_ =	sdelay $0x1  }
0x17c: {  	v4 =	vld [tilespmem:s29+$0x140];
	[tilespmem:s29+$0x8130] =	vst v0  }
0x17d: {  	v5 =	vld [tilespmem:$0x10140];
	_ =	sdelay $0x4  }
0x17e: {  	v0 =	vadd.f32 v5, v4;
	_ =	sdelay $0x1  }
0x17f: {  	v6 =	vld [tilespmem:s29+$0x150];
	[tilespmem:s29+$0x8140] =	vst v0  }
0x180: {  	v7 =	vld [tilespmem:$0x10150];
	_ =	sdelay $0x4  }
0x181: {  	v0 =	vadd.f32 v7, v6;
	_ =	sdelay $0x1  }
0x182: {  	v8 =	vld [tilespmem:s29+$0x160];
	[tilespmem:s29+$0x8150] =	vst v0  }
0x183: {  	v9 =	vld [tilespmem:$0x10160];
	_ =	sdelay $0x4  }
0x184: {  	v0 =	vadd.f32 v9, v8;
	_ =	sdelay $0x1  }
0x185: {  	v10 =	vld [tilespmem:s29+$0x170];
	[tilespmem:s29+$0x8160] =	vst v0  }
0x186: {  	v11 =	vld [tilespmem:$0x10170];
	_ =	sdelay $0x4  }
0x187: {  	v0 =	vadd.f32 v11, v10;
	_ =	sdelay $0x1  }
0x188: {  	v12 =	vld [tilespmem:s29+$0x180];
	[tilespmem:s29+$0x8170] =	vst v0  }
0x189: {  	v13 =	vld [tilespmem:$0x10180];
	_ =	sdelay $0x4  }
0x18a: {  	v0 =	vadd.f32 v13, v12;
	_ =	sdelay $0x1  }
0x18b: {  	v14 =	vld [tilespmem:s29+$0x190];
	[tilespmem:s29+$0x8180] =	vst v0  }
0x18c: {  	v15 =	vld [tilespmem:$0x10190];
	_ =	sdelay $0x4  }
0x18d: {  	v0 =	vadd.f32 v15, v14;
	_ =	sdelay $0x1  }
0x18e: {  	v16 =	vld [tilespmem:s29+$0x1A0];
	[tilespmem:s29+$0x8190] =	vst v0  }
0x18f: {  	v17 =	vld [tilespmem:$0x101A0];
	_ =	sdelay $0x4  }
0x190: {  	v0 =	vadd.f32 v17, v16;
	_ =	sdelay $0x1  }
0x191: {  	v18 =	vld [tilespmem:s29+$0x1B0];
	[tilespmem:s29+$0x81A0] =	vst v0  }
0x192: {  	v19 =	vld [tilespmem:$0x101B0];
	_ =	sdelay $0x4  }
0x193: {  	v0 =	vadd.f32 v19, v18;
	_ =	sdelay $0x1  }
0x194: {  	v20 =	vld [tilespmem:s29+$0x1C0];
	[tilespmem:s29+$0x81B0] =	vst v0  }
0x195: {  	v21 =	vld [tilespmem:$0x101C0];
	_ =	sdelay $0x4  }
0x196: {  	v0 =	vadd.f32 v21, v20;
	_ =	sdelay $0x1  }
0x197: {  	v22 =	vld [tilespmem:s29+$0x1D0];
	[tilespmem:s29+$0x81C0] =	vst v0  }
0x198: {  	v23 =	vld [tilespmem:$0x101D0];
	_ =	sdelay $0x4  }
0x199: {  	v0 =	vadd.f32 v23, v22;
	_ =	sdelay $0x1  }
0x19a: {  	v24 =	vld [tilespmem:s29+$0x1E0];
	[tilespmem:s29+$0x81D0] =	vst v0  }
0x19b: {  	v25 =	vld [tilespmem:$0x101E0];
	_ =	sdelay $0x4  }
0x19c: {  	v0 =	vadd.f32 v25, v24;
	_ =	sdelay $0x1  }
0x19d: {  	v26 =	vld [tilespmem:s29+$0x1F0];
	[tilespmem:s29+$0x81E0] =	vst v0  }
0x19e: {  	v27 =	vld [tilespmem:$0x101F0];
	_ =	sdelay $0x4  }
0x19f: {  	v0 =	vadd.f32 v27, v26;
	_ =	sdelay $0x1  }
0x1a0: {  	v28 =	vld [tilespmem:s29+$0x200];
	[tilespmem:s29+$0x81F0] =	vst v0  }
0x1a1: {  	v29 =	vld [tilespmem:$0x10200];
	_ =	sdelay $0x4  }
0x1a2: {  	v0 =	vadd.f32 v29, v28;
	_ =	sdelay $0x1  }
0x1a3: {  	v30 =	vld [tilespmem:s29+$0x210];
	[tilespmem:s29+$0x8200] =	vst v0  }
0x1a4: {  	v31 =	vld [tilespmem:$0x10210];
	_ =	sdelay $0x4  }
0x1a5: {  	v0 =	vadd.f32 v31, v30;
	_ =	sdelay $0x1  }
0x1a6: {  	v32 =	vld [tilespmem:s29+$0x220];
	[tilespmem:s29+$0x8210] =	vst v0  }
0x1a7: {  	v33 =	vld [tilespmem:$0x10220];
	_ =	sdelay $0x4  }
0x1a8: {  	v0 =	vadd.f32 v33, v32;
	_ =	sdelay $0x1  }
0x1a9: {  	v34 =	vld [tilespmem:s29+$0x230];
	[tilespmem:s29+$0x8220] =	vst v0  }
0x1aa: {  	v35 =	vld [tilespmem:$0x10230];
	_ =	sdelay $0x4  }
0x1ab: {  	v0 =	vadd.f32 v35, v34;
	_ =	sdelay $0x1  }
0x1ac: {  	v36 =	vld [tilespmem:s29+$0x240];
	[tilespmem:s29+$0x8230] =	vst v0  }
0x1ad: {  	v37 =	vld [tilespmem:$0x10240];
	_ =	sdelay $0x4  }
0x1ae: {  	v0 =	vadd.f32 v37, v36;
	_ =	sdelay $0x1  }
0x1af: {  	v38 =	vld [tilespmem:s29+$0x250];
	[tilespmem:s29+$0x8240] =	vst v0  }
0x1b0: {  	v39 =	vld [tilespmem:$0x10250];
	_ =	sdelay $0x4  }
0x1b1: {  	v0 =	vadd.f32 v39, v38;
	_ =	sdelay $0x1  }
0x1b2: {  	v40 =	vld [tilespmem:s29+$0x260];
	[tilespmem:s29+$0x8250] =	vst v0  }
0x1b3: {  	v41 =	vld [tilespmem:$0x10260];
	_ =	sdelay $0x4  }
0x1b4: {  	v0 =	vadd.f32 v41, v40;
	_ =	sdelay $0x1  }
0x1b5: {  	v42 =	vld [tilespmem:s29+$0x270];
	[tilespmem:s29+$0x8260] =	vst v0  }
0x1b6: {  	v43 =	vld [tilespmem:$0x10270];
	_ =	sdelay $0x4  }
0x1b7: {  	v0 =	vadd.f32 v43, v42;
	_ =	sdelay $0x1  }
0x1b8: {  	v44 =	vld [tilespmem:s29+$0x280];
	[tilespmem:s29+$0x8270] =	vst v0  }
0x1b9: {  	v45 =	vld [tilespmem:$0x10280];
	_ =	sdelay $0x4  }
0x1ba: {  	v0 =	vadd.f32 v45, v44;
	_ =	sdelay $0x1  }
0x1bb: {  	v46 =	vld [tilespmem:s29+$0x290];
	[tilespmem:s29+$0x8280] =	vst v0  }
0x1bc: {  	v47 =	vld [tilespmem:$0x10290];
	_ =	sdelay $0x4  }
0x1bd: {  	v0 =	vadd.f32 v47, v46;
	_ =	sdelay $0x1  }
0x1be: {  	v48 =	vld [tilespmem:s29+$0x2A0];
	[tilespmem:s29+$0x8290] =	vst v0  }
0x1bf: {  	v49 =	vld [tilespmem:$0x102A0];
	_ =	sdelay $0x4  }
0x1c0: {  	v0 =	vadd.f32 v49, v48;
	_ =	sdelay $0x1  }
0x1c1: {  	v50 =	vld [tilespmem:s29+$0x2B0];
	[tilespmem:s29+$0x82A0] =	vst v0  }
0x1c2: {  	v51 =	vld [tilespmem:$0x102B0];
	_ =	sdelay $0x4  }
0x1c3: {  	v0 =	vadd.f32 v51, v50;
	_ =	sdelay $0x1  }
0x1c4: {  	v52 =	vld [tilespmem:s29+$0x2C0];
	[tilespmem:s29+$0x82B0] =	vst v0  }
0x1c5: {  	v53 =	vld [tilespmem:$0x102C0];
	_ =	sdelay $0x4  }
0x1c6: {  	v0 =	vadd.f32 v53, v52;
	_ =	sdelay $0x1  }
0x1c7: {  	v54 =	vld [tilespmem:s29+$0x2D0];
	[tilespmem:s29+$0x82C0] =	vst v0  }
0x1c8: {  	v55 =	vld [tilespmem:$0x102D0];
	_ =	sdelay $0x4  }
0x1c9: {  	v0 =	vadd.f32 v55, v54;
	_ =	sdelay $0x1  }
0x1ca: {  	v56 =	vld [tilespmem:s29+$0x2E0];
	[tilespmem:s29+$0x82D0] =	vst v0  }
0x1cb: {  	v57 =	vld [tilespmem:$0x102E0];
	_ =	sdelay $0x4  }
0x1cc: {  	v0 =	vadd.f32 v57, v56;
	_ =	sdelay $0x1  }
0x1cd: {  	v58 =	vld [tilespmem:s29+$0x2F0];
	[tilespmem:s29+$0x82E0] =	vst v0  }
0x1ce: {  	v59 =	vld [tilespmem:$0x102F0];
	_ =	sdelay $0x4  }
0x1cf: {  	v0 =	vadd.f32 v59, v58;
	_ =	sdelay $0x1  }
0x1d0: {  	v60 =	vld [tilespmem:s29+$0x300];
	[tilespmem:s29+$0x82F0] =	vst v0  }
0x1d1: {  	v61 =	vld [tilespmem:$0x10300];
	_ =	sdelay $0x4  }
0x1d2: {  	v0 =	vadd.f32 v61, v60;
	_ =	sdelay $0x1  }
0x1d3: {  	v62 =	vld [tilespmem:s29+$0x310];
	[tilespmem:s29+$0x8300] =	vst v0  }
0x1d4: {  	v63 =	vld [tilespmem:$0x10310];
	_ =	sdelay $0x4  }
0x1d5: {  	v0 =	vadd.f32 v63, v62;
	_ =	sdelay $0x1  }
0x1d6: {  	v4 =	vld [tilespmem:s29+$0x320];
	[tilespmem:s29+$0x8310] =	vst v0  }
0x1d7: {  	v5 =	vld [tilespmem:$0x10320];
	_ =	sdelay $0x4  }
0x1d8: {  	v0 =	vadd.f32 v5, v4;
	_ =	sdelay $0x1  }
0x1d9: {  	v6 =	vld [tilespmem:s29+$0x330];
	[tilespmem:s29+$0x8320] =	vst v0  }
0x1da: {  	v7 =	vld [tilespmem:$0x10330];
	_ =	sdelay $0x4  }
0x1db: {  	v0 =	vadd.f32 v7, v6;
	_ =	sdelay $0x1  }
0x1dc: {  	v8 =	vld [tilespmem:s29+$0x340];
	[tilespmem:s29+$0x8330] =	vst v0  }
0x1dd: {  	v9 =	vld [tilespmem:$0x10340];
	_ =	sdelay $0x4  }
0x1de: {  	v0 =	vadd.f32 v9, v8;
	_ =	sdelay $0x1  }
0x1df: {  	v10 =	vld [tilespmem:s29+$0x350];
	[tilespmem:s29+$0x8340] =	vst v0  }
0x1e0: {  	v11 =	vld [tilespmem:$0x10350];
	_ =	sdelay $0x4  }
0x1e1: {  	v0 =	vadd.f32 v11, v10;
	_ =	sdelay $0x1  }
0x1e2: {  	v12 =	vld [tilespmem:s29+$0x360];
	[tilespmem:s29+$0x8350] =	vst v0  }
0x1e3: {  	v13 =	vld [tilespmem:$0x10360];
	_ =	sdelay $0x4  }
0x1e4: {  	v0 =	vadd.f32 v13, v12;
	_ =	sdelay $0x1  }
0x1e5: {  	v14 =	vld [tilespmem:s29+$0x370];
	[tilespmem:s29+$0x8360] =	vst v0  }
0x1e6: {  	v15 =	vld [tilespmem:$0x10370];
	_ =	sdelay $0x4  }
0x1e7: {  	v0 =	vadd.f32 v15, v14;
	_ =	sdelay $0x1  }
0x1e8: {  	v16 =	vld [tilespmem:s29+$0x380];
	[tilespmem:s29+$0x8370] =	vst v0  }
0x1e9: {  	v17 =	vld [tilespmem:$0x10380];
	_ =	sdelay $0x4  }
0x1ea: {  	v0 =	vadd.f32 v17, v16;
	_ =	sdelay $0x1  }
0x1eb: {  	v18 =	vld [tilespmem:s29+$0x390];
	[tilespmem:s29+$0x8380] =	vst v0  }
0x1ec: {  	v19 =	vld [tilespmem:$0x10390];
	_ =	sdelay $0x4  }
0x1ed: {  	v0 =	vadd.f32 v19, v18;
	_ =	sdelay $0x1  }
0x1ee: {  	v20 =	vld [tilespmem:s29+$0x3A0];
	[tilespmem:s29+$0x8390] =	vst v0  }
0x1ef: {  	v21 =	vld [tilespmem:$0x103A0];
	_ =	sdelay $0x4  }
0x1f0: {  	v0 =	vadd.f32 v21, v20;
	_ =	sdelay $0x1  }
0x1f1: {  	v22 =	vld [tilespmem:s29+$0x3B0];
	[tilespmem:s29+$0x83A0] =	vst v0  }
0x1f2: {  	v23 =	vld [tilespmem:$0x103B0];
	_ =	sdelay $0x4  }
0x1f3: {  	v0 =	vadd.f32 v23, v22;
	_ =	sdelay $0x1  }
0x1f4: {  	v24 =	vld [tilespmem:s29+$0x3C0];
	[tilespmem:s29+$0x83B0] =	vst v0  }
0x1f5: {  	v25 =	vld [tilespmem:$0x103C0];
	_ =	sdelay $0x4  }
0x1f6: {  	v0 =	vadd.f32 v25, v24;
	_ =	sdelay $0x1  }
0x1f7: {  	v26 =	vld [tilespmem:s29+$0x3D0];
	[tilespmem:s29+$0x83C0] =	vst v0  }
0x1f8: {  	v27 =	vld [tilespmem:$0x103D0];
	_ =	sdelay $0x4  }
0x1f9: {  	v0 =	vadd.f32 v27, v26;
	_ =	sdelay $0x1  }
0x1fa: {  	v28 =	vld [tilespmem:s29+$0x3E0];
	[tilespmem:s29+$0x83D0] =	vst v0  }
0x1fb: {  	v29 =	vld [tilespmem:$0x103E0];
	_ =	sdelay $0x4  }
0x1fc: {  	v0 =	vadd.f32 v29, v28;
	_ =	sdelay $0x1  }
0x1fd: {  	v30 =	vld [tilespmem:s29+$0x3F0];
	[tilespmem:s29+$0x83E0] =	vst v0  }
0x1fe: {  	v31 =	vld [tilespmem:$0x103F0];
	_ =	sdelay $0x4  }
0x1ff: {  	v0 =	vadd.f32 v31, v30;
	_ =	sdelay $0x1  }
0x200: {  	v32 =	vld [tilespmem:s29+$0x400];
	[tilespmem:s29+$0x83F0] =	vst v0  }
0x201: {  	v33 =	vld [tilespmem:$0x10400];
	_ =	sdelay $0x4  }
0x202: {  	v0 =	vadd.f32 v33, v32;
	_ =	sdelay $0x1  }
0x203: {  	v34 =	vld [tilespmem:s29+$0x410];
	[tilespmem:s29+$0x8400] =	vst v0  }
0x204: {  	v35 =	vld [tilespmem:$0x10410];
	_ =	sdelay $0x4  }
0x205: {  	v0 =	vadd.f32 v35, v34;
	_ =	sdelay $0x1  }
0x206: {  	v36 =	vld [tilespmem:s29+$0x420];
	[tilespmem:s29+$0x8410] =	vst v0  }
0x207: {  	v37 =	vld [tilespmem:$0x10420];
	_ =	sdelay $0x4  }
0x208: {  	v0 =	vadd.f32 v37, v36;
	_ =	sdelay $0x1  }
0x209: {  	v38 =	vld [tilespmem:s29+$0x430];
	[tilespmem:s29+$0x8420] =	vst v0  }
0x20a: {  	v39 =	vld [tilespmem:$0x10430];
	_ =	sdelay $0x4  }
0x20b: {  	v0 =	vadd.f32 v39, v38;
	_ =	sdelay $0x1  }
0x20c: {  	v40 =	vld [tilespmem:s29+$0x440];
	[tilespmem:s29+$0x8430] =	vst v0  }
0x20d: {  	v41 =	vld [tilespmem:$0x10440];
	_ =	sdelay $0x4  }
0x20e: {  	v0 =	vadd.f32 v41, v40;
	_ =	sdelay $0x1  }
0x20f: {  	v42 =	vld [tilespmem:s29+$0x450];
	[tilespmem:s29+$0x8440] =	vst v0  }
0x210: {  	v43 =	vld [tilespmem:$0x10450];
	_ =	sdelay $0x4  }
0x211: {  	v0 =	vadd.f32 v43, v42;
	_ =	sdelay $0x1  }
0x212: {  	v44 =	vld [tilespmem:s29+$0x460];
	[tilespmem:s29+$0x8450] =	vst v0  }
0x213: {  	v45 =	vld [tilespmem:$0x10460];
	_ =	sdelay $0x4  }
0x214: {  	v0 =	vadd.f32 v45, v44;
	_ =	sdelay $0x1  }
0x215: {  	v46 =	vld [tilespmem:s29+$0x470];
	[tilespmem:s29+$0x8460] =	vst v0  }
0x216: {  	v47 =	vld [tilespmem:$0x10470];
	_ =	sdelay $0x4  }
0x217: {  	v0 =	vadd.f32 v47, v46;
	_ =	sdelay $0x1  }
0x218: {  	v48 =	vld [tilespmem:s29+$0x480];
	[tilespmem:s29+$0x8470] =	vst v0  }
0x219: {  	v49 =	vld [tilespmem:$0x10480];
	_ =	sdelay $0x4  }
0x21a: {  	v0 =	vadd.f32 v49, v48;
	_ =	sdelay $0x1  }
0x21b: {  	v50 =	vld [tilespmem:s29+$0x490];
	[tilespmem:s29+$0x8480] =	vst v0  }
0x21c: {  	v51 =	vld [tilespmem:$0x10490];
	_ =	sdelay $0x4  }
0x21d: {  	v0 =	vadd.f32 v51, v50;
	_ =	sdelay $0x1  }
0x21e: {  	v52 =	vld [tilespmem:s29+$0x4A0];
	[tilespmem:s29+$0x8490] =	vst v0  }
0x21f: {  	v53 =	vld [tilespmem:$0x104A0];
	_ =	sdelay $0x4  }
0x220: {  	v0 =	vadd.f32 v53, v52;
	_ =	sdelay $0x1  }
0x221: {  	v54 =	vld [tilespmem:s29+$0x4B0];
	[tilespmem:s29+$0x84A0] =	vst v0  }
0x222: {  	v55 =	vld [tilespmem:$0x104B0];
	_ =	sdelay $0x4  }
0x223: {  	v0 =	vadd.f32 v55, v54;
	_ =	sdelay $0x1  }
0x224: {  	v56 =	vld [tilespmem:s29+$0x4C0];
	[tilespmem:s29+$0x84B0] =	vst v0  }
0x225: {  	v57 =	vld [tilespmem:$0x104C0];
	_ =	sdelay $0x4  }
0x226: {  	v0 =	vadd.f32 v57, v56;
	_ =	sdelay $0x1  }
0x227: {  	v58 =	vld [tilespmem:s29+$0x4D0];
	[tilespmem:s29+$0x84C0] =	vst v0  }
0x228: {  	v59 =	vld [tilespmem:$0x104D0];
	_ =	sdelay $0x4  }
0x229: {  	v0 =	vadd.f32 v59, v58;
	_ =	sdelay $0x1  }
0x22a: {  	v60 =	vld [tilespmem:s29+$0x4E0];
	[tilespmem:s29+$0x84D0] =	vst v0  }
0x22b: {  	v61 =	vld [tilespmem:$0x104E0];
	_ =	sdelay $0x4  }
0x22c: {  	v0 =	vadd.f32 v61, v60;
	_ =	sdelay $0x1  }
0x22d: {  	v62 =	vld [tilespmem:s29+$0x4F0];
	[tilespmem:s29+$0x84E0] =	vst v0  }
0x22e: {  	v63 =	vld [tilespmem:$0x104F0];
	_ =	sdelay $0x4  }
0x22f: {  	s28 =	sshll.u32 s26, $0xC;
	v0 =	vadd.f32 v63, v62  }
0x230: {  	s28 =	sor.u32 s4, s28  }
0x231: {  	[tilespmem:s29+$0x84F0] =	vst v0;
	s29 =	sadd.s32 s5, s28  }
0x232: {  	[hbm4b:s29+s3] =	stream.linear.scatter [tilespmem:s9], [sflag:$0x3], $0x500, $0x38;
	[tilespmem:$0x10800] =	vst v63  }
0x233: {  	s30 =	sadd.s32 $0x100, s29  }
0x234: {  	[hbm4b:s30+s3] =	stream.linear.scatter [tilespmem:s12], [sflag:$0x3], $0x500, $0x38;
	[tilespmem:$0x10800] =	vst v63  }
0x235: {  	s31 =	sadd.s32 $0x200, s29  }
0x236: {  	[hbm4b:s31+s3] =	stream.linear.scatter [tilespmem:s14], [sflag:$0x3], $0x500, $0x38;
	[tilespmem:$0x10800] =	vst v63  }
0x237: {  	s31 =	sadd.s32 $0x300, s29  }
0x238: {  	[hbm4b:s31+s3] =	stream.linear.scatter [tilespmem:s16], [sflag:$0x3], $0x500, $0x38;
	[tilespmem:$0x10800] =	vst v63  }
0x239: {  	s31 =	sadd.s32 $0x400, s29  }
0x23a: {  	[hbm4b:s31+s3] =	stream.linear.scatter [tilespmem:s18], [sflag:$0x3], $0x500, $0x38;
	[tilespmem:$0x10800] =	vst v63  }
0x23b: {  	p1 =	sne.s32 s26, $0x1F;
	s31 =	sadd.s32 $0x500, s29  }
0x23c: {  	[hbm4b:s31+s3] =	stream.linear.scatter [tilespmem:s20], [sflag:$0x3], $0x500, $0x38;
	[tilespmem:$0x10800] =	vst v63  }
.Ltmp3:
0x23d: {  	_ = 	snop;
	(pc) =	sbr.rel @p1 .LBB2_6-.Ltmp3, $4  }
0x23e: {  	s31 =	sadd.s32 $0x600, s29  }
0x23f: {  	[hbm4b:s31+s3] =	stream.linear.scatter [tilespmem:s22], [sflag:$0x3], $0x500, $0x38;
	[tilespmem:$0x10800] =	vst v63  }
0x240: {  	s29 =	sadd.s32 $0x700, s29  }
0x241: {  	[hbm4b:s29+s3] =	stream.linear.scatter [tilespmem:s24], [sflag:$0x3], $0x500, $0x38;
	[tilespmem:$0x10800] =	vst v63  }
.Ltmp4:
0x242: {  	(pc) =	sbr.rel .LBB2_7-.Ltmp4, $4  }
0x243: {  	_ = 	snop  }
0x244: {  	_ =	swait.ge [sflag:s6], $0x2800  }
0x245: {  	[sflag:s6] =	ssyncset.done $0x0  }
0x246: {  	[sflag:s6] =	ssyncadd.s32 $0xFFFFD800  }
.LBB2_6:
0x247: {  	s29 =	sadd.s32 s28, s8  }
0x248: {  	[tilespmem:s3], [sflag:$0x1] =	stream.linear.gather [hbm4b:s29+s3], $0x500, $0x38;
	[tilespmem:$0x10800] =	vst v63  }
0x249: {  	s31 =	simm.s32 $0x800;
	s30 =	sadd.s32 $0x100, s29  }
0x24a: {  	[tilespmem:s31], [sflag:$0x1] =	stream.linear.gather [hbm4b:s30+s3], $0x500, $0x38;
	[tilespmem:$0x10800] =	vst v63  }
0x24b: {  	s30 =	sadd.s32 $0x200, s29;
	s31 =	simm.s32 $0x1000  }
0x24c: {  	[tilespmem:s31], [sflag:$0x1] =	stream.linear.gather [hbm4b:s30+s3], $0x500, $0x38;
	[tilespmem:$0x10800] =	vst v63  }
0x24d: {  	s30 =	sadd.s32 $0x300, s29;
	s31 =	simm.s32 $0x1800  }
0x24e: {  	[tilespmem:s31], [sflag:$0x1] =	stream.linear.gather [hbm4b:s30+s3], $0x500, $0x38;
	[tilespmem:$0x10800] =	vst v63  }
0x24f: {  	s30 =	sadd.s32 $0x400, s29;
	s31 =	simm.s32 $0x2000  }
0x250: {  	[tilespmem:s31], [sflag:$0x1] =	stream.linear.gather [hbm4b:s30+s3], $0x500, $0x38;
	[tilespmem:$0x10800] =	vst v63  }
0x251: {  	s30 =	sadd.s32 $0x500, s29;
	s31 =	simm.s32 $0x2800  }
0x252: {  	[tilespmem:s31], [sflag:$0x1] =	stream.linear.gather [hbm4b:s30+s3], $0x500, $0x38;
	[tilespmem:$0x10800] =	vst v63  }
0x253: {  	s30 =	sadd.s32 $0x600, s29;
	s31 =	simm.s32 $0x3000  }
0x254: {  	[tilespmem:s31], [sflag:$0x1] =	stream.linear.gather [hbm4b:s30+s3], $0x500, $0x38;
	[tilespmem:$0x10800] =	vst v63  }
.Ltmp5:
0x255: {  	s29 =	sadd.s32 $0x700, s29;
	s31 =	simm.s32 $0x3800;
	(pc) =	sbr.rel @p0 .LBB2_8-.Ltmp5, $4  }
0x256: {  	[tilespmem:s31], [sflag:$0x1] =	stream.linear.gather [hbm4b:s29+s3], $0x500, $0x38;
	[tilespmem:$0x10800] =	vst v63  }
0x257: {  	_ =	swait.ge [sflag:s6], $0x2800  }
0x258: {  	[sflag:s6] =	ssyncset.done $0x0  }
0x259: {  	[sflag:s6] =	ssyncadd.s32 $0xFFFFD800  }
.LBB2_7:
0x25a: {  	_ =	swait.ge [sflag:s11], $0x2800  }
0x25b: {  	[sflag:s11] =	ssyncset.done $0x0  }
0x25c: {  	[sflag:s11] =	ssyncadd.s32 $0xFFFFD800  }
.LBB2_8:
0x25d: {  	s29 =	simm.s32 $0x0  }
0x25e: {  	s30 =	simm.s32 $0x2000;
	v0 =	vld [tilespmem:s29+$0x4000]  }
.LBB2_9:
0x25f: {  	p0 =	sne.s32 s30, $0xE000;
	v1 =	vld [tilespmem:$0x10000];
	_ =	sdelay $0x4  }
0x260: {  	v0 =	vadd.f32 v1, v0;
	_ =	sdelay $0x1  }
0x261: {  	[tilespmem:s29+$0xC000] =	vst v0;
	v0 =	vld [tilespmem:s29+$0x4010]  }
0x262: {  	v1 =	vld [tilespmem:$0x10010];
	_ =	sdelay $0x4  }
0x263: {  	v0 =	vadd.f32 v1, v0;
	_ =	sdelay $0x1  }
0x264: {  	[tilespmem:s29+$0xC010] =	vst v0;
	v0 =	vld [tilespmem:s29+$0x4020]  }
0x265: {  	v1 =	vld [tilespmem:$0x10020];
	_ =	sdelay $0x4  }
0x266: {  	v0 =	vadd.f32 v1, v0;
	_ =	sdelay $0x1  }
0x267: {  	[tilespmem:s29+$0xC020] =	vst v0;
	v0 =	vld [tilespmem:s29+$0x4030]  }
0x268: {  	v1 =	vld [tilespmem:$0x10030];
	_ =	sdelay $0x4  }
0x269: {  	v0 =	vadd.f32 v1, v0;
	_ =	sdelay $0x1  }
0x26a: {  	[tilespmem:s29+$0xC030] =	vst v0;
	v0 =	vld [tilespmem:s29+$0x4040]  }
0x26b: {  	v1 =	vld [tilespmem:$0x10040];
	_ =	sdelay $0x4  }
0x26c: {  	v0 =	vadd.f32 v1, v0;
	_ =	sdelay $0x1  }
0x26d: {  	[tilespmem:s29+$0xC040] =	vst v0;
	v0 =	vld [tilespmem:s29+$0x4050]  }
0x26e: {  	v1 =	vld [tilespmem:$0x10050];
	_ =	sdelay $0x4  }
0x26f: {  	v0 =	vadd.f32 v1, v0;
	_ =	sdelay $0x1  }
0x270: {  	[tilespmem:s29+$0xC050] =	vst v0;
	v0 =	vld [tilespmem:s29+$0x4060]  }
0x271: {  	v1 =	vld [tilespmem:$0x10060];
	_ =	sdelay $0x4  }
0x272: {  	v0 =	vadd.f32 v1, v0;
	_ =	sdelay $0x1  }
0x273: {  	[tilespmem:s29+$0xC060] =	vst v0;
	v0 =	vld [tilespmem:s29+$0x4070]  }
0x274: {  	v1 =	vld [tilespmem:$0x10070];
	_ =	sdelay $0x4  }
0x275: {  	v0 =	vadd.f32 v1, v0;
	_ =	sdelay $0x1  }
0x276: {  	[tilespmem:s29+$0xC070] =	vst v0;
	v0 =	vld [tilespmem:s29+$0x4080]  }
0x277: {  	v1 =	vld [tilespmem:$0x10080];
	_ =	sdelay $0x4  }
0x278: {  	v0 =	vadd.f32 v1, v0;
	_ =	sdelay $0x1  }
0x279: {  	[tilespmem:s29+$0xC080] =	vst v0;
	v0 =	vld [tilespmem:s29+$0x4090]  }
0x27a: {  	v1 =	vld [tilespmem:$0x10090];
	_ =	sdelay $0x4  }
0x27b: {  	v0 =	vadd.f32 v1, v0;
	_ =	sdelay $0x1  }
0x27c: {  	[tilespmem:s29+$0xC090] =	vst v0;
	v0 =	vld [tilespmem:s29+$0x40A0]  }
0x27d: {  	v1 =	vld [tilespmem:$0x100A0];
	_ =	sdelay $0x4  }
0x27e: {  	v0 =	vadd.f32 v1, v0;
	_ =	sdelay $0x1  }
0x27f: {  	[tilespmem:s29+$0xC0A0] =	vst v0;
	v0 =	vld [tilespmem:s29+$0x40B0]  }
0x280: {  	v1 =	vld [tilespmem:$0x100B0];
	_ =	sdelay $0x4  }
0x281: {  	v0 =	vadd.f32 v1, v0;
	_ =	sdelay $0x1  }
0x282: {  	[tilespmem:s29+$0xC0B0] =	vst v0;
	v0 =	vld [tilespmem:s29+$0x40C0]  }
0x283: {  	v1 =	vld [tilespmem:$0x100C0];
	_ =	sdelay $0x4  }
0x284: {  	v0 =	vadd.f32 v1, v0;
	_ =	sdelay $0x1  }
0x285: {  	[tilespmem:s29+$0xC0C0] =	vst v0;
	v0 =	vld [tilespmem:s29+$0x40D0]  }
0x286: {  	v1 =	vld [tilespmem:$0x100D0];
	_ =	sdelay $0x4  }
0x287: {  	v0 =	vadd.f32 v1, v0;
	_ =	sdelay $0x1  }
0x288: {  	[tilespmem:s29+$0xC0D0] =	vst v0;
	v0 =	vld [tilespmem:s29+$0x40E0]  }
0x289: {  	v1 =	vld [tilespmem:$0x100E0];
	_ =	sdelay $0x4  }
0x28a: {  	v0 =	vadd.f32 v1, v0;
	_ =	sdelay $0x1  }
0x28b: {  	[tilespmem:s29+$0xC0E0] =	vst v0;
	v0 =	vld [tilespmem:s29+$0x40F0]  }
0x28c: {  	v1 =	vld [tilespmem:$0x100F0];
	_ =	sdelay $0x4  }
0x28d: {  	v0 =	vadd.f32 v1, v0;
	_ =	sdelay $0x1  }
0x28e: {  	[tilespmem:s29+$0xC0F0] =	vst v0;
	v0 =	vld [tilespmem:s29+$0x4100]  }
0x28f: {  	v1 =	vld [tilespmem:$0x10100];
	_ =	sdelay $0x4  }
0x290: {  	v0 =	vadd.f32 v1, v0;
	_ =	sdelay $0x1  }
0x291: {  	[tilespmem:s29+$0xC100] =	vst v0;
	v0 =	vld [tilespmem:s29+$0x4110]  }
0x292: {  	v1 =	vld [tilespmem:$0x10110];
	_ =	sdelay $0x4  }
0x293: {  	v0 =	vadd.f32 v1, v0;
	_ =	sdelay $0x1  }
0x294: {  	[tilespmem:s29+$0xC110] =	vst v0;
	v0 =	vld [tilespmem:s29+$0x4120]  }
0x295: {  	v1 =	vld [tilespmem:$0x10120];
	_ =	sdelay $0x4  }
0x296: {  	v0 =	vadd.f32 v1, v0;
	_ =	sdelay $0x1  }
0x297: {  	[tilespmem:s29+$0xC120] =	vst v0;
	v0 =	vld [tilespmem:s29+$0x4130]  }
0x298: {  	v1 =	vld [tilespmem:$0x10130];
	_ =	sdelay $0x4  }
0x299: {  	v0 =	vadd.f32 v1, v0;
	_ =	sdelay $0x1  }
0x29a: {  	[tilespmem:s29+$0xC130] =	vst v0;
	v0 =	vld [tilespmem:s29+$0x4140]  }
0x29b: {  	v1 =	vld [tilespmem:$0x10140];
	_ =	sdelay $0x4  }
0x29c: {  	v0 =	vadd.f32 v1, v0;
	_ =	sdelay $0x1  }
0x29d: {  	[tilespmem:s29+$0xC140] =	vst v0;
	v0 =	vld [tilespmem:s29+$0x4150]  }
0x29e: {  	v1 =	vld [tilespmem:$0x10150];
	_ =	sdelay $0x4  }
0x29f: {  	v0 =	vadd.f32 v1, v0;
	_ =	sdelay $0x1  }
0x2a0: {  	[tilespmem:s29+$0xC150] =	vst v0;
	v0 =	vld [tilespmem:s29+$0x4160]  }
0x2a1: {  	v1 =	vld [tilespmem:$0x10160];
	_ =	sdelay $0x4  }
0x2a2: {  	v0 =	vadd.f32 v1, v0;
	_ =	sdelay $0x1  }
0x2a3: {  	[tilespmem:s29+$0xC160] =	vst v0;
	v0 =	vld [tilespmem:s29+$0x4170]  }
0x2a4: {  	v1 =	vld [tilespmem:$0x10170];
	_ =	sdelay $0x4  }
0x2a5: {  	v0 =	vadd.f32 v1, v0;
	_ =	sdelay $0x1  }
0x2a6: {  	[tilespmem:s29+$0xC170] =	vst v0;
	v0 =	vld [tilespmem:s29+$0x4180]  }
0x2a7: {  	v1 =	vld [tilespmem:$0x10180];
	_ =	sdelay $0x4  }
0x2a8: {  	v0 =	vadd.f32 v1, v0;
	_ =	sdelay $0x1  }
0x2a9: {  	[tilespmem:s29+$0xC180] =	vst v0;
	v0 =	vld [tilespmem:s29+$0x4190]  }
0x2aa: {  	v1 =	vld [tilespmem:$0x10190];
	_ =	sdelay $0x4  }
0x2ab: {  	v0 =	vadd.f32 v1, v0;
	_ =	sdelay $0x1  }
0x2ac: {  	[tilespmem:s29+$0xC190] =	vst v0;
	v0 =	vld [tilespmem:s29+$0x41A0]  }
0x2ad: {  	v1 =	vld [tilespmem:$0x101A0];
	_ =	sdelay $0x4  }
0x2ae: {  	v0 =	vadd.f32 v1, v0;
	_ =	sdelay $0x1  }
0x2af: {  	[tilespmem:s29+$0xC1A0] =	vst v0;
	v0 =	vld [tilespmem:s29+$0x41B0]  }
0x2b0: {  	v1 =	vld [tilespmem:$0x101B0];
	_ =	sdelay $0x4  }
0x2b1: {  	v0 =	vadd.f32 v1, v0;
	_ =	sdelay $0x1  }
0x2b2: {  	[tilespmem:s29+$0xC1B0] =	vst v0;
	v0 =	vld [tilespmem:s29+$0x41C0]  }
0x2b3: {  	v1 =	vld [tilespmem:$0x101C0];
	_ =	sdelay $0x4  }
0x2b4: {  	v0 =	vadd.f32 v1, v0;
	_ =	sdelay $0x1  }
0x2b5: {  	[tilespmem:s29+$0xC1C0] =	vst v0;
	v0 =	vld [tilespmem:s29+$0x41D0]  }
0x2b6: {  	v1 =	vld [tilespmem:$0x101D0];
	_ =	sdelay $0x4  }
0x2b7: {  	v0 =	vadd.f32 v1, v0;
	_ =	sdelay $0x1  }
0x2b8: {  	[tilespmem:s29+$0xC1D0] =	vst v0;
	v0 =	vld [tilespmem:s29+$0x41E0]  }
0x2b9: {  	v1 =	vld [tilespmem:$0x101E0];
	_ =	sdelay $0x4  }
0x2ba: {  	v0 =	vadd.f32 v1, v0;
	_ =	sdelay $0x1  }
0x2bb: {  	[tilespmem:s29+$0xC1E0] =	vst v0;
	v0 =	vld [tilespmem:s29+$0x41F0]  }
0x2bc: {  	v1 =	vld [tilespmem:$0x101F0];
	_ =	sdelay $0x4  }
0x2bd: {  	v0 =	vadd.f32 v1, v0;
	_ =	sdelay $0x1  }
0x2be: {  	[tilespmem:s29+$0xC1F0] =	vst v0;
	v0 =	vld [tilespmem:s29+$0x4200]  }
0x2bf: {  	v1 =	vld [tilespmem:$0x10200];
	_ =	sdelay $0x4  }
0x2c0: {  	v0 =	vadd.f32 v1, v0;
	_ =	sdelay $0x1  }
0x2c1: {  	[tilespmem:s29+$0xC200] =	vst v0;
	v0 =	vld [tilespmem:s29+$0x4210]  }
0x2c2: {  	v1 =	vld [tilespmem:$0x10210];
	_ =	sdelay $0x4  }
0x2c3: {  	v0 =	vadd.f32 v1, v0;
	_ =	sdelay $0x1  }
0x2c4: {  	[tilespmem:s29+$0xC210] =	vst v0;
	v0 =	vld [tilespmem:s29+$0x4220]  }
0x2c5: {  	v1 =	vld [tilespmem:$0x10220];
	_ =	sdelay $0x4  }
0x2c6: {  	v0 =	vadd.f32 v1, v0;
	_ =	sdelay $0x1  }
0x2c7: {  	[tilespmem:s29+$0xC220] =	vst v0;
	v0 =	vld [tilespmem:s29+$0x4230]  }
0x2c8: {  	v1 =	vld [tilespmem:$0x10230];
	_ =	sdelay $0x4  }
0x2c9: {  	v0 =	vadd.f32 v1, v0;
	_ =	sdelay $0x1  }
0x2ca: {  	[tilespmem:s29+$0xC230] =	vst v0;
	v0 =	vld [tilespmem:s29+$0x4240]  }
0x2cb: {  	v1 =	vld [tilespmem:$0x10240];
	_ =	sdelay $0x4  }
0x2cc: {  	v0 =	vadd.f32 v1, v0;
	_ =	sdelay $0x1  }
0x2cd: {  	[tilespmem:s29+$0xC240] =	vst v0;
	v0 =	vld [tilespmem:s29+$0x4250]  }
0x2ce: {  	v1 =	vld [tilespmem:$0x10250];
	_ =	sdelay $0x4  }
0x2cf: {  	v0 =	vadd.f32 v1, v0;
	_ =	sdelay $0x1  }
0x2d0: {  	[tilespmem:s29+$0xC250] =	vst v0;
	v0 =	vld [tilespmem:s29+$0x4260]  }
0x2d1: {  	v1 =	vld [tilespmem:$0x10260];
	_ =	sdelay $0x4  }
0x2d2: {  	v0 =	vadd.f32 v1, v0;
	_ =	sdelay $0x1  }
0x2d3: {  	[tilespmem:s29+$0xC260] =	vst v0;
	v0 =	vld [tilespmem:s29+$0x4270]  }
0x2d4: {  	v1 =	vld [tilespmem:$0x10270];
	_ =	sdelay $0x4  }
0x2d5: {  	v0 =	vadd.f32 v1, v0;
	_ =	sdelay $0x1  }
0x2d6: {  	[tilespmem:s29+$0xC270] =	vst v0;
	v0 =	vld [tilespmem:s29+$0x4280]  }
0x2d7: {  	v1 =	vld [tilespmem:$0x10280];
	_ =	sdelay $0x4  }
0x2d8: {  	v0 =	vadd.f32 v1, v0;
	_ =	sdelay $0x1  }
0x2d9: {  	[tilespmem:s29+$0xC280] =	vst v0;
	v0 =	vld [tilespmem:s29+$0x4290]  }
0x2da: {  	v1 =	vld [tilespmem:$0x10290];
	_ =	sdelay $0x4  }
0x2db: {  	v0 =	vadd.f32 v1, v0;
	_ =	sdelay $0x1  }
0x2dc: {  	[tilespmem:s29+$0xC290] =	vst v0;
	v0 =	vld [tilespmem:s29+$0x42A0]  }
0x2dd: {  	v1 =	vld [tilespmem:$0x102A0];
	_ =	sdelay $0x4  }
0x2de: {  	v0 =	vadd.f32 v1, v0;
	_ =	sdelay $0x1  }
0x2df: {  	[tilespmem:s29+$0xC2A0] =	vst v0;
	v0 =	vld [tilespmem:s29+$0x42B0]  }
0x2e0: {  	v1 =	vld [tilespmem:$0x102B0];
	_ =	sdelay $0x4  }
0x2e1: {  	v0 =	vadd.f32 v1, v0;
	_ =	sdelay $0x1  }
0x2e2: {  	[tilespmem:s29+$0xC2B0] =	vst v0;
	v0 =	vld [tilespmem:s29+$0x42C0]  }
0x2e3: {  	v1 =	vld [tilespmem:$0x102C0];
	_ =	sdelay $0x4  }
0x2e4: {  	v0 =	vadd.f32 v1, v0;
	_ =	sdelay $0x1  }
0x2e5: {  	[tilespmem:s29+$0xC2C0] =	vst v0;
	v0 =	vld [tilespmem:s29+$0x42D0]  }
0x2e6: {  	v1 =	vld [tilespmem:$0x102D0];
	_ =	sdelay $0x4  }
0x2e7: {  	v0 =	vadd.f32 v1, v0;
	_ =	sdelay $0x1  }
0x2e8: {  	[tilespmem:s29+$0xC2D0] =	vst v0;
	v0 =	vld [tilespmem:s29+$0x42E0]  }
0x2e9: {  	v1 =	vld [tilespmem:$0x102E0];
	_ =	sdelay $0x4  }
0x2ea: {  	v0 =	vadd.f32 v1, v0;
	_ =	sdelay $0x1  }
0x2eb: {  	[tilespmem:s29+$0xC2E0] =	vst v0;
	v0 =	vld [tilespmem:s29+$0x42F0]  }
0x2ec: {  	v1 =	vld [tilespmem:$0x102F0];
	_ =	sdelay $0x4  }
0x2ed: {  	v0 =	vadd.f32 v1, v0;
	_ =	sdelay $0x1  }
0x2ee: {  	[tilespmem:s29+$0xC2F0] =	vst v0;
	v0 =	vld [tilespmem:s29+$0x4300]  }
0x2ef: {  	v1 =	vld [tilespmem:$0x10300];
	_ =	sdelay $0x4  }
0x2f0: {  	v0 =	vadd.f32 v1, v0;
	_ =	sdelay $0x1  }
0x2f1: {  	[tilespmem:s29+$0xC300] =	vst v0;
	v0 =	vld [tilespmem:s29+$0x4310]  }
0x2f2: {  	v1 =	vld [tilespmem:$0x10310];
	_ =	sdelay $0x4  }
0x2f3: {  	v0 =	vadd.f32 v1, v0;
	_ =	sdelay $0x1  }
0x2f4: {  	[tilespmem:s29+$0xC310] =	vst v0;
	v0 =	vld [tilespmem:s29+$0x4320]  }
0x2f5: {  	v1 =	vld [tilespmem:$0x10320];
	_ =	sdelay $0x4  }
0x2f6: {  	v0 =	vadd.f32 v1, v0;
	_ =	sdelay $0x1  }
0x2f7: {  	[tilespmem:s29+$0xC320] =	vst v0;
	v0 =	vld [tilespmem:s29+$0x4330]  }
0x2f8: {  	v1 =	vld [tilespmem:$0x10330];
	_ =	sdelay $0x4  }
0x2f9: {  	v0 =	vadd.f32 v1, v0;
	_ =	sdelay $0x1  }
0x2fa: {  	[tilespmem:s29+$0xC330] =	vst v0;
	v0 =	vld [tilespmem:s29+$0x4340]  }
0x2fb: {  	v1 =	vld [tilespmem:$0x10340];
	_ =	sdelay $0x4  }
0x2fc: {  	v0 =	vadd.f32 v1, v0;
	_ =	sdelay $0x1  }
0x2fd: {  	[tilespmem:s29+$0xC340] =	vst v0;
	v0 =	vld [tilespmem:s29+$0x4350]  }
0x2fe: {  	v1 =	vld [tilespmem:$0x10350];
	_ =	sdelay $0x4  }
0x2ff: {  	v0 =	vadd.f32 v1, v0;
	_ =	sdelay $0x1  }
0x300: {  	[tilespmem:s29+$0xC350] =	vst v0;
	v0 =	vld [tilespmem:s29+$0x4360]  }
0x301: {  	v1 =	vld [tilespmem:$0x10360];
	_ =	sdelay $0x4  }
0x302: {  	v0 =	vadd.f32 v1, v0;
	_ =	sdelay $0x1  }
0x303: {  	[tilespmem:s29+$0xC360] =	vst v0;
	v0 =	vld [tilespmem:s29+$0x4370]  }
0x304: {  	v1 =	vld [tilespmem:$0x10370];
	_ =	sdelay $0x4  }
0x305: {  	v0 =	vadd.f32 v1, v0;
	_ =	sdelay $0x1  }
0x306: {  	[tilespmem:s29+$0xC370] =	vst v0;
	v0 =	vld [tilespmem:s29+$0x4380]  }
0x307: {  	v1 =	vld [tilespmem:$0x10380];
	_ =	sdelay $0x4  }
0x308: {  	v0 =	vadd.f32 v1, v0;
	_ =	sdelay $0x1  }
0x309: {  	[tilespmem:s29+$0xC380] =	vst v0;
	v0 =	vld [tilespmem:s29+$0x4390]  }
0x30a: {  	v1 =	vld [tilespmem:$0x10390];
	_ =	sdelay $0x4  }
0x30b: {  	v0 =	vadd.f32 v1, v0;
	_ =	sdelay $0x1  }
0x30c: {  	[tilespmem:s29+$0xC390] =	vst v0;
	v0 =	vld [tilespmem:s29+$0x43A0]  }
0x30d: {  	v1 =	vld [tilespmem:$0x103A0];
	_ =	sdelay $0x4  }
0x30e: {  	v0 =	vadd.f32 v1, v0;
	_ =	sdelay $0x1  }
0x30f: {  	[tilespmem:s29+$0xC3A0] =	vst v0;
	v0 =	vld [tilespmem:s29+$0x43B0]  }
0x310: {  	v1 =	vld [tilespmem:$0x103B0];
	_ =	sdelay $0x4  }
0x311: {  	v0 =	vadd.f32 v1, v0;
	_ =	sdelay $0x1  }
0x312: {  	[tilespmem:s29+$0xC3B0] =	vst v0;
	v0 =	vld [tilespmem:s29+$0x43C0]  }
0x313: {  	v1 =	vld [tilespmem:$0x103C0];
	_ =	sdelay $0x4  }
0x314: {  	v0 =	vadd.f32 v1, v0;
	_ =	sdelay $0x1  }
0x315: {  	[tilespmem:s29+$0xC3C0] =	vst v0;
	v0 =	vld [tilespmem:s29+$0x43D0]  }
0x316: {  	v1 =	vld [tilespmem:$0x103D0];
	_ =	sdelay $0x4  }
0x317: {  	v0 =	vadd.f32 v1, v0;
	_ =	sdelay $0x1  }
0x318: {  	[tilespmem:s29+$0xC3D0] =	vst v0;
	v0 =	vld [tilespmem:s29+$0x43E0]  }
0x319: {  	v1 =	vld [tilespmem:$0x103E0];
	_ =	sdelay $0x4  }
0x31a: {  	v0 =	vadd.f32 v1, v0;
	_ =	sdelay $0x1  }
0x31b: {  	[tilespmem:s29+$0xC3E0] =	vst v0;
	v0 =	vld [tilespmem:s29+$0x43F0]  }
0x31c: {  	v1 =	vld [tilespmem:$0x103F0];
	_ =	sdelay $0x4  }
0x31d: {  	v0 =	vadd.f32 v1, v0;
	_ =	sdelay $0x1  }
0x31e: {  	[tilespmem:s29+$0xC3F0] =	vst v0;
	v0 =	vld [tilespmem:s29+$0x4400]  }
0x31f: {  	v1 =	vld [tilespmem:$0x10400];
	_ =	sdelay $0x4  }
0x320: {  	v0 =	vadd.f32 v1, v0;
	_ =	sdelay $0x1  }
0x321: {  	[tilespmem:s29+$0xC400] =	vst v0;
	v0 =	vld [tilespmem:s29+$0x4410]  }
0x322: {  	v1 =	vld [tilespmem:$0x10410];
	_ =	sdelay $0x4  }
0x323: {  	v0 =	vadd.f32 v1, v0;
	_ =	sdelay $0x1  }
0x324: {  	[tilespmem:s29+$0xC410] =	vst v0;
	v0 =	vld [tilespmem:s29+$0x4420]  }
0x325: {  	v1 =	vld [tilespmem:$0x10420];
	_ =	sdelay $0x4  }
0x326: {  	v0 =	vadd.f32 v1, v0;
	_ =	sdelay $0x1  }
0x327: {  	[tilespmem:s29+$0xC420] =	vst v0;
	v0 =	vld [tilespmem:s29+$0x4430]  }
0x328: {  	v1 =	vld [tilespmem:$0x10430];
	_ =	sdelay $0x4  }
0x329: {  	v0 =	vadd.f32 v1, v0;
	_ =	sdelay $0x1  }
0x32a: {  	[tilespmem:s29+$0xC430] =	vst v0;
	v0 =	vld [tilespmem:s29+$0x4440]  }
0x32b: {  	v1 =	vld [tilespmem:$0x10440];
	_ =	sdelay $0x4  }
0x32c: {  	v0 =	vadd.f32 v1, v0;
	_ =	sdelay $0x1  }
0x32d: {  	[tilespmem:s29+$0xC440] =	vst v0;
	v0 =	vld [tilespmem:s29+$0x4450]  }
0x32e: {  	v1 =	vld [tilespmem:$0x10450];
	_ =	sdelay $0x4  }
0x32f: {  	v0 =	vadd.f32 v1, v0;
	_ =	sdelay $0x1  }
0x330: {  	[tilespmem:s29+$0xC450] =	vst v0;
	v0 =	vld [tilespmem:s29+$0x4460]  }
0x331: {  	v1 =	vld [tilespmem:$0x10460];
	_ =	sdelay $0x4  }
0x332: {  	v0 =	vadd.f32 v1, v0;
	_ =	sdelay $0x1  }
0x333: {  	[tilespmem:s29+$0xC460] =	vst v0;
	v0 =	vld [tilespmem:s29+$0x4470]  }
0x334: {  	v1 =	vld [tilespmem:$0x10470];
	_ =	sdelay $0x4  }
0x335: {  	v0 =	vadd.f32 v1, v0;
	_ =	sdelay $0x1  }
0x336: {  	[tilespmem:s29+$0xC470] =	vst v0;
	v0 =	vld [tilespmem:s29+$0x4480]  }
0x337: {  	v1 =	vld [tilespmem:$0x10480];
	_ =	sdelay $0x4  }
0x338: {  	v0 =	vadd.f32 v1, v0;
	_ =	sdelay $0x1  }
0x339: {  	[tilespmem:s29+$0xC480] =	vst v0;
	v0 =	vld [tilespmem:s29+$0x4490]  }
0x33a: {  	v1 =	vld [tilespmem:$0x10490];
	_ =	sdelay $0x4  }
0x33b: {  	v0 =	vadd.f32 v1, v0;
	_ =	sdelay $0x1  }
0x33c: {  	[tilespmem:s29+$0xC490] =	vst v0;
	v0 =	vld [tilespmem:s29+$0x44A0]  }
0x33d: {  	v1 =	vld [tilespmem:$0x104A0];
	_ =	sdelay $0x4  }
0x33e: {  	v0 =	vadd.f32 v1, v0;
	_ =	sdelay $0x1  }
0x33f: {  	[tilespmem:s29+$0xC4A0] =	vst v0;
	v0 =	vld [tilespmem:s29+$0x44B0]  }
0x340: {  	v1 =	vld [tilespmem:$0x104B0];
	_ =	sdelay $0x4  }
0x341: {  	v0 =	vadd.f32 v1, v0;
	_ =	sdelay $0x1  }
0x342: {  	[tilespmem:s29+$0xC4B0] =	vst v0;
	v0 =	vld [tilespmem:s29+$0x44C0]  }
0x343: {  	v1 =	vld [tilespmem:$0x104C0];
	_ =	sdelay $0x4  }
0x344: {  	v0 =	vadd.f32 v1, v0;
	_ =	sdelay $0x1  }
0x345: {  	[tilespmem:s29+$0xC4C0] =	vst v0;
	v0 =	vld [tilespmem:s29+$0x44D0]  }
0x346: {  	v1 =	vld [tilespmem:$0x104D0];
	_ =	sdelay $0x4  }
0x347: {  	v0 =	vadd.f32 v1, v0;
	_ =	sdelay $0x1  }
0x348: {  	[tilespmem:s29+$0xC4D0] =	vst v0;
	v0 =	vld [tilespmem:s29+$0x44E0]  }
0x349: {  	v1 =	vld [tilespmem:$0x104E0];
	_ =	sdelay $0x4  }
0x34a: {  	v0 =	vadd.f32 v1, v0;
	_ =	sdelay $0x1  }
0x34b: {  	[tilespmem:s29+$0xC4E0] =	vst v0;
	v0 =	vld [tilespmem:s29+$0x44F0]  }
0x34c: {  	v1 =	vld [tilespmem:$0x104F0];
	_ =	sdelay $0x2  }
.Ltmp6:
0x34d: {  	(pc) =	sbr.rel @p0 .LBB2_9-.Ltmp6, $4  }
0x34e: {  	_ = 	snop  }
0x34f: {  	v1 =	vadd.f32 v1, v0  }
0x350: {  	s31 =	sshra.s32 s30, $0x2  }
0x351: {  	s30 =	sadd.s32 $0x2000, s30;
	v0 =	vld [tilespmem:s31+$0x4000];
	[tilespmem:s29+$0xC4F0] =	vst v1;
	s29 =	smov.u32 s31  }
0x352: {  	v1 =	vld [tilespmem:$0x10000];
	_ =	sdelay $0x4  }
0x353: {  	v0 =	vadd.f32 v1, v0;
	_ =	sdelay $0x1  }
0x354: {  	v26 =	vld [tilespmem:s29+$0x4010];
	[tilespmem:s29+$0xC000] =	vst v0  }
0x355: {  	v27 =	vld [tilespmem:$0x10010];
	_ =	sdelay $0x4  }
0x356: {  	v0 =	vadd.f32 v27, v26;
	_ =	sdelay $0x1  }
0x357: {  	v28 =	vld [tilespmem:s29+$0x4020];
	[tilespmem:s29+$0xC010] =	vst v0  }
0x358: {  	v29 =	vld [tilespmem:$0x10020];
	_ =	sdelay $0x4  }
0x359: {  	v0 =	vadd.f32 v29, v28;
	_ =	sdelay $0x1  }
0x35a: {  	v30 =	vld [tilespmem:s29+$0x4030];
	[tilespmem:s29+$0xC020] =	vst v0  }
0x35b: {  	v31 =	vld [tilespmem:$0x10030];
	_ =	sdelay $0x4  }
0x35c: {  	v0 =	vadd.f32 v31, v30;
	_ =	sdelay $0x1  }
0x35d: {  	v32 =	vld [tilespmem:s29+$0x4040];
	[tilespmem:s29+$0xC030] =	vst v0  }
0x35e: {  	v33 =	vld [tilespmem:$0x10040];
	_ =	sdelay $0x4  }
0x35f: {  	v0 =	vadd.f32 v33, v32;
	_ =	sdelay $0x1  }
0x360: {  	v34 =	vld [tilespmem:s29+$0x4050];
	[tilespmem:s29+$0xC040] =	vst v0  }
0x361: {  	v35 =	vld [tilespmem:$0x10050];
	_ =	sdelay $0x4  }
0x362: {  	v0 =	vadd.f32 v35, v34;
	_ =	sdelay $0x1  }
0x363: {  	v36 =	vld [tilespmem:s29+$0x4060];
	[tilespmem:s29+$0xC050] =	vst v0  }
0x364: {  	v37 =	vld [tilespmem:$0x10060];
	_ =	sdelay $0x4  }
0x365: {  	v0 =	vadd.f32 v37, v36;
	_ =	sdelay $0x1  }
0x366: {  	v38 =	vld [tilespmem:s29+$0x4070];
	[tilespmem:s29+$0xC060] =	vst v0  }
0x367: {  	v39 =	vld [tilespmem:$0x10070];
	_ =	sdelay $0x4  }
0x368: {  	v0 =	vadd.f32 v39, v38;
	_ =	sdelay $0x1  }
0x369: {  	v40 =	vld [tilespmem:s29+$0x4080];
	[tilespmem:s29+$0xC070] =	vst v0  }
0x36a: {  	v41 =	vld [tilespmem:$0x10080];
	_ =	sdelay $0x4  }
0x36b: {  	v0 =	vadd.f32 v41, v40;
	_ =	sdelay $0x1  }
0x36c: {  	v42 =	vld [tilespmem:s29+$0x4090];
	[tilespmem:s29+$0xC080] =	vst v0  }
0x36d: {  	v43 =	vld [tilespmem:$0x10090];
	_ =	sdelay $0x4  }
0x36e: {  	v0 =	vadd.f32 v43, v42;
	_ =	sdelay $0x1  }
0x36f: {  	v44 =	vld [tilespmem:s29+$0x40A0];
	[tilespmem:s29+$0xC090] =	vst v0  }
0x370: {  	v45 =	vld [tilespmem:$0x100A0];
	_ =	sdelay $0x4  }
0x371: {  	v0 =	vadd.f32 v45, v44;
	_ =	sdelay $0x1  }
0x372: {  	v46 =	vld [tilespmem:s29+$0x40B0];
	[tilespmem:s29+$0xC0A0] =	vst v0  }
0x373: {  	v47 =	vld [tilespmem:$0x100B0];
	_ =	sdelay $0x4  }
0x374: {  	v0 =	vadd.f32 v47, v46;
	_ =	sdelay $0x1  }
0x375: {  	v48 =	vld [tilespmem:s29+$0x40C0];
	[tilespmem:s29+$0xC0B0] =	vst v0  }
0x376: {  	v49 =	vld [tilespmem:$0x100C0];
	_ =	sdelay $0x4  }
0x377: {  	v0 =	vadd.f32 v49, v48;
	_ =	sdelay $0x1  }
0x378: {  	v50 =	vld [tilespmem:s29+$0x40D0];
	[tilespmem:s29+$0xC0C0] =	vst v0  }
0x379: {  	v51 =	vld [tilespmem:$0x100D0];
	_ =	sdelay $0x4  }
0x37a: {  	v0 =	vadd.f32 v51, v50;
	_ =	sdelay $0x1  }
0x37b: {  	v52 =	vld [tilespmem:s29+$0x40E0];
	[tilespmem:s29+$0xC0D0] =	vst v0  }
0x37c: {  	v53 =	vld [tilespmem:$0x100E0];
	_ =	sdelay $0x4  }
0x37d: {  	v0 =	vadd.f32 v53, v52;
	_ =	sdelay $0x1  }
0x37e: {  	v54 =	vld [tilespmem:s29+$0x40F0];
	[tilespmem:s29+$0xC0E0] =	vst v0  }
0x37f: {  	v55 =	vld [tilespmem:$0x100F0];
	_ =	sdelay $0x4  }
0x380: {  	v0 =	vadd.f32 v55, v54;
	_ =	sdelay $0x1  }
0x381: {  	v56 =	vld [tilespmem:s29+$0x4100];
	[tilespmem:s29+$0xC0F0] =	vst v0  }
0x382: {  	v57 =	vld [tilespmem:$0x10100];
	_ =	sdelay $0x4  }
0x383: {  	v0 =	vadd.f32 v57, v56;
	_ =	sdelay $0x1  }
0x384: {  	v58 =	vld [tilespmem:s29+$0x4110];
	[tilespmem:s29+$0xC100] =	vst v0  }
0x385: {  	v59 =	vld [tilespmem:$0x10110];
	_ =	sdelay $0x4  }
0x386: {  	v0 =	vadd.f32 v59, v58;
	_ =	sdelay $0x1  }
0x387: {  	v60 =	vld [tilespmem:s29+$0x4120];
	[tilespmem:s29+$0xC110] =	vst v0  }
0x388: {  	v61 =	vld [tilespmem:$0x10120];
	_ =	sdelay $0x4  }
0x389: {  	v0 =	vadd.f32 v61, v60;
	_ =	sdelay $0x1  }
0x38a: {  	v62 =	vld [tilespmem:s29+$0x4130];
	[tilespmem:s29+$0xC120] =	vst v0  }
0x38b: {  	v63 =	vld [tilespmem:$0x10130];
	_ =	sdelay $0x4  }
0x38c: {  	v0 =	vadd.f32 v63, v62;
	_ =	sdelay $0x1  }
0x38d: {  	v4 =	vld [tilespmem:s29+$0x4140];
	[tilespmem:s29+$0xC130] =	vst v0  }
0x38e: {  	v5 =	vld [tilespmem:$0x10140];
	_ =	sdelay $0x4  }
0x38f: {  	v0 =	vadd.f32 v5, v4;
	_ =	sdelay $0x1  }
0x390: {  	v6 =	vld [tilespmem:s29+$0x4150];
	[tilespmem:s29+$0xC140] =	vst v0  }
0x391: {  	v7 =	vld [tilespmem:$0x10150];
	_ =	sdelay $0x4  }
0x392: {  	v0 =	vadd.f32 v7, v6;
	_ =	sdelay $0x1  }
0x393: {  	v8 =	vld [tilespmem:s29+$0x4160];
	[tilespmem:s29+$0xC150] =	vst v0  }
0x394: {  	v9 =	vld [tilespmem:$0x10160];
	_ =	sdelay $0x4  }
0x395: {  	v0 =	vadd.f32 v9, v8;
	_ =	sdelay $0x1  }
0x396: {  	v10 =	vld [tilespmem:s29+$0x4170];
	[tilespmem:s29+$0xC160] =	vst v0  }
0x397: {  	v11 =	vld [tilespmem:$0x10170];
	_ =	sdelay $0x4  }
0x398: {  	v0 =	vadd.f32 v11, v10;
	_ =	sdelay $0x1  }
0x399: {  	v12 =	vld [tilespmem:s29+$0x4180];
	[tilespmem:s29+$0xC170] =	vst v0  }
0x39a: {  	v13 =	vld [tilespmem:$0x10180];
	_ =	sdelay $0x4  }
0x39b: {  	v0 =	vadd.f32 v13, v12;
	_ =	sdelay $0x1  }
0x39c: {  	v14 =	vld [tilespmem:s29+$0x4190];
	[tilespmem:s29+$0xC180] =	vst v0  }
0x39d: {  	v15 =	vld [tilespmem:$0x10190];
	_ =	sdelay $0x4  }
0x39e: {  	v0 =	vadd.f32 v15, v14;
	_ =	sdelay $0x1  }
0x39f: {  	v16 =	vld [tilespmem:s29+$0x41A0];
	[tilespmem:s29+$0xC190] =	vst v0  }
0x3a0: {  	v17 =	vld [tilespmem:$0x101A0];
	_ =	sdelay $0x4  }
0x3a1: {  	v0 =	vadd.f32 v17, v16;
	_ =	sdelay $0x1  }
0x3a2: {  	v18 =	vld [tilespmem:s29+$0x41B0];
	[tilespmem:s29+$0xC1A0] =	vst v0  }
0x3a3: {  	v19 =	vld [tilespmem:$0x101B0];
	_ =	sdelay $0x4  }
0x3a4: {  	v0 =	vadd.f32 v19, v18;
	_ =	sdelay $0x1  }
0x3a5: {  	v20 =	vld [tilespmem:s29+$0x41C0];
	[tilespmem:s29+$0xC1B0] =	vst v0  }
0x3a6: {  	v21 =	vld [tilespmem:$0x101C0];
	_ =	sdelay $0x4  }
0x3a7: {  	v0 =	vadd.f32 v21, v20;
	_ =	sdelay $0x1  }
0x3a8: {  	v22 =	vld [tilespmem:s29+$0x41D0];
	[tilespmem:s29+$0xC1C0] =	vst v0  }
0x3a9: {  	v23 =	vld [tilespmem:$0x101D0];
	_ =	sdelay $0x4  }
0x3aa: {  	v0 =	vadd.f32 v23, v22;
	_ =	sdelay $0x1  }
0x3ab: {  	v24 =	vld [tilespmem:s29+$0x41E0];
	[tilespmem:s29+$0xC1D0] =	vst v0  }
0x3ac: {  	v25 =	vld [tilespmem:$0x101E0];
	_ =	sdelay $0x4  }
0x3ad: {  	v0 =	vadd.f32 v25, v24;
	_ =	sdelay $0x1  }
0x3ae: {  	v26 =	vld [tilespmem:s29+$0x41F0];
	[tilespmem:s29+$0xC1E0] =	vst v0  }
0x3af: {  	v27 =	vld [tilespmem:$0x101F0];
	_ =	sdelay $0x4  }
0x3b0: {  	v0 =	vadd.f32 v27, v26;
	_ =	sdelay $0x1  }
0x3b1: {  	v28 =	vld [tilespmem:s29+$0x4200];
	[tilespmem:s29+$0xC1F0] =	vst v0  }
0x3b2: {  	v29 =	vld [tilespmem:$0x10200];
	_ =	sdelay $0x4  }
0x3b3: {  	v0 =	vadd.f32 v29, v28;
	_ =	sdelay $0x1  }
0x3b4: {  	v30 =	vld [tilespmem:s29+$0x4210];
	[tilespmem:s29+$0xC200] =	vst v0  }
0x3b5: {  	v31 =	vld [tilespmem:$0x10210];
	_ =	sdelay $0x4  }
0x3b6: {  	v0 =	vadd.f32 v31, v30;
	_ =	sdelay $0x1  }
0x3b7: {  	v32 =	vld [tilespmem:s29+$0x4220];
	[tilespmem:s29+$0xC210] =	vst v0  }
0x3b8: {  	v33 =	vld [tilespmem:$0x10220];
	_ =	sdelay $0x4  }
0x3b9: {  	v0 =	vadd.f32 v33, v32;
	_ =	sdelay $0x1  }
0x3ba: {  	v34 =	vld [tilespmem:s29+$0x4230];
	[tilespmem:s29+$0xC220] =	vst v0  }
0x3bb: {  	v35 =	vld [tilespmem:$0x10230];
	_ =	sdelay $0x4  }
0x3bc: {  	v0 =	vadd.f32 v35, v34;
	_ =	sdelay $0x1  }
0x3bd: {  	v36 =	vld [tilespmem:s29+$0x4240];
	[tilespmem:s29+$0xC230] =	vst v0  }
0x3be: {  	v37 =	vld [tilespmem:$0x10240];
	_ =	sdelay $0x4  }
0x3bf: {  	v0 =	vadd.f32 v37, v36;
	_ =	sdelay $0x1  }
0x3c0: {  	v38 =	vld [tilespmem:s29+$0x4250];
	[tilespmem:s29+$0xC240] =	vst v0  }
0x3c1: {  	v39 =	vld [tilespmem:$0x10250];
	_ =	sdelay $0x4  }
0x3c2: {  	v0 =	vadd.f32 v39, v38;
	_ =	sdelay $0x1  }
0x3c3: {  	v40 =	vld [tilespmem:s29+$0x4260];
	[tilespmem:s29+$0xC250] =	vst v0  }
0x3c4: {  	v41 =	vld [tilespmem:$0x10260];
	_ =	sdelay $0x4  }
0x3c5: {  	v0 =	vadd.f32 v41, v40;
	_ =	sdelay $0x1  }
0x3c6: {  	v42 =	vld [tilespmem:s29+$0x4270];
	[tilespmem:s29+$0xC260] =	vst v0  }
0x3c7: {  	v43 =	vld [tilespmem:$0x10270];
	_ =	sdelay $0x4  }
0x3c8: {  	v0 =	vadd.f32 v43, v42;
	_ =	sdelay $0x1  }
0x3c9: {  	v44 =	vld [tilespmem:s29+$0x4280];
	[tilespmem:s29+$0xC270] =	vst v0  }
0x3ca: {  	v45 =	vld [tilespmem:$0x10280];
	_ =	sdelay $0x4  }
0x3cb: {  	v0 =	vadd.f32 v45, v44;
	_ =	sdelay $0x1  }
0x3cc: {  	v46 =	vld [tilespmem:s29+$0x4290];
	[tilespmem:s29+$0xC280] =	vst v0  }
0x3cd: {  	v47 =	vld [tilespmem:$0x10290];
	_ =	sdelay $0x4  }
0x3ce: {  	v0 =	vadd.f32 v47, v46;
	_ =	sdelay $0x1  }
0x3cf: {  	v48 =	vld [tilespmem:s29+$0x42A0];
	[tilespmem:s29+$0xC290] =	vst v0  }
0x3d0: {  	v49 =	vld [tilespmem:$0x102A0];
	_ =	sdelay $0x4  }
0x3d1: {  	v0 =	vadd.f32 v49, v48;
	_ =	sdelay $0x1  }
0x3d2: {  	v50 =	vld [tilespmem:s29+$0x42B0];
	[tilespmem:s29+$0xC2A0] =	vst v0  }
0x3d3: {  	v51 =	vld [tilespmem:$0x102B0];
	_ =	sdelay $0x4  }
0x3d4: {  	v0 =	vadd.f32 v51, v50;
	_ =	sdelay $0x1  }
0x3d5: {  	v52 =	vld [tilespmem:s29+$0x42C0];
	[tilespmem:s29+$0xC2B0] =	vst v0  }
0x3d6: {  	v53 =	vld [tilespmem:$0x102C0];
	_ =	sdelay $0x4  }
0x3d7: {  	v0 =	vadd.f32 v53, v52;
	_ =	sdelay $0x1  }
0x3d8: {  	v54 =	vld [tilespmem:s29+$0x42D0];
	[tilespmem:s29+$0xC2C0] =	vst v0  }
0x3d9: {  	v55 =	vld [tilespmem:$0x102D0];
	_ =	sdelay $0x4  }
0x3da: {  	v0 =	vadd.f32 v55, v54;
	_ =	sdelay $0x1  }
0x3db: {  	v56 =	vld [tilespmem:s29+$0x42E0];
	[tilespmem:s29+$0xC2D0] =	vst v0  }
0x3dc: {  	v57 =	vld [tilespmem:$0x102E0];
	_ =	sdelay $0x4  }
0x3dd: {  	v0 =	vadd.f32 v57, v56;
	_ =	sdelay $0x1  }
0x3de: {  	v58 =	vld [tilespmem:s29+$0x42F0];
	[tilespmem:s29+$0xC2E0] =	vst v0  }
0x3df: {  	v59 =	vld [tilespmem:$0x102F0];
	_ =	sdelay $0x4  }
0x3e0: {  	v0 =	vadd.f32 v59, v58;
	_ =	sdelay $0x1  }
0x3e1: {  	v60 =	vld [tilespmem:s29+$0x4300];
	[tilespmem:s29+$0xC2F0] =	vst v0  }
0x3e2: {  	v61 =	vld [tilespmem:$0x10300];
	_ =	sdelay $0x4  }
0x3e3: {  	v0 =	vadd.f32 v61, v60;
	_ =	sdelay $0x1  }
0x3e4: {  	v62 =	vld [tilespmem:s29+$0x4310];
	[tilespmem:s29+$0xC300] =	vst v0  }
0x3e5: {  	v63 =	vld [tilespmem:$0x10310];
	_ =	sdelay $0x4  }
0x3e6: {  	v0 =	vadd.f32 v63, v62;
	_ =	sdelay $0x1  }
0x3e7: {  	v4 =	vld [tilespmem:s29+$0x4320];
	[tilespmem:s29+$0xC310] =	vst v0  }
0x3e8: {  	v5 =	vld [tilespmem:$0x10320];
	_ =	sdelay $0x4  }
0x3e9: {  	v0 =	vadd.f32 v5, v4;
	_ =	sdelay $0x1  }
0x3ea: {  	v6 =	vld [tilespmem:s29+$0x4330];
	[tilespmem:s29+$0xC320] =	vst v0  }
0x3eb: {  	v7 =	vld [tilespmem:$0x10330];
	_ =	sdelay $0x4  }
0x3ec: {  	v0 =	vadd.f32 v7, v6;
	_ =	sdelay $0x1  }
0x3ed: {  	v8 =	vld [tilespmem:s29+$0x4340];
	[tilespmem:s29+$0xC330] =	vst v0  }
0x3ee: {  	v9 =	vld [tilespmem:$0x10340];
	_ =	sdelay $0x4  }
0x3ef: {  	v0 =	vadd.f32 v9, v8;
	_ =	sdelay $0x1  }
0x3f0: {  	v10 =	vld [tilespmem:s29+$0x4350];
	[tilespmem:s29+$0xC340] =	vst v0  }
0x3f1: {  	v11 =	vld [tilespmem:$0x10350];
	_ =	sdelay $0x4  }
0x3f2: {  	v0 =	vadd.f32 v11, v10;
	_ =	sdelay $0x1  }
0x3f3: {  	v12 =	vld [tilespmem:s29+$0x4360];
	[tilespmem:s29+$0xC350] =	vst v0  }
0x3f4: {  	v13 =	vld [tilespmem:$0x10360];
	_ =	sdelay $0x4  }
0x3f5: {  	v0 =	vadd.f32 v13, v12;
	_ =	sdelay $0x1  }
0x3f6: {  	v14 =	vld [tilespmem:s29+$0x4370];
	[tilespmem:s29+$0xC360] =	vst v0  }
0x3f7: {  	v15 =	vld [tilespmem:$0x10370];
	_ =	sdelay $0x4  }
0x3f8: {  	v0 =	vadd.f32 v15, v14;
	_ =	sdelay $0x1  }
0x3f9: {  	v16 =	vld [tilespmem:s29+$0x4380];
	[tilespmem:s29+$0xC370] =	vst v0  }
0x3fa: {  	v17 =	vld [tilespmem:$0x10380];
	_ =	sdelay $0x4  }
0x3fb: {  	v0 =	vadd.f32 v17, v16;
	_ =	sdelay $0x1  }
0x3fc: {  	v18 =	vld [tilespmem:s29+$0x4390];
	[tilespmem:s29+$0xC380] =	vst v0  }
0x3fd: {  	v19 =	vld [tilespmem:$0x10390];
	_ =	sdelay $0x4  }
0x3fe: {  	v0 =	vadd.f32 v19, v18;
	_ =	sdelay $0x1  }
0x3ff: {  	v20 =	vld [tilespmem:s29+$0x43A0];
	[tilespmem:s29+$0xC390] =	vst v0  }
0x400: {  	v21 =	vld [tilespmem:$0x103A0];
	_ =	sdelay $0x4  }
0x401: {  	v0 =	vadd.f32 v21, v20;
	_ =	sdelay $0x1  }
0x402: {  	v22 =	vld [tilespmem:s29+$0x43B0];
	[tilespmem:s29+$0xC3A0] =	vst v0  }
0x403: {  	v23 =	vld [tilespmem:$0x103B0];
	_ =	sdelay $0x4  }
0x404: {  	v0 =	vadd.f32 v23, v22;
	_ =	sdelay $0x1  }
0x405: {  	v24 =	vld [tilespmem:s29+$0x43C0];
	[tilespmem:s29+$0xC3B0] =	vst v0  }
0x406: {  	v25 =	vld [tilespmem:$0x103C0];
	_ =	sdelay $0x4  }
0x407: {  	v0 =	vadd.f32 v25, v24;
	_ =	sdelay $0x1  }
0x408: {  	v26 =	vld [tilespmem:s29+$0x43D0];
	[tilespmem:s29+$0xC3C0] =	vst v0  }
0x409: {  	v27 =	vld [tilespmem:$0x103D0];
	_ =	sdelay $0x4  }
0x40a: {  	v0 =	vadd.f32 v27, v26;
	_ =	sdelay $0x1  }
0x40b: {  	v28 =	vld [tilespmem:s29+$0x43E0];
	[tilespmem:s29+$0xC3D0] =	vst v0  }
0x40c: {  	v29 =	vld [tilespmem:$0x103E0];
	_ =	sdelay $0x4  }
0x40d: {  	v0 =	vadd.f32 v29, v28;
	_ =	sdelay $0x1  }
0x40e: {  	v30 =	vld [tilespmem:s29+$0x43F0];
	[tilespmem:s29+$0xC3E0] =	vst v0  }
0x40f: {  	v31 =	vld [tilespmem:$0x103F0];
	_ =	sdelay $0x4  }
0x410: {  	v0 =	vadd.f32 v31, v30;
	_ =	sdelay $0x1  }
0x411: {  	v32 =	vld [tilespmem:s29+$0x4400];
	[tilespmem:s29+$0xC3F0] =	vst v0  }
0x412: {  	v33 =	vld [tilespmem:$0x10400];
	_ =	sdelay $0x4  }
0x413: {  	v0 =	vadd.f32 v33, v32;
	_ =	sdelay $0x1  }
0x414: {  	v34 =	vld [tilespmem:s29+$0x4410];
	[tilespmem:s29+$0xC400] =	vst v0  }
0x415: {  	v35 =	vld [tilespmem:$0x10410];
	_ =	sdelay $0x4  }
0x416: {  	v0 =	vadd.f32 v35, v34;
	_ =	sdelay $0x1  }
0x417: {  	v36 =	vld [tilespmem:s29+$0x4420];
	[tilespmem:s29+$0xC410] =	vst v0  }
0x418: {  	v37 =	vld [tilespmem:$0x10420];
	_ =	sdelay $0x4  }
0x419: {  	v0 =	vadd.f32 v37, v36;
	_ =	sdelay $0x1  }
0x41a: {  	v38 =	vld [tilespmem:s29+$0x4430];
	[tilespmem:s29+$0xC420] =	vst v0  }
0x41b: {  	v39 =	vld [tilespmem:$0x10430];
	_ =	sdelay $0x4  }
0x41c: {  	v0 =	vadd.f32 v39, v38;
	_ =	sdelay $0x1  }
0x41d: {  	v40 =	vld [tilespmem:s29+$0x4440];
	[tilespmem:s29+$0xC430] =	vst v0  }
0x41e: {  	v41 =	vld [tilespmem:$0x10440];
	_ =	sdelay $0x4  }
0x41f: {  	v0 =	vadd.f32 v41, v40;
	_ =	sdelay $0x1  }
0x420: {  	v42 =	vld [tilespmem:s29+$0x4450];
	[tilespmem:s29+$0xC440] =	vst v0  }
0x421: {  	v43 =	vld [tilespmem:$0x10450];
	_ =	sdelay $0x4  }
0x422: {  	v0 =	vadd.f32 v43, v42;
	_ =	sdelay $0x1  }
0x423: {  	v44 =	vld [tilespmem:s29+$0x4460];
	[tilespmem:s29+$0xC450] =	vst v0  }
0x424: {  	v45 =	vld [tilespmem:$0x10460];
	_ =	sdelay $0x4  }
0x425: {  	v0 =	vadd.f32 v45, v44;
	_ =	sdelay $0x1  }
0x426: {  	v46 =	vld [tilespmem:s29+$0x4470];
	[tilespmem:s29+$0xC460] =	vst v0  }
0x427: {  	v47 =	vld [tilespmem:$0x10470];
	_ =	sdelay $0x4  }
0x428: {  	v0 =	vadd.f32 v47, v46;
	_ =	sdelay $0x1  }
0x429: {  	v48 =	vld [tilespmem:s29+$0x4480];
	[tilespmem:s29+$0xC470] =	vst v0  }
0x42a: {  	v49 =	vld [tilespmem:$0x10480];
	_ =	sdelay $0x4  }
0x42b: {  	v0 =	vadd.f32 v49, v48;
	_ =	sdelay $0x1  }
0x42c: {  	v50 =	vld [tilespmem:s29+$0x4490];
	[tilespmem:s29+$0xC480] =	vst v0  }
0x42d: {  	v51 =	vld [tilespmem:$0x10490];
	_ =	sdelay $0x4  }
0x42e: {  	v0 =	vadd.f32 v51, v50;
	_ =	sdelay $0x1  }
0x42f: {  	v52 =	vld [tilespmem:s29+$0x44A0];
	[tilespmem:s29+$0xC490] =	vst v0  }
0x430: {  	v53 =	vld [tilespmem:$0x104A0];
	_ =	sdelay $0x4  }
0x431: {  	v0 =	vadd.f32 v53, v52;
	_ =	sdelay $0x1  }
0x432: {  	v54 =	vld [tilespmem:s29+$0x44B0];
	[tilespmem:s29+$0xC4A0] =	vst v0  }
0x433: {  	v55 =	vld [tilespmem:$0x104B0];
	_ =	sdelay $0x4  }
0x434: {  	v0 =	vadd.f32 v55, v54;
	_ =	sdelay $0x1  }
0x435: {  	v56 =	vld [tilespmem:s29+$0x44C0];
	[tilespmem:s29+$0xC4B0] =	vst v0  }
0x436: {  	v57 =	vld [tilespmem:$0x104C0];
	_ =	sdelay $0x4  }
0x437: {  	v0 =	vadd.f32 v57, v56;
	_ =	sdelay $0x1  }
0x438: {  	v58 =	vld [tilespmem:s29+$0x44D0];
	[tilespmem:s29+$0xC4C0] =	vst v0  }
0x439: {  	v59 =	vld [tilespmem:$0x104D0];
	_ =	sdelay $0x4  }
0x43a: {  	v0 =	vadd.f32 v59, v58;
	_ =	sdelay $0x1  }
0x43b: {  	v60 =	vld [tilespmem:s29+$0x44E0];
	[tilespmem:s29+$0xC4D0] =	vst v0  }
0x43c: {  	v61 =	vld [tilespmem:$0x104E0];
	_ =	sdelay $0x4  }
0x43d: {  	v0 =	vadd.f32 v61, v60;
	_ =	sdelay $0x1  }
0x43e: {  	v62 =	vld [tilespmem:s29+$0x44F0];
	[tilespmem:s29+$0xC4E0] =	vst v0  }
0x43f: {  	v63 =	vld [tilespmem:$0x104F0];
	_ =	sdelay $0x4  }
0x440: {  	v0 =	vadd.f32 v63, v62  }
0x441: {  	s28 =	sor.u32 $0x800, s28  }
0x442: {  	[tilespmem:s29+$0xC4F0] =	vst v0;
	s29 =	sadd.s32 s5, s28  }
0x443: {  	[hbm4b:s29+s3] =	stream.linear.scatter [tilespmem:s7], [sflag:$0x4], $0x500, $0x38;
	[tilespmem:$0x10800] =	vst v63  }
0x444: {  	s30 =	sadd.s32 $0x100, s29  }
0x445: {  	[hbm4b:s30+s3] =	stream.linear.scatter [tilespmem:s13], [sflag:$0x4], $0x500, $0x38;
	[tilespmem:$0x10800] =	vst v63  }
0x446: {  	s31 =	sadd.s32 $0x200, s29  }
0x447: {  	[hbm4b:s31+s3] =	stream.linear.scatter [tilespmem:s15], [sflag:$0x4], $0x500, $0x38;
	[tilespmem:$0x10800] =	vst v63  }
0x448: {  	s31 =	sadd.s32 $0x300, s29  }
0x449: {  	[hbm4b:s31+s3] =	stream.linear.scatter [tilespmem:s17], [sflag:$0x4], $0x500, $0x38;
	[tilespmem:$0x10800] =	vst v63  }
0x44a: {  	s31 =	sadd.s32 $0x400, s29  }
0x44b: {  	[hbm4b:s31+s3] =	stream.linear.scatter [tilespmem:s19], [sflag:$0x4], $0x500, $0x38;
	[tilespmem:$0x10800] =	vst v63  }
0x44c: {  	p0 =	seq.s32 s26, $0x1F;
	s31 =	sadd.s32 $0x500, s29  }
0x44d: {  	[hbm4b:s31+s3] =	stream.linear.scatter [tilespmem:s21], [sflag:$0x4], $0x500, $0x38;
	[tilespmem:$0x10800] =	vst v63  }
.Ltmp7:
0x44e: {  	_ = 	snop;
	(pc) =	sbr.rel @p0 .LBB2_12-.Ltmp7, $4  }
0x44f: {  	s31 =	sadd.s32 $0x600, s29  }
0x450: {  	[hbm4b:s31+s3] =	stream.linear.scatter [tilespmem:s23], [sflag:$0x4], $0x500, $0x38;
	[tilespmem:$0x10800] =	vst v63  }
0x451: {  	s29 =	sadd.s32 $0x700, s29  }
0x452: {  	[hbm4b:s29+s3] =	stream.linear.scatter [tilespmem:s25], [sflag:$0x4], $0x500, $0x38;
	[tilespmem:$0x10800] =	vst v63  }
0x453: {  	s28 =	sadd.s32 s28, s8;
	s29 =	simm.s32 $0x4000  }
0x454: {  	[tilespmem:s29], [sflag:$0x2] =	stream.linear.gather [hbm4b:s28+s3], $0x500, $0x38;
	[tilespmem:$0x10800] =	vst v63  }
0x455: {  	s30 =	simm.s32 $0x4800;
	s31 =	sadd.s32 $0x100, s28  }
0x456: {  	[tilespmem:s30], [sflag:$0x2] =	stream.linear.gather [hbm4b:s31+s3], $0x500, $0x38;
	[tilespmem:$0x10800] =	vst v63  }
0x457: {  	s29 =	sadd.s32 $0x200, s28;
	s31 =	simm.s32 $0x5000  }
0x458: {  	[tilespmem:s31], [sflag:$0x2] =	stream.linear.gather [hbm4b:s29+s3], $0x500, $0x38;
	[tilespmem:$0x10800] =	vst v63  }
0x459: {  	s29 =	sadd.s32 $0x300, s28;
	s31 =	simm.s32 $0x5800  }
0x45a: {  	[tilespmem:s31], [sflag:$0x2] =	stream.linear.gather [hbm4b:s29+s3], $0x500, $0x38;
	[tilespmem:$0x10800] =	vst v63  }
0x45b: {  	s29 =	sadd.s32 $0x400, s28;
	s31 =	simm.s32 $0x6000  }
0x45c: {  	[tilespmem:s31], [sflag:$0x2] =	stream.linear.gather [hbm4b:s29+s3], $0x500, $0x38;
	[tilespmem:$0x10800] =	vst v63  }
0x45d: {  	s30 =	sadd.s32 $0x500, s28  }
0x45e: {  	[tilespmem:s0], [sflag:$0x2] =	stream.linear.gather [hbm4b:s30+s3], $0x500, $0x38;
	[tilespmem:$0x10800] =	vst v63  }
.Ltmp8:
0x45f: {  	_ = 	snop;
	(pc) =	sbr.rel .LBB2_2-.Ltmp8, $4  }
0x460: {  	s31 =	sadd.s32 $0x600, s28  }
0x461: {  	[tilespmem:s1], [sflag:$0x2] =	stream.linear.gather [hbm4b:s31+s3], $0x500, $0x38;
	[tilespmem:$0x10800] =	vst v63  }
0x462: {  	s26 =	sadd.s32 $0x1, s26;
	s28 =	sadd.s32 $0x700, s28  }
0x463: {  	[tilespmem:s2], [sflag:$0x2] =	stream.linear.gather [hbm4b:s28+s3], $0x500, $0x38;
	[tilespmem:$0x10800] =	vst v63  }
.LBB2_13:
0x464: {  	_ =	sfence.sel $0x180000  }
0x465: {  	[bflag:$0x0] =	sbarrier.arrive $0xFFFF  }
0x466: {  	_ =	strace $0x90000047  }
0x467: {  	s0 =	stileid.u32;
	[bflag:$0x2] =	sbarrier.arrive $0xFFFF  }
0x468: {  	p0 =	sne.s32 s0, $0x0;
	s0 =	rddreg [dreg:$0x2]  }
0x469: {  	s0 =	sadd.s32 @!p0 $0x100000, s0  }
0x46a: {  	[sflag:s0] =	ssyncadd.tile.s32 @!p0 $0x1;
	_ =	shalt  }
.Lfunc_end2:
_tile_overlayer_lowered:
.L_overlay_start_2:
0x46b: {  	(tag) =	ssettag $0x2  }
0x46c: {  	s0 =	rddreg [dreg:$0x0];
	s2 =	stileid.u32  }
0x46d: {  	s1 =	rddreg [dreg:$0x1];
	p0 =	sne.s32 s2, $0x0  }
0x46e: {  	s3 =	rddreg [dreg:$0x2];
	[bflag:$0x3] =	sbarrier.arrive $0xFFFF;
	s2 =	simm.s32 @!p0 $0x1C05  }
0x46f: {  	[timem:s3], [sflag:s2] =	dma.local @!p0 [hbm:s0], s1  }
0x470: {  	s0 =	simm.s32 @!p0 $0x5  }
0x471: {  	_ =	swait.ge @!p0 [sflag:s0], s1  }
0x472: {  	s1 =	ssub.s32 @!p0 $0x0, s1;
	[sflag:s0] =	ssyncset.done @!p0 $0x0  }
0x473: {  	[sflag:s0] =	ssyncadd.s32 @!p0 s1  }
0x474: {  	[bflag:$0x3] =	sbarrier.arrive $0xFFFF  }
0x475: {  	_ =	shalt  }

</sc_bundles>
